<compile_context>
chip_gen: v7x
topology: tpu7x:2x2x1
jax: 0.10.2.dev20260603
libtpu: 0.0.44.dev20260713+nightly
codegen_flags: <defaults>
</compile_context>

<pallas_src>
import functools

import jax
import jax.numpy as jnp
from jax import lax
from jax.experimental import pallas as pl
from jax.experimental.pallas import tpu as pltpu
from jax.experimental.pallas import tpu_sc as plsc

_N = 10000
_E = 320000
_D = 128
_B = 64
_NC = 2
_NS = 16
_NW = _NC * _NS
_BPW = 160
_EPW = _BPW * _B
_EPAD = _EPW * _NW
_SEG = 40
_NSEG = _BPW // _SEG
_NB = 4
_ST = 3
_NPAD = 10240
_NROW = _NPAD // _D
_RPT = _NPAD // _NS

_mesh = plsc.VectorSubcoreMesh(core_axis_name="c", subcore_axis_name="s")


@functools.partial(
    pl.kernel,
    out_type=jax.ShapeDtypeStruct((_NC, _NS, _NROW, _D), jnp.float32),
    mesh=_mesh,
    scratch_types=[
        pltpu.VMEM((_EPW,), jnp.int32),
        pltpu.VMEM((_NROW, _D), jnp.float32),
    ],
    compiler_params=pltpu.CompilerParams(needs_layout_passes=False),
)
def _deg_kernel(dst_hbm, deg_out, chunk_v, acc_v):
    cid = lax.axis_index("c")
    sid = lax.axis_index("s")
    wid = sid * _NC + cid
    zero16 = jnp.zeros((16,), jnp.float32)

    def zi(i, carry):
        acc_v[lax.shift_right_logical(i, 3),
              pl.ds(lax.mul(lax.bitwise_and(i, 7), 16), 16)] = zero16
        return carry

    lax.fori_loop(0, _NROW * 8, zi, 0)
    pltpu.sync_copy(dst_hbm.at[pl.ds(wid * _EPW, _EPW)], chunk_v)

    def blk(g, carry):
        d16 = chunk_v[pl.ds(g * 16, 16)]
        cnt, last = plsc.scan_count(d16)
        plsc.addupdate_scatter(
            acc_v,
            [lax.shift_right_logical(d16, 7), lax.bitwise_and(d16, 127)],
            cnt.astype(jnp.float32),
            mask=last,
        )
        return carry

    lax.fori_loop(0, _EPW // 16, blk, 0)
    pltpu.sync_copy(acc_v, deg_out.at[cid, sid])


@functools.partial(
    pl.kernel,
    out_type=jax.ShapeDtypeStruct((_NC, _NPAD, _D), jnp.float32),
    mesh=_mesh,
    scratch_types=[
        pltpu.VMEM((_SEG, _B), jnp.int32),
        pltpu.VMEM((_SEG, _B), jnp.int32),
        pltpu.VMEM((_NB, _B, _D), jnp.float32),
        pltpu.VMEM_SHARED((_NPAD, _D), jnp.float32),
    ] + [pltpu.SemaphoreType.DMA] * (2 * _NB),
)
def _hop_kernel(src_hbm, dst_hbm, z_hbm, zeros_hbm, out_hbm,
                src_v, dst_v, rows_v, acc_sh, *sems):
    gsems = sems[:_NB]
    ssems = sems[_NB:]
    cid = lax.axis_index("c")
    sid = lax.axis_index("s")
    wid = sid * _NC + cid
    r0 = sid * _RPT
    pltpu.sync_copy(zeros_hbm, acc_sh.at[pl.ds(r0, _RPT)])
    plsc.subcore_barrier()

    for h in range(_NSEG):
        base = wid * _BPW + h * _SEG
        pltpu.sync_copy(src_hbm.at[pl.ds(base, _SEG)], src_v)
        pltpu.sync_copy(dst_hbm.at[pl.ds(base, _SEG)], dst_v)

        def pipe(i, carry):
            for b in range(_NB):
                jj = i * _NB + b
                kb = (b - _ST) % _NB
                k = jj - _ST

                @pl.when(jnp.logical_and(k >= 0, k < _SEG))
                def _():
                    pltpu.make_async_copy(
                        z_hbm.at[src_v.at[0]], rows_v.at[kb],
                        gsems[kb]).wait()
                    pltpu.async_copy(
                        rows_v.at[kb], acc_sh.at[dst_v.at[k]], ssems[kb],
                        add=True)

                @pl.when(jj < _SEG)
                def _():
                    @pl.when(jj >= _NB)
                    def _():
                        pltpu.make_async_copy(
                            rows_v.at[b], acc_sh.at[dst_v.at[0]],
                            ssems[b]).wait()

                    pltpu.async_copy(
                        z_hbm.at[src_v.at[jj]], rows_v.at[b], gsems[b])
            return carry

        lax.fori_loop(0, (_SEG + _ST + _NB - 1) // _NB, pipe, 0)
        for b in range(_NB):
            pltpu.make_async_copy(
                rows_v.at[b], acc_sh.at[dst_v.at[0]], ssems[b]).wait()

    plsc.subcore_barrier()
    pltpu.sync_copy(acc_sh.at[pl.ds(r0, _RPT)], out_hbm.at[cid, pl.ds(r0, _RPT)])


def _dinv_body(deg_ref, o_ref):
    s = jnp.zeros((_NROW, _D), jnp.float32)
    for c in range(_NC):
        for t in range(_NS):
            s = s + deg_ref[c, t]
    o_ref[...] = jnp.where(s > 0, lax.rsqrt(jnp.maximum(s, 1e-12)), 0.0)


def _scale1_body(dinv_ref, y_ref, o_ref):
    o_ref[...] = y_ref[...] * dinv_ref[...]


def _scale2_body(dinv_ref, p_ref, o_ref):
    d = dinv_ref[...]
    o_ref[...] = (p_ref[0] + p_ref[1]) * (d * d)


def _softmax_body(dinv_ref, q_ref, o_ref):
    s = (q_ref[0, :_N, :] + q_ref[1, :_N, :]) * dinv_ref[:_N, :]
    m = jnp.max(s, axis=1, keepdims=True)
    e = jnp.exp(s - m)
    o_ref[...] = e / jnp.sum(e, axis=1, keepdims=True)


def kernel(y, edge_index):
    src = edge_index[0]
    dst = edge_index[1]
    npad = _EPAD - _E
    fill = _N + (jnp.arange(npad, dtype=jnp.int32) % (_NPAD - _N))
    src_p = jnp.concatenate([src, fill]).reshape(_NW * _BPW, _B)
    dst_p = jnp.concatenate([dst, fill]).reshape(_NW * _BPW, _B)
    dst_flat = dst_p.reshape(-1)
    y_p = jnp.pad(y, ((0, _NPAD - _N), (0, 0)))
    zeros_rpt = jnp.zeros((_RPT, _D), jnp.float32)

    deg32 = _deg_kernel(dst_flat)
    dinv2d = pl.pallas_call(
        _dinv_body,
        out_shape=jax.ShapeDtypeStruct((_NROW, _D), jnp.float32),
    )(deg32)
    dinvcol = dinv2d.reshape(_NPAD, 1)
    z0 = pl.pallas_call(
        _scale1_body,
        out_shape=jax.ShapeDtypeStruct((_NPAD, _D), jnp.float32),
    )(dinvcol, y_p)
    p = _hop_kernel(src_p, dst_p, z0, zeros_rpt)
    z1 = pl.pallas_call(
        _scale2_body,
        out_shape=jax.ShapeDtypeStruct((_NPAD, _D), jnp.float32),
    )(dinvcol, p)
    q = _hop_kernel(src_p, dst_p, z1, zeros_rpt)
    out = pl.pallas_call(
        _softmax_body,
        out_shape=jax.ShapeDtypeStruct((_N, _D), jnp.float32),
    )(dinvcol, q)
    return out

# --- scband reference (transcript-rebuilt; emitter-appended) ---
"""Pipeline reference for scband-label-gnn-29343216566349 (READ-ONLY COPY).

The authoritative reference and input builder live on the scoring server;
editing this copy changes nothing except your own understanding.
"""

import jax, jax.numpy as jnp
import numpy as np

N = 10000
E = 320000
D = 128
K = 2

def setup_inputs(seed: int = 0):
    key = jax.random.key(seed)
    k1, k2 = jax.random.split(key)
    y = jax.random.normal(k1, (N, D), dtype=jnp.float32)
    edge_index = jax.random.randint(k2, (2, E), 0, N, dtype=jnp.int32)
    return {"y": y, "edge_index": edge_index}

def reference(y, edge_index):
    # LabelGNN.forward: KProp (normalize=True, add_self_loops=False, aggr='add', K steps) then softmax
    src = edge_index[0]
    dst = edge_index[1]
    # gcn_norm without self loops: deg = row-sum of adj_t (rows = dst), w = D^-1/2 A D^-1/2
    ones = jnp.ones((E,), dtype=y.dtype)
    deg = jax.ops.segment_sum(ones, dst, num_segments=N)
    deg_inv_sqrt = jnp.where(deg > 0, 1.0 / jnp.sqrt(jnp.maximum(deg, 1e-12)), 0.0)
    w = deg_inv_sqrt[src] * deg_inv_sqrt[dst]
    x = y
    for _ in range(K):
        # matmul(adj_t, x, reduce='add'): out[dst] += w * x[src]
        x = jax.ops.segment_sum(w[:, None] * x[src], dst, num_segments=N)
    if K > 0:
        x = jax.nn.softmax(x, axis=1)
    return x

if __name__ == "__main__":
    import jax
    _d = setup_inputs()
    print(jax.jit(kernel)(*tuple(_d.values())))

</pallas_src>

<mosaic_0001>
#map = affine_map<(d0, d1) -> (0, 0)>
#map1 = affine_map<(d0, d1) -> (0, 0, 0)>
module attributes {stable_mosaic.version = 14 : i64} {
  func.func @_hop_kernel(%arg0: i32, %arg1: i32, %arg2: memref<5120x64xi32, #tpu.memory_space<hbm>>, %arg3: memref<5120x64xi32, #tpu.memory_space<hbm>>, %arg4: memref<10240x128xf32, #tpu.memory_space<hbm>>, %arg5: memref<640x128xf32, #tpu.memory_space<hbm>>, %arg6: memref<2x10240x128xf32, #tpu.memory_space<hbm>>, %arg7: memref<40x64xi32, #tpu.memory_space<vmem>>, %arg8: memref<40x64xi32, #tpu.memory_space<vmem>>, %arg9: memref<4x64x128xf32, #tpu.memory_space<vmem>>, %arg10: memref<10240x128xf32, #tpu.memory_space<vmem_shared>>, %arg11: memref<!tpu.dma_semaphore, #tpu.memory_space<semaphore_mem>>, %arg12: memref<!tpu.dma_semaphore, #tpu.memory_space<semaphore_mem>>, %arg13: memref<!tpu.dma_semaphore, #tpu.memory_space<semaphore_mem>>, %arg14: memref<!tpu.dma_semaphore, #tpu.memory_space<semaphore_mem>>, %arg15: memref<!tpu.dma_semaphore, #tpu.memory_space<semaphore_mem>>, %arg16: memref<!tpu.dma_semaphore, #tpu.memory_space<semaphore_mem>>, %arg17: memref<!tpu.dma_semaphore, #tpu.memory_space<semaphore_mem>>, %arg18: memref<!tpu.dma_semaphore, #tpu.memory_space<semaphore_mem>>) attributes {dimension_semantics = [#tpu.dimension_semantics<core_parallel>, #tpu.dimension_semantics<subcore_parallel>], iteration_bounds = array<i64: 2, 16>, scalar_prefetch = 0 : i64, scratch_operands = 12 : i64, tpu.core_type = #tpu.core_type<sc_vector_subcore>, window_params = [{transform_indices = #map}, {transform_indices = #map}, {transform_indices = #map}, {transform_indices = #map}, {transform_indices = #map1}]} {
    %mul3A = arith.constant 2 : i32
    %mul3A_0 = arith.muli %arg1, %mul3A : i32
    %add3A = arith.addi %mul3A_0, %arg0 : i32
    %mul3A_1 = arith.constant 640 : i32
    %mul3A_2 = arith.muli %arg1, %mul3A_1 : i32
    "tpu.region"() ({
      %run_scoped3A = tpu.sem_alloc : memref<!tpu.dma_semaphore, #tpu.memory_space<semaphore_mem>>
      %dma_start3A = arith.constant 0 : i32
      %dma_start3A_234 = tpu.memref_slice %arg10[%mul3A_2, %dma_start3A] : memref<10240x128xf32, #tpu.memory_space<vmem_shared>> -> memref<640x128xf32, #tpu.memory_space<vmem_shared>>
      tpu.enqueue_dma source(%arg5 : memref<640x128xf32, #tpu.memory_space<hbm>>) target(%dma_start3A_234 : memref<640x128xf32, #tpu.memory_space<vmem_shared>>) target_semaphore(%run_scoped3A : memref<!tpu.dma_semaphore, #tpu.memory_space<semaphore_mem>>)
      %dma_wait3A_235 = arith.constant 0 : i32
      %dma_wait3A_236 = tpu.memref_slice %arg10[%mul3A_2, %dma_wait3A_235] : memref<10240x128xf32, #tpu.memory_space<vmem_shared>> -> memref<640x128xf32, #tpu.memory_space<vmem_shared>>
      tpu.wait_dma2 semaphore(%run_scoped3A : memref<!tpu.dma_semaphore, #tpu.memory_space<semaphore_mem>>) src(%arg5 : memref<640x128xf32, #tpu.memory_space<hbm>>) dst(%dma_wait3A_236 : memref<640x128xf32, #tpu.memory_space<vmem_shared>>)
      tpu.yield
    }) : () -> ()
    %barrier3A = arith.constant 0 : index
    tpu.barrier barrier_id(%barrier3A)
    %mul3A_3 = arith.constant 160 : i32
    %mul3A_4 = arith.muli %add3A, %mul3A_3 : i32
    %add3A_5 = arith.constant 0 : i32
    %add3A_6 = arith.addi %mul3A_4, %add3A_5 : i32
    "tpu.region"() ({
      %run_scoped3A = tpu.sem_alloc : memref<!tpu.dma_semaphore, #tpu.memory_space<semaphore_mem>>
      %dma_start3A = arith.constant 0 : i32
      %dma_start3A_234 = tpu.memref_slice %arg2[%add3A_6, %dma_start3A] : memref<5120x64xi32, #tpu.memory_space<hbm>> -> memref<40x64xi32, #tpu.memory_space<hbm>>
      %dma_start3A_235 = arith.constant 0 : i32
      %dma_start3A_236 = tpu.memref_slice %arg2[%add3A_6, %dma_start3A_235] : memref<5120x64xi32, #tpu.memory_space<hbm>> -> memref<40x64xi32, #tpu.memory_space<hbm>>
      tpu.enqueue_dma source(%dma_start3A_236 : memref<40x64xi32, #tpu.memory_space<hbm>>) target(%arg7 : memref<40x64xi32, #tpu.memory_space<vmem>>) target_semaphore(%run_scoped3A : memref<!tpu.dma_semaphore, #tpu.memory_space<semaphore_mem>>)
      %dma_wait3A_237 = arith.constant 0 : i32
      %dma_wait3A_238 = tpu.memref_slice %arg2[%add3A_6, %dma_wait3A_237] : memref<5120x64xi32, #tpu.memory_space<hbm>> -> memref<40x64xi32, #tpu.memory_space<hbm>>
      %dma_wait3A_239 = arith.constant 0 : i32
      %dma_wait3A_240 = tpu.memref_slice %arg2[%add3A_6, %dma_wait3A_239] : memref<5120x64xi32, #tpu.memory_space<hbm>> -> memref<40x64xi32, #tpu.memory_space<hbm>>
      tpu.wait_dma2 semaphore(%run_scoped3A : memref<!tpu.dma_semaphore, #tpu.memory_space<semaphore_mem>>) src(%dma_wait3A_240 : memref<40x64xi32, #tpu.memory_space<hbm>>) dst(%arg7 : memref<40x64xi32, #tpu.memory_space<vmem>>)
      tpu.yield
    }) : () -> ()
    "tpu.region"() ({
      %run_scoped3A = tpu.sem_alloc : memref<!tpu.dma_semaphore, #tpu.memory_space<semaphore_mem>>
      %dma_start3A = arith.constant 0 : i32
      %dma_start3A_234 = tpu.memref_slice %arg3[%add3A_6, %dma_start3A] : memref<5120x64xi32, #tpu.memory_space<hbm>> -> memref<40x64xi32, #tpu.memory_space<hbm>>
      %dma_start3A_235 = arith.constant 0 : i32
      %dma_start3A_236 = tpu.memref_slice %arg3[%add3A_6, %dma_start3A_235] : memref<5120x64xi32, #tpu.memory_space<hbm>> -> memref<40x64xi32, #tpu.memory_space<hbm>>
      tpu.enqueue_dma source(%dma_start3A_236 : memref<40x64xi32, #tpu.memory_space<hbm>>) target(%arg8 : memref<40x64xi32, #tpu.memory_space<vmem>>) target_semaphore(%run_scoped3A : memref<!tpu.dma_semaphore, #tpu.memory_space<semaphore_mem>>)
      %dma_wait3A_237 = arith.constant 0 : i32
      %dma_wait3A_238 = tpu.memref_slice %arg3[%add3A_6, %dma_wait3A_237] : memref<5120x64xi32, #tpu.memory_space<hbm>> -> memref<40x64xi32, #tpu.memory_space<hbm>>
      %dma_wait3A_239 = arith.constant 0 : i32
      %dma_wait3A_240 = tpu.memref_slice %arg3[%add3A_6, %dma_wait3A_239] : memref<5120x64xi32, #tpu.memory_space<hbm>> -> memref<40x64xi32, #tpu.memory_space<hbm>>
      tpu.wait_dma2 semaphore(%run_scoped3A : memref<!tpu.dma_semaphore, #tpu.memory_space<semaphore_mem>>) src(%dma_wait3A_240 : memref<40x64xi32, #tpu.memory_space<hbm>>) dst(%arg8 : memref<40x64xi32, #tpu.memory_space<vmem>>)
      tpu.yield
    }) : () -> ()
    %scan3A = arith.constant 0 : i32
    %scan3A_7 = arith.constant 0 : i32
    %scan3A_8 = arith.constant 11 : i32
    %scan3A_9 = arith.addi %scan3A_7, %scan3A_8 : i32
    %scan3A_10 = arith.constant 1 : i32
    scf.for %scan3A_234 = %scan3A_7 to %scan3A_9 step %scan3A_10  : i32 {
      %mul3A_235 = arith.constant 4 : i32
      %mul3A_236 = arith.muli %scan3A_234, %mul3A_235 : i32
      %add3A_237 = arith.constant 0 : i32
      %add3A_238 = arith.addi %mul3A_236, %add3A_237 : i32
      %sub3A = arith.constant 3 : i32
      %sub3A_239 = arith.subi %add3A_238, %sub3A : i32
      %ge3A = arith.constant 0 : i32
      %ge3A_240 = arith.cmpi sge, %sub3A_239, %ge3A : i32
      %lt3A = arith.constant 40 : i32
      %lt3A_241 = arith.cmpi slt, %sub3A_239, %lt3A : i32
      %and3A = arith.andi %ge3A_240, %lt3A_241 : i1
      %convert_element_type3A = arith.extui %and3A : i1 to i32
      %cond3A = arith.constant 0 : i32
      %cond3A_242 = arith.cmpi ne, %convert_element_type3A, %cond3A : i32
      scf.if %cond3A_242 {
        %dma_wait3A_305 = arith.constant 0 : i32
        %dma_wait3A_306 = arith.constant 1 : i32
        %dma_wait3A_307 = arith.constant 0 : i32
        %dma_wait3A_308 = arith.constant 0 : i32
        %dma_wait3A_309 = tpu.memref_slice %arg9[%dma_wait3A_306, %dma_wait3A_307, %dma_wait3A_308] : memref<4x64x128xf32, #tpu.memory_space<vmem>> -> memref<1x64x128xf32, #tpu.memory_space<vmem>>
        %dma_wait3A_310 = tpu.memref_squeeze %dma_wait3A_309 : memref<1x64x128xf32, #tpu.memory_space<vmem>> -> memref<64x128xf32, #tpu.memory_space<vmem>>
        %dma_wait3A_311 = arith.constant 0 : i32
        %dma_wait3A_312 = tpu.memref_slice %arg7[%dma_wait3A_305, %dma_wait3A_311] : memref<40x64xi32, #tpu.memory_space<vmem>> -> memref<1x64xi32, #tpu.memory_space<vmem>>
        %dma_wait3A_313 = tpu.memref_squeeze %dma_wait3A_312 : memref<1x64xi32, #tpu.memory_space<vmem>> -> memref<64xi32, #tpu.memory_space<vmem>>
        %dma_wait3A_314 = arith.constant 0 : i32
        %dma_wait3A_315 = arith.constant 0 : i32
        %dma_wait3A_316 = tpu.memref_slice %arg4[%dma_wait3A_314, %dma_wait3A_315] : memref<10240x128xf32, #tpu.memory_space<hbm>> -> memref<10240x128xf32, #tpu.memory_space<hbm>>
        tpu.wait_indirect_dma semaphore(%arg12 : memref<!tpu.dma_semaphore, #tpu.memory_space<semaphore_mem>>) src(%dma_wait3A_316 : memref<10240x128xf32, #tpu.memory_space<hbm>>) dst(%dma_wait3A_310 : memref<64x128xf32, #tpu.memory_space<vmem>>)
        %dma_start3A = arith.constant 1 : i32
        %dma_start3A_317 = arith.constant 0 : i32
        %dma_start3A_318 = arith.constant 0 : i32
        %dma_start3A_319 = tpu.memref_slice %arg9[%dma_start3A, %dma_start3A_317, %dma_start3A_318] : memref<4x64x128xf32, #tpu.memory_space<vmem>> -> memref<1x64x128xf32, #tpu.memory_space<vmem>>
        %dma_start3A_320 = tpu.memref_squeeze %dma_start3A_319 : memref<1x64x128xf32, #tpu.memory_space<vmem>> -> memref<64x128xf32, #tpu.memory_space<vmem>>
        %dma_start3A_321 = arith.constant 0 : i32
        %dma_start3A_322 = tpu.memref_slice %arg8[%sub3A_239, %dma_start3A_321] : memref<40x64xi32, #tpu.memory_space<vmem>> -> memref<1x64xi32, #tpu.memory_space<vmem>>
        %dma_start3A_323 = tpu.memref_squeeze %dma_start3A_322 : memref<1x64xi32, #tpu.memory_space<vmem>> -> memref<64xi32, #tpu.memory_space<vmem>>
        %dma_start3A_324 = arith.constant 0 : i32
        %dma_start3A_325 = arith.constant 0 : i32
        %dma_start3A_326 = tpu.memref_slice %arg10[%dma_start3A_324, %dma_start3A_325] : memref<10240x128xf32, #tpu.memory_space<vmem_shared>> -> memref<10240x128xf32, #tpu.memory_space<vmem_shared>>
        tpu.enqueue_indirect_dma source(%dma_start3A_320 : memref<64x128xf32, #tpu.memory_space<vmem>>) target(%dma_start3A_326 : memref<10240x128xf32, #tpu.memory_space<vmem_shared>>) offsets(%dma_start3A_323 : memref<64xi32, #tpu.memory_space<vmem>>) semaphore(%arg16 : memref<!tpu.dma_semaphore, #tpu.memory_space<semaphore_mem>>) {add = true}
      } else {
      }
      %lt3A_243 = arith.constant 40 : i32
      %lt3A_244 = arith.cmpi slt, %add3A_238, %lt3A_243 : i32
      %convert_element_type3A_245 = arith.extui %lt3A_244 : i1 to i32
      %cond3A_246 = arith.constant 0 : i32
      %cond3A_247 = arith.cmpi ne, %convert_element_type3A_245, %cond3A_246 : i32
      scf.if %cond3A_247 {
        %ge3A_305 = arith.constant 4 : i32
        %ge3A_306 = arith.cmpi sge, %add3A_238, %ge3A_305 : i32
        %convert_element_type3A_307 = arith.extui %ge3A_306 : i1 to i32
        %cond3A_308 = arith.constant 0 : i32
        %cond3A_309 = arith.cmpi ne, %convert_element_type3A_307, %cond3A_308 : i32
        scf.if %cond3A_309 {
          %dma_wait3A_320 = arith.constant 0 : i32
          %dma_wait3A_321 = arith.constant 0 : i32
          %dma_wait3A_322 = arith.constant 0 : i32
          %dma_wait3A_323 = arith.constant 0 : i32
          %dma_wait3A_324 = tpu.memref_slice %arg9[%dma_wait3A_320, %dma_wait3A_322, %dma_wait3A_323] : memref<4x64x128xf32, #tpu.memory_space<vmem>> -> memref<1x64x128xf32, #tpu.memory_space<vmem>>
          %dma_wait3A_325 = tpu.memref_squeeze %dma_wait3A_324 : memref<1x64x128xf32, #tpu.memory_space<vmem>> -> memref<64x128xf32, #tpu.memory_space<vmem>>
          %dma_wait3A_326 = arith.constant 0 : i32
          %dma_wait3A_327 = tpu.memref_slice %arg8[%dma_wait3A_321, %dma_wait3A_326] : memref<40x64xi32, #tpu.memory_space<vmem>> -> memref<1x64xi32, #tpu.memory_space<vmem>>
          %dma_wait3A_328 = tpu.memref_squeeze %dma_wait3A_327 : memref<1x64xi32, #tpu.memory_space<vmem>> -> memref<64xi32, #tpu.memory_space<vmem>>
          %dma_wait3A_329 = arith.constant 0 : i32
          %dma_wait3A_330 = arith.constant 0 : i32
          %dma_wait3A_331 = tpu.memref_slice %arg10[%dma_wait3A_329, %dma_wait3A_330] : memref<10240x128xf32, #tpu.memory_space<vmem_shared>> -> memref<10240x128xf32, #tpu.memory_space<vmem_shared>>
          tpu.wait_indirect_dma semaphore(%arg15 : memref<!tpu.dma_semaphore, #tpu.memory_space<semaphore_mem>>) src(%dma_wait3A_325 : memref<64x128xf32, #tpu.memory_space<vmem>>) dst(%dma_wait3A_331 : memref<10240x128xf32, #tpu.memory_space<vmem_shared>>)
        } else {
        }
        %dma_start3A = arith.constant 0 : i32
        %dma_start3A_310 = arith.constant 0 : i32
        %dma_start3A_311 = arith.constant 0 : i32
        %dma_start3A_312 = tpu.memref_slice %arg9[%dma_start3A, %dma_start3A_310, %dma_start3A_311] : memref<4x64x128xf32, #tpu.memory_space<vmem>> -> memref<1x64x128xf32, #tpu.memory_space<vmem>>
        %dma_start3A_313 = tpu.memref_squeeze %dma_start3A_312 : memref<1x64x128xf32, #tpu.memory_space<vmem>> -> memref<64x128xf32, #tpu.memory_space<vmem>>
        %dma_start3A_314 = arith.constant 0 : i32
        %dma_start3A_315 = tpu.memref_slice %arg7[%add3A_238, %dma_start3A_314] : memref<40x64xi32, #tpu.memory_space<vmem>> -> memref<1x64xi32, #tpu.memory_space<vmem>>
        %dma_start3A_316 = tpu.memref_squeeze %dma_start3A_315 : memref<1x64xi32, #tpu.memory_space<vmem>> -> memref<64xi32, #tpu.memory_space<vmem>>
        %dma_start3A_317 = arith.constant 0 : i32
        %dma_start3A_318 = arith.constant 0 : i32
        %dma_start3A_319 = tpu.memref_slice %arg4[%dma_start3A_317, %dma_start3A_318] : memref<10240x128xf32, #tpu.memory_space<hbm>> -> memref<10240x128xf32, #tpu.memory_space<hbm>>
        tpu.enqueue_indirect_dma source(%dma_start3A_319 : memref<10240x128xf32, #tpu.memory_space<hbm>>) target(%dma_start3A_313 : memref<64x128xf32, #tpu.memory_space<vmem>>) offsets(%dma_start3A_316 : memref<64xi32, #tpu.memory_space<vmem>>) semaphore(%arg11 : memref<!tpu.dma_semaphore, #tpu.memory_space<semaphore_mem>>)
      } else {
      }
      %mul3A_248 = arith.constant 4 : i32
      %mul3A_249 = arith.muli %scan3A_234, %mul3A_248 : i32
      %add3A_250 = arith.constant 1 : i32
      %add3A_251 = arith.addi %mul3A_249, %add3A_250 : i32
      %sub3A_252 = arith.constant 3 : i32
      %sub3A_253 = arith.subi %add3A_251, %sub3A_252 : i32
      %ge3A_254 = arith.constant 0 : i32
      %ge3A_255 = arith.cmpi sge, %sub3A_253, %ge3A_254 : i32
      %lt3A_256 = arith.constant 40 : i32
      %lt3A_257 = arith.cmpi slt, %sub3A_253, %lt3A_256 : i32
      %and3A_258 = arith.andi %ge3A_255, %lt3A_257 : i1
      %convert_element_type3A_259 = arith.extui %and3A_258 : i1 to i32
      %cond3A_260 = arith.constant 0 : i32
      %cond3A_261 = arith.cmpi ne, %convert_element_type3A_259, %cond3A_260 : i32
      scf.if %cond3A_261 {
        %dma_wait3A_305 = arith.constant 0 : i32
        %dma_wait3A_306 = arith.constant 2 : i32
        %dma_wait3A_307 = arith.constant 0 : i32
        %dma_wait3A_308 = arith.constant 0 : i32
        %dma_wait3A_309 = tpu.memref_slice %arg9[%dma_wait3A_306, %dma_wait3A_307, %dma_wait3A_308] : memref<4x64x128xf32, #tpu.memory_space<vmem>> -> memref<1x64x128xf32, #tpu.memory_space<vmem>>
        %dma_wait3A_310 = tpu.memref_squeeze %dma_wait3A_309 : memref<1x64x128xf32, #tpu.memory_space<vmem>> -> memref<64x128xf32, #tpu.memory_space<vmem>>
        %dma_wait3A_311 = arith.constant 0 : i32
        %dma_wait3A_312 = tpu.memref_slice %arg7[%dma_wait3A_305, %dma_wait3A_311] : memref<40x64xi32, #tpu.memory_space<vmem>> -> memref<1x64xi32, #tpu.memory_space<vmem>>
        %dma_wait3A_313 = tpu.memref_squeeze %dma_wait3A_312 : memref<1x64xi32, #tpu.memory_space<vmem>> -> memref<64xi32, #tpu.memory_space<vmem>>
        %dma_wait3A_314 = arith.constant 0 : i32
        %dma_wait3A_315 = arith.constant 0 : i32
        %dma_wait3A_316 = tpu.memref_slice %arg4[%dma_wait3A_314, %dma_wait3A_315] : memref<10240x128xf32, #tpu.memory_space<hbm>> -> memref<10240x128xf32, #tpu.memory_space<hbm>>
        tpu.wait_indirect_dma semaphore(%arg13 : memref<!tpu.dma_semaphore, #tpu.memory_space<semaphore_mem>>) src(%dma_wait3A_316 : memref<10240x128xf32, #tpu.memory_space<hbm>>) dst(%dma_wait3A_310 : memref<64x128xf32, #tpu.memory_space<vmem>>)
        %dma_start3A = arith.constant 2 : i32
        %dma_start3A_317 = arith.constant 0 : i32
        %dma_start3A_318 = arith.constant 0 : i32
        %dma_start3A_319 = tpu.memref_slice %arg9[%dma_start3A, %dma_start3A_317, %dma_start3A_318] : memref<4x64x128xf32, #tpu.memory_space<vmem>> -> memref<1x64x128xf32, #tpu.memory_space<vmem>>
        %dma_start3A_320 = tpu.memref_squeeze %dma_start3A_319 : memref<1x64x128xf32, #tpu.memory_space<vmem>> -> memref<64x128xf32, #tpu.memory_space<vmem>>
        %dma_start3A_321 = arith.constant 0 : i32
        %dma_start3A_322 = tpu.memref_slice %arg8[%sub3A_253, %dma_start3A_321] : memref<40x64xi32, #tpu.memory_space<vmem>> -> memref<1x64xi32, #tpu.memory_space<vmem>>
        %dma_start3A_323 = tpu.memref_squeeze %dma_start3A_322 : memref<1x64xi32, #tpu.memory_space<vmem>> -> memref<64xi32, #tpu.memory_space<vmem>>
        %dma_start3A_324 = arith.constant 0 : i32
        %dma_start3A_325 = arith.constant 0 : i32
        %dma_start3A_326 = tpu.memref_slice %arg10[%dma_start3A_324, %dma_start3A_325] : memref<10240x128xf32, #tpu.memory_space<vmem_shared>> -> memref<10240x128xf32, #tpu.memory_space<vmem_shared>>
        tpu.enqueue_indirect_dma source(%dma_start3A_320 : memref<64x128xf32, #tpu.memory_space<vmem>>) target(%dma_start3A_326 : memref<10240x128xf32, #tpu.memory_space<vmem_shared>>) offsets(%dma_start3A_323 : memref<64xi32, #tpu.memory_space<vmem>>) semaphore(%arg17 : memref<!tpu.dma_semaphore, #tpu.memory_space<semaphore_mem>>) {add = true}
      } else {
      }
      %lt3A_262 = arith.constant 40 : i32
      %lt3A_263 = arith.cmpi slt, %add3A_251, %lt3A_262 : i32
      %convert_element_type3A_264 = arith.extui %lt3A_263 : i1 to i32
      %cond3A_265 = arith.constant 0 : i32
      %cond3A_266 = arith.cmpi ne, %convert_element_type3A_264, %cond3A_265 : i32
      scf.if %cond3A_266 {
        %ge3A_305 = arith.constant 4 : i32
        %ge3A_306 = arith.cmpi sge, %add3A_251, %ge3A_305 : i32
        %convert_element_type3A_307 = arith.extui %ge3A_306 : i1 to i32
        %cond3A_308 = arith.constant 0 : i32
        %cond3A_309 = arith.cmpi ne, %convert_element_type3A_307, %cond3A_308 : i32
        scf.if %cond3A_309 {
          %dma_wait3A_320 = arith.constant 1 : i32
          %dma_wait3A_321 = arith.constant 0 : i32
          %dma_wait3A_322 = arith.constant 0 : i32
          %dma_wait3A_323 = arith.constant 0 : i32
          %dma_wait3A_324 = tpu.memref_slice %arg9[%dma_wait3A_320, %dma_wait3A_322, %dma_wait3A_323] : memref<4x64x128xf32, #tpu.memory_space<vmem>> -> memref<1x64x128xf32, #tpu.memory_space<vmem>>
          %dma_wait3A_325 = tpu.memref_squeeze %dma_wait3A_324 : memref<1x64x128xf32, #tpu.memory_space<vmem>> -> memref<64x128xf32, #tpu.memory_space<vmem>>
          %dma_wait3A_326 = arith.constant 0 : i32
          %dma_wait3A_327 = tpu.memref_slice %arg8[%dma_wait3A_321, %dma_wait3A_326] : memref<40x64xi32, #tpu.memory_space<vmem>> -> memref<1x64xi32, #tpu.memory_space<vmem>>
          %dma_wait3A_328 = tpu.memref_squeeze %dma_wait3A_327 : memref<1x64xi32, #tpu.memory_space<vmem>> -> memref<64xi32, #tpu.memory_space<vmem>>
          %dma_wait3A_329 = arith.constant 0 : i32
          %dma_wait3A_330 = arith.constant 0 : i32
          %dma_wait3A_331 = tpu.memref_slice %arg10[%dma_wait3A_329, %dma_wait3A_330] : memref<10240x128xf32, #tpu.memory_space<vmem_shared>> -> memref<10240x128xf32, #tpu.memory_space<vmem_shared>>
          tpu.wait_indirect_dma semaphore(%arg16 : memref<!tpu.dma_semaphore, #tpu.memory_space<semaphore_mem>>) src(%dma_wait3A_325 : memref<64x128xf32, #tpu.memory_space<vmem>>) dst(%dma_wait3A_331 : memref<10240x128xf32, #tpu.memory_space<vmem_shared>>)
        } else {
        }
        %dma_start3A = arith.constant 1 : i32
        %dma_start3A_310 = arith.constant 0 : i32
        %dma_start3A_311 = arith.constant 0 : i32
        %dma_start3A_312 = tpu.memref_slice %arg9[%dma_start3A, %dma_start3A_310, %dma_start3A_311] : memref<4x64x128xf32, #tpu.memory_space<vmem>> -> memref<1x64x128xf32, #tpu.memory_space<vmem>>
        %dma_start3A_313 = tpu.memref_squeeze %dma_start3A_312 : memref<1x64x128xf32, #tpu.memory_space<vmem>> -> memref<64x128xf32, #tpu.memory_space<vmem>>
        %dma_start3A_314 = arith.constant 0 : i32
        %dma_start3A_315 = tpu.memref_slice %arg7[%add3A_251, %dma_start3A_314] : memref<40x64xi32, #tpu.memory_space<vmem>> -> memref<1x64xi32, #tpu.memory_space<vmem>>
        %dma_start3A_316 = tpu.memref_squeeze %dma_start3A_315 : memref<1x64xi32, #tpu.memory_space<vmem>> -> memref<64xi32, #tpu.memory_space<vmem>>
        %dma_start3A_317 = arith.constant 0 : i32
        %dma_start3A_318 = arith.constant 0 : i32
        %dma_start3A_319 = tpu.memref_slice %arg4[%dma_start3A_317, %dma_start3A_318] : memref<10240x128xf32, #tpu.memory_space<hbm>> -> memref<10240x128xf32, #tpu.memory_space<hbm>>
        tpu.enqueue_indirect_dma source(%dma_start3A_319 : memref<10240x128xf32, #tpu.memory_space<hbm>>) target(%dma_start3A_313 : memref<64x128xf32, #tpu.memory_space<vmem>>) offsets(%dma_start3A_316 : memref<64xi32, #tpu.memory_space<vmem>>) semaphore(%arg12 : memref<!tpu.dma_semaphore, #tpu.memory_space<semaphore_mem>>)
      } else {
      }
      %mul3A_267 = arith.constant 4 : i32
      %mul3A_268 = arith.muli %scan3A_234, %mul3A_267 : i32
      %add3A_269 = arith.constant 2 : i32
      %add3A_270 = arith.addi %mul3A_268, %add3A_269 : i32
      %sub3A_271 = arith.constant 3 : i32
      %sub3A_272 = arith.subi %add3A_270, %sub3A_271 : i32
      %ge3A_273 = arith.constant 0 : i32
      %ge3A_274 = arith.cmpi sge, %sub3A_272, %ge3A_273 : i32
      %lt3A_275 = arith.constant 40 : i32
      %lt3A_276 = arith.cmpi slt, %sub3A_272, %lt3A_275 : i32
      %and3A_277 = arith.andi %ge3A_274, %lt3A_276 : i1
      %convert_element_type3A_278 = arith.extui %and3A_277 : i1 to i32
      %cond3A_279 = arith.constant 0 : i32
      %cond3A_280 = arith.cmpi ne, %convert_element_type3A_278, %cond3A_279 : i32
      scf.if %cond3A_280 {
        %dma_wait3A_305 = arith.constant 0 : i32
        %dma_wait3A_306 = arith.constant 3 : i32
        %dma_wait3A_307 = arith.constant 0 : i32
        %dma_wait3A_308 = arith.constant 0 : i32
        %dma_wait3A_309 = tpu.memref_slice %arg9[%dma_wait3A_306, %dma_wait3A_307, %dma_wait3A_308] : memref<4x64x128xf32, #tpu.memory_space<vmem>> -> memref<1x64x128xf32, #tpu.memory_space<vmem>>
        %dma_wait3A_310 = tpu.memref_squeeze %dma_wait3A_309 : memref<1x64x128xf32, #tpu.memory_space<vmem>> -> memref<64x128xf32, #tpu.memory_space<vmem>>
        %dma_wait3A_311 = arith.constant 0 : i32
        %dma_wait3A_312 = tpu.memref_slice %arg7[%dma_wait3A_305, %dma_wait3A_311] : memref<40x64xi32, #tpu.memory_space<vmem>> -> memref<1x64xi32, #tpu.memory_space<vmem>>
        %dma_wait3A_313 = tpu.memref_squeeze %dma_wait3A_312 : memref<1x64xi32, #tpu.memory_space<vmem>> -> memref<64xi32, #tpu.memory_space<vmem>>
        %dma_wait3A_314 = arith.constant 0 : i32
        %dma_wait3A_315 = arith.constant 0 : i32
        %dma_wait3A_316 = tpu.memref_slice %arg4[%dma_wait3A_314, %dma_wait3A_315] : memref<10240x128xf32, #tpu.memory_space<hbm>> -> memref<10240x128xf32, #tpu.memory_space<hbm>>
        tpu.wait_indirect_dma semaphore(%arg14 : memref<!tpu.dma_semaphore, #tpu.memory_space<semaphore_mem>>) src(%dma_wait3A_316 : memref<10240x128xf32, #tpu.memory_space<hbm>>) dst(%dma_wait3A_310 : memref<64x128xf32, #tpu.memory_space<vmem>>)
        %dma_start3A = arith.constant 3 : i32
        %dma_start3A_317 = arith.constant 0 : i32
        %dma_start3A_318 = arith.constant 0 : i32
        %dma_start3A_319 = tpu.memref_slice %arg9[%dma_start3A, %dma_start3A_317, %dma_start3A_318] : memref<4x64x128xf32, #tpu.memory_space<vmem>> -> memref<1x64x128xf32, #tpu.memory_space<vmem>>
        %dma_start3A_320 = tpu.memref_squeeze %dma_start3A_319 : memref<1x64x128xf32, #tpu.memory_space<vmem>> -> memref<64x128xf32, #tpu.memory_space<vmem>>
        %dma_start3A_321 = arith.constant 0 : i32
        %dma_start3A_322 = tpu.memref_slice %arg8[%sub3A_272, %dma_start3A_321] : memref<40x64xi32, #tpu.memory_space<vmem>> -> memref<1x64xi32, #tpu.memory_space<vmem>>
        %dma_start3A_323 = tpu.memref_squeeze %dma_start3A_322 : memref<1x64xi32, #tpu.memory_space<vmem>> -> memref<64xi32, #tpu.memory_space<vmem>>
        %dma_start3A_324 = arith.constant 0 : i32
        %dma_start3A_325 = arith.constant 0 : i32
        %dma_start3A_326 = tpu.memref_slice %arg10[%dma_start3A_324, %dma_start3A_325] : memref<10240x128xf32, #tpu.memory_space<vmem_shared>> -> memref<10240x128xf32, #tpu.memory_space<vmem_shared>>
        tpu.enqueue_indirect_dma source(%dma_start3A_320 : memref<64x128xf32, #tpu.memory_space<vmem>>) target(%dma_start3A_326 : memref<10240x128xf32, #tpu.memory_space<vmem_shared>>) offsets(%dma_start3A_323 : memref<64xi32, #tpu.memory_space<vmem>>) semaphore(%arg18 : memref<!tpu.dma_semaphore, #tpu.memory_space<semaphore_mem>>) {add = true}
      } else {
      }
      %lt3A_281 = arith.constant 40 : i32
      %lt3A_282 = arith.cmpi slt, %add3A_270, %lt3A_281 : i32
      %convert_element_type3A_283 = arith.extui %lt3A_282 : i1 to i32
      %cond3A_284 = arith.constant 0 : i32
      %cond3A_285 = arith.cmpi ne, %convert_element_type3A_283, %cond3A_284 : i32
      scf.if %cond3A_285 {
        %ge3A_305 = arith.constant 4 : i32
        %ge3A_306 = arith.cmpi sge, %add3A_270, %ge3A_305 : i32
        %convert_element_type3A_307 = arith.extui %ge3A_306 : i1 to i32
        %cond3A_308 = arith.constant 0 : i32
        %cond3A_309 = arith.cmpi ne, %convert_element_type3A_307, %cond3A_308 : i32
        scf.if %cond3A_309 {
          %dma_wait3A_320 = arith.constant 2 : i32
          %dma_wait3A_321 = arith.constant 0 : i32
          %dma_wait3A_322 = arith.constant 0 : i32
          %dma_wait3A_323 = arith.constant 0 : i32
          %dma_wait3A_324 = tpu.memref_slice %arg9[%dma_wait3A_320, %dma_wait3A_322, %dma_wait3A_323] : memref<4x64x128xf32, #tpu.memory_space<vmem>> -> memref<1x64x128xf32, #tpu.memory_space<vmem>>
          %dma_wait3A_325 = tpu.memref_squeeze %dma_wait3A_324 : memref<1x64x128xf32, #tpu.memory_space<vmem>> -> memref<64x128xf32, #tpu.memory_space<vmem>>
          %dma_wait3A_326 = arith.constant 0 : i32
          %dma_wait3A_327 = tpu.memref_slice %arg8[%dma_wait3A_321, %dma_wait3A_326] : memref<40x64xi32, #tpu.memory_space<vmem>> -> memref<1x64xi32, #tpu.memory_space<vmem>>
          %dma_wait3A_328 = tpu.memref_squeeze %dma_wait3A_327 : memref<1x64xi32, #tpu.memory_space<vmem>> -> memref<64xi32, #tpu.memory_space<vmem>>
          %dma_wait3A_329 = arith.constant 0 : i32
          %dma_wait3A_330 = arith.constant 0 : i32
          %dma_wait3A_331 = tpu.memref_slice %arg10[%dma_wait3A_329, %dma_wait3A_330] : memref<10240x128xf32, #tpu.memory_space<vmem_shared>> -> memref<10240x128xf32, #tpu.memory_space<vmem_shared>>
          tpu.wait_indirect_dma semaphore(%arg17 : memref<!tpu.dma_semaphore, #tpu.memory_space<semaphore_mem>>) src(%dma_wait3A_325 : memref<64x128xf32, #tpu.memory_space<vmem>>) dst(%dma_wait3A_331 : memref<10240x128xf32, #tpu.memory_space<vmem_shared>>)
        } else {
        }
        %dma_start3A = arith.constant 2 : i32
        %dma_start3A_310 = arith.constant 0 : i32
        %dma_start3A_311 = arith.constant 0 : i32
        %dma_start3A_312 = tpu.memref_slice %arg9[%dma_start3A, %dma_start3A_310, %dma_start3A_311] : memref<4x64x128xf32, #tpu.memory_space<vmem>> -> memref<1x64x128xf32, #tpu.memory_space<vmem>>
        %dma_start3A_313 = tpu.memref_squeeze %dma_start3A_312 : memref<1x64x128xf32, #tpu.memory_space<vmem>> -> memref<64x128xf32, #tpu.memory_space<vmem>>
        %dma_start3A_314 = arith.constant 0 : i32
        %dma_start3A_315 = tpu.memref_slice %arg7[%add3A_270, %dma_start3A_314] : memref<40x64xi32, #tpu.memory_space<vmem>> -> memref<1x64xi32, #tpu.memory_space<vmem>>
        %dma_start3A_316 = tpu.memref_squeeze %dma_start3A_315 : memref<1x64xi32, #tpu.memory_space<vmem>> -> memref<64xi32, #tpu.memory_space<vmem>>
        %dma_start3A_317 = arith.constant 0 : i32
        %dma_start3A_318 = arith.constant 0 : i32
        %dma_start3A_319 = tpu.memref_slice %arg4[%dma_start3A_317, %dma_start3A_318] : memref<10240x128xf32, #tpu.memory_space<hbm>> -> memref<10240x128xf32, #tpu.memory_space<hbm>>
        tpu.enqueue_indirect_dma source(%dma_start3A_319 : memref<10240x128xf32, #tpu.memory_space<hbm>>) target(%dma_start3A_313 : memref<64x128xf32, #tpu.memory_space<vmem>>) offsets(%dma_start3A_316 : memref<64xi32, #tpu.memory_space<vmem>>) semaphore(%arg13 : memref<!tpu.dma_semaphore, #tpu.memory_space<semaphore_mem>>)
      } else {
      }
      %mul3A_286 = arith.constant 4 : i32
      %mul3A_287 = arith.muli %scan3A_234, %mul3A_286 : i32
      %add3A_288 = arith.constant 3 : i32
      %add3A_289 = arith.addi %mul3A_287, %add3A_288 : i32
      %sub3A_290 = arith.constant 3 : i32
      %sub3A_291 = arith.subi %add3A_289, %sub3A_290 : i32
      %ge3A_292 = arith.constant 0 : i32
      %ge3A_293 = arith.cmpi sge, %sub3A_291, %ge3A_292 : i32
      %lt3A_294 = arith.constant 40 : i32
      %lt3A_295 = arith.cmpi slt, %sub3A_291, %lt3A_294 : i32
      %and3A_296 = arith.andi %ge3A_293, %lt3A_295 : i1
      %convert_element_type3A_297 = arith.extui %and3A_296 : i1 to i32
      %cond3A_298 = arith.constant 0 : i32
      %cond3A_299 = arith.cmpi ne, %convert_element_type3A_297, %cond3A_298 : i32
      scf.if %cond3A_299 {
        %dma_wait3A_305 = arith.constant 0 : i32
        %dma_wait3A_306 = arith.constant 0 : i32
        %dma_wait3A_307 = arith.constant 0 : i32
        %dma_wait3A_308 = arith.constant 0 : i32
        %dma_wait3A_309 = tpu.memref_slice %arg9[%dma_wait3A_306, %dma_wait3A_307, %dma_wait3A_308] : memref<4x64x128xf32, #tpu.memory_space<vmem>> -> memref<1x64x128xf32, #tpu.memory_space<vmem>>
        %dma_wait3A_310 = tpu.memref_squeeze %dma_wait3A_309 : memref<1x64x128xf32, #tpu.memory_space<vmem>> -> memref<64x128xf32, #tpu.memory_space<vmem>>
        %dma_wait3A_311 = arith.constant 0 : i32
        %dma_wait3A_312 = tpu.memref_slice %arg7[%dma_wait3A_305, %dma_wait3A_311] : memref<40x64xi32, #tpu.memory_space<vmem>> -> memref<1x64xi32, #tpu.memory_space<vmem>>
        %dma_wait3A_313 = tpu.memref_squeeze %dma_wait3A_312 : memref<1x64xi32, #tpu.memory_space<vmem>> -> memref<64xi32, #tpu.memory_space<vmem>>
        %dma_wait3A_314 = arith.constant 0 : i32
        %dma_wait3A_315 = arith.constant 0 : i32
        %dma_wait3A_316 = tpu.memref_slice %arg4[%dma_wait3A_314, %dma_wait3A_315] : memref<10240x128xf32, #tpu.memory_space<hbm>> -> memref<10240x128xf32, #tpu.memory_space<hbm>>
        tpu.wait_indirect_dma semaphore(%arg11 : memref<!tpu.dma_semaphore, #tpu.memory_space<semaphore_mem>>) src(%dma_wait3A_316 : memref<10240x128xf32, #tpu.memory_space<hbm>>) dst(%dma_wait3A_310 : memref<64x128xf32, #tpu.memory_space<vmem>>)
        %dma_start3A = arith.constant 0 : i32
        %dma_start3A_317 = arith.constant 0 : i32
        %dma_start3A_318 = arith.constant 0 : i32
        %dma_start3A_319 = tpu.memref_slice %arg9[%dma_start3A, %dma_start3A_317, %dma_start3A_318] : memref<4x64x128xf32, #tpu.memory_space<vmem>> -> memref<1x64x128xf32, #tpu.memory_space<vmem>>
        %dma_start3A_320 = tpu.memref_squeeze %dma_start3A_319 : memref<1x64x128xf32, #tpu.memory_space<vmem>> -> memref<64x128xf32, #tpu.memory_space<vmem>>
        %dma_start3A_321 = arith.constant 0 : i32
        %dma_start3A_322 = tpu.memref_slice %arg8[%sub3A_291, %dma_start3A_321] : memref<40x64xi32, #tpu.memory_space<vmem>> -> memref<1x64xi32, #tpu.memory_space<vmem>>
        %dma_start3A_323 = tpu.memref_squeeze %dma_start3A_322 : memref<1x64xi32, #tpu.memory_space<vmem>> -> memref<64xi32, #tpu.memory_space<vmem>>
        %dma_start3A_324 = arith.constant 0 : i32
        %dma_start3A_325 = arith.constant 0 : i32
        %dma_start3A_326 = tpu.memref_slice %arg10[%dma_start3A_324, %dma_start3A_325] : memref<10240x128xf32, #tpu.memory_space<vmem_shared>> -> memref<10240x128xf32, #tpu.memory_space<vmem_shared>>
        tpu.enqueue_indirect_dma source(%dma_start3A_320 : memref<64x128xf32, #tpu.memory_space<vmem>>) target(%dma_start3A_326 : memref<10240x128xf32, #tpu.memory_space<vmem_shared>>) offsets(%dma_start3A_323 : memref<64xi32, #tpu.memory_space<vmem>>) semaphore(%arg15 : memref<!tpu.dma_semaphore, #tpu.memory_space<semaphore_mem>>) {add = true}
      } else {
      }
      %lt3A_300 = arith.constant 40 : i32
      %lt3A_301 = arith.cmpi slt, %add3A_289, %lt3A_300 : i32
      %convert_element_type3A_302 = arith.extui %lt3A_301 : i1 to i32
      %cond3A_303 = arith.constant 0 : i32
      %cond3A_304 = arith.cmpi ne, %convert_element_type3A_302, %cond3A_303 : i32
      scf.if %cond3A_304 {
        %ge3A_305 = arith.constant 4 : i32
        %ge3A_306 = arith.cmpi sge, %add3A_289, %ge3A_305 : i32
        %convert_element_type3A_307 = arith.extui %ge3A_306 : i1 to i32
        %cond3A_308 = arith.constant 0 : i32
        %cond3A_309 = arith.cmpi ne, %convert_element_type3A_307, %cond3A_308 : i32
        scf.if %cond3A_309 {
          %dma_wait3A_320 = arith.constant 3 : i32
          %dma_wait3A_321 = arith.constant 0 : i32
          %dma_wait3A_322 = arith.constant 0 : i32
          %dma_wait3A_323 = arith.constant 0 : i32
          %dma_wait3A_324 = tpu.memref_slice %arg9[%dma_wait3A_320, %dma_wait3A_322, %dma_wait3A_323] : memref<4x64x128xf32, #tpu.memory_space<vmem>> -> memref<1x64x128xf32, #tpu.memory_space<vmem>>
          %dma_wait3A_325 = tpu.memref_squeeze %dma_wait3A_324 : memref<1x64x128xf32, #tpu.memory_space<vmem>> -> memref<64x128xf32, #tpu.memory_space<vmem>>
          %dma_wait3A_326 = arith.constant 0 : i32
          %dma_wait3A_327 = tpu.memref_slice %arg8[%dma_wait3A_321, %dma_wait3A_326] : memref<40x64xi32, #tpu.memory_space<vmem>> -> memref<1x64xi32, #tpu.memory_space<vmem>>
          %dma_wait3A_328 = tpu.memref_squeeze %dma_wait3A_327 : memref<1x64xi32, #tpu.memory_space<vmem>> -> memref<64xi32, #tpu.memory_space<vmem>>
          %dma_wait3A_329 = arith.constant 0 : i32
          %dma_wait3A_330 = arith.constant 0 : i32
          %dma_wait3A_331 = tpu.memref_slice %arg10[%dma_wait3A_329, %dma_wait3A_330] : memref<10240x128xf32, #tpu.memory_space<vmem_shared>> -> memref<10240x128xf32, #tpu.memory_space<vmem_shared>>
          tpu.wait_indirect_dma semaphore(%arg18 : memref<!tpu.dma_semaphore, #tpu.memory_space<semaphore_mem>>) src(%dma_wait3A_325 : memref<64x128xf32, #tpu.memory_space<vmem>>) dst(%dma_wait3A_331 : memref<10240x128xf32, #tpu.memory_space<vmem_shared>>)
        } else {
        }
        %dma_start3A = arith.constant 3 : i32
        %dma_start3A_310 = arith.constant 0 : i32
        %dma_start3A_311 = arith.constant 0 : i32
        %dma_start3A_312 = tpu.memref_slice %arg9[%dma_start3A, %dma_start3A_310, %dma_start3A_311] : memref<4x64x128xf32, #tpu.memory_space<vmem>> -> memref<1x64x128xf32, #tpu.memory_space<vmem>>
        %dma_start3A_313 = tpu.memref_squeeze %dma_start3A_312 : memref<1x64x128xf32, #tpu.memory_space<vmem>> -> memref<64x128xf32, #tpu.memory_space<vmem>>
        %dma_start3A_314 = arith.constant 0 : i32
        %dma_start3A_315 = tpu.memref_slice %arg7[%add3A_289, %dma_start3A_314] : memref<40x64xi32, #tpu.memory_space<vmem>> -> memref<1x64xi32, #tpu.memory_space<vmem>>
        %dma_start3A_316 = tpu.memref_squeeze %dma_start3A_315 : memref<1x64xi32, #tpu.memory_space<vmem>> -> memref<64xi32, #tpu.memory_space<vmem>>
        %dma_start3A_317 = arith.constant 0 : i32
        %dma_start3A_318 = arith.constant 0 : i32
        %dma_start3A_319 = tpu.memref_slice %arg4[%dma_start3A_317, %dma_start3A_318] : memref<10240x128xf32, #tpu.memory_space<hbm>> -> memref<10240x128xf32, #tpu.memory_space<hbm>>
        tpu.enqueue_indirect_dma source(%dma_start3A_319 : memref<10240x128xf32, #tpu.memory_space<hbm>>) target(%dma_start3A_313 : memref<64x128xf32, #tpu.memory_space<vmem>>) offsets(%dma_start3A_316 : memref<64xi32, #tpu.memory_space<vmem>>) semaphore(%arg14 : memref<!tpu.dma_semaphore, #tpu.memory_space<semaphore_mem>>)
      } else {
      }
    }
    %scan3A_11 = arith.constant 11 : i32
    %dma_wait3A = arith.constant 0 : i32
    %dma_wait3A_12 = arith.constant 0 : i32
    %dma_wait3A_13 = arith.constant 0 : i32
    %dma_wait3A_14 = arith.constant 0 : i32
    %dma_wait3A_15 = tpu.memref_slice %arg9[%dma_wait3A, %dma_wait3A_13, %dma_wait3A_14] : memref<4x64x128xf32, #tpu.memory_space<vmem>> -> memref<1x64x128xf32, #tpu.memory_space<vmem>>
    %dma_wait3A_16 = tpu.memref_squeeze %dma_wait3A_15 : memref<1x64x128xf32, #tpu.memory_space<vmem>> -> memref<64x128xf32, #tpu.memory_space<vmem>>
    %dma_wait3A_17 = arith.constant 0 : i32
    %dma_wait3A_18 = tpu.memref_slice %arg8[%dma_wait3A_12, %dma_wait3A_17] : memref<40x64xi32, #tpu.memory_space<vmem>> -> memref<1x64xi32, #tpu.memory_space<vmem>>
    %dma_wait3A_19 = tpu.memref_squeeze %dma_wait3A_18 : memref<1x64xi32, #tpu.memory_space<vmem>> -> memref<64xi32, #tpu.memory_space<vmem>>
    %dma_wait3A_20 = arith.constant 0 : i32
    %dma_wait3A_21 = arith.constant 0 : i32
    %dma_wait3A_22 = tpu.memref_slice %arg10[%dma_wait3A_20, %dma_wait3A_21] : memref<10240x128xf32, #tpu.memory_space<vmem_shared>> -> memref<10240x128xf32, #tpu.memory_space<vmem_shared>>
    tpu.wait_indirect_dma semaphore(%arg15 : memref<!tpu.dma_semaphore, #tpu.memory_space<semaphore_mem>>) src(%dma_wait3A_16 : memref<64x128xf32, #tpu.memory_space<vmem>>) dst(%dma_wait3A_22 : memref<10240x128xf32, #tpu.memory_space<vmem_shared>>)
    %dma_wait3A_23 = arith.constant 1 : i32
    %dma_wait3A_24 = arith.constant 0 : i32
    %dma_wait3A_25 = arith.constant 0 : i32
    %dma_wait3A_26 = arith.constant 0 : i32
    %dma_wait3A_27 = tpu.memref_slice %arg9[%dma_wait3A_23, %dma_wait3A_25, %dma_wait3A_26] : memref<4x64x128xf32, #tpu.memory_space<vmem>> -> memref<1x64x128xf32, #tpu.memory_space<vmem>>
    %dma_wait3A_28 = tpu.memref_squeeze %dma_wait3A_27 : memref<1x64x128xf32, #tpu.memory_space<vmem>> -> memref<64x128xf32, #tpu.memory_space<vmem>>
    %dma_wait3A_29 = arith.constant 0 : i32
    %dma_wait3A_30 = tpu.memref_slice %arg8[%dma_wait3A_24, %dma_wait3A_29] : memref<40x64xi32, #tpu.memory_space<vmem>> -> memref<1x64xi32, #tpu.memory_space<vmem>>
    %dma_wait3A_31 = tpu.memref_squeeze %dma_wait3A_30 : memref<1x64xi32, #tpu.memory_space<vmem>> -> memref<64xi32, #tpu.memory_space<vmem>>
    %dma_wait3A_32 = arith.constant 0 : i32
    %dma_wait3A_33 = arith.constant 0 : i32
    %dma_wait3A_34 = tpu.memref_slice %arg10[%dma_wait3A_32, %dma_wait3A_33] : memref<10240x128xf32, #tpu.memory_space<vmem_shared>> -> memref<10240x128xf32, #tpu.memory_space<vmem_shared>>
    tpu.wait_indirect_dma semaphore(%arg16 : memref<!tpu.dma_semaphore, #tpu.memory_space<semaphore_mem>>) src(%dma_wait3A_28 : memref<64x128xf32, #tpu.memory_space<vmem>>) dst(%dma_wait3A_34 : memref<10240x128xf32, #tpu.memory_space<vmem_shared>>)
    %dma_wait3A_35 = arith.constant 2 : i32
    %dma_wait3A_36 = arith.constant 0 : i32
    %dma_wait3A_37 = arith.constant 0 : i32
    %dma_wait3A_38 = arith.constant 0 : i32
    %dma_wait3A_39 = tpu.memref_slice %arg9[%dma_wait3A_35, %dma_wait3A_37, %dma_wait3A_38] : memref<4x64x128xf32, #tpu.memory_space<vmem>> -> memref<1x64x128xf32, #tpu.memory_space<vmem>>
    %dma_wait3A_40 = tpu.memref_squeeze %dma_wait3A_39 : memref<1x64x128xf32, #tpu.memory_space<vmem>> -> memref<64x128xf32, #tpu.memory_space<vmem>>
    %dma_wait3A_41 = arith.constant 0 : i32
    %dma_wait3A_42 = tpu.memref_slice %arg8[%dma_wait3A_36, %dma_wait3A_41] : memref<40x64xi32, #tpu.memory_space<vmem>> -> memref<1x64xi32, #tpu.memory_space<vmem>>
    %dma_wait3A_43 = tpu.memref_squeeze %dma_wait3A_42 : memref<1x64xi32, #tpu.memory_space<vmem>> -> memref<64xi32, #tpu.memory_space<vmem>>
    %dma_wait3A_44 = arith.constant 0 : i32
    %dma_wait3A_45 = arith.constant 0 : i32
    %dma_wait3A_46 = tpu.memref_slice %arg10[%dma_wait3A_44, %dma_wait3A_45] : memref<10240x128xf32, #tpu.memory_space<vmem_shared>> -> memref<10240x128xf32, #tpu.memory_space<vmem_shared>>
    tpu.wait_indirect_dma semaphore(%arg17 : memref<!tpu.dma_semaphore, #tpu.memory_space<semaphore_mem>>) src(%dma_wait3A_40 : memref<64x128xf32, #tpu.memory_space<vmem>>) dst(%dma_wait3A_46 : memref<10240x128xf32, #tpu.memory_space<vmem_shared>>)
    %dma_wait3A_47 = arith.constant 3 : i32
    %dma_wait3A_48 = arith.constant 0 : i32
    %dma_wait3A_49 = arith.constant 0 : i32
    %dma_wait3A_50 = arith.constant 0 : i32
    %dma_wait3A_51 = tpu.memref_slice %arg9[%dma_wait3A_47, %dma_wait3A_49, %dma_wait3A_50] : memref<4x64x128xf32, #tpu.memory_space<vmem>> -> memref<1x64x128xf32, #tpu.memory_space<vmem>>
    %dma_wait3A_52 = tpu.memref_squeeze %dma_wait3A_51 : memref<1x64x128xf32, #tpu.memory_space<vmem>> -> memref<64x128xf32, #tpu.memory_space<vmem>>
    %dma_wait3A_53 = arith.constant 0 : i32
    %dma_wait3A_54 = tpu.memref_slice %arg8[%dma_wait3A_48, %dma_wait3A_53] : memref<40x64xi32, #tpu.memory_space<vmem>> -> memref<1x64xi32, #tpu.memory_space<vmem>>
    %dma_wait3A_55 = tpu.memref_squeeze %dma_wait3A_54 : memref<1x64xi32, #tpu.memory_space<vmem>> -> memref<64xi32, #tpu.memory_space<vmem>>
    %dma_wait3A_56 = arith.constant 0 : i32
    %dma_wait3A_57 = arith.constant 0 : i32
    %dma_wait3A_58 = tpu.memref_slice %arg10[%dma_wait3A_56, %dma_wait3A_57] : memref<10240x128xf32, #tpu.memory_space<vmem_shared>> -> memref<10240x128xf32, #tpu.memory_space<vmem_shared>>
    tpu.wait_indirect_dma semaphore(%arg18 : memref<!tpu.dma_semaphore, #tpu.memory_space<semaphore_mem>>) src(%dma_wait3A_52 : memref<64x128xf32, #tpu.memory_space<vmem>>) dst(%dma_wait3A_58 : memref<10240x128xf32, #tpu.memory_space<vmem_shared>>)
    %mul3A_59 = arith.constant 160 : i32
    %mul3A_60 = arith.muli %add3A, %mul3A_59 : i32
    %add3A_61 = arith.constant 40 : i32
    %add3A_62 = arith.addi %mul3A_60, %add3A_61 : i32
    "tpu.region"() ({
      %run_scoped3A = tpu.sem_alloc : memref<!tpu.dma_semaphore, #tpu.memory_space<semaphore_mem>>
      %dma_start3A = arith.constant 0 : i32
      %dma_start3A_234 = tpu.memref_slice %arg2[%add3A_62, %dma_start3A] : memref<5120x64xi32, #tpu.memory_space<hbm>> -> memref<40x64xi32, #tpu.memory_space<hbm>>
      %dma_start3A_235 = arith.constant 0 : i32
      %dma_start3A_236 = tpu.memref_slice %arg2[%add3A_62, %dma_start3A_235] : memref<5120x64xi32, #tpu.memory_space<hbm>> -> memref<40x64xi32, #tpu.memory_space<hbm>>
      tpu.enqueue_dma source(%dma_start3A_236 : memref<40x64xi32, #tpu.memory_space<hbm>>) target(%arg7 : memref<40x64xi32, #tpu.memory_space<vmem>>) target_semaphore(%run_scoped3A : memref<!tpu.dma_semaphore, #tpu.memory_space<semaphore_mem>>)
      %dma_wait3A_237 = arith.constant 0 : i32
      %dma_wait3A_238 = tpu.memref_slice %arg2[%add3A_62, %dma_wait3A_237] : memref<5120x64xi32, #tpu.memory_space<hbm>> -> memref<40x64xi32, #tpu.memory_space<hbm>>
      %dma_wait3A_239 = arith.constant 0 : i32
      %dma_wait3A_240 = tpu.memref_slice %arg2[%add3A_62, %dma_wait3A_239] : memref<5120x64xi32, #tpu.memory_space<hbm>> -> memref<40x64xi32, #tpu.memory_space<hbm>>
      tpu.wait_dma2 semaphore(%run_scoped3A : memref<!tpu.dma_semaphore, #tpu.memory_space<semaphore_mem>>) src(%dma_wait3A_240 : memref<40x64xi32, #tpu.memory_space<hbm>>) dst(%arg7 : memref<40x64xi32, #tpu.memory_space<vmem>>)
      tpu.yield
    }) : () -> ()
    "tpu.region"() ({
      %run_scoped3A = tpu.sem_alloc : memref<!tpu.dma_semaphore, #tpu.memory_space<semaphore_mem>>
      %dma_start3A = arith.constant 0 : i32
      %dma_start3A_234 = tpu.memref_slice %arg3[%add3A_62, %dma_start3A] : memref<5120x64xi32, #tpu.memory_space<hbm>> -> memref<40x64xi32, #tpu.memory_space<hbm>>
      %dma_start3A_235 = arith.constant 0 : i32
      %dma_start3A_236 = tpu.memref_slice %arg3[%add3A_62, %dma_start3A_235] : memref<5120x64xi32, #tpu.memory_space<hbm>> -> memref<40x64xi32, #tpu.memory_space<hbm>>
      tpu.enqueue_dma source(%dma_start3A_236 : memref<40x64xi32, #tpu.memory_space<hbm>>) target(%arg8 : memref<40x64xi32, #tpu.memory_space<vmem>>) target_semaphore(%run_scoped3A : memref<!tpu.dma_semaphore, #tpu.memory_space<semaphore_mem>>)
      %dma_wait3A_237 = arith.constant 0 : i32
      %dma_wait3A_238 = tpu.memref_slice %arg3[%add3A_62, %dma_wait3A_237] : memref<5120x64xi32, #tpu.memory_space<hbm>> -> memref<40x64xi32, #tpu.memory_space<hbm>>
      %dma_wait3A_239 = arith.constant 0 : i32
      %dma_wait3A_240 = tpu.memref_slice %arg3[%add3A_62, %dma_wait3A_239] : memref<5120x64xi32, #tpu.memory_space<hbm>> -> memref<40x64xi32, #tpu.memory_space<hbm>>
      tpu.wait_dma2 semaphore(%run_scoped3A : memref<!tpu.dma_semaphore, #tpu.memory_space<semaphore_mem>>) src(%dma_wait3A_240 : memref<40x64xi32, #tpu.memory_space<hbm>>) dst(%arg8 : memref<40x64xi32, #tpu.memory_space<vmem>>)
      tpu.yield
    }) : () -> ()
    %scan3A_63 = arith.constant 0 : i32
    %scan3A_64 = arith.constant 0 : i32
    %scan3A_65 = arith.constant 11 : i32
    %scan3A_66 = arith.addi %scan3A_64, %scan3A_65 : i32
    %scan3A_67 = arith.constant 1 : i32
    scf.for %scan3A_234 = %scan3A_64 to %scan3A_66 step %scan3A_67  : i32 {
      %mul3A_235 = arith.constant 4 : i32
      %mul3A_236 = arith.muli %scan3A_234, %mul3A_235 : i32
      %add3A_237 = arith.constant 0 : i32
      %add3A_238 = arith.addi %mul3A_236, %add3A_237 : i32
      %sub3A = arith.constant 3 : i32
      %sub3A_239 = arith.subi %add3A_238, %sub3A : i32
      %ge3A = arith.constant 0 : i32
      %ge3A_240 = arith.cmpi sge, %sub3A_239, %ge3A : i32
      %lt3A = arith.constant 40 : i32
      %lt3A_241 = arith.cmpi slt, %sub3A_239, %lt3A : i32
      %and3A = arith.andi %ge3A_240, %lt3A_241 : i1
      %convert_element_type3A = arith.extui %and3A : i1 to i32
      %cond3A = arith.constant 0 : i32
      %cond3A_242 = arith.cmpi ne, %convert_element_type3A, %cond3A : i32
      scf.if %cond3A_242 {
        %dma_wait3A_305 = arith.constant 0 : i32
        %dma_wait3A_306 = arith.constant 1 : i32
        %dma_wait3A_307 = arith.constant 0 : i32
        %dma_wait3A_308 = arith.constant 0 : i32
        %dma_wait3A_309 = tpu.memref_slice %arg9[%dma_wait3A_306, %dma_wait3A_307, %dma_wait3A_308] : memref<4x64x128xf32, #tpu.memory_space<vmem>> -> memref<1x64x128xf32, #tpu.memory_space<vmem>>
        %dma_wait3A_310 = tpu.memref_squeeze %dma_wait3A_309 : memref<1x64x128xf32, #tpu.memory_space<vmem>> -> memref<64x128xf32, #tpu.memory_space<vmem>>
        %dma_wait3A_311 = arith.constant 0 : i32
        %dma_wait3A_312 = tpu.memref_slice %arg7[%dma_wait3A_305, %dma_wait3A_311] : memref<40x64xi32, #tpu.memory_space<vmem>> -> memref<1x64xi32, #tpu.memory_space<vmem>>
        %dma_wait3A_313 = tpu.memref_squeeze %dma_wait3A_312 : memref<1x64xi32, #tpu.memory_space<vmem>> -> memref<64xi32, #tpu.memory_space<vmem>>
        %dma_wait3A_314 = arith.constant 0 : i32
        %dma_wait3A_315 = arith.constant 0 : i32
        %dma_wait3A_316 = tpu.memref_slice %arg4[%dma_wait3A_314, %dma_wait3A_315] : memref<10240x128xf32, #tpu.memory_space<hbm>> -> memref<10240x128xf32, #tpu.memory_space<hbm>>
        tpu.wait_indirect_dma semaphore(%arg12 : memref<!tpu.dma_semaphore, #tpu.memory_space<semaphore_mem>>) src(%dma_wait3A_316 : memref<10240x128xf32, #tpu.memory_space<hbm>>) dst(%dma_wait3A_310 : memref<64x128xf32, #tpu.memory_space<vmem>>)
        %dma_start3A = arith.constant 1 : i32
        %dma_start3A_317 = arith.constant 0 : i32
        %dma_start3A_318 = arith.constant 0 : i32
        %dma_start3A_319 = tpu.memref_slice %arg9[%dma_start3A, %dma_start3A_317, %dma_start3A_318] : memref<4x64x128xf32, #tpu.memory_space<vmem>> -> memref<1x64x128xf32, #tpu.memory_space<vmem>>
        %dma_start3A_320 = tpu.memref_squeeze %dma_start3A_319 : memref<1x64x128xf32, #tpu.memory_space<vmem>> -> memref<64x128xf32, #tpu.memory_space<vmem>>
        %dma_start3A_321 = arith.constant 0 : i32
        %dma_start3A_322 = tpu.memref_slice %arg8[%sub3A_239, %dma_start3A_321] : memref<40x64xi32, #tpu.memory_space<vmem>> -> memref<1x64xi32, #tpu.memory_space<vmem>>
        %dma_start3A_323 = tpu.memref_squeeze %dma_start3A_322 : memref<1x64xi32, #tpu.memory_space<vmem>> -> memref<64xi32, #tpu.memory_space<vmem>>
        %dma_start3A_324 = arith.constant 0 : i32
        %dma_start3A_325 = arith.constant 0 : i32
        %dma_start3A_326 = tpu.memref_slice %arg10[%dma_start3A_324, %dma_start3A_325] : memref<10240x128xf32, #tpu.memory_space<vmem_shared>> -> memref<10240x128xf32, #tpu.memory_space<vmem_shared>>
        tpu.enqueue_indirect_dma source(%dma_start3A_320 : memref<64x128xf32, #tpu.memory_space<vmem>>) target(%dma_start3A_326 : memref<10240x128xf32, #tpu.memory_space<vmem_shared>>) offsets(%dma_start3A_323 : memref<64xi32, #tpu.memory_space<vmem>>) semaphore(%arg16 : memref<!tpu.dma_semaphore, #tpu.memory_space<semaphore_mem>>) {add = true}
      } else {
      }
      %lt3A_243 = arith.constant 40 : i32
      %lt3A_244 = arith.cmpi slt, %add3A_238, %lt3A_243 : i32
      %convert_element_type3A_245 = arith.extui %lt3A_244 : i1 to i32
      %cond3A_246 = arith.constant 0 : i32
      %cond3A_247 = arith.cmpi ne, %convert_element_type3A_245, %cond3A_246 : i32
      scf.if %cond3A_247 {
        %ge3A_305 = arith.constant 4 : i32
        %ge3A_306 = arith.cmpi sge, %add3A_238, %ge3A_305 : i32
        %convert_element_type3A_307 = arith.extui %ge3A_306 : i1 to i32
        %cond3A_308 = arith.constant 0 : i32
        %cond3A_309 = arith.cmpi ne, %convert_element_type3A_307, %cond3A_308 : i32
        scf.if %cond3A_309 {
          %dma_wait3A_320 = arith.constant 0 : i32
          %dma_wait3A_321 = arith.constant 0 : i32
          %dma_wait3A_322 = arith.constant 0 : i32
          %dma_wait3A_323 = arith.constant 0 : i32
          %dma_wait3A_324 = tpu.memref_slice %arg9[%dma_wait3A_320, %dma_wait3A_322, %dma_wait3A_323] : memref<4x64x128xf32, #tpu.memory_space<vmem>> -> memref<1x64x128xf32, #tpu.memory_space<vmem>>
          %dma_wait3A_325 = tpu.memref_squeeze %dma_wait3A_324 : memref<1x64x128xf32, #tpu.memory_space<vmem>> -> memref<64x128xf32, #tpu.memory_space<vmem>>
          %dma_wait3A_326 = arith.constant 0 : i32
          %dma_wait3A_327 = tpu.memref_slice %arg8[%dma_wait3A_321, %dma_wait3A_326] : memref<40x64xi32, #tpu.memory_space<vmem>> -> memref<1x64xi32, #tpu.memory_space<vmem>>
          %dma_wait3A_328 = tpu.memref_squeeze %dma_wait3A_327 : memref<1x64xi32, #tpu.memory_space<vmem>> -> memref<64xi32, #tpu.memory_space<vmem>>
          %dma_wait3A_329 = arith.constant 0 : i32
          %dma_wait3A_330 = arith.constant 0 : i32
          %dma_wait3A_331 = tpu.memref_slice %arg10[%dma_wait3A_329, %dma_wait3A_330] : memref<10240x128xf32, #tpu.memory_space<vmem_shared>> -> memref<10240x128xf32, #tpu.memory_space<vmem_shared>>
          tpu.wait_indirect_dma semaphore(%arg15 : memref<!tpu.dma_semaphore, #tpu.memory_space<semaphore_mem>>) src(%dma_wait3A_325 : memref<64x128xf32, #tpu.memory_space<vmem>>) dst(%dma_wait3A_331 : memref<10240x128xf32, #tpu.memory_space<vmem_shared>>)
        } else {
        }
        %dma_start3A = arith.constant 0 : i32
        %dma_start3A_310 = arith.constant 0 : i32
        %dma_start3A_311 = arith.constant 0 : i32
        %dma_start3A_312 = tpu.memref_slice %arg9[%dma_start3A, %dma_start3A_310, %dma_start3A_311] : memref<4x64x128xf32, #tpu.memory_space<vmem>> -> memref<1x64x128xf32, #tpu.memory_space<vmem>>
        %dma_start3A_313 = tpu.memref_squeeze %dma_start3A_312 : memref<1x64x128xf32, #tpu.memory_space<vmem>> -> memref<64x128xf32, #tpu.memory_space<vmem>>
        %dma_start3A_314 = arith.constant 0 : i32
        %dma_start3A_315 = tpu.memref_slice %arg7[%add3A_238, %dma_start3A_314] : memref<40x64xi32, #tpu.memory_space<vmem>> -> memref<1x64xi32, #tpu.memory_space<vmem>>
        %dma_start3A_316 = tpu.memref_squeeze %dma_start3A_315 : memref<1x64xi32, #tpu.memory_space<vmem>> -> memref<64xi32, #tpu.memory_space<vmem>>
        %dma_start3A_317 = arith.constant 0 : i32
        %dma_start3A_318 = arith.constant 0 : i32
        %dma_start3A_319 = tpu.memref_slice %arg4[%dma_start3A_317, %dma_start3A_318] : memref<10240x128xf32, #tpu.memory_space<hbm>> -> memref<10240x128xf32, #tpu.memory_space<hbm>>
        tpu.enqueue_indirect_dma source(%dma_start3A_319 : memref<10240x128xf32, #tpu.memory_space<hbm>>) target(%dma_start3A_313 : memref<64x128xf32, #tpu.memory_space<vmem>>) offsets(%dma_start3A_316 : memref<64xi32, #tpu.memory_space<vmem>>) semaphore(%arg11 : memref<!tpu.dma_semaphore, #tpu.memory_space<semaphore_mem>>)
      } else {
      }
      %mul3A_248 = arith.constant 4 : i32
      %mul3A_249 = arith.muli %scan3A_234, %mul3A_248 : i32
      %add3A_250 = arith.constant 1 : i32
      %add3A_251 = arith.addi %mul3A_249, %add3A_250 : i32
      %sub3A_252 = arith.constant 3 : i32
      %sub3A_253 = arith.subi %add3A_251, %sub3A_252 : i32
      %ge3A_254 = arith.constant 0 : i32
      %ge3A_255 = arith.cmpi sge, %sub3A_253, %ge3A_254 : i32
      %lt3A_256 = arith.constant 40 : i32
      %lt3A_257 = arith.cmpi slt, %sub3A_253, %lt3A_256 : i32
      %and3A_258 = arith.andi %ge3A_255, %lt3A_257 : i1
      %convert_element_type3A_259 = arith.extui %and3A_258 : i1 to i32
      %cond3A_260 = arith.constant 0 : i32
      %cond3A_261 = arith.cmpi ne, %convert_element_type3A_259, %cond3A_260 : i32
      scf.if %cond3A_261 {
        %dma_wait3A_305 = arith.constant 0 : i32
        %dma_wait3A_306 = arith.constant 2 : i32
        %dma_wait3A_307 = arith.constant 0 : i32
        %dma_wait3A_308 = arith.constant 0 : i32
        %dma_wait3A_309 = tpu.memref_slice %arg9[%dma_wait3A_306, %dma_wait3A_307, %dma_wait3A_308] : memref<4x64x128xf32, #tpu.memory_space<vmem>> -> memref<1x64x128xf32, #tpu.memory_space<vmem>>
        %dma_wait3A_310 = tpu.memref_squeeze %dma_wait3A_309 : memref<1x64x128xf32, #tpu.memory_space<vmem>> -> memref<64x128xf32, #tpu.memory_space<vmem>>
        %dma_wait3A_311 = arith.constant 0 : i32
        %dma_wait3A_312 = tpu.memref_slice %arg7[%dma_wait3A_305, %dma_wait3A_311] : memref<40x64xi32, #tpu.memory_space<vmem>> -> memref<1x64xi32, #tpu.memory_space<vmem>>
        %dma_wait3A_313 = tpu.memref_squeeze %dma_wait3A_312 : memref<1x64xi32, #tpu.memory_space<vmem>> -> memref<64xi32, #tpu.memory_space<vmem>>
        %dma_wait3A_314 = arith.constant 0 : i32
        %dma_wait3A_315 = arith.constant 0 : i32
        %dma_wait3A_316 = tpu.memref_slice %arg4[%dma_wait3A_314, %dma_wait3A_315] : memref<10240x128xf32, #tpu.memory_space<hbm>> -> memref<10240x128xf32, #tpu.memory_space<hbm>>
        tpu.wait_indirect_dma semaphore(%arg13 : memref<!tpu.dma_semaphore, #tpu.memory_space<semaphore_mem>>) src(%dma_wait3A_316 : memref<10240x128xf32, #tpu.memory_space<hbm>>) dst(%dma_wait3A_310 : memref<64x128xf32, #tpu.memory_space<vmem>>)
        %dma_start3A = arith.constant 2 : i32
        %dma_start3A_317 = arith.constant 0 : i32
        %dma_start3A_318 = arith.constant 0 : i32
        %dma_start3A_319 = tpu.memref_slice %arg9[%dma_start3A, %dma_start3A_317, %dma_start3A_318] : memref<4x64x128xf32, #tpu.memory_space<vmem>> -> memref<1x64x128xf32, #tpu.memory_space<vmem>>
        %dma_start3A_320 = tpu.memref_squeeze %dma_start3A_319 : memref<1x64x128xf32, #tpu.memory_space<vmem>> -> memref<64x128xf32, #tpu.memory_space<vmem>>
        %dma_start3A_321 = arith.constant 0 : i32
        %dma_start3A_322 = tpu.memref_slice %arg8[%sub3A_253, %dma_start3A_321] : memref<40x64xi32, #tpu.memory_space<vmem>> -> memref<1x64xi32, #tpu.memory_space<vmem>>
        %dma_start3A_323 = tpu.memref_squeeze %dma_start3A_322 : memref<1x64xi32, #tpu.memory_space<vmem>> -> memref<64xi32, #tpu.memory_space<vmem>>
        %dma_start3A_324 = arith.constant 0 : i32
        %dma_start3A_325 = arith.constant 0 : i32
        %dma_start3A_326 = tpu.memref_slice %arg10[%dma_start3A_324, %dma_start3A_325] : memref<10240x128xf32, #tpu.memory_space<vmem_shared>> -> memref<10240x128xf32, #tpu.memory_space<vmem_shared>>
        tpu.enqueue_indirect_dma source(%dma_start3A_320 : memref<64x128xf32, #tpu.memory_space<vmem>>) target(%dma_start3A_326 : memref<10240x128xf32, #tpu.memory_space<vmem_shared>>) offsets(%dma_start3A_323 : memref<64xi32, #tpu.memory_space<vmem>>) semaphore(%arg17 : memref<!tpu.dma_semaphore, #tpu.memory_space<semaphore_mem>>) {add = true}
      } else {
      }
      %lt3A_262 = arith.constant 40 : i32
      %lt3A_263 = arith.cmpi slt, %add3A_251, %lt3A_262 : i32
      %convert_element_type3A_264 = arith.extui %lt3A_263 : i1 to i32
      %cond3A_265 = arith.constant 0 : i32
      %cond3A_266 = arith.cmpi ne, %convert_element_type3A_264, %cond3A_265 : i32
      scf.if %cond3A_266 {
        %ge3A_305 = arith.constant 4 : i32
        %ge3A_306 = arith.cmpi sge, %add3A_251, %ge3A_305 : i32
        %convert_element_type3A_307 = arith.extui %ge3A_306 : i1 to i32
        %cond3A_308 = arith.constant 0 : i32
        %cond3A_309 = arith.cmpi ne, %convert_element_type3A_307, %cond3A_308 : i32
        scf.if %cond3A_309 {
          %dma_wait3A_320 = arith.constant 1 : i32
          %dma_wait3A_321 = arith.constant 0 : i32
          %dma_wait3A_322 = arith.constant 0 : i32
          %dma_wait3A_323 = arith.constant 0 : i32
          %dma_wait3A_324 = tpu.memref_slice %arg9[%dma_wait3A_320, %dma_wait3A_322, %dma_wait3A_323] : memref<4x64x128xf32, #tpu.memory_space<vmem>> -> memref<1x64x128xf32, #tpu.memory_space<vmem>>
          %dma_wait3A_325 = tpu.memref_squeeze %dma_wait3A_324 : memref<1x64x128xf32, #tpu.memory_space<vmem>> -> memref<64x128xf32, #tpu.memory_space<vmem>>
          %dma_wait3A_326 = arith.constant 0 : i32
          %dma_wait3A_327 = tpu.memref_slice %arg8[%dma_wait3A_321, %dma_wait3A_326] : memref<40x64xi32, #tpu.memory_space<vmem>> -> memref<1x64xi32, #tpu.memory_space<vmem>>
          %dma_wait3A_328 = tpu.memref_squeeze %dma_wait3A_327 : memref<1x64xi32, #tpu.memory_space<vmem>> -> memref<64xi32, #tpu.memory_space<vmem>>
          %dma_wait3A_329 = arith.constant 0 : i32
          %dma_wait3A_330 = arith.constant 0 : i32
          %dma_wait3A_331 = tpu.memref_slice %arg10[%dma_wait3A_329, %dma_wait3A_330] : memref<10240x128xf32, #tpu.memory_space<vmem_shared>> -> memref<10240x128xf32, #tpu.memory_space<vmem_shared>>
          tpu.wait_indirect_dma semaphore(%arg16 : memref<!tpu.dma_semaphore, #tpu.memory_space<semaphore_mem>>) src(%dma_wait3A_325 : memref<64x128xf32, #tpu.memory_space<vmem>>) dst(%dma_wait3A_331 : memref<10240x128xf32, #tpu.memory_space<vmem_shared>>)
        } else {
        }
        %dma_start3A = arith.constant 1 : i32
        %dma_start3A_310 = arith.constant 0 : i32
        %dma_start3A_311 = arith.constant 0 : i32
        %dma_start3A_312 = tpu.memref_slice %arg9[%dma_start3A, %dma_start3A_310, %dma_start3A_311] : memref<4x64x128xf32, #tpu.memory_space<vmem>> -> memref<1x64x128xf32, #tpu.memory_space<vmem>>
        %dma_start3A_313 = tpu.memref_squeeze %dma_start3A_312 : memref<1x64x128xf32, #tpu.memory_space<vmem>> -> memref<64x128xf32, #tpu.memory_space<vmem>>
        %dma_start3A_314 = arith.constant 0 : i32
        %dma_start3A_315 = tpu.memref_slice %arg7[%add3A_251, %dma_start3A_314] : memref<40x64xi32, #tpu.memory_space<vmem>> -> memref<1x64xi32, #tpu.memory_space<vmem>>
        %dma_start3A_316 = tpu.memref_squeeze %dma_start3A_315 : memref<1x64xi32, #tpu.memory_space<vmem>> -> memref<64xi32, #tpu.memory_space<vmem>>
        %dma_start3A_317 = arith.constant 0 : i32
        %dma_start3A_318 = arith.constant 0 : i32
        %dma_start3A_319 = tpu.memref_slice %arg4[%dma_start3A_317, %dma_start3A_318] : memref<10240x128xf32, #tpu.memory_space<hbm>> -> memref<10240x128xf32, #tpu.memory_space<hbm>>
        tpu.enqueue_indirect_dma source(%dma_start3A_319 : memref<10240x128xf32, #tpu.memory_space<hbm>>) target(%dma_start3A_313 : memref<64x128xf32, #tpu.memory_space<vmem>>) offsets(%dma_start3A_316 : memref<64xi32, #tpu.memory_space<vmem>>) semaphore(%arg12 : memref<!tpu.dma_semaphore, #tpu.memory_space<semaphore_mem>>)
      } else {
      }
      %mul3A_267 = arith.constant 4 : i32
      %mul3A_268 = arith.muli %scan3A_234, %mul3A_267 : i32
      %add3A_269 = arith.constant 2 : i32
      %add3A_270 = arith.addi %mul3A_268, %add3A_269 : i32
      %sub3A_271 = arith.constant 3 : i32
      %sub3A_272 = arith.subi %add3A_270, %sub3A_271 : i32
      %ge3A_273 = arith.constant 0 : i32
      %ge3A_274 = arith.cmpi sge, %sub3A_272, %ge3A_273 : i32
      %lt3A_275 = arith.constant 40 : i32
      %lt3A_276 = arith.cmpi slt, %sub3A_272, %lt3A_275 : i32
      %and3A_277 = arith.andi %ge3A_274, %lt3A_276 : i1
      %convert_element_type3A_278 = arith.extui %and3A_277 : i1 to i32
      %cond3A_279 = arith.constant 0 : i32
      %cond3A_280 = arith.cmpi ne, %convert_element_type3A_278, %cond3A_279 : i32
      scf.if %cond3A_280 {
        %dma_wait3A_305 = arith.constant 0 : i32
        %dma_wait3A_306 = arith.constant 3 : i32
        %dma_wait3A_307 = arith.constant 0 : i32
        %dma_wait3A_308 = arith.constant 0 : i32
        %dma_wait3A_309 = tpu.memref_slice %arg9[%dma_wait3A_306, %dma_wait3A_307, %dma_wait3A_308] : memref<4x64x128xf32, #tpu.memory_space<vmem>> -> memref<1x64x128xf32, #tpu.memory_space<vmem>>
        %dma_wait3A_310 = tpu.memref_squeeze %dma_wait3A_309 : memref<1x64x128xf32, #tpu.memory_space<vmem>> -> memref<64x128xf32, #tpu.memory_space<vmem>>
        %dma_wait3A_311 = arith.constant 0 : i32
        %dma_wait3A_312 = tpu.memref_slice %arg7[%dma_wait3A_305, %dma_wait3A_311] : memref<40x64xi32, #tpu.memory_space<vmem>> -> memref<1x64xi32, #tpu.memory_space<vmem>>
        %dma_wait3A_313 = tpu.memref_squeeze %dma_wait3A_312 : memref<1x64xi32, #tpu.memory_space<vmem>> -> memref<64xi32, #tpu.memory_space<vmem>>
        %dma_wait3A_314 = arith.constant 0 : i32
        %dma_wait3A_315 = arith.constant 0 : i32
        %dma_wait3A_316 = tpu.memref_slice %arg4[%dma_wait3A_314, %dma_wait3A_315] : memref<10240x128xf32, #tpu.memory_space<hbm>> -> memref<10240x128xf32, #tpu.memory_space<hbm>>
        tpu.wait_indirect_dma semaphore(%arg14 : memref<!tpu.dma_semaphore, #tpu.memory_space<semaphore_mem>>) src(%dma_wait3A_316 : memref<10240x128xf32, #tpu.memory_space<hbm>>) dst(%dma_wait3A_310 : memref<64x128xf32, #tpu.memory_space<vmem>>)
        %dma_start3A = arith.constant 3 : i32
        %dma_start3A_317 = arith.constant 0 : i32
        %dma_start3A_318 = arith.constant 0 : i32
        %dma_start3A_319 = tpu.memref_slice %arg9[%dma_start3A, %dma_start3A_317, %dma_start3A_318] : memref<4x64x128xf32, #tpu.memory_space<vmem>> -> memref<1x64x128xf32, #tpu.memory_space<vmem>>
        %dma_start3A_320 = tpu.memref_squeeze %dma_start3A_319 : memref<1x64x128xf32, #tpu.memory_space<vmem>> -> memref<64x128xf32, #tpu.memory_space<vmem>>
        %dma_start3A_321 = arith.constant 0 : i32
        %dma_start3A_322 = tpu.memref_slice %arg8[%sub3A_272, %dma_start3A_321] : memref<40x64xi32, #tpu.memory_space<vmem>> -> memref<1x64xi32, #tpu.memory_space<vmem>>
        %dma_start3A_323 = tpu.memref_squeeze %dma_start3A_322 : memref<1x64xi32, #tpu.memory_space<vmem>> -> memref<64xi32, #tpu.memory_space<vmem>>
        %dma_start3A_324 = arith.constant 0 : i32
        %dma_start3A_325 = arith.constant 0 : i32
        %dma_start3A_326 = tpu.memref_slice %arg10[%dma_start3A_324, %dma_start3A_325] : memref<10240x128xf32, #tpu.memory_space<vmem_shared>> -> memref<10240x128xf32, #tpu.memory_space<vmem_shared>>
        tpu.enqueue_indirect_dma source(%dma_start3A_320 : memref<64x128xf32, #tpu.memory_space<vmem>>) target(%dma_start3A_326 : memref<10240x128xf32, #tpu.memory_space<vmem_shared>>) offsets(%dma_start3A_323 : memref<64xi32, #tpu.memory_space<vmem>>) semaphore(%arg18 : memref<!tpu.dma_semaphore, #tpu.memory_space<semaphore_mem>>) {add = true}
      } else {
      }
      %lt3A_281 = arith.constant 40 : i32
      %lt3A_282 = arith.cmpi slt, %add3A_270, %lt3A_281 : i32
      %convert_element_type3A_283 = arith.extui %lt3A_282 : i1 to i32
      %cond3A_284 = arith.constant 0 : i32
      %cond3A_285 = arith.cmpi ne, %convert_element_type3A_283, %cond3A_284 : i32
      scf.if %cond3A_285 {
        %ge3A_305 = arith.constant 4 : i32
        %ge3A_306 = arith.cmpi sge, %add3A_270, %ge3A_305 : i32
        %convert_element_type3A_307 = arith.extui %ge3A_306 : i1 to i32
        %cond3A_308 = arith.constant 0 : i32
        %cond3A_309 = arith.cmpi ne, %convert_element_type3A_307, %cond3A_308 : i32
        scf.if %cond3A_309 {
          %dma_wait3A_320 = arith.constant 2 : i32
          %dma_wait3A_321 = arith.constant 0 : i32
          %dma_wait3A_322 = arith.constant 0 : i32
          %dma_wait3A_323 = arith.constant 0 : i32
          %dma_wait3A_324 = tpu.memref_slice %arg9[%dma_wait3A_320, %dma_wait3A_322, %dma_wait3A_323] : memref<4x64x128xf32, #tpu.memory_space<vmem>> -> memref<1x64x128xf32, #tpu.memory_space<vmem>>
          %dma_wait3A_325 = tpu.memref_squeeze %dma_wait3A_324 : memref<1x64x128xf32, #tpu.memory_space<vmem>> -> memref<64x128xf32, #tpu.memory_space<vmem>>
          %dma_wait3A_326 = arith.constant 0 : i32
          %dma_wait3A_327 = tpu.memref_slice %arg8[%dma_wait3A_321, %dma_wait3A_326] : memref<40x64xi32, #tpu.memory_space<vmem>> -> memref<1x64xi32, #tpu.memory_space<vmem>>
          %dma_wait3A_328 = tpu.memref_squeeze %dma_wait3A_327 : memref<1x64xi32, #tpu.memory_space<vmem>> -> memref<64xi32, #tpu.memory_space<vmem>>
          %dma_wait3A_329 = arith.constant 0 : i32
          %dma_wait3A_330 = arith.constant 0 : i32
          %dma_wait3A_331 = tpu.memref_slice %arg10[%dma_wait3A_329, %dma_wait3A_330] : memref<10240x128xf32, #tpu.memory_space<vmem_shared>> -> memref<10240x128xf32, #tpu.memory_space<vmem_shared>>
          tpu.wait_indirect_dma semaphore(%arg17 : memref<!tpu.dma_semaphore, #tpu.memory_space<semaphore_mem>>) src(%dma_wait3A_325 : memref<64x128xf32, #tpu.memory_space<vmem>>) dst(%dma_wait3A_331 : memref<10240x128xf32, #tpu.memory_space<vmem_shared>>)
        } else {
        }
        %dma_start3A = arith.constant 2 : i32
        %dma_start3A_310 = arith.constant 0 : i32
        %dma_start3A_311 = arith.constant 0 : i32
        %dma_start3A_312 = tpu.memref_slice %arg9[%dma_start3A, %dma_start3A_310, %dma_start3A_311] : memref<4x64x128xf32, #tpu.memory_space<vmem>> -> memref<1x64x128xf32, #tpu.memory_space<vmem>>
        %dma_start3A_313 = tpu.memref_squeeze %dma_start3A_312 : memref<1x64x128xf32, #tpu.memory_space<vmem>> -> memref<64x128xf32, #tpu.memory_space<vmem>>
        %dma_start3A_314 = arith.constant 0 : i32
        %dma_start3A_315 = tpu.memref_slice %arg7[%add3A_270, %dma_start3A_314] : memref<40x64xi32, #tpu.memory_space<vmem>> -> memref<1x64xi32, #tpu.memory_space<vmem>>
        %dma_start3A_316 = tpu.memref_squeeze %dma_start3A_315 : memref<1x64xi32, #tpu.memory_space<vmem>> -> memref<64xi32, #tpu.memory_space<vmem>>
        %dma_start3A_317 = arith.constant 0 : i32
        %dma_start3A_318 = arith.constant 0 : i32
        %dma_start3A_319 = tpu.memref_slice %arg4[%dma_start3A_317, %dma_start3A_318] : memref<10240x128xf32, #tpu.memory_space<hbm>> -> memref<10240x128xf32, #tpu.memory_space<hbm>>
        tpu.enqueue_indirect_dma source(%dma_start3A_319 : memref<10240x128xf32, #tpu.memory_space<hbm>>) target(%dma_start3A_313 : memref<64x128xf32, #tpu.memory_space<vmem>>) offsets(%dma_start3A_316 : memref<64xi32, #tpu.memory_space<vmem>>) semaphore(%arg13 : memref<!tpu.dma_semaphore, #tpu.memory_space<semaphore_mem>>)
      } else {
      }
      %mul3A_286 = arith.constant 4 : i32
      %mul3A_287 = arith.muli %scan3A_234, %mul3A_286 : i32
      %add3A_288 = arith.constant 3 : i32
      %add3A_289 = arith.addi %mul3A_287, %add3A_288 : i32
      %sub3A_290 = arith.constant 3 : i32
      %sub3A_291 = arith.subi %add3A_289, %sub3A_290 : i32
      %ge3A_292 = arith.constant 0 : i32
      %ge3A_293 = arith.cmpi sge, %sub3A_291, %ge3A_292 : i32
      %lt3A_294 = arith.constant 40 : i32
      %lt3A_295 = arith.cmpi slt, %sub3A_291, %lt3A_294 : i32
      %and3A_296 = arith.andi %ge3A_293, %lt3A_295 : i1
      %convert_element_type3A_297 = arith.extui %and3A_296 : i1 to i32
      %cond3A_298 = arith.constant 0 : i32
      %cond3A_299 = arith.cmpi ne, %convert_element_type3A_297, %cond3A_298 : i32
      scf.if %cond3A_299 {
        %dma_wait3A_305 = arith.constant 0 : i32
        %dma_wait3A_306 = arith.constant 0 : i32
        %dma_wait3A_307 = arith.constant 0 : i32
        %dma_wait3A_308 = arith.constant 0 : i32
        %dma_wait3A_309 = tpu.memref_slice %arg9[%dma_wait3A_306, %dma_wait3A_307, %dma_wait3A_308] : memref<4x64x128xf32, #tpu.memory_space<vmem>> -> memref<1x64x128xf32, #tpu.memory_space<vmem>>
        %dma_wait3A_310 = tpu.memref_squeeze %dma_wait3A_309 : memref<1x64x128xf32, #tpu.memory_space<vmem>> -> memref<64x128xf32, #tpu.memory_space<vmem>>
        %dma_wait3A_311 = arith.constant 0 : i32
        %dma_wait3A_312 = tpu.memref_slice %arg7[%dma_wait3A_305, %dma_wait3A_311] : memref<40x64xi32, #tpu.memory_space<vmem>> -> memref<1x64xi32, #tpu.memory_space<vmem>>
        %dma_wait3A_313 = tpu.memref_squeeze %dma_wait3A_312 : memref<1x64xi32, #tpu.memory_space<vmem>> -> memref<64xi32, #tpu.memory_space<vmem>>
        %dma_wait3A_314 = arith.constant 0 : i32
        %dma_wait3A_315 = arith.constant 0 : i32
        %dma_wait3A_316 = tpu.memref_slice %arg4[%dma_wait3A_314, %dma_wait3A_315] : memref<10240x128xf32, #tpu.memory_space<hbm>> -> memref<10240x128xf32, #tpu.memory_space<hbm>>
        tpu.wait_indirect_dma semaphore(%arg11 : memref<!tpu.dma_semaphore, #tpu.memory_space<semaphore_mem>>) src(%dma_wait3A_316 : memref<10240x128xf32, #tpu.memory_space<hbm>>) dst(%dma_wait3A_310 : memref<64x128xf32, #tpu.memory_space<vmem>>)
        %dma_start3A = arith.constant 0 : i32
        %dma_start3A_317 = arith.constant 0 : i32
        %dma_start3A_318 = arith.constant 0 : i32
        %dma_start3A_319 = tpu.memref_slice %arg9[%dma_start3A, %dma_start3A_317, %dma_start3A_318] : memref<4x64x128xf32, #tpu.memory_space<vmem>> -> memref<1x64x128xf32, #tpu.memory_space<vmem>>
        %dma_start3A_320 = tpu.memref_squeeze %dma_start3A_319 : memref<1x64x128xf32, #tpu.memory_space<vmem>> -> memref<64x128xf32, #tpu.memory_space<vmem>>
        %dma_start3A_321 = arith.constant 0 : i32
        %dma_start3A_322 = tpu.memref_slice %arg8[%sub3A_291, %dma_start3A_321] : memref<40x64xi32, #tpu.memory_space<vmem>> -> memref<1x64xi32, #tpu.memory_space<vmem>>
        %dma_start3A_323 = tpu.memref_squeeze %dma_start3A_322 : memref<1x64xi32, #tpu.memory_space<vmem>> -> memref<64xi32, #tpu.memory_space<vmem>>
        %dma_start3A_324 = arith.constant 0 : i32
        %dma_start3A_325 = arith.constant 0 : i32
        %dma_start3A_326 = tpu.memref_slice %arg10[%dma_start3A_324, %dma_start3A_325] : memref<10240x128xf32, #tpu.memory_space<vmem_shared>> -> memref<10240x128xf32, #tpu.memory_space<vmem_shared>>
        tpu.enqueue_indirect_dma source(%dma_start3A_320 : memref<64x128xf32, #tpu.memory_space<vmem>>) target(%dma_start3A_326 : memref<10240x128xf32, #tpu.memory_space<vmem_shared>>) offsets(%dma_start3A_323 : memref<64xi32, #tpu.memory_space<vmem>>) semaphore(%arg15 : memref<!tpu.dma_semaphore, #tpu.memory_space<semaphore_mem>>) {add = true}
      } else {
      }
      %lt3A_300 = arith.constant 40 : i32
      %lt3A_301 = arith.cmpi slt, %add3A_289, %lt3A_300 : i32
      %convert_element_type3A_302 = arith.extui %lt3A_301 : i1 to i32
      %cond3A_303 = arith.constant 0 : i32
      %cond3A_304 = arith.cmpi ne, %convert_element_type3A_302, %cond3A_303 : i32
      scf.if %cond3A_304 {
        %ge3A_305 = arith.constant 4 : i32
        %ge3A_306 = arith.cmpi sge, %add3A_289, %ge3A_305 : i32
        %convert_element_type3A_307 = arith.extui %ge3A_306 : i1 to i32
        %cond3A_308 = arith.constant 0 : i32
        %cond3A_309 = arith.cmpi ne, %convert_element_type3A_307, %cond3A_308 : i32
        scf.if %cond3A_309 {
          %dma_wait3A_320 = arith.constant 3 : i32
          %dma_wait3A_321 = arith.constant 0 : i32
          %dma_wait3A_322 = arith.constant 0 : i32
          %dma_wait3A_323 = arith.constant 0 : i32
          %dma_wait3A_324 = tpu.memref_slice %arg9[%dma_wait3A_320, %dma_wait3A_322, %dma_wait3A_323] : memref<4x64x128xf32, #tpu.memory_space<vmem>> -> memref<1x64x128xf32, #tpu.memory_space<vmem>>
          %dma_wait3A_325 = tpu.memref_squeeze %dma_wait3A_324 : memref<1x64x128xf32, #tpu.memory_space<vmem>> -> memref<64x128xf32, #tpu.memory_space<vmem>>
          %dma_wait3A_326 = arith.constant 0 : i32
          %dma_wait3A_327 = tpu.memref_slice %arg8[%dma_wait3A_321, %dma_wait3A_326] : memref<40x64xi32, #tpu.memory_space<vmem>> -> memref<1x64xi32, #tpu.memory_space<vmem>>
          %dma_wait3A_328 = tpu.memref_squeeze %dma_wait3A_327 : memref<1x64xi32, #tpu.memory_space<vmem>> -> memref<64xi32, #tpu.memory_space<vmem>>
          %dma_wait3A_329 = arith.constant 0 : i32
          %dma_wait3A_330 = arith.constant 0 : i32
          %dma_wait3A_331 = tpu.memref_slice %arg10[%dma_wait3A_329, %dma_wait3A_330] : memref<10240x128xf32, #tpu.memory_space<vmem_shared>> -> memref<10240x128xf32, #tpu.memory_space<vmem_shared>>
          tpu.wait_indirect_dma semaphore(%arg18 : memref<!tpu.dma_semaphore, #tpu.memory_space<semaphore_mem>>) src(%dma_wait3A_325 : memref<64x128xf32, #tpu.memory_space<vmem>>) dst(%dma_wait3A_331 : memref<10240x128xf32, #tpu.memory_space<vmem_shared>>)
        } else {
        }
        %dma_start3A = arith.constant 3 : i32
        %dma_start3A_310 = arith.constant 0 : i32
        %dma_start3A_311 = arith.constant 0 : i32
        %dma_start3A_312 = tpu.memref_slice %arg9[%dma_start3A, %dma_start3A_310, %dma_start3A_311] : memref<4x64x128xf32, #tpu.memory_space<vmem>> -> memref<1x64x128xf32, #tpu.memory_space<vmem>>
        %dma_start3A_313 = tpu.memref_squeeze %dma_start3A_312 : memref<1x64x128xf32, #tpu.memory_space<vmem>> -> memref<64x128xf32, #tpu.memory_space<vmem>>
        %dma_start3A_314 = arith.constant 0 : i32
        %dma_start3A_315 = tpu.memref_slice %arg7[%add3A_289, %dma_start3A_314] : memref<40x64xi32, #tpu.memory_space<vmem>> -> memref<1x64xi32, #tpu.memory_space<vmem>>
        %dma_start3A_316 = tpu.memref_squeeze %dma_start3A_315 : memref<1x64xi32, #tpu.memory_space<vmem>> -> memref<64xi32, #tpu.memory_space<vmem>>
        %dma_start3A_317 = arith.constant 0 : i32
        %dma_start3A_318 = arith.constant 0 : i32
        %dma_start3A_319 = tpu.memref_slice %arg4[%dma_start3A_317, %dma_start3A_318] : memref<10240x128xf32, #tpu.memory_space<hbm>> -> memref<10240x128xf32, #tpu.memory_space<hbm>>
        tpu.enqueue_indirect_dma source(%dma_start3A_319 : memref<10240x128xf32, #tpu.memory_space<hbm>>) target(%dma_start3A_313 : memref<64x128xf32, #tpu.memory_space<vmem>>) offsets(%dma_start3A_316 : memref<64xi32, #tpu.memory_space<vmem>>) semaphore(%arg14 : memref<!tpu.dma_semaphore, #tpu.memory_space<semaphore_mem>>)
      } else {
      }
    }
    %scan3A_68 = arith.constant 11 : i32
    %dma_wait3A_69 = arith.constant 0 : i32
    %dma_wait3A_70 = arith.constant 0 : i32
    %dma_wait3A_71 = arith.constant 0 : i32
    %dma_wait3A_72 = arith.constant 0 : i32
    %dma_wait3A_73 = tpu.memref_slice %arg9[%dma_wait3A_69, %dma_wait3A_71, %dma_wait3A_72] : memref<4x64x128xf32, #tpu.memory_space<vmem>> -> memref<1x64x128xf32, #tpu.memory_space<vmem>>
    %dma_wait3A_74 = tpu.memref_squeeze %dma_wait3A_73 : memref<1x64x128xf32, #tpu.memory_space<vmem>> -> memref<64x128xf32, #tpu.memory_space<vmem>>
    %dma_wait3A_75 = arith.constant 0 : i32
    %dma_wait3A_76 = tpu.memref_slice %arg8[%dma_wait3A_70, %dma_wait3A_75] : memref<40x64xi32, #tpu.memory_space<vmem>> -> memref<1x64xi32, #tpu.memory_space<vmem>>
    %dma_wait3A_77 = tpu.memref_squeeze %dma_wait3A_76 : memref<1x64xi32, #tpu.memory_space<vmem>> -> memref<64xi32, #tpu.memory_space<vmem>>
    %dma_wait3A_78 = arith.constant 0 : i32
    %dma_wait3A_79 = arith.constant 0 : i32
    %dma_wait3A_80 = tpu.memref_slice %arg10[%dma_wait3A_78, %dma_wait3A_79] : memref<10240x128xf32, #tpu.memory_space<vmem_shared>> -> memref<10240x128xf32, #tpu.memory_space<vmem_shared>>
    tpu.wait_indirect_dma semaphore(%arg15 : memref<!tpu.dma_semaphore, #tpu.memory_space<semaphore_mem>>) src(%dma_wait3A_74 : memref<64x128xf32, #tpu.memory_space<vmem>>) dst(%dma_wait3A_80 : memref<10240x128xf32, #tpu.memory_space<vmem_shared>>)
    %dma_wait3A_81 = arith.constant 1 : i32
    %dma_wait3A_82 = arith.constant 0 : i32
    %dma_wait3A_83 = arith.constant 0 : i32
    %dma_wait3A_84 = arith.constant 0 : i32
    %dma_wait3A_85 = tpu.memref_slice %arg9[%dma_wait3A_81, %dma_wait3A_83, %dma_wait3A_84] : memref<4x64x128xf32, #tpu.memory_space<vmem>> -> memref<1x64x128xf32, #tpu.memory_space<vmem>>
    %dma_wait3A_86 = tpu.memref_squeeze %dma_wait3A_85 : memref<1x64x128xf32, #tpu.memory_space<vmem>> -> memref<64x128xf32, #tpu.memory_space<vmem>>
    %dma_wait3A_87 = arith.constant 0 : i32
    %dma_wait3A_88 = tpu.memref_slice %arg8[%dma_wait3A_82, %dma_wait3A_87] : memref<40x64xi32, #tpu.memory_space<vmem>> -> memref<1x64xi32, #tpu.memory_space<vmem>>
    %dma_wait3A_89 = tpu.memref_squeeze %dma_wait3A_88 : memref<1x64xi32, #tpu.memory_space<vmem>> -> memref<64xi32, #tpu.memory_space<vmem>>
    %dma_wait3A_90 = arith.constant 0 : i32
    %dma_wait3A_91 = arith.constant 0 : i32
    %dma_wait3A_92 = tpu.memref_slice %arg10[%dma_wait3A_90, %dma_wait3A_91] : memref<10240x128xf32, #tpu.memory_space<vmem_shared>> -> memref<10240x128xf32, #tpu.memory_space<vmem_shared>>
    tpu.wait_indirect_dma semaphore(%arg16 : memref<!tpu.dma_semaphore, #tpu.memory_space<semaphore_mem>>) src(%dma_wait3A_86 : memref<64x128xf32, #tpu.memory_space<vmem>>) dst(%dma_wait3A_92 : memref<10240x128xf32, #tpu.memory_space<vmem_shared>>)
    %dma_wait3A_93 = arith.constant 2 : i32
    %dma_wait3A_94 = arith.constant 0 : i32
    %dma_wait3A_95 = arith.constant 0 : i32
    %dma_wait3A_96 = arith.constant 0 : i32
    %dma_wait3A_97 = tpu.memref_slice %arg9[%dma_wait3A_93, %dma_wait3A_95, %dma_wait3A_96] : memref<4x64x128xf32, #tpu.memory_space<vmem>> -> memref<1x64x128xf32, #tpu.memory_space<vmem>>
    %dma_wait3A_98 = tpu.memref_squeeze %dma_wait3A_97 : memref<1x64x128xf32, #tpu.memory_space<vmem>> -> memref<64x128xf32, #tpu.memory_space<vmem>>
    %dma_wait3A_99 = arith.constant 0 : i32
    %dma_wait3A_100 = tpu.memref_slice %arg8[%dma_wait3A_94, %dma_wait3A_99] : memref<40x64xi32, #tpu.memory_space<vmem>> -> memref<1x64xi32, #tpu.memory_space<vmem>>
    %dma_wait3A_101 = tpu.memref_squeeze %dma_wait3A_100 : memref<1x64xi32, #tpu.memory_space<vmem>> -> memref<64xi32, #tpu.memory_space<vmem>>
    %dma_wait3A_102 = arith.constant 0 : i32
    %dma_wait3A_103 = arith.constant 0 : i32
    %dma_wait3A_104 = tpu.memref_slice %arg10[%dma_wait3A_102, %dma_wait3A_103] : memref<10240x128xf32, #tpu.memory_space<vmem_shared>> -> memref<10240x128xf32, #tpu.memory_space<vmem_shared>>
    tpu.wait_indirect_dma semaphore(%arg17 : memref<!tpu.dma_semaphore, #tpu.memory_space<semaphore_mem>>) src(%dma_wait3A_98 : memref<64x128xf32, #tpu.memory_space<vmem>>) dst(%dma_wait3A_104 : memref<10240x128xf32, #tpu.memory_space<vmem_shared>>)
    %dma_wait3A_105 = arith.constant 3 : i32
    %dma_wait3A_106 = arith.constant 0 : i32
    %dma_wait3A_107 = arith.constant 0 : i32
    %dma_wait3A_108 = arith.constant 0 : i32
    %dma_wait3A_109 = tpu.memref_slice %arg9[%dma_wait3A_105, %dma_wait3A_107, %dma_wait3A_108] : memref<4x64x128xf32, #tpu.memory_space<vmem>> -> memref<1x64x128xf32, #tpu.memory_space<vmem>>
    %dma_wait3A_110 = tpu.memref_squeeze %dma_wait3A_109 : memref<1x64x128xf32, #tpu.memory_space<vmem>> -> memref<64x128xf32, #tpu.memory_space<vmem>>
    %dma_wait3A_111 = arith.constant 0 : i32
    %dma_wait3A_112 = tpu.memref_slice %arg8[%dma_wait3A_106, %dma_wait3A_111] : memref<40x64xi32, #tpu.memory_space<vmem>> -> memref<1x64xi32, #tpu.memory_space<vmem>>
    %dma_wait3A_113 = tpu.memref_squeeze %dma_wait3A_112 : memref<1x64xi32, #tpu.memory_space<vmem>> -> memref<64xi32, #tpu.memory_space<vmem>>
    %dma_wait3A_114 = arith.constant 0 : i32
    %dma_wait3A_115 = arith.constant 0 : i32
    %dma_wait3A_116 = tpu.memref_slice %arg10[%dma_wait3A_114, %dma_wait3A_115] : memref<10240x128xf32, #tpu.memory_space<vmem_shared>> -> memref<10240x128xf32, #tpu.memory_space<vmem_shared>>
    tpu.wait_indirect_dma semaphore(%arg18 : memref<!tpu.dma_semaphore, #tpu.memory_space<semaphore_mem>>) src(%dma_wait3A_110 : memref<64x128xf32, #tpu.memory_space<vmem>>) dst(%dma_wait3A_116 : memref<10240x128xf32, #tpu.memory_space<vmem_shared>>)
    %mul3A_117 = arith.constant 160 : i32
    %mul3A_118 = arith.muli %add3A, %mul3A_117 : i32
    %add3A_119 = arith.constant 80 : i32
    %add3A_120 = arith.addi %mul3A_118, %add3A_119 : i32
    "tpu.region"() ({
      %run_scoped3A = tpu.sem_alloc : memref<!tpu.dma_semaphore, #tpu.memory_space<semaphore_mem>>
      %dma_start3A = arith.constant 0 : i32
      %dma_start3A_234 = tpu.memref_slice %arg2[%add3A_120, %dma_start3A] : memref<5120x64xi32, #tpu.memory_space<hbm>> -> memref<40x64xi32, #tpu.memory_space<hbm>>
      %dma_start3A_235 = arith.constant 0 : i32
      %dma_start3A_236 = tpu.memref_slice %arg2[%add3A_120, %dma_start3A_235] : memref<5120x64xi32, #tpu.memory_space<hbm>> -> memref<40x64xi32, #tpu.memory_space<hbm>>
      tpu.enqueue_dma source(%dma_start3A_236 : memref<40x64xi32, #tpu.memory_space<hbm>>) target(%arg7 : memref<40x64xi32, #tpu.memory_space<vmem>>) target_semaphore(%run_scoped3A : memref<!tpu.dma_semaphore, #tpu.memory_space<semaphore_mem>>)
      %dma_wait3A_237 = arith.constant 0 : i32
      %dma_wait3A_238 = tpu.memref_slice %arg2[%add3A_120, %dma_wait3A_237] : memref<5120x64xi32, #tpu.memory_space<hbm>> -> memref<40x64xi32, #tpu.memory_space<hbm>>
      %dma_wait3A_239 = arith.constant 0 : i32
      %dma_wait3A_240 = tpu.memref_slice %arg2[%add3A_120, %dma_wait3A_239] : memref<5120x64xi32, #tpu.memory_space<hbm>> -> memref<40x64xi32, #tpu.memory_space<hbm>>
      tpu.wait_dma2 semaphore(%run_scoped3A : memref<!tpu.dma_semaphore, #tpu.memory_space<semaphore_mem>>) src(%dma_wait3A_240 : memref<40x64xi32, #tpu.memory_space<hbm>>) dst(%arg7 : memref<40x64xi32, #tpu.memory_space<vmem>>)
      tpu.yield
    }) : () -> ()
    "tpu.region"() ({
      %run_scoped3A = tpu.sem_alloc : memref<!tpu.dma_semaphore, #tpu.memory_space<semaphore_mem>>
      %dma_start3A = arith.constant 0 : i32
      %dma_start3A_234 = tpu.memref_slice %arg3[%add3A_120, %dma_start3A] : memref<5120x64xi32, #tpu.memory_space<hbm>> -> memref<40x64xi32, #tpu.memory_space<hbm>>
      %dma_start3A_235 = arith.constant 0 : i32
      %dma_start3A_236 = tpu.memref_slice %arg3[%add3A_120, %dma_start3A_235] : memref<5120x64xi32, #tpu.memory_space<hbm>> -> memref<40x64xi32, #tpu.memory_space<hbm>>
      tpu.enqueue_dma source(%dma_start3A_236 : memref<40x64xi32, #tpu.memory_space<hbm>>) target(%arg8 : memref<40x64xi32, #tpu.memory_space<vmem>>) target_semaphore(%run_scoped3A : memref<!tpu.dma_semaphore, #tpu.memory_space<semaphore_mem>>)
      %dma_wait3A_237 = arith.constant 0 : i32
      %dma_wait3A_238 = tpu.memref_slice %arg3[%add3A_120, %dma_wait3A_237] : memref<5120x64xi32, #tpu.memory_space<hbm>> -> memref<40x64xi32, #tpu.memory_space<hbm>>
      %dma_wait3A_239 = arith.constant 0 : i32
      %dma_wait3A_240 = tpu.memref_slice %arg3[%add3A_120, %dma_wait3A_239] : memref<5120x64xi32, #tpu.memory_space<hbm>> -> memref<40x64xi32, #tpu.memory_space<hbm>>
      tpu.wait_dma2 semaphore(%run_scoped3A : memref<!tpu.dma_semaphore, #tpu.memory_space<semaphore_mem>>) src(%dma_wait3A_240 : memref<40x64xi32, #tpu.memory_space<hbm>>) dst(%arg8 : memref<40x64xi32, #tpu.memory_space<vmem>>)
      tpu.yield
    }) : () -> ()
    %scan3A_121 = arith.constant 0 : i32
    %scan3A_122 = arith.constant 0 : i32
    %scan3A_123 = arith.constant 11 : i32
    %scan3A_124 = arith.addi %scan3A_122, %scan3A_123 : i32
    %scan3A_125 = arith.constant 1 : i32
    scf.for %scan3A_234 = %scan3A_122 to %scan3A_124 step %scan3A_125  : i32 {
      %mul3A_235 = arith.constant 4 : i32
      %mul3A_236 = arith.muli %scan3A_234, %mul3A_235 : i32
      %add3A_237 = arith.constant 0 : i32
      %add3A_238 = arith.addi %mul3A_236, %add3A_237 : i32
      %sub3A = arith.constant 3 : i32
      %sub3A_239 = arith.subi %add3A_238, %sub3A : i32
      %ge3A = arith.constant 0 : i32
      %ge3A_240 = arith.cmpi sge, %sub3A_239, %ge3A : i32
      %lt3A = arith.constant 40 : i32
      %lt3A_241 = arith.cmpi slt, %sub3A_239, %lt3A : i32
      %and3A = arith.andi %ge3A_240, %lt3A_241 : i1
      %convert_element_type3A = arith.extui %and3A : i1 to i32
      %cond3A = arith.constant 0 : i32
      %cond3A_242 = arith.cmpi ne, %convert_element_type3A, %cond3A : i32
      scf.if %cond3A_242 {
        %dma_wait3A_305 = arith.constant 0 : i32
        %dma_wait3A_306 = arith.constant 1 : i32
        %dma_wait3A_307 = arith.constant 0 : i32
        %dma_wait3A_308 = arith.constant 0 : i32
        %dma_wait3A_309 = tpu.memref_slice %arg9[%dma_wait3A_306, %dma_wait3A_307, %dma_wait3A_308] : memref<4x64x128xf32, #tpu.memory_space<vmem>> -> memref<1x64x128xf32, #tpu.memory_space<vmem>>
        %dma_wait3A_310 = tpu.memref_squeeze %dma_wait3A_309 : memref<1x64x128xf32, #tpu.memory_space<vmem>> -> memref<64x128xf32, #tpu.memory_space<vmem>>
        %dma_wait3A_311 = arith.constant 0 : i32
        %dma_wait3A_312 = tpu.memref_slice %arg7[%dma_wait3A_305, %dma_wait3A_311] : memref<40x64xi32, #tpu.memory_space<vmem>> -> memref<1x64xi32, #tpu.memory_space<vmem>>
        %dma_wait3A_313 = tpu.memref_squeeze %dma_wait3A_312 : memref<1x64xi32, #tpu.memory_space<vmem>> -> memref<64xi32, #tpu.memory_space<vmem>>
        %dma_wait3A_314 = arith.constant 0 : i32
        %dma_wait3A_315 = arith.constant 0 : i32
        %dma_wait3A_316 = tpu.memref_slice %arg4[%dma_wait3A_314, %dma_wait3A_315] : memref<10240x128xf32, #tpu.memory_space<hbm>> -> memref<10240x128xf32, #tpu.memory_space<hbm>>
        tpu.wait_indirect_dma semaphore(%arg12 : memref<!tpu.dma_semaphore, #tpu.memory_space<semaphore_mem>>) src(%dma_wait3A_316 : memref<10240x128xf32, #tpu.memory_space<hbm>>) dst(%dma_wait3A_310 : memref<64x128xf32, #tpu.memory_space<vmem>>)
        %dma_start3A = arith.constant 1 : i32
        %dma_start3A_317 = arith.constant 0 : i32
        %dma_start3A_318 = arith.constant 0 : i32
        %dma_start3A_319 = tpu.memref_slice %arg9[%dma_start3A, %dma_start3A_317, %dma_start3A_318] : memref<4x64x128xf32, #tpu.memory_space<vmem>> -> memref<1x64x128xf32, #tpu.memory_space<vmem>>
        %dma_start3A_320 = tpu.memref_squeeze %dma_start3A_319 : memref<1x64x128xf32, #tpu.memory_space<vmem>> -> memref<64x128xf32, #tpu.memory_space<vmem>>
        %dma_start3A_321 = arith.constant 0 : i32
        %dma_start3A_322 = tpu.memref_slice %arg8[%sub3A_239, %dma_start3A_321] : memref<40x64xi32, #tpu.memory_space<vmem>> -> memref<1x64xi32, #tpu.memory_space<vmem>>
        %dma_start3A_323 = tpu.memref_squeeze %dma_start3A_322 : memref<1x64xi32, #tpu.memory_space<vmem>> -> memref<64xi32, #tpu.memory_space<vmem>>
        %dma_start3A_324 = arith.constant 0 : i32
        %dma_start3A_325 = arith.constant 0 : i32
        %dma_start3A_326 = tpu.memref_slice %arg10[%dma_start3A_324, %dma_start3A_325] : memref<10240x128xf32, #tpu.memory_space<vmem_shared>> -> memref<10240x128xf32, #tpu.memory_space<vmem_shared>>
        tpu.enqueue_indirect_dma source(%dma_start3A_320 : memref<64x128xf32, #tpu.memory_space<vmem>>) target(%dma_start3A_326 : memref<10240x128xf32, #tpu.memory_space<vmem_shared>>) offsets(%dma_start3A_323 : memref<64xi32, #tpu.memory_space<vmem>>) semaphore(%arg16 : memref<!tpu.dma_semaphore, #tpu.memory_space<semaphore_mem>>) {add = true}
      } else {
      }
      %lt3A_243 = arith.constant 40 : i32
      %lt3A_244 = arith.cmpi slt, %add3A_238, %lt3A_243 : i32
      %convert_element_type3A_245 = arith.extui %lt3A_244 : i1 to i32
      %cond3A_246 = arith.constant 0 : i32
      %cond3A_247 = arith.cmpi ne, %convert_element_type3A_245, %cond3A_246 : i32
      scf.if %cond3A_247 {
        %ge3A_305 = arith.constant 4 : i32
        %ge3A_306 = arith.cmpi sge, %add3A_238, %ge3A_305 : i32
        %convert_element_type3A_307 = arith.extui %ge3A_306 : i1 to i32
        %cond3A_308 = arith.constant 0 : i32
        %cond3A_309 = arith.cmpi ne, %convert_element_type3A_307, %cond3A_308 : i32
        scf.if %cond3A_309 {
          %dma_wait3A_320 = arith.constant 0 : i32
          %dma_wait3A_321 = arith.constant 0 : i32
          %dma_wait3A_322 = arith.constant 0 : i32
          %dma_wait3A_323 = arith.constant 0 : i32
          %dma_wait3A_324 = tpu.memref_slice %arg9[%dma_wait3A_320, %dma_wait3A_322, %dma_wait3A_323] : memref<4x64x128xf32, #tpu.memory_space<vmem>> -> memref<1x64x128xf32, #tpu.memory_space<vmem>>
          %dma_wait3A_325 = tpu.memref_squeeze %dma_wait3A_324 : memref<1x64x128xf32, #tpu.memory_space<vmem>> -> memref<64x128xf32, #tpu.memory_space<vmem>>
          %dma_wait3A_326 = arith.constant 0 : i32
          %dma_wait3A_327 = tpu.memref_slice %arg8[%dma_wait3A_321, %dma_wait3A_326] : memref<40x64xi32, #tpu.memory_space<vmem>> -> memref<1x64xi32, #tpu.memory_space<vmem>>
          %dma_wait3A_328 = tpu.memref_squeeze %dma_wait3A_327 : memref<1x64xi32, #tpu.memory_space<vmem>> -> memref<64xi32, #tpu.memory_space<vmem>>
          %dma_wait3A_329 = arith.constant 0 : i32
          %dma_wait3A_330 = arith.constant 0 : i32
          %dma_wait3A_331 = tpu.memref_slice %arg10[%dma_wait3A_329, %dma_wait3A_330] : memref<10240x128xf32, #tpu.memory_space<vmem_shared>> -> memref<10240x128xf32, #tpu.memory_space<vmem_shared>>
          tpu.wait_indirect_dma semaphore(%arg15 : memref<!tpu.dma_semaphore, #tpu.memory_space<semaphore_mem>>) src(%dma_wait3A_325 : memref<64x128xf32, #tpu.memory_space<vmem>>) dst(%dma_wait3A_331 : memref<10240x128xf32, #tpu.memory_space<vmem_shared>>)
        } else {
        }
        %dma_start3A = arith.constant 0 : i32
        %dma_start3A_310 = arith.constant 0 : i32
        %dma_start3A_311 = arith.constant 0 : i32
        %dma_start3A_312 = tpu.memref_slice %arg9[%dma_start3A, %dma_start3A_310, %dma_start3A_311] : memref<4x64x128xf32, #tpu.memory_space<vmem>> -> memref<1x64x128xf32, #tpu.memory_space<vmem>>
        %dma_start3A_313 = tpu.memref_squeeze %dma_start3A_312 : memref<1x64x128xf32, #tpu.memory_space<vmem>> -> memref<64x128xf32, #tpu.memory_space<vmem>>
        %dma_start3A_314 = arith.constant 0 : i32
        %dma_start3A_315 = tpu.memref_slice %arg7[%add3A_238, %dma_start3A_314] : memref<40x64xi32, #tpu.memory_space<vmem>> -> memref<1x64xi32, #tpu.memory_space<vmem>>
        %dma_start3A_316 = tpu.memref_squeeze %dma_start3A_315 : memref<1x64xi32, #tpu.memory_space<vmem>> -> memref<64xi32, #tpu.memory_space<vmem>>
        %dma_start3A_317 = arith.constant 0 : i32
        %dma_start3A_318 = arith.constant 0 : i32
        %dma_start3A_319 = tpu.memref_slice %arg4[%dma_start3A_317, %dma_start3A_318] : memref<10240x128xf32, #tpu.memory_space<hbm>> -> memref<10240x128xf32, #tpu.memory_space<hbm>>
        tpu.enqueue_indirect_dma source(%dma_start3A_319 : memref<10240x128xf32, #tpu.memory_space<hbm>>) target(%dma_start3A_313 : memref<64x128xf32, #tpu.memory_space<vmem>>) offsets(%dma_start3A_316 : memref<64xi32, #tpu.memory_space<vmem>>) semaphore(%arg11 : memref<!tpu.dma_semaphore, #tpu.memory_space<semaphore_mem>>)
      } else {
      }
      %mul3A_248 = arith.constant 4 : i32
      %mul3A_249 = arith.muli %scan3A_234, %mul3A_248 : i32
      %add3A_250 = arith.constant 1 : i32
      %add3A_251 = arith.addi %mul3A_249, %add3A_250 : i32
      %sub3A_252 = arith.constant 3 : i32
      %sub3A_253 = arith.subi %add3A_251, %sub3A_252 : i32
      %ge3A_254 = arith.constant 0 : i32
      %ge3A_255 = arith.cmpi sge, %sub3A_253, %ge3A_254 : i32
      %lt3A_256 = arith.constant 40 : i32
      %lt3A_257 = arith.cmpi slt, %sub3A_253, %lt3A_256 : i32
      %and3A_258 = arith.andi %ge3A_255, %lt3A_257 : i1
      %convert_element_type3A_259 = arith.extui %and3A_258 : i1 to i32
      %cond3A_260 = arith.constant 0 : i32
      %cond3A_261 = arith.cmpi ne, %convert_element_type3A_259, %cond3A_260 : i32
      scf.if %cond3A_261 {
        %dma_wait3A_305 = arith.constant 0 : i32
        %dma_wait3A_306 = arith.constant 2 : i32
        %dma_wait3A_307 = arith.constant 0 : i32
        %dma_wait3A_308 = arith.constant 0 : i32
        %dma_wait3A_309 = tpu.memref_slice %arg9[%dma_wait3A_306, %dma_wait3A_307, %dma_wait3A_308] : memref<4x64x128xf32, #tpu.memory_space<vmem>> -> memref<1x64x128xf32, #tpu.memory_space<vmem>>
        %dma_wait3A_310 = tpu.memref_squeeze %dma_wait3A_309 : memref<1x64x128xf32, #tpu.memory_space<vmem>> -> memref<64x128xf32, #tpu.memory_space<vmem>>
        %dma_wait3A_311 = arith.constant 0 : i32
        %dma_wait3A_312 = tpu.memref_slice %arg7[%dma_wait3A_305, %dma_wait3A_311] : memref<40x64xi32, #tpu.memory_space<vmem>> -> memref<1x64xi32, #tpu.memory_space<vmem>>
        %dma_wait3A_313 = tpu.memref_squeeze %dma_wait3A_312 : memref<1x64xi32, #tpu.memory_space<vmem>> -> memref<64xi32, #tpu.memory_space<vmem>>
        %dma_wait3A_314 = arith.constant 0 : i32
        %dma_wait3A_315 = arith.constant 0 : i32
        %dma_wait3A_316 = tpu.memref_slice %arg4[%dma_wait3A_314, %dma_wait3A_315] : memref<10240x128xf32, #tpu.memory_space<hbm>> -> memref<10240x128xf32, #tpu.memory_space<hbm>>
        tpu.wait_indirect_dma semaphore(%arg13 : memref<!tpu.dma_semaphore, #tpu.memory_space<semaphore_mem>>) src(%dma_wait3A_316 : memref<10240x128xf32, #tpu.memory_space<hbm>>) dst(%dma_wait3A_310 : memref<64x128xf32, #tpu.memory_space<vmem>>)
        %dma_start3A = arith.constant 2 : i32
        %dma_start3A_317 = arith.constant 0 : i32
        %dma_start3A_318 = arith.constant 0 : i32
        %dma_start3A_319 = tpu.memref_slice %arg9[%dma_start3A, %dma_start3A_317, %dma_start3A_318] : memref<4x64x128xf32, #tpu.memory_space<vmem>> -> memref<1x64x128xf32, #tpu.memory_space<vmem>>
        %dma_start3A_320 = tpu.memref_squeeze %dma_start3A_319 : memref<1x64x128xf32, #tpu.memory_space<vmem>> -> memref<64x128xf32, #tpu.memory_space<vmem>>
        %dma_start3A_321 = arith.constant 0 : i32
        %dma_start3A_322 = tpu.memref_slice %arg8[%sub3A_253, %dma_start3A_321] : memref<40x64xi32, #tpu.memory_space<vmem>> -> memref<1x64xi32, #tpu.memory_space<vmem>>
        %dma_start3A_323 = tpu.memref_squeeze %dma_start3A_322 : memref<1x64xi32, #tpu.memory_space<vmem>> -> memref<64xi32, #tpu.memory_space<vmem>>
        %dma_start3A_324 = arith.constant 0 : i32
        %dma_start3A_325 = arith.constant 0 : i32
        %dma_start3A_326 = tpu.memref_slice %arg10[%dma_start3A_324, %dma_start3A_325] : memref<10240x128xf32, #tpu.memory_space<vmem_shared>> -> memref<10240x128xf32, #tpu.memory_space<vmem_shared>>
        tpu.enqueue_indirect_dma source(%dma_start3A_320 : memref<64x128xf32, #tpu.memory_space<vmem>>) target(%dma_start3A_326 : memref<10240x128xf32, #tpu.memory_space<vmem_shared>>) offsets(%dma_start3A_323 : memref<64xi32, #tpu.memory_space<vmem>>) semaphore(%arg17 : memref<!tpu.dma_semaphore, #tpu.memory_space<semaphore_mem>>) {add = true}
      } else {
      }
      %lt3A_262 = arith.constant 40 : i32
      %lt3A_263 = arith.cmpi slt, %add3A_251, %lt3A_262 : i32
      %convert_element_type3A_264 = arith.extui %lt3A_263 : i1 to i32
      %cond3A_265 = arith.constant 0 : i32
      %cond3A_266 = arith.cmpi ne, %convert_element_type3A_264, %cond3A_265 : i32
      scf.if %cond3A_266 {
        %ge3A_305 = arith.constant 4 : i32
        %ge3A_306 = arith.cmpi sge, %add3A_251, %ge3A_305 : i32
        %convert_element_type3A_307 = arith.extui %ge3A_306 : i1 to i32
        %cond3A_308 = arith.constant 0 : i32
        %cond3A_309 = arith.cmpi ne, %convert_element_type3A_307, %cond3A_308 : i32
        scf.if %cond3A_309 {
          %dma_wait3A_320 = arith.constant 1 : i32
          %dma_wait3A_321 = arith.constant 0 : i32
          %dma_wait3A_322 = arith.constant 0 : i32
          %dma_wait3A_323 = arith.constant 0 : i32
          %dma_wait3A_324 = tpu.memref_slice %arg9[%dma_wait3A_320, %dma_wait3A_322, %dma_wait3A_323] : memref<4x64x128xf32, #tpu.memory_space<vmem>> -> memref<1x64x128xf32, #tpu.memory_space<vmem>>
          %dma_wait3A_325 = tpu.memref_squeeze %dma_wait3A_324 : memref<1x64x128xf32, #tpu.memory_space<vmem>> -> memref<64x128xf32, #tpu.memory_space<vmem>>
          %dma_wait3A_326 = arith.constant 0 : i32
          %dma_wait3A_327 = tpu.memref_slice %arg8[%dma_wait3A_321, %dma_wait3A_326] : memref<40x64xi32, #tpu.memory_space<vmem>> -> memref<1x64xi32, #tpu.memory_space<vmem>>
          %dma_wait3A_328 = tpu.memref_squeeze %dma_wait3A_327 : memref<1x64xi32, #tpu.memory_space<vmem>> -> memref<64xi32, #tpu.memory_space<vmem>>
          %dma_wait3A_329 = arith.constant 0 : i32
          %dma_wait3A_330 = arith.constant 0 : i32
          %dma_wait3A_331 = tpu.memref_slice %arg10[%dma_wait3A_329, %dma_wait3A_330] : memref<10240x128xf32, #tpu.memory_space<vmem_shared>> -> memref<10240x128xf32, #tpu.memory_space<vmem_shared>>
          tpu.wait_indirect_dma semaphore(%arg16 : memref<!tpu.dma_semaphore, #tpu.memory_space<semaphore_mem>>) src(%dma_wait3A_325 : memref<64x128xf32, #tpu.memory_space<vmem>>) dst(%dma_wait3A_331 : memref<10240x128xf32, #tpu.memory_space<vmem_shared>>)
        } else {
        }
        %dma_start3A = arith.constant 1 : i32
        %dma_start3A_310 = arith.constant 0 : i32
        %dma_start3A_311 = arith.constant 0 : i32
        %dma_start3A_312 = tpu.memref_slice %arg9[%dma_start3A, %dma_start3A_310, %dma_start3A_311] : memref<4x64x128xf32, #tpu.memory_space<vmem>> -> memref<1x64x128xf32, #tpu.memory_space<vmem>>
        %dma_start3A_313 = tpu.memref_squeeze %dma_start3A_312 : memref<1x64x128xf32, #tpu.memory_space<vmem>> -> memref<64x128xf32, #tpu.memory_space<vmem>>
        %dma_start3A_314 = arith.constant 0 : i32
        %dma_start3A_315 = tpu.memref_slice %arg7[%add3A_251, %dma_start3A_314] : memref<40x64xi32, #tpu.memory_space<vmem>> -> memref<1x64xi32, #tpu.memory_space<vmem>>
        %dma_start3A_316 = tpu.memref_squeeze %dma_start3A_315 : memref<1x64xi32, #tpu.memory_space<vmem>> -> memref<64xi32, #tpu.memory_space<vmem>>
        %dma_start3A_317 = arith.constant 0 : i32
        %dma_start3A_318 = arith.constant 0 : i32
        %dma_start3A_319 = tpu.memref_slice %arg4[%dma_start3A_317, %dma_start3A_318] : memref<10240x128xf32, #tpu.memory_space<hbm>> -> memref<10240x128xf32, #tpu.memory_space<hbm>>
        tpu.enqueue_indirect_dma source(%dma_start3A_319 : memref<10240x128xf32, #tpu.memory_space<hbm>>) target(%dma_start3A_313 : memref<64x128xf32, #tpu.memory_space<vmem>>) offsets(%dma_start3A_316 : memref<64xi32, #tpu.memory_space<vmem>>) semaphore(%arg12 : memref<!tpu.dma_semaphore, #tpu.memory_space<semaphore_mem>>)
      } else {
      }
      %mul3A_267 = arith.constant 4 : i32
      %mul3A_268 = arith.muli %scan3A_234, %mul3A_267 : i32
      %add3A_269 = arith.constant 2 : i32
      %add3A_270 = arith.addi %mul3A_268, %add3A_269 : i32
      %sub3A_271 = arith.constant 3 : i32
      %sub3A_272 = arith.subi %add3A_270, %sub3A_271 : i32
      %ge3A_273 = arith.constant 0 : i32
      %ge3A_274 = arith.cmpi sge, %sub3A_272, %ge3A_273 : i32
      %lt3A_275 = arith.constant 40 : i32
      %lt3A_276 = arith.cmpi slt, %sub3A_272, %lt3A_275 : i32
      %and3A_277 = arith.andi %ge3A_274, %lt3A_276 : i1
      %convert_element_type3A_278 = arith.extui %and3A_277 : i1 to i32
      %cond3A_279 = arith.constant 0 : i32
      %cond3A_280 = arith.cmpi ne, %convert_element_type3A_278, %cond3A_279 : i32
      scf.if %cond3A_280 {
        %dma_wait3A_305 = arith.constant 0 : i32
        %dma_wait3A_306 = arith.constant 3 : i32
        %dma_wait3A_307 = arith.constant 0 : i32
        %dma_wait3A_308 = arith.constant 0 : i32
        %dma_wait3A_309 = tpu.memref_slice %arg9[%dma_wait3A_306, %dma_wait3A_307, %dma_wait3A_308] : memref<4x64x128xf32, #tpu.memory_space<vmem>> -> memref<1x64x128xf32, #tpu.memory_space<vmem>>
        %dma_wait3A_310 = tpu.memref_squeeze %dma_wait3A_309 : memref<1x64x128xf32, #tpu.memory_space<vmem>> -> memref<64x128xf32, #tpu.memory_space<vmem>>
        %dma_wait3A_311 = arith.constant 0 : i32
        %dma_wait3A_312 = tpu.memref_slice %arg7[%dma_wait3A_305, %dma_wait3A_311] : memref<40x64xi32, #tpu.memory_space<vmem>> -> memref<1x64xi32, #tpu.memory_space<vmem>>
        %dma_wait3A_313 = tpu.memref_squeeze %dma_wait3A_312 : memref<1x64xi32, #tpu.memory_space<vmem>> -> memref<64xi32, #tpu.memory_space<vmem>>
        %dma_wait3A_314 = arith.constant 0 : i32
        %dma_wait3A_315 = arith.constant 0 : i32
        %dma_wait3A_316 = tpu.memref_slice %arg4[%dma_wait3A_314, %dma_wait3A_315] : memref<10240x128xf32, #tpu.memory_space<hbm>> -> memref<10240x128xf32, #tpu.memory_space<hbm>>
        tpu.wait_indirect_dma semaphore(%arg14 : memref<!tpu.dma_semaphore, #tpu.memory_space<semaphore_mem>>) src(%dma_wait3A_316 : memref<10240x128xf32, #tpu.memory_space<hbm>>) dst(%dma_wait3A_310 : memref<64x128xf32, #tpu.memory_space<vmem>>)
        %dma_start3A = arith.constant 3 : i32
        %dma_start3A_317 = arith.constant 0 : i32
        %dma_start3A_318 = arith.constant 0 : i32
        %dma_start3A_319 = tpu.memref_slice %arg9[%dma_start3A, %dma_start3A_317, %dma_start3A_318] : memref<4x64x128xf32, #tpu.memory_space<vmem>> -> memref<1x64x128xf32, #tpu.memory_space<vmem>>
        %dma_start3A_320 = tpu.memref_squeeze %dma_start3A_319 : memref<1x64x128xf32, #tpu.memory_space<vmem>> -> memref<64x128xf32, #tpu.memory_space<vmem>>
        %dma_start3A_321 = arith.constant 0 : i32
        %dma_start3A_322 = tpu.memref_slice %arg8[%sub3A_272, %dma_start3A_321] : memref<40x64xi32, #tpu.memory_space<vmem>> -> memref<1x64xi32, #tpu.memory_space<vmem>>
        %dma_start3A_323 = tpu.memref_squeeze %dma_start3A_322 : memref<1x64xi32, #tpu.memory_space<vmem>> -> memref<64xi32, #tpu.memory_space<vmem>>
        %dma_start3A_324 = arith.constant 0 : i32
        %dma_start3A_325 = arith.constant 0 : i32
        %dma_start3A_326 = tpu.memref_slice %arg10[%dma_start3A_324, %dma_start3A_325] : memref<10240x128xf32, #tpu.memory_space<vmem_shared>> -> memref<10240x128xf32, #tpu.memory_space<vmem_shared>>
        tpu.enqueue_indirect_dma source(%dma_start3A_320 : memref<64x128xf32, #tpu.memory_space<vmem>>) target(%dma_start3A_326 : memref<10240x128xf32, #tpu.memory_space<vmem_shared>>) offsets(%dma_start3A_323 : memref<64xi32, #tpu.memory_space<vmem>>) semaphore(%arg18 : memref<!tpu.dma_semaphore, #tpu.memory_space<semaphore_mem>>) {add = true}
      } else {
      }
      %lt3A_281 = arith.constant 40 : i32
      %lt3A_282 = arith.cmpi slt, %add3A_270, %lt3A_281 : i32
      %convert_element_type3A_283 = arith.extui %lt3A_282 : i1 to i32
      %cond3A_284 = arith.constant 0 : i32
      %cond3A_285 = arith.cmpi ne, %convert_element_type3A_283, %cond3A_284 : i32
      scf.if %cond3A_285 {
        %ge3A_305 = arith.constant 4 : i32
        %ge3A_306 = arith.cmpi sge, %add3A_270, %ge3A_305 : i32
        %convert_element_type3A_307 = arith.extui %ge3A_306 : i1 to i32
        %cond3A_308 = arith.constant 0 : i32
        %cond3A_309 = arith.cmpi ne, %convert_element_type3A_307, %cond3A_308 : i32
        scf.if %cond3A_309 {
          %dma_wait3A_320 = arith.constant 2 : i32
          %dma_wait3A_321 = arith.constant 0 : i32
          %dma_wait3A_322 = arith.constant 0 : i32
          %dma_wait3A_323 = arith.constant 0 : i32
          %dma_wait3A_324 = tpu.memref_slice %arg9[%dma_wait3A_320, %dma_wait3A_322, %dma_wait3A_323] : memref<4x64x128xf32, #tpu.memory_space<vmem>> -> memref<1x64x128xf32, #tpu.memory_space<vmem>>
          %dma_wait3A_325 = tpu.memref_squeeze %dma_wait3A_324 : memref<1x64x128xf32, #tpu.memory_space<vmem>> -> memref<64x128xf32, #tpu.memory_space<vmem>>
          %dma_wait3A_326 = arith.constant 0 : i32
          %dma_wait3A_327 = tpu.memref_slice %arg8[%dma_wait3A_321, %dma_wait3A_326] : memref<40x64xi32, #tpu.memory_space<vmem>> -> memref<1x64xi32, #tpu.memory_space<vmem>>
          %dma_wait3A_328 = tpu.memref_squeeze %dma_wait3A_327 : memref<1x64xi32, #tpu.memory_space<vmem>> -> memref<64xi32, #tpu.memory_space<vmem>>
          %dma_wait3A_329 = arith.constant 0 : i32
          %dma_wait3A_330 = arith.constant 0 : i32
          %dma_wait3A_331 = tpu.memref_slice %arg10[%dma_wait3A_329, %dma_wait3A_330] : memref<10240x128xf32, #tpu.memory_space<vmem_shared>> -> memref<10240x128xf32, #tpu.memory_space<vmem_shared>>
          tpu.wait_indirect_dma semaphore(%arg17 : memref<!tpu.dma_semaphore, #tpu.memory_space<semaphore_mem>>) src(%dma_wait3A_325 : memref<64x128xf32, #tpu.memory_space<vmem>>) dst(%dma_wait3A_331 : memref<10240x128xf32, #tpu.memory_space<vmem_shared>>)
        } else {
        }
        %dma_start3A = arith.constant 2 : i32
        %dma_start3A_310 = arith.constant 0 : i32
        %dma_start3A_311 = arith.constant 0 : i32
        %dma_start3A_312 = tpu.memref_slice %arg9[%dma_start3A, %dma_start3A_310, %dma_start3A_311] : memref<4x64x128xf32, #tpu.memory_space<vmem>> -> memref<1x64x128xf32, #tpu.memory_space<vmem>>
        %dma_start3A_313 = tpu.memref_squeeze %dma_start3A_312 : memref<1x64x128xf32, #tpu.memory_space<vmem>> -> memref<64x128xf32, #tpu.memory_space<vmem>>
        %dma_start3A_314 = arith.constant 0 : i32
        %dma_start3A_315 = tpu.memref_slice %arg7[%add3A_270, %dma_start3A_314] : memref<40x64xi32, #tpu.memory_space<vmem>> -> memref<1x64xi32, #tpu.memory_space<vmem>>
        %dma_start3A_316 = tpu.memref_squeeze %dma_start3A_315 : memref<1x64xi32, #tpu.memory_space<vmem>> -> memref<64xi32, #tpu.memory_space<vmem>>
        %dma_start3A_317 = arith.constant 0 : i32
        %dma_start3A_318 = arith.constant 0 : i32
        %dma_start3A_319 = tpu.memref_slice %arg4[%dma_start3A_317, %dma_start3A_318] : memref<10240x128xf32, #tpu.memory_space<hbm>> -> memref<10240x128xf32, #tpu.memory_space<hbm>>
        tpu.enqueue_indirect_dma source(%dma_start3A_319 : memref<10240x128xf32, #tpu.memory_space<hbm>>) target(%dma_start3A_313 : memref<64x128xf32, #tpu.memory_space<vmem>>) offsets(%dma_start3A_316 : memref<64xi32, #tpu.memory_space<vmem>>) semaphore(%arg13 : memref<!tpu.dma_semaphore, #tpu.memory_space<semaphore_mem>>)
      } else {
      }
      %mul3A_286 = arith.constant 4 : i32
      %mul3A_287 = arith.muli %scan3A_234, %mul3A_286 : i32
      %add3A_288 = arith.constant 3 : i32
      %add3A_289 = arith.addi %mul3A_287, %add3A_288 : i32
      %sub3A_290 = arith.constant 3 : i32
      %sub3A_291 = arith.subi %add3A_289, %sub3A_290 : i32
      %ge3A_292 = arith.constant 0 : i32
      %ge3A_293 = arith.cmpi sge, %sub3A_291, %ge3A_292 : i32
      %lt3A_294 = arith.constant 40 : i32
      %lt3A_295 = arith.cmpi slt, %sub3A_291, %lt3A_294 : i32
      %and3A_296 = arith.andi %ge3A_293, %lt3A_295 : i1
      %convert_element_type3A_297 = arith.extui %and3A_296 : i1 to i32
      %cond3A_298 = arith.constant 0 : i32
      %cond3A_299 = arith.cmpi ne, %convert_element_type3A_297, %cond3A_298 : i32
      scf.if %cond3A_299 {
        %dma_wait3A_305 = arith.constant 0 : i32
        %dma_wait3A_306 = arith.constant 0 : i32
        %dma_wait3A_307 = arith.constant 0 : i32
        %dma_wait3A_308 = arith.constant 0 : i32
        %dma_wait3A_309 = tpu.memref_slice %arg9[%dma_wait3A_306, %dma_wait3A_307, %dma_wait3A_308] : memref<4x64x128xf32, #tpu.memory_space<vmem>> -> memref<1x64x128xf32, #tpu.memory_space<vmem>>
        %dma_wait3A_310 = tpu.memref_squeeze %dma_wait3A_309 : memref<1x64x128xf32, #tpu.memory_space<vmem>> -> memref<64x128xf32, #tpu.memory_space<vmem>>
        %dma_wait3A_311 = arith.constant 0 : i32
        %dma_wait3A_312 = tpu.memref_slice %arg7[%dma_wait3A_305, %dma_wait3A_311] : memref<40x64xi32, #tpu.memory_space<vmem>> -> memref<1x64xi32, #tpu.memory_space<vmem>>
        %dma_wait3A_313 = tpu.memref_squeeze %dma_wait3A_312 : memref<1x64xi32, #tpu.memory_space<vmem>> -> memref<64xi32, #tpu.memory_space<vmem>>
        %dma_wait3A_314 = arith.constant 0 : i32
        %dma_wait3A_315 = arith.constant 0 : i32
        %dma_wait3A_316 = tpu.memref_slice %arg4[%dma_wait3A_314, %dma_wait3A_315] : memref<10240x128xf32, #tpu.memory_space<hbm>> -> memref<10240x128xf32, #tpu.memory_space<hbm>>
        tpu.wait_indirect_dma semaphore(%arg11 : memref<!tpu.dma_semaphore, #tpu.memory_space<semaphore_mem>>) src(%dma_wait3A_316 : memref<10240x128xf32, #tpu.memory_space<hbm>>) dst(%dma_wait3A_310 : memref<64x128xf32, #tpu.memory_space<vmem>>)
        %dma_start3A = arith.constant 0 : i32
        %dma_start3A_317 = arith.constant 0 : i32
        %dma_start3A_318 = arith.constant 0 : i32
        %dma_start3A_319 = tpu.memref_slice %arg9[%dma_start3A, %dma_start3A_317, %dma_start3A_318] : memref<4x64x128xf32, #tpu.memory_space<vmem>> -> memref<1x64x128xf32, #tpu.memory_space<vmem>>
        %dma_start3A_320 = tpu.memref_squeeze %dma_start3A_319 : memref<1x64x128xf32, #tpu.memory_space<vmem>> -> memref<64x128xf32, #tpu.memory_space<vmem>>
        %dma_start3A_321 = arith.constant 0 : i32
        %dma_start3A_322 = tpu.memref_slice %arg8[%sub3A_291, %dma_start3A_321] : memref<40x64xi32, #tpu.memory_space<vmem>> -> memref<1x64xi32, #tpu.memory_space<vmem>>
        %dma_start3A_323 = tpu.memref_squeeze %dma_start3A_322 : memref<1x64xi32, #tpu.memory_space<vmem>> -> memref<64xi32, #tpu.memory_space<vmem>>
        %dma_start3A_324 = arith.constant 0 : i32
        %dma_start3A_325 = arith.constant 0 : i32
        %dma_start3A_326 = tpu.memref_slice %arg10[%dma_start3A_324, %dma_start3A_325] : memref<10240x128xf32, #tpu.memory_space<vmem_shared>> -> memref<10240x128xf32, #tpu.memory_space<vmem_shared>>
        tpu.enqueue_indirect_dma source(%dma_start3A_320 : memref<64x128xf32, #tpu.memory_space<vmem>>) target(%dma_start3A_326 : memref<10240x128xf32, #tpu.memory_space<vmem_shared>>) offsets(%dma_start3A_323 : memref<64xi32, #tpu.memory_space<vmem>>) semaphore(%arg15 : memref<!tpu.dma_semaphore, #tpu.memory_space<semaphore_mem>>) {add = true}
      } else {
      }
      %lt3A_300 = arith.constant 40 : i32
      %lt3A_301 = arith.cmpi slt, %add3A_289, %lt3A_300 : i32
      %convert_element_type3A_302 = arith.extui %lt3A_301 : i1 to i32
      %cond3A_303 = arith.constant 0 : i32
      %cond3A_304 = arith.cmpi ne, %convert_element_type3A_302, %cond3A_303 : i32
      scf.if %cond3A_304 {
        %ge3A_305 = arith.constant 4 : i32
        %ge3A_306 = arith.cmpi sge, %add3A_289, %ge3A_305 : i32
        %convert_element_type3A_307 = arith.extui %ge3A_306 : i1 to i32
        %cond3A_308 = arith.constant 0 : i32
        %cond3A_309 = arith.cmpi ne, %convert_element_type3A_307, %cond3A_308 : i32
        scf.if %cond3A_309 {
          %dma_wait3A_320 = arith.constant 3 : i32
          %dma_wait3A_321 = arith.constant 0 : i32
          %dma_wait3A_322 = arith.constant 0 : i32
          %dma_wait3A_323 = arith.constant 0 : i32
          %dma_wait3A_324 = tpu.memref_slice %arg9[%dma_wait3A_320, %dma_wait3A_322, %dma_wait3A_323] : memref<4x64x128xf32, #tpu.memory_space<vmem>> -> memref<1x64x128xf32, #tpu.memory_space<vmem>>
          %dma_wait3A_325 = tpu.memref_squeeze %dma_wait3A_324 : memref<1x64x128xf32, #tpu.memory_space<vmem>> -> memref<64x128xf32, #tpu.memory_space<vmem>>
          %dma_wait3A_326 = arith.constant 0 : i32
          %dma_wait3A_327 = tpu.memref_slice %arg8[%dma_wait3A_321, %dma_wait3A_326] : memref<40x64xi32, #tpu.memory_space<vmem>> -> memref<1x64xi32, #tpu.memory_space<vmem>>
          %dma_wait3A_328 = tpu.memref_squeeze %dma_wait3A_327 : memref<1x64xi32, #tpu.memory_space<vmem>> -> memref<64xi32, #tpu.memory_space<vmem>>
          %dma_wait3A_329 = arith.constant 0 : i32
          %dma_wait3A_330 = arith.constant 0 : i32
          %dma_wait3A_331 = tpu.memref_slice %arg10[%dma_wait3A_329, %dma_wait3A_330] : memref<10240x128xf32, #tpu.memory_space<vmem_shared>> -> memref<10240x128xf32, #tpu.memory_space<vmem_shared>>
          tpu.wait_indirect_dma semaphore(%arg18 : memref<!tpu.dma_semaphore, #tpu.memory_space<semaphore_mem>>) src(%dma_wait3A_325 : memref<64x128xf32, #tpu.memory_space<vmem>>) dst(%dma_wait3A_331 : memref<10240x128xf32, #tpu.memory_space<vmem_shared>>)
        } else {
        }
        %dma_start3A = arith.constant 3 : i32
        %dma_start3A_310 = arith.constant 0 : i32
        %dma_start3A_311 = arith.constant 0 : i32
        %dma_start3A_312 = tpu.memref_slice %arg9[%dma_start3A, %dma_start3A_310, %dma_start3A_311] : memref<4x64x128xf32, #tpu.memory_space<vmem>> -> memref<1x64x128xf32, #tpu.memory_space<vmem>>
        %dma_start3A_313 = tpu.memref_squeeze %dma_start3A_312 : memref<1x64x128xf32, #tpu.memory_space<vmem>> -> memref<64x128xf32, #tpu.memory_space<vmem>>
        %dma_start3A_314 = arith.constant 0 : i32
        %dma_start3A_315 = tpu.memref_slice %arg7[%add3A_289, %dma_start3A_314] : memref<40x64xi32, #tpu.memory_space<vmem>> -> memref<1x64xi32, #tpu.memory_space<vmem>>
        %dma_start3A_316 = tpu.memref_squeeze %dma_start3A_315 : memref<1x64xi32, #tpu.memory_space<vmem>> -> memref<64xi32, #tpu.memory_space<vmem>>
        %dma_start3A_317 = arith.constant 0 : i32
        %dma_start3A_318 = arith.constant 0 : i32
        %dma_start3A_319 = tpu.memref_slice %arg4[%dma_start3A_317, %dma_start3A_318] : memref<10240x128xf32, #tpu.memory_space<hbm>> -> memref<10240x128xf32, #tpu.memory_space<hbm>>
        tpu.enqueue_indirect_dma source(%dma_start3A_319 : memref<10240x128xf32, #tpu.memory_space<hbm>>) target(%dma_start3A_313 : memref<64x128xf32, #tpu.memory_space<vmem>>) offsets(%dma_start3A_316 : memref<64xi32, #tpu.memory_space<vmem>>) semaphore(%arg14 : memref<!tpu.dma_semaphore, #tpu.memory_space<semaphore_mem>>)
      } else {
      }
    }
    %scan3A_126 = arith.constant 11 : i32
    %dma_wait3A_127 = arith.constant 0 : i32
    %dma_wait3A_128 = arith.constant 0 : i32
    %dma_wait3A_129 = arith.constant 0 : i32
    %dma_wait3A_130 = arith.constant 0 : i32
    %dma_wait3A_131 = tpu.memref_slice %arg9[%dma_wait3A_127, %dma_wait3A_129, %dma_wait3A_130] : memref<4x64x128xf32, #tpu.memory_space<vmem>> -> memref<1x64x128xf32, #tpu.memory_space<vmem>>
    %dma_wait3A_132 = tpu.memref_squeeze %dma_wait3A_131 : memref<1x64x128xf32, #tpu.memory_space<vmem>> -> memref<64x128xf32, #tpu.memory_space<vmem>>
    %dma_wait3A_133 = arith.constant 0 : i32
    %dma_wait3A_134 = tpu.memref_slice %arg8[%dma_wait3A_128, %dma_wait3A_133] : memref<40x64xi32, #tpu.memory_space<vmem>> -> memref<1x64xi32, #tpu.memory_space<vmem>>
    %dma_wait3A_135 = tpu.memref_squeeze %dma_wait3A_134 : memref<1x64xi32, #tpu.memory_space<vmem>> -> memref<64xi32, #tpu.memory_space<vmem>>
    %dma_wait3A_136 = arith.constant 0 : i32
    %dma_wait3A_137 = arith.constant 0 : i32
    %dma_wait3A_138 = tpu.memref_slice %arg10[%dma_wait3A_136, %dma_wait3A_137] : memref<10240x128xf32, #tpu.memory_space<vmem_shared>> -> memref<10240x128xf32, #tpu.memory_space<vmem_shared>>
    tpu.wait_indirect_dma semaphore(%arg15 : memref<!tpu.dma_semaphore, #tpu.memory_space<semaphore_mem>>) src(%dma_wait3A_132 : memref<64x128xf32, #tpu.memory_space<vmem>>) dst(%dma_wait3A_138 : memref<10240x128xf32, #tpu.memory_space<vmem_shared>>)
    %dma_wait3A_139 = arith.constant 1 : i32
    %dma_wait3A_140 = arith.constant 0 : i32
    %dma_wait3A_141 = arith.constant 0 : i32
    %dma_wait3A_142 = arith.constant 0 : i32
    %dma_wait3A_143 = tpu.memref_slice %arg9[%dma_wait3A_139, %dma_wait3A_141, %dma_wait3A_142] : memref<4x64x128xf32, #tpu.memory_space<vmem>> -> memref<1x64x128xf32, #tpu.memory_space<vmem>>
    %dma_wait3A_144 = tpu.memref_squeeze %dma_wait3A_143 : memref<1x64x128xf32, #tpu.memory_space<vmem>> -> memref<64x128xf32, #tpu.memory_space<vmem>>
    %dma_wait3A_145 = arith.constant 0 : i32
    %dma_wait3A_146 = tpu.memref_slice %arg8[%dma_wait3A_140, %dma_wait3A_145] : memref<40x64xi32, #tpu.memory_space<vmem>> -> memref<1x64xi32, #tpu.memory_space<vmem>>
    %dma_wait3A_147 = tpu.memref_squeeze %dma_wait3A_146 : memref<1x64xi32, #tpu.memory_space<vmem>> -> memref<64xi32, #tpu.memory_space<vmem>>
    %dma_wait3A_148 = arith.constant 0 : i32
    %dma_wait3A_149 = arith.constant 0 : i32
    %dma_wait3A_150 = tpu.memref_slice %arg10[%dma_wait3A_148, %dma_wait3A_149] : memref<10240x128xf32, #tpu.memory_space<vmem_shared>> -> memref<10240x128xf32, #tpu.memory_space<vmem_shared>>
    tpu.wait_indirect_dma semaphore(%arg16 : memref<!tpu.dma_semaphore, #tpu.memory_space<semaphore_mem>>) src(%dma_wait3A_144 : memref<64x128xf32, #tpu.memory_space<vmem>>) dst(%dma_wait3A_150 : memref<10240x128xf32, #tpu.memory_space<vmem_shared>>)
    %dma_wait3A_151 = arith.constant 2 : i32
    %dma_wait3A_152 = arith.constant 0 : i32
    %dma_wait3A_153 = arith.constant 0 : i32
    %dma_wait3A_154 = arith.constant 0 : i32
    %dma_wait3A_155 = tpu.memref_slice %arg9[%dma_wait3A_151, %dma_wait3A_153, %dma_wait3A_154] : memref<4x64x128xf32, #tpu.memory_space<vmem>> -> memref<1x64x128xf32, #tpu.memory_space<vmem>>
    %dma_wait3A_156 = tpu.memref_squeeze %dma_wait3A_155 : memref<1x64x128xf32, #tpu.memory_space<vmem>> -> memref<64x128xf32, #tpu.memory_space<vmem>>
    %dma_wait3A_157 = arith.constant 0 : i32
    %dma_wait3A_158 = tpu.memref_slice %arg8[%dma_wait3A_152, %dma_wait3A_157] : memref<40x64xi32, #tpu.memory_space<vmem>> -> memref<1x64xi32, #tpu.memory_space<vmem>>
    %dma_wait3A_159 = tpu.memref_squeeze %dma_wait3A_158 : memref<1x64xi32, #tpu.memory_space<vmem>> -> memref<64xi32, #tpu.memory_space<vmem>>
    %dma_wait3A_160 = arith.constant 0 : i32
    %dma_wait3A_161 = arith.constant 0 : i32
    %dma_wait3A_162 = tpu.memref_slice %arg10[%dma_wait3A_160, %dma_wait3A_161] : memref<10240x128xf32, #tpu.memory_space<vmem_shared>> -> memref<10240x128xf32, #tpu.memory_space<vmem_shared>>
    tpu.wait_indirect_dma semaphore(%arg17 : memref<!tpu.dma_semaphore, #tpu.memory_space<semaphore_mem>>) src(%dma_wait3A_156 : memref<64x128xf32, #tpu.memory_space<vmem>>) dst(%dma_wait3A_162 : memref<10240x128xf32, #tpu.memory_space<vmem_shared>>)
    %dma_wait3A_163 = arith.constant 3 : i32
    %dma_wait3A_164 = arith.constant 0 : i32
    %dma_wait3A_165 = arith.constant 0 : i32
    %dma_wait3A_166 = arith.constant 0 : i32
    %dma_wait3A_167 = tpu.memref_slice %arg9[%dma_wait3A_163, %dma_wait3A_165, %dma_wait3A_166] : memref<4x64x128xf32, #tpu.memory_space<vmem>> -> memref<1x64x128xf32, #tpu.memory_space<vmem>>
    %dma_wait3A_168 = tpu.memref_squeeze %dma_wait3A_167 : memref<1x64x128xf32, #tpu.memory_space<vmem>> -> memref<64x128xf32, #tpu.memory_space<vmem>>
    %dma_wait3A_169 = arith.constant 0 : i32
    %dma_wait3A_170 = tpu.memref_slice %arg8[%dma_wait3A_164, %dma_wait3A_169] : memref<40x64xi32, #tpu.memory_space<vmem>> -> memref<1x64xi32, #tpu.memory_space<vmem>>
    %dma_wait3A_171 = tpu.memref_squeeze %dma_wait3A_170 : memref<1x64xi32, #tpu.memory_space<vmem>> -> memref<64xi32, #tpu.memory_space<vmem>>
    %dma_wait3A_172 = arith.constant 0 : i32
    %dma_wait3A_173 = arith.constant 0 : i32
    %dma_wait3A_174 = tpu.memref_slice %arg10[%dma_wait3A_172, %dma_wait3A_173] : memref<10240x128xf32, #tpu.memory_space<vmem_shared>> -> memref<10240x128xf32, #tpu.memory_space<vmem_shared>>
    tpu.wait_indirect_dma semaphore(%arg18 : memref<!tpu.dma_semaphore, #tpu.memory_space<semaphore_mem>>) src(%dma_wait3A_168 : memref<64x128xf32, #tpu.memory_space<vmem>>) dst(%dma_wait3A_174 : memref<10240x128xf32, #tpu.memory_space<vmem_shared>>)
    %mul3A_175 = arith.constant 160 : i32
    %mul3A_176 = arith.muli %add3A, %mul3A_175 : i32
    %add3A_177 = arith.constant 120 : i32
    %add3A_178 = arith.addi %mul3A_176, %add3A_177 : i32
    "tpu.region"() ({
      %run_scoped3A = tpu.sem_alloc : memref<!tpu.dma_semaphore, #tpu.memory_space<semaphore_mem>>
      %dma_start3A = arith.constant 0 : i32
      %dma_start3A_234 = tpu.memref_slice %arg2[%add3A_178, %dma_start3A] : memref<5120x64xi32, #tpu.memory_space<hbm>> -> memref<40x64xi32, #tpu.memory_space<hbm>>
      %dma_start3A_235 = arith.constant 0 : i32
      %dma_start3A_236 = tpu.memref_slice %arg2[%add3A_178, %dma_start3A_235] : memref<5120x64xi32, #tpu.memory_space<hbm>> -> memref<40x64xi32, #tpu.memory_space<hbm>>
      tpu.enqueue_dma source(%dma_start3A_236 : memref<40x64xi32, #tpu.memory_space<hbm>>) target(%arg7 : memref<40x64xi32, #tpu.memory_space<vmem>>) target_semaphore(%run_scoped3A : memref<!tpu.dma_semaphore, #tpu.memory_space<semaphore_mem>>)
      %dma_wait3A_237 = arith.constant 0 : i32
      %dma_wait3A_238 = tpu.memref_slice %arg2[%add3A_178, %dma_wait3A_237] : memref<5120x64xi32, #tpu.memory_space<hbm>> -> memref<40x64xi32, #tpu.memory_space<hbm>>
      %dma_wait3A_239 = arith.constant 0 : i32
      %dma_wait3A_240 = tpu.memref_slice %arg2[%add3A_178, %dma_wait3A_239] : memref<5120x64xi32, #tpu.memory_space<hbm>> -> memref<40x64xi32, #tpu.memory_space<hbm>>
      tpu.wait_dma2 semaphore(%run_scoped3A : memref<!tpu.dma_semaphore, #tpu.memory_space<semaphore_mem>>) src(%dma_wait3A_240 : memref<40x64xi32, #tpu.memory_space<hbm>>) dst(%arg7 : memref<40x64xi32, #tpu.memory_space<vmem>>)
      tpu.yield
    }) : () -> ()
    "tpu.region"() ({
      %run_scoped3A = tpu.sem_alloc : memref<!tpu.dma_semaphore, #tpu.memory_space<semaphore_mem>>
      %dma_start3A = arith.constant 0 : i32
      %dma_start3A_234 = tpu.memref_slice %arg3[%add3A_178, %dma_start3A] : memref<5120x64xi32, #tpu.memory_space<hbm>> -> memref<40x64xi32, #tpu.memory_space<hbm>>
      %dma_start3A_235 = arith.constant 0 : i32
      %dma_start3A_236 = tpu.memref_slice %arg3[%add3A_178, %dma_start3A_235] : memref<5120x64xi32, #tpu.memory_space<hbm>> -> memref<40x64xi32, #tpu.memory_space<hbm>>
      tpu.enqueue_dma source(%dma_start3A_236 : memref<40x64xi32, #tpu.memory_space<hbm>>) target(%arg8 : memref<40x64xi32, #tpu.memory_space<vmem>>) target_semaphore(%run_scoped3A : memref<!tpu.dma_semaphore, #tpu.memory_space<semaphore_mem>>)
      %dma_wait3A_237 = arith.constant 0 : i32
      %dma_wait3A_238 = tpu.memref_slice %arg3[%add3A_178, %dma_wait3A_237] : memref<5120x64xi32, #tpu.memory_space<hbm>> -> memref<40x64xi32, #tpu.memory_space<hbm>>
      %dma_wait3A_239 = arith.constant 0 : i32
      %dma_wait3A_240 = tpu.memref_slice %arg3[%add3A_178, %dma_wait3A_239] : memref<5120x64xi32, #tpu.memory_space<hbm>> -> memref<40x64xi32, #tpu.memory_space<hbm>>
      tpu.wait_dma2 semaphore(%run_scoped3A : memref<!tpu.dma_semaphore, #tpu.memory_space<semaphore_mem>>) src(%dma_wait3A_240 : memref<40x64xi32, #tpu.memory_space<hbm>>) dst(%arg8 : memref<40x64xi32, #tpu.memory_space<vmem>>)
      tpu.yield
    }) : () -> ()
    %scan3A_179 = arith.constant 0 : i32
    %scan3A_180 = arith.constant 0 : i32
    %scan3A_181 = arith.constant 11 : i32
    %scan3A_182 = arith.addi %scan3A_180, %scan3A_181 : i32
    %scan3A_183 = arith.constant 1 : i32
    scf.for %scan3A_234 = %scan3A_180 to %scan3A_182 step %scan3A_183  : i32 {
      %mul3A_235 = arith.constant 4 : i32
      %mul3A_236 = arith.muli %scan3A_234, %mul3A_235 : i32
      %add3A_237 = arith.constant 0 : i32
      %add3A_238 = arith.addi %mul3A_236, %add3A_237 : i32
      %sub3A = arith.constant 3 : i32
      %sub3A_239 = arith.subi %add3A_238, %sub3A : i32
      %ge3A = arith.constant 0 : i32
      %ge3A_240 = arith.cmpi sge, %sub3A_239, %ge3A : i32
      %lt3A = arith.constant 40 : i32
      %lt3A_241 = arith.cmpi slt, %sub3A_239, %lt3A : i32
      %and3A = arith.andi %ge3A_240, %lt3A_241 : i1
      %convert_element_type3A = arith.extui %and3A : i1 to i32
      %cond3A = arith.constant 0 : i32
      %cond3A_242 = arith.cmpi ne, %convert_element_type3A, %cond3A : i32
      scf.if %cond3A_242 {
        %dma_wait3A_305 = arith.constant 0 : i32
        %dma_wait3A_306 = arith.constant 1 : i32
        %dma_wait3A_307 = arith.constant 0 : i32
        %dma_wait3A_308 = arith.constant 0 : i32
        %dma_wait3A_309 = tpu.memref_slice %arg9[%dma_wait3A_306, %dma_wait3A_307, %dma_wait3A_308] : memref<4x64x128xf32, #tpu.memory_space<vmem>> -> memref<1x64x128xf32, #tpu.memory_space<vmem>>
        %dma_wait3A_310 = tpu.memref_squeeze %dma_wait3A_309 : memref<1x64x128xf32, #tpu.memory_space<vmem>> -> memref<64x128xf32, #tpu.memory_space<vmem>>
        %dma_wait3A_311 = arith.constant 0 : i32
        %dma_wait3A_312 = tpu.memref_slice %arg7[%dma_wait3A_305, %dma_wait3A_311] : memref<40x64xi32, #tpu.memory_space<vmem>> -> memref<1x64xi32, #tpu.memory_space<vmem>>
        %dma_wait3A_313 = tpu.memref_squeeze %dma_wait3A_312 : memref<1x64xi32, #tpu.memory_space<vmem>> -> memref<64xi32, #tpu.memory_space<vmem>>
        %dma_wait3A_314 = arith.constant 0 : i32
        %dma_wait3A_315 = arith.constant 0 : i32
        %dma_wait3A_316 = tpu.memref_slice %arg4[%dma_wait3A_314, %dma_wait3A_315] : memref<10240x128xf32, #tpu.memory_space<hbm>> -> memref<10240x128xf32, #tpu.memory_space<hbm>>
        tpu.wait_indirect_dma semaphore(%arg12 : memref<!tpu.dma_semaphore, #tpu.memory_space<semaphore_mem>>) src(%dma_wait3A_316 : memref<10240x128xf32, #tpu.memory_space<hbm>>) dst(%dma_wait3A_310 : memref<64x128xf32, #tpu.memory_space<vmem>>)
        %dma_start3A = arith.constant 1 : i32
        %dma_start3A_317 = arith.constant 0 : i32
        %dma_start3A_318 = arith.constant 0 : i32
        %dma_start3A_319 = tpu.memref_slice %arg9[%dma_start3A, %dma_start3A_317, %dma_start3A_318] : memref<4x64x128xf32, #tpu.memory_space<vmem>> -> memref<1x64x128xf32, #tpu.memory_space<vmem>>
        %dma_start3A_320 = tpu.memref_squeeze %dma_start3A_319 : memref<1x64x128xf32, #tpu.memory_space<vmem>> -> memref<64x128xf32, #tpu.memory_space<vmem>>
        %dma_start3A_321 = arith.constant 0 : i32
        %dma_start3A_322 = tpu.memref_slice %arg8[%sub3A_239, %dma_start3A_321] : memref<40x64xi32, #tpu.memory_space<vmem>> -> memref<1x64xi32, #tpu.memory_space<vmem>>
        %dma_start3A_323 = tpu.memref_squeeze %dma_start3A_322 : memref<1x64xi32, #tpu.memory_space<vmem>> -> memref<64xi32, #tpu.memory_space<vmem>>
        %dma_start3A_324 = arith.constant 0 : i32
        %dma_start3A_325 = arith.constant 0 : i32
        %dma_start3A_326 = tpu.memref_slice %arg10[%dma_start3A_324, %dma_start3A_325] : memref<10240x128xf32, #tpu.memory_space<vmem_shared>> -> memref<10240x128xf32, #tpu.memory_space<vmem_shared>>
        tpu.enqueue_indirect_dma source(%dma_start3A_320 : memref<64x128xf32, #tpu.memory_space<vmem>>) target(%dma_start3A_326 : memref<10240x128xf32, #tpu.memory_space<vmem_shared>>) offsets(%dma_start3A_323 : memref<64xi32, #tpu.memory_space<vmem>>) semaphore(%arg16 : memref<!tpu.dma_semaphore, #tpu.memory_space<semaphore_mem>>) {add = true}
      } else {
      }
      %lt3A_243 = arith.constant 40 : i32
      %lt3A_244 = arith.cmpi slt, %add3A_238, %lt3A_243 : i32
      %convert_element_type3A_245 = arith.extui %lt3A_244 : i1 to i32
      %cond3A_246 = arith.constant 0 : i32
      %cond3A_247 = arith.cmpi ne, %convert_element_type3A_245, %cond3A_246 : i32
      scf.if %cond3A_247 {
        %ge3A_305 = arith.constant 4 : i32
        %ge3A_306 = arith.cmpi sge, %add3A_238, %ge3A_305 : i32
        %convert_element_type3A_307 = arith.extui %ge3A_306 : i1 to i32
        %cond3A_308 = arith.constant 0 : i32
        %cond3A_309 = arith.cmpi ne, %convert_element_type3A_307, %cond3A_308 : i32
        scf.if %cond3A_309 {
          %dma_wait3A_320 = arith.constant 0 : i32
          %dma_wait3A_321 = arith.constant 0 : i32
          %dma_wait3A_322 = arith.constant 0 : i32
          %dma_wait3A_323 = arith.constant 0 : i32
          %dma_wait3A_324 = tpu.memref_slice %arg9[%dma_wait3A_320, %dma_wait3A_322, %dma_wait3A_323] : memref<4x64x128xf32, #tpu.memory_space<vmem>> -> memref<1x64x128xf32, #tpu.memory_space<vmem>>
          %dma_wait3A_325 = tpu.memref_squeeze %dma_wait3A_324 : memref<1x64x128xf32, #tpu.memory_space<vmem>> -> memref<64x128xf32, #tpu.memory_space<vmem>>
          %dma_wait3A_326 = arith.constant 0 : i32
          %dma_wait3A_327 = tpu.memref_slice %arg8[%dma_wait3A_321, %dma_wait3A_326] : memref<40x64xi32, #tpu.memory_space<vmem>> -> memref<1x64xi32, #tpu.memory_space<vmem>>
          %dma_wait3A_328 = tpu.memref_squeeze %dma_wait3A_327 : memref<1x64xi32, #tpu.memory_space<vmem>> -> memref<64xi32, #tpu.memory_space<vmem>>
          %dma_wait3A_329 = arith.constant 0 : i32
          %dma_wait3A_330 = arith.constant 0 : i32
          %dma_wait3A_331 = tpu.memref_slice %arg10[%dma_wait3A_329, %dma_wait3A_330] : memref<10240x128xf32, #tpu.memory_space<vmem_shared>> -> memref<10240x128xf32, #tpu.memory_space<vmem_shared>>
          tpu.wait_indirect_dma semaphore(%arg15 : memref<!tpu.dma_semaphore, #tpu.memory_space<semaphore_mem>>) src(%dma_wait3A_325 : memref<64x128xf32, #tpu.memory_space<vmem>>) dst(%dma_wait3A_331 : memref<10240x128xf32, #tpu.memory_space<vmem_shared>>)
        } else {
        }
        %dma_start3A = arith.constant 0 : i32
        %dma_start3A_310 = arith.constant 0 : i32
        %dma_start3A_311 = arith.constant 0 : i32
        %dma_start3A_312 = tpu.memref_slice %arg9[%dma_start3A, %dma_start3A_310, %dma_start3A_311] : memref<4x64x128xf32, #tpu.memory_space<vmem>> -> memref<1x64x128xf32, #tpu.memory_space<vmem>>
        %dma_start3A_313 = tpu.memref_squeeze %dma_start3A_312 : memref<1x64x128xf32, #tpu.memory_space<vmem>> -> memref<64x128xf32, #tpu.memory_space<vmem>>
        %dma_start3A_314 = arith.constant 0 : i32
        %dma_start3A_315 = tpu.memref_slice %arg7[%add3A_238, %dma_start3A_314] : memref<40x64xi32, #tpu.memory_space<vmem>> -> memref<1x64xi32, #tpu.memory_space<vmem>>
        %dma_start3A_316 = tpu.memref_squeeze %dma_start3A_315 : memref<1x64xi32, #tpu.memory_space<vmem>> -> memref<64xi32, #tpu.memory_space<vmem>>
        %dma_start3A_317 = arith.constant 0 : i32
        %dma_start3A_318 = arith.constant 0 : i32
        %dma_start3A_319 = tpu.memref_slice %arg4[%dma_start3A_317, %dma_start3A_318] : memref<10240x128xf32, #tpu.memory_space<hbm>> -> memref<10240x128xf32, #tpu.memory_space<hbm>>
        tpu.enqueue_indirect_dma source(%dma_start3A_319 : memref<10240x128xf32, #tpu.memory_space<hbm>>) target(%dma_start3A_313 : memref<64x128xf32, #tpu.memory_space<vmem>>) offsets(%dma_start3A_316 : memref<64xi32, #tpu.memory_space<vmem>>) semaphore(%arg11 : memref<!tpu.dma_semaphore, #tpu.memory_space<semaphore_mem>>)
      } else {
      }
      %mul3A_248 = arith.constant 4 : i32
      %mul3A_249 = arith.muli %scan3A_234, %mul3A_248 : i32
      %add3A_250 = arith.constant 1 : i32
      %add3A_251 = arith.addi %mul3A_249, %add3A_250 : i32
      %sub3A_252 = arith.constant 3 : i32
      %sub3A_253 = arith.subi %add3A_251, %sub3A_252 : i32
      %ge3A_254 = arith.constant 0 : i32
      %ge3A_255 = arith.cmpi sge, %sub3A_253, %ge3A_254 : i32
      %lt3A_256 = arith.constant 40 : i32
      %lt3A_257 = arith.cmpi slt, %sub3A_253, %lt3A_256 : i32
      %and3A_258 = arith.andi %ge3A_255, %lt3A_257 : i1
      %convert_element_type3A_259 = arith.extui %and3A_258 : i1 to i32
      %cond3A_260 = arith.constant 0 : i32
      %cond3A_261 = arith.cmpi ne, %convert_element_type3A_259, %cond3A_260 : i32
      scf.if %cond3A_261 {
        %dma_wait3A_305 = arith.constant 0 : i32
        %dma_wait3A_306 = arith.constant 2 : i32
        %dma_wait3A_307 = arith.constant 0 : i32
        %dma_wait3A_308 = arith.constant 0 : i32
        %dma_wait3A_309 = tpu.memref_slice %arg9[%dma_wait3A_306, %dma_wait3A_307, %dma_wait3A_308] : memref<4x64x128xf32, #tpu.memory_space<vmem>> -> memref<1x64x128xf32, #tpu.memory_space<vmem>>
        %dma_wait3A_310 = tpu.memref_squeeze %dma_wait3A_309 : memref<1x64x128xf32, #tpu.memory_space<vmem>> -> memref<64x128xf32, #tpu.memory_space<vmem>>
        %dma_wait3A_311 = arith.constant 0 : i32
        %dma_wait3A_312 = tpu.memref_slice %arg7[%dma_wait3A_305, %dma_wait3A_311] : memref<40x64xi32, #tpu.memory_space<vmem>> -> memref<1x64xi32, #tpu.memory_space<vmem>>
        %dma_wait3A_313 = tpu.memref_squeeze %dma_wait3A_312 : memref<1x64xi32, #tpu.memory_space<vmem>> -> memref<64xi32, #tpu.memory_space<vmem>>
        %dma_wait3A_314 = arith.constant 0 : i32
        %dma_wait3A_315 = arith.constant 0 : i32
        %dma_wait3A_316 = tpu.memref_slice %arg4[%dma_wait3A_314, %dma_wait3A_315] : memref<10240x128xf32, #tpu.memory_space<hbm>> -> memref<10240x128xf32, #tpu.memory_space<hbm>>
        tpu.wait_indirect_dma semaphore(%arg13 : memref<!tpu.dma_semaphore, #tpu.memory_space<semaphore_mem>>) src(%dma_wait3A_316 : memref<10240x128xf32, #tpu.memory_space<hbm>>) dst(%dma_wait3A_310 : memref<64x128xf32, #tpu.memory_space<vmem>>)
        %dma_start3A = arith.constant 2 : i32
        %dma_start3A_317 = arith.constant 0 : i32
        %dma_start3A_318 = arith.constant 0 : i32
        %dma_start3A_319 = tpu.memref_slice %arg9[%dma_start3A, %dma_start3A_317, %dma_start3A_318] : memref<4x64x128xf32, #tpu.memory_space<vmem>> -> memref<1x64x128xf32, #tpu.memory_space<vmem>>
        %dma_start3A_320 = tpu.memref_squeeze %dma_start3A_319 : memref<1x64x128xf32, #tpu.memory_space<vmem>> -> memref<64x128xf32, #tpu.memory_space<vmem>>
        %dma_start3A_321 = arith.constant 0 : i32
        %dma_start3A_322 = tpu.memref_slice %arg8[%sub3A_253, %dma_start3A_321] : memref<40x64xi32, #tpu.memory_space<vmem>> -> memref<1x64xi32, #tpu.memory_space<vmem>>
        %dma_start3A_323 = tpu.memref_squeeze %dma_start3A_322 : memref<1x64xi32, #tpu.memory_space<vmem>> -> memref<64xi32, #tpu.memory_space<vmem>>
        %dma_start3A_324 = arith.constant 0 : i32
        %dma_start3A_325 = arith.constant 0 : i32
        %dma_start3A_326 = tpu.memref_slice %arg10[%dma_start3A_324, %dma_start3A_325] : memref<10240x128xf32, #tpu.memory_space<vmem_shared>> -> memref<10240x128xf32, #tpu.memory_space<vmem_shared>>
        tpu.enqueue_indirect_dma source(%dma_start3A_320 : memref<64x128xf32, #tpu.memory_space<vmem>>) target(%dma_start3A_326 : memref<10240x128xf32, #tpu.memory_space<vmem_shared>>) offsets(%dma_start3A_323 : memref<64xi32, #tpu.memory_space<vmem>>) semaphore(%arg17 : memref<!tpu.dma_semaphore, #tpu.memory_space<semaphore_mem>>) {add = true}
      } else {
      }
      %lt3A_262 = arith.constant 40 : i32
      %lt3A_263 = arith.cmpi slt, %add3A_251, %lt3A_262 : i32
      %convert_element_type3A_264 = arith.extui %lt3A_263 : i1 to i32
      %cond3A_265 = arith.constant 0 : i32
      %cond3A_266 = arith.cmpi ne, %convert_element_type3A_264, %cond3A_265 : i32
      scf.if %cond3A_266 {
        %ge3A_305 = arith.constant 4 : i32
        %ge3A_306 = arith.cmpi sge, %add3A_251, %ge3A_305 : i32
        %convert_element_type3A_307 = arith.extui %ge3A_306 : i1 to i32
        %cond3A_308 = arith.constant 0 : i32
        %cond3A_309 = arith.cmpi ne, %convert_element_type3A_307, %cond3A_308 : i32
        scf.if %cond3A_309 {
          %dma_wait3A_320 = arith.constant 1 : i32
          %dma_wait3A_321 = arith.constant 0 : i32
          %dma_wait3A_322 = arith.constant 0 : i32
          %dma_wait3A_323 = arith.constant 0 : i32
          %dma_wait3A_324 = tpu.memref_slice %arg9[%dma_wait3A_320, %dma_wait3A_322, %dma_wait3A_323] : memref<4x64x128xf32, #tpu.memory_space<vmem>> -> memref<1x64x128xf32, #tpu.memory_space<vmem>>
          %dma_wait3A_325 = tpu.memref_squeeze %dma_wait3A_324 : memref<1x64x128xf32, #tpu.memory_space<vmem>> -> memref<64x128xf32, #tpu.memory_space<vmem>>
          %dma_wait3A_326 = arith.constant 0 : i32
          %dma_wait3A_327 = tpu.memref_slice %arg8[%dma_wait3A_321, %dma_wait3A_326] : memref<40x64xi32, #tpu.memory_space<vmem>> -> memref<1x64xi32, #tpu.memory_space<vmem>>
          %dma_wait3A_328 = tpu.memref_squeeze %dma_wait3A_327 : memref<1x64xi32, #tpu.memory_space<vmem>> -> memref<64xi32, #tpu.memory_space<vmem>>
          %dma_wait3A_329 = arith.constant 0 : i32
          %dma_wait3A_330 = arith.constant 0 : i32
          %dma_wait3A_331 = tpu.memref_slice %arg10[%dma_wait3A_329, %dma_wait3A_330] : memref<10240x128xf32, #tpu.memory_space<vmem_shared>> -> memref<10240x128xf32, #tpu.memory_space<vmem_shared>>
          tpu.wait_indirect_dma semaphore(%arg16 : memref<!tpu.dma_semaphore, #tpu.memory_space<semaphore_mem>>) src(%dma_wait3A_325 : memref<64x128xf32, #tpu.memory_space<vmem>>) dst(%dma_wait3A_331 : memref<10240x128xf32, #tpu.memory_space<vmem_shared>>)
        } else {
        }
        %dma_start3A = arith.constant 1 : i32
        %dma_start3A_310 = arith.constant 0 : i32
        %dma_start3A_311 = arith.constant 0 : i32
        %dma_start3A_312 = tpu.memref_slice %arg9[%dma_start3A, %dma_start3A_310, %dma_start3A_311] : memref<4x64x128xf32, #tpu.memory_space<vmem>> -> memref<1x64x128xf32, #tpu.memory_space<vmem>>
        %dma_start3A_313 = tpu.memref_squeeze %dma_start3A_312 : memref<1x64x128xf32, #tpu.memory_space<vmem>> -> memref<64x128xf32, #tpu.memory_space<vmem>>
        %dma_start3A_314 = arith.constant 0 : i32
        %dma_start3A_315 = tpu.memref_slice %arg7[%add3A_251, %dma_start3A_314] : memref<40x64xi32, #tpu.memory_space<vmem>> -> memref<1x64xi32, #tpu.memory_space<vmem>>
        %dma_start3A_316 = tpu.memref_squeeze %dma_start3A_315 : memref<1x64xi32, #tpu.memory_space<vmem>> -> memref<64xi32, #tpu.memory_space<vmem>>
        %dma_start3A_317 = arith.constant 0 : i32
        %dma_start3A_318 = arith.constant 0 : i32
        %dma_start3A_319 = tpu.memref_slice %arg4[%dma_start3A_317, %dma_start3A_318] : memref<10240x128xf32, #tpu.memory_space<hbm>> -> memref<10240x128xf32, #tpu.memory_space<hbm>>
        tpu.enqueue_indirect_dma source(%dma_start3A_319 : memref<10240x128xf32, #tpu.memory_space<hbm>>) target(%dma_start3A_313 : memref<64x128xf32, #tpu.memory_space<vmem>>) offsets(%dma_start3A_316 : memref<64xi32, #tpu.memory_space<vmem>>) semaphore(%arg12 : memref<!tpu.dma_semaphore, #tpu.memory_space<semaphore_mem>>)
      } else {
      }
      %mul3A_267 = arith.constant 4 : i32
      %mul3A_268 = arith.muli %scan3A_234, %mul3A_267 : i32
      %add3A_269 = arith.constant 2 : i32
      %add3A_270 = arith.addi %mul3A_268, %add3A_269 : i32
      %sub3A_271 = arith.constant 3 : i32
      %sub3A_272 = arith.subi %add3A_270, %sub3A_271 : i32
      %ge3A_273 = arith.constant 0 : i32
      %ge3A_274 = arith.cmpi sge, %sub3A_272, %ge3A_273 : i32
      %lt3A_275 = arith.constant 40 : i32
      %lt3A_276 = arith.cmpi slt, %sub3A_272, %lt3A_275 : i32
      %and3A_277 = arith.andi %ge3A_274, %lt3A_276 : i1
      %convert_element_type3A_278 = arith.extui %and3A_277 : i1 to i32
      %cond3A_279 = arith.constant 0 : i32
      %cond3A_280 = arith.cmpi ne, %convert_element_type3A_278, %cond3A_279 : i32
      scf.if %cond3A_280 {
        %dma_wait3A_305 = arith.constant 0 : i32
        %dma_wait3A_306 = arith.constant 3 : i32
        %dma_wait3A_307 = arith.constant 0 : i32
        %dma_wait3A_308 = arith.constant 0 : i32
        %dma_wait3A_309 = tpu.memref_slice %arg9[%dma_wait3A_306, %dma_wait3A_307, %dma_wait3A_308] : memref<4x64x128xf32, #tpu.memory_space<vmem>> -> memref<1x64x128xf32, #tpu.memory_space<vmem>>
        %dma_wait3A_310 = tpu.memref_squeeze %dma_wait3A_309 : memref<1x64x128xf32, #tpu.memory_space<vmem>> -> memref<64x128xf32, #tpu.memory_space<vmem>>
        %dma_wait3A_311 = arith.constant 0 : i32
        %dma_wait3A_312 = tpu.memref_slice %arg7[%dma_wait3A_305, %dma_wait3A_311] : memref<40x64xi32, #tpu.memory_space<vmem>> -> memref<1x64xi32, #tpu.memory_space<vmem>>
        %dma_wait3A_313 = tpu.memref_squeeze %dma_wait3A_312 : memref<1x64xi32, #tpu.memory_space<vmem>> -> memref<64xi32, #tpu.memory_space<vmem>>
        %dma_wait3A_314 = arith.constant 0 : i32
        %dma_wait3A_315 = arith.constant 0 : i32
        %dma_wait3A_316 = tpu.memref_slice %arg4[%dma_wait3A_314, %dma_wait3A_315] : memref<10240x128xf32, #tpu.memory_space<hbm>> -> memref<10240x128xf32, #tpu.memory_space<hbm>>
        tpu.wait_indirect_dma semaphore(%arg14 : memref<!tpu.dma_semaphore, #tpu.memory_space<semaphore_mem>>) src(%dma_wait3A_316 : memref<10240x128xf32, #tpu.memory_space<hbm>>) dst(%dma_wait3A_310 : memref<64x128xf32, #tpu.memory_space<vmem>>)
        %dma_start3A = arith.constant 3 : i32
        %dma_start3A_317 = arith.constant 0 : i32
        %dma_start3A_318 = arith.constant 0 : i32
        %dma_start3A_319 = tpu.memref_slice %arg9[%dma_start3A, %dma_start3A_317, %dma_start3A_318] : memref<4x64x128xf32, #tpu.memory_space<vmem>> -> memref<1x64x128xf32, #tpu.memory_space<vmem>>
        %dma_start3A_320 = tpu.memref_squeeze %dma_start3A_319 : memref<1x64x128xf32, #tpu.memory_space<vmem>> -> memref<64x128xf32, #tpu.memory_space<vmem>>
        %dma_start3A_321 = arith.constant 0 : i32
        %dma_start3A_322 = tpu.memref_slice %arg8[%sub3A_272, %dma_start3A_321] : memref<40x64xi32, #tpu.memory_space<vmem>> -> memref<1x64xi32, #tpu.memory_space<vmem>>
        %dma_start3A_323 = tpu.memref_squeeze %dma_start3A_322 : memref<1x64xi32, #tpu.memory_space<vmem>> -> memref<64xi32, #tpu.memory_space<vmem>>
        %dma_start3A_324 = arith.constant 0 : i32
        %dma_start3A_325 = arith.constant 0 : i32
        %dma_start3A_326 = tpu.memref_slice %arg10[%dma_start3A_324, %dma_start3A_325] : memref<10240x128xf32, #tpu.memory_space<vmem_shared>> -> memref<10240x128xf32, #tpu.memory_space<vmem_shared>>
        tpu.enqueue_indirect_dma source(%dma_start3A_320 : memref<64x128xf32, #tpu.memory_space<vmem>>) target(%dma_start3A_326 : memref<10240x128xf32, #tpu.memory_space<vmem_shared>>) offsets(%dma_start3A_323 : memref<64xi32, #tpu.memory_space<vmem>>) semaphore(%arg18 : memref<!tpu.dma_semaphore, #tpu.memory_space<semaphore_mem>>) {add = true}
      } else {
      }
      %lt3A_281 = arith.constant 40 : i32
      %lt3A_282 = arith.cmpi slt, %add3A_270, %lt3A_281 : i32
      %convert_element_type3A_283 = arith.extui %lt3A_282 : i1 to i32
      %cond3A_284 = arith.constant 0 : i32
      %cond3A_285 = arith.cmpi ne, %convert_element_type3A_283, %cond3A_284 : i32
      scf.if %cond3A_285 {
        %ge3A_305 = arith.constant 4 : i32
        %ge3A_306 = arith.cmpi sge, %add3A_270, %ge3A_305 : i32
        %convert_element_type3A_307 = arith.extui %ge3A_306 : i1 to i32
        %cond3A_308 = arith.constant 0 : i32
        %cond3A_309 = arith.cmpi ne, %convert_element_type3A_307, %cond3A_308 : i32
        scf.if %cond3A_309 {
          %dma_wait3A_320 = arith.constant 2 : i32
          %dma_wait3A_321 = arith.constant 0 : i32
          %dma_wait3A_322 = arith.constant 0 : i32
          %dma_wait3A_323 = arith.constant 0 : i32
          %dma_wait3A_324 = tpu.memref_slice %arg9[%dma_wait3A_320, %dma_wait3A_322, %dma_wait3A_323] : memref<4x64x128xf32, #tpu.memory_space<vmem>> -> memref<1x64x128xf32, #tpu.memory_space<vmem>>
          %dma_wait3A_325 = tpu.memref_squeeze %dma_wait3A_324 : memref<1x64x128xf32, #tpu.memory_space<vmem>> -> memref<64x128xf32, #tpu.memory_space<vmem>>
          %dma_wait3A_326 = arith.constant 0 : i32
          %dma_wait3A_327 = tpu.memref_slice %arg8[%dma_wait3A_321, %dma_wait3A_326] : memref<40x64xi32, #tpu.memory_space<vmem>> -> memref<1x64xi32, #tpu.memory_space<vmem>>
          %dma_wait3A_328 = tpu.memref_squeeze %dma_wait3A_327 : memref<1x64xi32, #tpu.memory_space<vmem>> -> memref<64xi32, #tpu.memory_space<vmem>>
          %dma_wait3A_329 = arith.constant 0 : i32
          %dma_wait3A_330 = arith.constant 0 : i32
          %dma_wait3A_331 = tpu.memref_slice %arg10[%dma_wait3A_329, %dma_wait3A_330] : memref<10240x128xf32, #tpu.memory_space<vmem_shared>> -> memref<10240x128xf32, #tpu.memory_space<vmem_shared>>
          tpu.wait_indirect_dma semaphore(%arg17 : memref<!tpu.dma_semaphore, #tpu.memory_space<semaphore_mem>>) src(%dma_wait3A_325 : memref<64x128xf32, #tpu.memory_space<vmem>>) dst(%dma_wait3A_331 : memref<10240x128xf32, #tpu.memory_space<vmem_shared>>)
        } else {
        }
        %dma_start3A = arith.constant 2 : i32
        %dma_start3A_310 = arith.constant 0 : i32
        %dma_start3A_311 = arith.constant 0 : i32
        %dma_start3A_312 = tpu.memref_slice %arg9[%dma_start3A, %dma_start3A_310, %dma_start3A_311] : memref<4x64x128xf32, #tpu.memory_space<vmem>> -> memref<1x64x128xf32, #tpu.memory_space<vmem>>
        %dma_start3A_313 = tpu.memref_squeeze %dma_start3A_312 : memref<1x64x128xf32, #tpu.memory_space<vmem>> -> memref<64x128xf32, #tpu.memory_space<vmem>>
        %dma_start3A_314 = arith.constant 0 : i32
        %dma_start3A_315 = tpu.memref_slice %arg7[%add3A_270, %dma_start3A_314] : memref<40x64xi32, #tpu.memory_space<vmem>> -> memref<1x64xi32, #tpu.memory_space<vmem>>
        %dma_start3A_316 = tpu.memref_squeeze %dma_start3A_315 : memref<1x64xi32, #tpu.memory_space<vmem>> -> memref<64xi32, #tpu.memory_space<vmem>>
        %dma_start3A_317 = arith.constant 0 : i32
        %dma_start3A_318 = arith.constant 0 : i32
        %dma_start3A_319 = tpu.memref_slice %arg4[%dma_start3A_317, %dma_start3A_318] : memref<10240x128xf32, #tpu.memory_space<hbm>> -> memref<10240x128xf32, #tpu.memory_space<hbm>>
        tpu.enqueue_indirect_dma source(%dma_start3A_319 : memref<10240x128xf32, #tpu.memory_space<hbm>>) target(%dma_start3A_313 : memref<64x128xf32, #tpu.memory_space<vmem>>) offsets(%dma_start3A_316 : memref<64xi32, #tpu.memory_space<vmem>>) semaphore(%arg13 : memref<!tpu.dma_semaphore, #tpu.memory_space<semaphore_mem>>)
      } else {
      }
      %mul3A_286 = arith.constant 4 : i32
      %mul3A_287 = arith.muli %scan3A_234, %mul3A_286 : i32
      %add3A_288 = arith.constant 3 : i32
      %add3A_289 = arith.addi %mul3A_287, %add3A_288 : i32
      %sub3A_290 = arith.constant 3 : i32
      %sub3A_291 = arith.subi %add3A_289, %sub3A_290 : i32
      %ge3A_292 = arith.constant 0 : i32
      %ge3A_293 = arith.cmpi sge, %sub3A_291, %ge3A_292 : i32
      %lt3A_294 = arith.constant 40 : i32
      %lt3A_295 = arith.cmpi slt, %sub3A_291, %lt3A_294 : i32
      %and3A_296 = arith.andi %ge3A_293, %lt3A_295 : i1
      %convert_element_type3A_297 = arith.extui %and3A_296 : i1 to i32
      %cond3A_298 = arith.constant 0 : i32
      %cond3A_299 = arith.cmpi ne, %convert_element_type3A_297, %cond3A_298 : i32
      scf.if %cond3A_299 {
        %dma_wait3A_305 = arith.constant 0 : i32
        %dma_wait3A_306 = arith.constant 0 : i32
        %dma_wait3A_307 = arith.constant 0 : i32
        %dma_wait3A_308 = arith.constant 0 : i32
        %dma_wait3A_309 = tpu.memref_slice %arg9[%dma_wait3A_306, %dma_wait3A_307, %dma_wait3A_308] : memref<4x64x128xf32, #tpu.memory_space<vmem>> -> memref<1x64x128xf32, #tpu.memory_space<vmem>>
        %dma_wait3A_310 = tpu.memref_squeeze %dma_wait3A_309 : memref<1x64x128xf32, #tpu.memory_space<vmem>> -> memref<64x128xf32, #tpu.memory_space<vmem>>
        %dma_wait3A_311 = arith.constant 0 : i32
        %dma_wait3A_312 = tpu.memref_slice %arg7[%dma_wait3A_305, %dma_wait3A_311] : memref<40x64xi32, #tpu.memory_space<vmem>> -> memref<1x64xi32, #tpu.memory_space<vmem>>
        %dma_wait3A_313 = tpu.memref_squeeze %dma_wait3A_312 : memref<1x64xi32, #tpu.memory_space<vmem>> -> memref<64xi32, #tpu.memory_space<vmem>>
        %dma_wait3A_314 = arith.constant 0 : i32
        %dma_wait3A_315 = arith.constant 0 : i32
        %dma_wait3A_316 = tpu.memref_slice %arg4[%dma_wait3A_314, %dma_wait3A_315] : memref<10240x128xf32, #tpu.memory_space<hbm>> -> memref<10240x128xf32, #tpu.memory_space<hbm>>
        tpu.wait_indirect_dma semaphore(%arg11 : memref<!tpu.dma_semaphore, #tpu.memory_space<semaphore_mem>>) src(%dma_wait3A_316 : memref<10240x128xf32, #tpu.memory_space<hbm>>) dst(%dma_wait3A_310 : memref<64x128xf32, #tpu.memory_space<vmem>>)
        %dma_start3A = arith.constant 0 : i32
        %dma_start3A_317 = arith.constant 0 : i32
        %dma_start3A_318 = arith.constant 0 : i32
        %dma_start3A_319 = tpu.memref_slice %arg9[%dma_start3A, %dma_start3A_317, %dma_start3A_318] : memref<4x64x128xf32, #tpu.memory_space<vmem>> -> memref<1x64x128xf32, #tpu.memory_space<vmem>>
        %dma_start3A_320 = tpu.memref_squeeze %dma_start3A_319 : memref<1x64x128xf32, #tpu.memory_space<vmem>> -> memref<64x128xf32, #tpu.memory_space<vmem>>
        %dma_start3A_321 = arith.constant 0 : i32
        %dma_start3A_322 = tpu.memref_slice %arg8[%sub3A_291, %dma_start3A_321] : memref<40x64xi32, #tpu.memory_space<vmem>> -> memref<1x64xi32, #tpu.memory_space<vmem>>
        %dma_start3A_323 = tpu.memref_squeeze %dma_start3A_322 : memref<1x64xi32, #tpu.memory_space<vmem>> -> memref<64xi32, #tpu.memory_space<vmem>>
        %dma_start3A_324 = arith.constant 0 : i32
        %dma_start3A_325 = arith.constant 0 : i32
        %dma_start3A_326 = tpu.memref_slice %arg10[%dma_start3A_324, %dma_start3A_325] : memref<10240x128xf32, #tpu.memory_space<vmem_shared>> -> memref<10240x128xf32, #tpu.memory_space<vmem_shared>>
        tpu.enqueue_indirect_dma source(%dma_start3A_320 : memref<64x128xf32, #tpu.memory_space<vmem>>) target(%dma_start3A_326 : memref<10240x128xf32, #tpu.memory_space<vmem_shared>>) offsets(%dma_start3A_323 : memref<64xi32, #tpu.memory_space<vmem>>) semaphore(%arg15 : memref<!tpu.dma_semaphore, #tpu.memory_space<semaphore_mem>>) {add = true}
      } else {
      }
      %lt3A_300 = arith.constant 40 : i32
      %lt3A_301 = arith.cmpi slt, %add3A_289, %lt3A_300 : i32
      %convert_element_type3A_302 = arith.extui %lt3A_301 : i1 to i32
      %cond3A_303 = arith.constant 0 : i32
      %cond3A_304 = arith.cmpi ne, %convert_element_type3A_302, %cond3A_303 : i32
      scf.if %cond3A_304 {
        %ge3A_305 = arith.constant 4 : i32
        %ge3A_306 = arith.cmpi sge, %add3A_289, %ge3A_305 : i32
        %convert_element_type3A_307 = arith.extui %ge3A_306 : i1 to i32
        %cond3A_308 = arith.constant 0 : i32
        %cond3A_309 = arith.cmpi ne, %convert_element_type3A_307, %cond3A_308 : i32
        scf.if %cond3A_309 {
          %dma_wait3A_320 = arith.constant 3 : i32
          %dma_wait3A_321 = arith.constant 0 : i32
          %dma_wait3A_322 = arith.constant 0 : i32
          %dma_wait3A_323 = arith.constant 0 : i32
          %dma_wait3A_324 = tpu.memref_slice %arg9[%dma_wait3A_320, %dma_wait3A_322, %dma_wait3A_323] : memref<4x64x128xf32, #tpu.memory_space<vmem>> -> memref<1x64x128xf32, #tpu.memory_space<vmem>>
          %dma_wait3A_325 = tpu.memref_squeeze %dma_wait3A_324 : memref<1x64x128xf32, #tpu.memory_space<vmem>> -> memref<64x128xf32, #tpu.memory_space<vmem>>
          %dma_wait3A_326 = arith.constant 0 : i32
          %dma_wait3A_327 = tpu.memref_slice %arg8[%dma_wait3A_321, %dma_wait3A_326] : memref<40x64xi32, #tpu.memory_space<vmem>> -> memref<1x64xi32, #tpu.memory_space<vmem>>
          %dma_wait3A_328 = tpu.memref_squeeze %dma_wait3A_327 : memref<1x64xi32, #tpu.memory_space<vmem>> -> memref<64xi32, #tpu.memory_space<vmem>>
          %dma_wait3A_329 = arith.constant 0 : i32
          %dma_wait3A_330 = arith.constant 0 : i32
          %dma_wait3A_331 = tpu.memref_slice %arg10[%dma_wait3A_329, %dma_wait3A_330] : memref<10240x128xf32, #tpu.memory_space<vmem_shared>> -> memref<10240x128xf32, #tpu.memory_space<vmem_shared>>
          tpu.wait_indirect_dma semaphore(%arg18 : memref<!tpu.dma_semaphore, #tpu.memory_space<semaphore_mem>>) src(%dma_wait3A_325 : memref<64x128xf32, #tpu.memory_space<vmem>>) dst(%dma_wait3A_331 : memref<10240x128xf32, #tpu.memory_space<vmem_shared>>)
        } else {
        }
        %dma_start3A = arith.constant 3 : i32
        %dma_start3A_310 = arith.constant 0 : i32
        %dma_start3A_311 = arith.constant 0 : i32
        %dma_start3A_312 = tpu.memref_slice %arg9[%dma_start3A, %dma_start3A_310, %dma_start3A_311] : memref<4x64x128xf32, #tpu.memory_space<vmem>> -> memref<1x64x128xf32, #tpu.memory_space<vmem>>
        %dma_start3A_313 = tpu.memref_squeeze %dma_start3A_312 : memref<1x64x128xf32, #tpu.memory_space<vmem>> -> memref<64x128xf32, #tpu.memory_space<vmem>>
        %dma_start3A_314 = arith.constant 0 : i32
        %dma_start3A_315 = tpu.memref_slice %arg7[%add3A_289, %dma_start3A_314] : memref<40x64xi32, #tpu.memory_space<vmem>> -> memref<1x64xi32, #tpu.memory_space<vmem>>
        %dma_start3A_316 = tpu.memref_squeeze %dma_start3A_315 : memref<1x64xi32, #tpu.memory_space<vmem>> -> memref<64xi32, #tpu.memory_space<vmem>>
        %dma_start3A_317 = arith.constant 0 : i32
        %dma_start3A_318 = arith.constant 0 : i32
        %dma_start3A_319 = tpu.memref_slice %arg4[%dma_start3A_317, %dma_start3A_318] : memref<10240x128xf32, #tpu.memory_space<hbm>> -> memref<10240x128xf32, #tpu.memory_space<hbm>>
        tpu.enqueue_indirect_dma source(%dma_start3A_319 : memref<10240x128xf32, #tpu.memory_space<hbm>>) target(%dma_start3A_313 : memref<64x128xf32, #tpu.memory_space<vmem>>) offsets(%dma_start3A_316 : memref<64xi32, #tpu.memory_space<vmem>>) semaphore(%arg14 : memref<!tpu.dma_semaphore, #tpu.memory_space<semaphore_mem>>)
      } else {
      }
    }
    %scan3A_184 = arith.constant 11 : i32
    %dma_wait3A_185 = arith.constant 0 : i32
    %dma_wait3A_186 = arith.constant 0 : i32
    %dma_wait3A_187 = arith.constant 0 : i32
    %dma_wait3A_188 = arith.constant 0 : i32
    %dma_wait3A_189 = tpu.memref_slice %arg9[%dma_wait3A_185, %dma_wait3A_187, %dma_wait3A_188] : memref<4x64x128xf32, #tpu.memory_space<vmem>> -> memref<1x64x128xf32, #tpu.memory_space<vmem>>
    %dma_wait3A_190 = tpu.memref_squeeze %dma_wait3A_189 : memref<1x64x128xf32, #tpu.memory_space<vmem>> -> memref<64x128xf32, #tpu.memory_space<vmem>>
    %dma_wait3A_191 = arith.constant 0 : i32
    %dma_wait3A_192 = tpu.memref_slice %arg8[%dma_wait3A_186, %dma_wait3A_191] : memref<40x64xi32, #tpu.memory_space<vmem>> -> memref<1x64xi32, #tpu.memory_space<vmem>>
    %dma_wait3A_193 = tpu.memref_squeeze %dma_wait3A_192 : memref<1x64xi32, #tpu.memory_space<vmem>> -> memref<64xi32, #tpu.memory_space<vmem>>
    %dma_wait3A_194 = arith.constant 0 : i32
    %dma_wait3A_195 = arith.constant 0 : i32
    %dma_wait3A_196 = tpu.memref_slice %arg10[%dma_wait3A_194, %dma_wait3A_195] : memref<10240x128xf32, #tpu.memory_space<vmem_shared>> -> memref<10240x128xf32, #tpu.memory_space<vmem_shared>>
    tpu.wait_indirect_dma semaphore(%arg15 : memref<!tpu.dma_semaphore, #tpu.memory_space<semaphore_mem>>) src(%dma_wait3A_190 : memref<64x128xf32, #tpu.memory_space<vmem>>) dst(%dma_wait3A_196 : memref<10240x128xf32, #tpu.memory_space<vmem_shared>>)
    %dma_wait3A_197 = arith.constant 1 : i32
    %dma_wait3A_198 = arith.constant 0 : i32
    %dma_wait3A_199 = arith.constant 0 : i32
    %dma_wait3A_200 = arith.constant 0 : i32
    %dma_wait3A_201 = tpu.memref_slice %arg9[%dma_wait3A_197, %dma_wait3A_199, %dma_wait3A_200] : memref<4x64x128xf32, #tpu.memory_space<vmem>> -> memref<1x64x128xf32, #tpu.memory_space<vmem>>
    %dma_wait3A_202 = tpu.memref_squeeze %dma_wait3A_201 : memref<1x64x128xf32, #tpu.memory_space<vmem>> -> memref<64x128xf32, #tpu.memory_space<vmem>>
    %dma_wait3A_203 = arith.constant 0 : i32
    %dma_wait3A_204 = tpu.memref_slice %arg8[%dma_wait3A_198, %dma_wait3A_203] : memref<40x64xi32, #tpu.memory_space<vmem>> -> memref<1x64xi32, #tpu.memory_space<vmem>>
    %dma_wait3A_205 = tpu.memref_squeeze %dma_wait3A_204 : memref<1x64xi32, #tpu.memory_space<vmem>> -> memref<64xi32, #tpu.memory_space<vmem>>
    %dma_wait3A_206 = arith.constant 0 : i32
    %dma_wait3A_207 = arith.constant 0 : i32
    %dma_wait3A_208 = tpu.memref_slice %arg10[%dma_wait3A_206, %dma_wait3A_207] : memref<10240x128xf32, #tpu.memory_space<vmem_shared>> -> memref<10240x128xf32, #tpu.memory_space<vmem_shared>>
    tpu.wait_indirect_dma semaphore(%arg16 : memref<!tpu.dma_semaphore, #tpu.memory_space<semaphore_mem>>) src(%dma_wait3A_202 : memref<64x128xf32, #tpu.memory_space<vmem>>) dst(%dma_wait3A_208 : memref<10240x128xf32, #tpu.memory_space<vmem_shared>>)
    %dma_wait3A_209 = arith.constant 2 : i32
    %dma_wait3A_210 = arith.constant 0 : i32
    %dma_wait3A_211 = arith.constant 0 : i32
    %dma_wait3A_212 = arith.constant 0 : i32
    %dma_wait3A_213 = tpu.memref_slice %arg9[%dma_wait3A_209, %dma_wait3A_211, %dma_wait3A_212] : memref<4x64x128xf32, #tpu.memory_space<vmem>> -> memref<1x64x128xf32, #tpu.memory_space<vmem>>
    %dma_wait3A_214 = tpu.memref_squeeze %dma_wait3A_213 : memref<1x64x128xf32, #tpu.memory_space<vmem>> -> memref<64x128xf32, #tpu.memory_space<vmem>>
    %dma_wait3A_215 = arith.constant 0 : i32
    %dma_wait3A_216 = tpu.memref_slice %arg8[%dma_wait3A_210, %dma_wait3A_215] : memref<40x64xi32, #tpu.memory_space<vmem>> -> memref<1x64xi32, #tpu.memory_space<vmem>>
    %dma_wait3A_217 = tpu.memref_squeeze %dma_wait3A_216 : memref<1x64xi32, #tpu.memory_space<vmem>> -> memref<64xi32, #tpu.memory_space<vmem>>
    %dma_wait3A_218 = arith.constant 0 : i32
    %dma_wait3A_219 = arith.constant 0 : i32
    %dma_wait3A_220 = tpu.memref_slice %arg10[%dma_wait3A_218, %dma_wait3A_219] : memref<10240x128xf32, #tpu.memory_space<vmem_shared>> -> memref<10240x128xf32, #tpu.memory_space<vmem_shared>>
    tpu.wait_indirect_dma semaphore(%arg17 : memref<!tpu.dma_semaphore, #tpu.memory_space<semaphore_mem>>) src(%dma_wait3A_214 : memref<64x128xf32, #tpu.memory_space<vmem>>) dst(%dma_wait3A_220 : memref<10240x128xf32, #tpu.memory_space<vmem_shared>>)
    %dma_wait3A_221 = arith.constant 3 : i32
    %dma_wait3A_222 = arith.constant 0 : i32
    %dma_wait3A_223 = arith.constant 0 : i32
    %dma_wait3A_224 = arith.constant 0 : i32
    %dma_wait3A_225 = tpu.memref_slice %arg9[%dma_wait3A_221, %dma_wait3A_223, %dma_wait3A_224] : memref<4x64x128xf32, #tpu.memory_space<vmem>> -> memref<1x64x128xf32, #tpu.memory_space<vmem>>
    %dma_wait3A_226 = tpu.memref_squeeze %dma_wait3A_225 : memref<1x64x128xf32, #tpu.memory_space<vmem>> -> memref<64x128xf32, #tpu.memory_space<vmem>>
    %dma_wait3A_227 = arith.constant 0 : i32
    %dma_wait3A_228 = tpu.memref_slice %arg8[%dma_wait3A_222, %dma_wait3A_227] : memref<40x64xi32, #tpu.memory_space<vmem>> -> memref<1x64xi32, #tpu.memory_space<vmem>>
    %dma_wait3A_229 = tpu.memref_squeeze %dma_wait3A_228 : memref<1x64xi32, #tpu.memory_space<vmem>> -> memref<64xi32, #tpu.memory_space<vmem>>
    %dma_wait3A_230 = arith.constant 0 : i32
    %dma_wait3A_231 = arith.constant 0 : i32
    %dma_wait3A_232 = tpu.memref_slice %arg10[%dma_wait3A_230, %dma_wait3A_231] : memref<10240x128xf32, #tpu.memory_space<vmem_shared>> -> memref<10240x128xf32, #tpu.memory_space<vmem_shared>>
    tpu.wait_indirect_dma semaphore(%arg18 : memref<!tpu.dma_semaphore, #tpu.memory_space<semaphore_mem>>) src(%dma_wait3A_226 : memref<64x128xf32, #tpu.memory_space<vmem>>) dst(%dma_wait3A_232 : memref<10240x128xf32, #tpu.memory_space<vmem_shared>>)
    %barrier3A_233 = arith.constant 0 : index
    tpu.barrier barrier_id(%barrier3A_233)
    "tpu.region"() ({
      %run_scoped3A = tpu.sem_alloc : memref<!tpu.dma_semaphore, #tpu.memory_space<semaphore_mem>>
      %dma_start3A = arith.constant 0 : i32
      %dma_start3A_234 = tpu.memref_slice %arg6[%arg0, %mul3A_2, %dma_start3A] : memref<2x10240x128xf32, #tpu.memory_space<hbm>> -> memref<1x640x128xf32, #tpu.memory_space<hbm>>
      %dma_start3A_235 = tpu.memref_squeeze %dma_start3A_234 : memref<1x640x128xf32, #tpu.memory_space<hbm>> -> memref<640x128xf32, #tpu.memory_space<hbm>>
      %dma_start3A_236 = arith.constant 0 : i32
      %dma_start3A_237 = tpu.memref_slice %arg10[%mul3A_2, %dma_start3A_236] : memref<10240x128xf32, #tpu.memory_space<vmem_shared>> -> memref<640x128xf32, #tpu.memory_space<vmem_shared>>
      tpu.enqueue_dma source(%dma_start3A_237 : memref<640x128xf32, #tpu.memory_space<vmem_shared>>) target(%dma_start3A_235 : memref<640x128xf32, #tpu.memory_space<hbm>>) target_semaphore(%run_scoped3A : memref<!tpu.dma_semaphore, #tpu.memory_space<semaphore_mem>>)
      %dma_wait3A_238 = arith.constant 0 : i32
      %dma_wait3A_239 = tpu.memref_slice %arg6[%arg0, %mul3A_2, %dma_wait3A_238] : memref<2x10240x128xf32, #tpu.memory_space<hbm>> -> memref<1x640x128xf32, #tpu.memory_space<hbm>>
      %dma_wait3A_240 = tpu.memref_squeeze %dma_wait3A_239 : memref<1x640x128xf32, #tpu.memory_space<hbm>> -> memref<640x128xf32, #tpu.memory_space<hbm>>
      %dma_wait3A_241 = arith.constant 0 : i32
      %dma_wait3A_242 = tpu.memref_slice %arg10[%mul3A_2, %dma_wait3A_241] : memref<10240x128xf32, #tpu.memory_space<vmem_shared>> -> memref<640x128xf32, #tpu.memory_space<vmem_shared>>
      tpu.wait_dma2 semaphore(%run_scoped3A : memref<!tpu.dma_semaphore, #tpu.memory_space<semaphore_mem>>) src(%dma_wait3A_242 : memref<640x128xf32, #tpu.memory_space<vmem_shared>>) dst(%dma_wait3A_240 : memref<640x128xf32, #tpu.memory_space<hbm>>)
      tpu.yield
    }) : () -> ()
    return
  }
}

#map = affine_map<(d0, d1) -> (0, 0)>
#map1 = affine_map<(d0, d1) -> (0, 0, 0)>
module attributes {stable_mosaic.version = 14 : i64} {
  func.func @_hop_kernel(%arg0: i32, %arg1: i32, %arg2: memref<5120x64xi32, #tpu.memory_space<hbm>>, %arg3: memref<5120x64xi32, #tpu.memory_space<hbm>>, %arg4: memref<10240x128xf32, #tpu.memory_space<hbm>>, %arg5: memref<640x128xf32, #tpu.memory_space<hbm>>, %arg6: memref<2x10240x128xf32, #tpu.memory_space<hbm>>, %arg7: memref<40x64xi32, #tpu.memory_space<vmem>>, %arg8: memref<40x64xi32, #tpu.memory_space<vmem>>, %arg9: memref<4x64x128xf32, #tpu.memory_space<vmem>>, %arg10: memref<10240x128xf32, #tpu.memory_space<vmem_shared>>, %arg11: memref<!tpu.dma_semaphore, #tpu.memory_space<semaphore_mem>>, %arg12: memref<!tpu.dma_semaphore, #tpu.memory_space<semaphore_mem>>, %arg13: memref<!tpu.dma_semaphore, #tpu.memory_space<semaphore_mem>>, %arg14: memref<!tpu.dma_semaphore, #tpu.memory_space<semaphore_mem>>, %arg15: memref<!tpu.dma_semaphore, #tpu.memory_space<semaphore_mem>>, %arg16: memref<!tpu.dma_semaphore, #tpu.memory_space<semaphore_mem>>, %arg17: memref<!tpu.dma_semaphore, #tpu.memory_space<semaphore_mem>>, %arg18: memref<!tpu.dma_semaphore, #tpu.memory_space<semaphore_mem>>) attributes {dimension_semantics = [#tpu.dimension_semantics<core_parallel>, #tpu.dimension_semantics<subcore_parallel>], iteration_bounds = array<i64: 2, 16>, scalar_prefetch = 0 : i64, scratch_operands = 12 : i64, tpu.core_type = #tpu.core_type<sc_vector_subcore>, window_params = [{transform_indices = #map}, {transform_indices = #map}, {transform_indices = #map}, {transform_indices = #map}, {transform_indices = #map1}]} {
    %mul3A = arith.constant 2 : i32
    %mul3A_0 = arith.muli %arg1, %mul3A : i32
    %add3A = arith.addi %mul3A_0, %arg0 : i32
    %mul3A_1 = arith.constant 640 : i32
    %mul3A_2 = arith.muli %arg1, %mul3A_1 : i32
    "tpu.region"() ({
      %run_scoped3A = tpu.sem_alloc : memref<!tpu.dma_semaphore, #tpu.memory_space<semaphore_mem>>
      %dma_start3A = arith.constant 0 : i32
      %dma_start3A_234 = tpu.memref_slice %arg10[%mul3A_2, %dma_start3A] : memref<10240x128xf32, #tpu.memory_space<vmem_shared>> -> memref<640x128xf32, #tpu.memory_space<vmem_shared>>
      tpu.enqueue_dma source(%arg5 : memref<640x128xf32, #tpu.memory_space<hbm>>) target(%dma_start3A_234 : memref<640x128xf32, #tpu.memory_space<vmem_shared>>) target_semaphore(%run_scoped3A : memref<!tpu.dma_semaphore, #tpu.memory_space<semaphore_mem>>)
      %dma_wait3A_235 = arith.constant 0 : i32
      %dma_wait3A_236 = tpu.memref_slice %arg10[%mul3A_2, %dma_wait3A_235] : memref<10240x128xf32, #tpu.memory_space<vmem_shared>> -> memref<640x128xf32, #tpu.memory_space<vmem_shared>>
      tpu.wait_dma2 semaphore(%run_scoped3A : memref<!tpu.dma_semaphore, #tpu.memory_space<semaphore_mem>>) src(%arg5 : memref<640x128xf32, #tpu.memory_space<hbm>>) dst(%dma_wait3A_236 : memref<640x128xf32, #tpu.memory_space<vmem_shared>>)
      tpu.yield
    }) : () -> ()
    %barrier3A = arith.constant 0 : index
    tpu.barrier barrier_id(%barrier3A)
    %mul3A_3 = arith.constant 160 : i32
    %mul3A_4 = arith.muli %add3A, %mul3A_3 : i32
    %add3A_5 = arith.constant 0 : i32
    %add3A_6 = arith.addi %mul3A_4, %add3A_5 : i32
    "tpu.region"() ({
      %run_scoped3A = tpu.sem_alloc : memref<!tpu.dma_semaphore, #tpu.memory_space<semaphore_mem>>
      %dma_start3A = arith.constant 0 : i32
      %dma_start3A_234 = tpu.memref_slice %arg2[%add3A_6, %dma_start3A] : memref<5120x64xi32, #tpu.memory_space<hbm>> -> memref<40x64xi32, #tpu.memory_space<hbm>>
      %dma_start3A_235 = arith.constant 0 : i32
      %dma_start3A_236 = tpu.memref_slice %arg2[%add3A_6, %dma_start3A_235] : memref<5120x64xi32, #tpu.memory_space<hbm>> -> memref<40x64xi32, #tpu.memory_space<hbm>>
      tpu.enqueue_dma source(%dma_start3A_236 : memref<40x64xi32, #tpu.memory_space<hbm>>) target(%arg7 : memref<40x64xi32, #tpu.memory_space<vmem>>) target_semaphore(%run_scoped3A : memref<!tpu.dma_semaphore, #tpu.memory_space<semaphore_mem>>)
      %dma_wait3A_237 = arith.constant 0 : i32
      %dma_wait3A_238 = tpu.memref_slice %arg2[%add3A_6, %dma_wait3A_237] : memref<5120x64xi32, #tpu.memory_space<hbm>> -> memref<40x64xi32, #tpu.memory_space<hbm>>
      %dma_wait3A_239 = arith.constant 0 : i32
      %dma_wait3A_240 = tpu.memref_slice %arg2[%add3A_6, %dma_wait3A_239] : memref<5120x64xi32, #tpu.memory_space<hbm>> -> memref<40x64xi32, #tpu.memory_space<hbm>>
      tpu.wait_dma2 semaphore(%run_scoped3A : memref<!tpu.dma_semaphore, #tpu.memory_space<semaphore_mem>>) src(%dma_wait3A_240 : memref<40x64xi32, #tpu.memory_space<hbm>>) dst(%arg7 : memref<40x64xi32, #tpu.memory_space<vmem>>)
      tpu.yield
    }) : () -> ()
    "tpu.region"() ({
      %run_scoped3A = tpu.sem_alloc : memref<!tpu.dma_semaphore, #tpu.memory_space<semaphore_mem>>
      %dma_start3A = arith.constant 0 : i32
      %dma_start3A_234 = tpu.memref_slice %arg3[%add3A_6, %dma_start3A] : memref<5120x64xi32, #tpu.memory_space<hbm>> -> memref<40x64xi32, #tpu.memory_space<hbm>>
      %dma_start3A_235 = arith.constant 0 : i32
      %dma_start3A_236 = tpu.memref_slice %arg3[%add3A_6, %dma_start3A_235] : memref<5120x64xi32, #tpu.memory_space<hbm>> -> memref<40x64xi32, #tpu.memory_space<hbm>>
      tpu.enqueue_dma source(%dma_start3A_236 : memref<40x64xi32, #tpu.memory_space<hbm>>) target(%arg8 : memref<40x64xi32, #tpu.memory_space<vmem>>) target_semaphore(%run_scoped3A : memref<!tpu.dma_semaphore, #tpu.memory_space<semaphore_mem>>)
      %dma_wait3A_237 = arith.constant 0 : i32
      %dma_wait3A_238 = tpu.memref_slice %arg3[%add3A_6, %dma_wait3A_237] : memref<5120x64xi32, #tpu.memory_space<hbm>> -> memref<40x64xi32, #tpu.memory_space<hbm>>
      %dma_wait3A_239 = arith.constant 0 : i32
      %dma_wait3A_240 = tpu.memref_slice %arg3[%add3A_6, %dma_wait3A_239] : memref<5120x64xi32, #tpu.memory_space<hbm>> -> memref<40x64xi32, #tpu.memory_space<hbm>>
      tpu.wait_dma2 semaphore(%run_scoped3A : memref<!tpu.dma_semaphore, #tpu.memory_space<semaphore_mem>>) src(%dma_wait3A_240 : memref<40x64xi32, #tpu.memory_space<hbm>>) dst(%arg8 : memref<40x64xi32, #tpu.memory_space<vmem>>)
      tpu.yield
    }) : () -> ()
    %scan3A = arith.constant 0 : i32
    %scan3A_7 = arith.constant 0 : i32
    %scan3A_8 = arith.constant 11 : i32
    %scan3A_9 = arith.addi %scan3A_7, %scan3A_8 : i32
    %scan3A_10 = arith.constant 1 : i32
    scf.for %scan3A_234 = %scan3A_7 to %scan3A_9 step %scan3A_10  : i32 {
      %mul3A_235 = arith.constant 4 : i32
      %mul3A_236 = arith.muli %scan3A_234, %mul3A_235 : i32
      %add3A_237 = arith.constant 0 : i32
      %add3A_238 = arith.addi %mul3A_236, %add3A_237 : i32
      %sub3A = arith.constant 3 : i32
      %sub3A_239 = arith.subi %add3A_238, %sub3A : i32
      %ge3A = arith.constant 0 : i32
      %ge3A_240 = arith.cmpi sge, %sub3A_239, %ge3A : i32
      %lt3A = arith.constant 40 : i32
      %lt3A_241 = arith.cmpi slt, %sub3A_239, %lt3A : i32
      %and3A = arith.andi %ge3A_240, %lt3A_241 : i1
      %convert_element_type3A = arith.extui %and3A : i1 to i32
      %cond3A = arith.constant 0 : i32
      %cond3A_242 = arith.cmpi ne, %convert_element_type3A, %cond3A : i32
      scf.if %cond3A_242 {
        %dma_wait3A_305 = arith.constant 0 : i32
        %dma_wait3A_306 = arith.constant 1 : i32
        %dma_wait3A_307 = arith.constant 0 : i32
        %dma_wait3A_308 = arith.constant 0 : i32
        %dma_wait3A_309 = tpu.memref_slice %arg9[%dma_wait3A_306, %dma_wait3A_307, %dma_wait3A_308] : memref<4x64x128xf32, #tpu.memory_space<vmem>> -> memref<1x64x128xf32, #tpu.memory_space<vmem>>
        %dma_wait3A_310 = tpu.memref_squeeze %dma_wait3A_309 : memref<1x64x128xf32, #tpu.memory_space<vmem>> -> memref<64x128xf32, #tpu.memory_space<vmem>>
        %dma_wait3A_311 = arith.constant 0 : i32
        %dma_wait3A_312 = tpu.memref_slice %arg7[%dma_wait3A_305, %dma_wait3A_311] : memref<40x64xi32, #tpu.memory_space<vmem>> -> memref<1x64xi32, #tpu.memory_space<vmem>>
        %dma_wait3A_313 = tpu.memref_squeeze %dma_wait3A_312 : memref<1x64xi32, #tpu.memory_space<vmem>> -> memref<64xi32, #tpu.memory_space<vmem>>
        %dma_wait3A_314 = arith.constant 0 : i32
        %dma_wait3A_315 = arith.constant 0 : i32
        %dma_wait3A_316 = tpu.memref_slice %arg4[%dma_wait3A_314, %dma_wait3A_315] : memref<10240x128xf32, #tpu.memory_space<hbm>> -> memref<10240x128xf32, #tpu.memory_space<hbm>>
        tpu.wait_indirect_dma semaphore(%arg12 : memref<!tpu.dma_semaphore, #tpu.memory_space<semaphore_mem>>) src(%dma_wait3A_316 : memref<10240x128xf32, #tpu.memory_space<hbm>>) dst(%dma_wait3A_310 : memref<64x128xf32, #tpu.memory_space<vmem>>)
        %dma_start3A = arith.constant 1 : i32
        %dma_start3A_317 = arith.constant 0 : i32
        %dma_start3A_318 = arith.constant 0 : i32
        %dma_start3A_319 = tpu.memref_slice %arg9[%dma_start3A, %dma_start3A_317, %dma_start3A_318] : memref<4x64x128xf32, #tpu.memory_space<vmem>> -> memref<1x64x128xf32, #tpu.memory_space<vmem>>
        %dma_start3A_320 = tpu.memref_squeeze %dma_start3A_319 : memref<1x64x128xf32, #tpu.memory_space<vmem>> -> memref<64x128xf32, #tpu.memory_space<vmem>>
        %dma_start3A_321 = arith.constant 0 : i32
        %dma_start3A_322 = tpu.memref_slice %arg8[%sub3A_239, %dma_start3A_321] : memref<40x64xi32, #tpu.memory_space<vmem>> -> memref<1x64xi32, #tpu.memory_space<vmem>>
        %dma_start3A_323 = tpu.memref_squeeze %dma_start3A_322 : memref<1x64xi32, #tpu.memory_space<vmem>> -> memref<64xi32, #tpu.memory_space<vmem>>
        %dma_start3A_324 = arith.constant 0 : i32
        %dma_start3A_325 = arith.constant 0 : i32
        %dma_start3A_326 = tpu.memref_slice %arg10[%dma_start3A_324, %dma_start3A_325] : memref<10240x128xf32, #tpu.memory_space<vmem_shared>> -> memref<10240x128xf32, #tpu.memory_space<vmem_shared>>
        tpu.enqueue_indirect_dma source(%dma_start3A_320 : memref<64x128xf32, #tpu.memory_space<vmem>>) target(%dma_start3A_326 : memref<10240x128xf32, #tpu.memory_space<vmem_shared>>) offsets(%dma_start3A_323 : memref<64xi32, #tpu.memory_space<vmem>>) semaphore(%arg16 : memref<!tpu.dma_semaphore, #tpu.memory_space<semaphore_mem>>) {add = true}
      } else {
      }
      %lt3A_243 = arith.constant 40 : i32
      %lt3A_244 = arith.cmpi slt, %add3A_238, %lt3A_243 : i32
      %convert_element_type3A_245 = arith.extui %lt3A_244 : i1 to i32
      %cond3A_246 = arith.constant 0 : i32
      %cond3A_247 = arith.cmpi ne, %convert_element_type3A_245, %cond3A_246 : i32
      scf.if %cond3A_247 {
        %ge3A_305 = arith.constant 4 : i32
        %ge3A_306 = arith.cmpi sge, %add3A_238, %ge3A_305 : i32
        %convert_element_type3A_307 = arith.extui %ge3A_306 : i1 to i32
        %cond3A_308 = arith.constant 0 : i32
        %cond3A_309 = arith.cmpi ne, %convert_element_type3A_307, %cond3A_308 : i32
        scf.if %cond3A_309 {
          %dma_wait3A_320 = arith.constant 0 : i32
          %dma_wait3A_321 = arith.constant 0 : i32
          %dma_wait3A_322 = arith.constant 0 : i32
          %dma_wait3A_323 = arith.constant 0 : i32
          %dma_wait3A_324 = tpu.memref_slice %arg9[%dma_wait3A_320, %dma_wait3A_322, %dma_wait3A_323] : memref<4x64x128xf32, #tpu.memory_space<vmem>> -> memref<1x64x128xf32, #tpu.memory_space<vmem>>
          %dma_wait3A_325 = tpu.memref_squeeze %dma_wait3A_324 : memref<1x64x128xf32, #tpu.memory_space<vmem>> -> memref<64x128xf32, #tpu.memory_space<vmem>>
          %dma_wait3A_326 = arith.constant 0 : i32
          %dma_wait3A_327 = tpu.memref_slice %arg8[%dma_wait3A_321, %dma_wait3A_326] : memref<40x64xi32, #tpu.memory_space<vmem>> -> memref<1x64xi32, #tpu.memory_space<vmem>>
          %dma_wait3A_328 = tpu.memref_squeeze %dma_wait3A_327 : memref<1x64xi32, #tpu.memory_space<vmem>> -> memref<64xi32, #tpu.memory_space<vmem>>
          %dma_wait3A_329 = arith.constant 0 : i32
          %dma_wait3A_330 = arith.constant 0 : i32
          %dma_wait3A_331 = tpu.memref_slice %arg10[%dma_wait3A_329, %dma_wait3A_330] : memref<10240x128xf32, #tpu.memory_space<vmem_shared>> -> memref<10240x128xf32, #tpu.memory_space<vmem_shared>>
          tpu.wait_indirect_dma semaphore(%arg15 : memref<!tpu.dma_semaphore, #tpu.memory_space<semaphore_mem>>) src(%dma_wait3A_325 : memref<64x128xf32, #tpu.memory_space<vmem>>) dst(%dma_wait3A_331 : memref<10240x128xf32, #tpu.memory_space<vmem_shared>>)
        } else {
        }
        %dma_start3A = arith.constant 0 : i32
        %dma_start3A_310 = arith.constant 0 : i32
        %dma_start3A_311 = arith.constant 0 : i32
        %dma_start3A_312 = tpu.memref_slice %arg9[%dma_start3A, %dma_start3A_310, %dma_start3A_311] : memref<4x64x128xf32, #tpu.memory_space<vmem>> -> memref<1x64x128xf32, #tpu.memory_space<vmem>>
        %dma_start3A_313 = tpu.memref_squeeze %dma_start3A_312 : memref<1x64x128xf32, #tpu.memory_space<vmem>> -> memref<64x128xf32, #tpu.memory_space<vmem>>
        %dma_start3A_314 = arith.constant 0 : i32
        %dma_start3A_315 = tpu.memref_slice %arg7[%add3A_238, %dma_start3A_314] : memref<40x64xi32, #tpu.memory_space<vmem>> -> memref<1x64xi32, #tpu.memory_space<vmem>>
        %dma_start3A_316 = tpu.memref_squeeze %dma_start3A_315 : memref<1x64xi32, #tpu.memory_space<vmem>> -> memref<64xi32, #tpu.memory_space<vmem>>
        %dma_start3A_317 = arith.constant 0 : i32
        %dma_start3A_318 = arith.constant 0 : i32
        %dma_start3A_319 = tpu.memref_slice %arg4[%dma_start3A_317, %dma_start3A_318] : memref<10240x128xf32, #tpu.memory_space<hbm>> -> memref<10240x128xf32, #tpu.memory_space<hbm>>
        tpu.enqueue_indirect_dma source(%dma_start3A_319 : memref<10240x128xf32, #tpu.memory_space<hbm>>) target(%dma_start3A_313 : memref<64x128xf32, #tpu.memory_space<vmem>>) offsets(%dma_start3A_316 : memref<64xi32, #tpu.memory_space<vmem>>) semaphore(%arg11 : memref<!tpu.dma_semaphore, #tpu.memory_space<semaphore_mem>>)
      } else {
      }
      %mul3A_248 = arith.constant 4 : i32
      %mul3A_249 = arith.muli %scan3A_234, %mul3A_248 : i32
      %add3A_250 = arith.constant 1 : i32
      %add3A_251 = arith.addi %mul3A_249, %add3A_250 : i32
      %sub3A_252 = arith.constant 3 : i32
      %sub3A_253 = arith.subi %add3A_251, %sub3A_252 : i32
      %ge3A_254 = arith.constant 0 : i32
      %ge3A_255 = arith.cmpi sge, %sub3A_253, %ge3A_254 : i32
      %lt3A_256 = arith.constant 40 : i32
      %lt3A_257 = arith.cmpi slt, %sub3A_253, %lt3A_256 : i32
      %and3A_258 = arith.andi %ge3A_255, %lt3A_257 : i1
      %convert_element_type3A_259 = arith.extui %and3A_258 : i1 to i32
      %cond3A_260 = arith.constant 0 : i32
      %cond3A_261 = arith.cmpi ne, %convert_element_type3A_259, %cond3A_260 : i32
      scf.if %cond3A_261 {
        %dma_wait3A_305 = arith.constant 0 : i32
        %dma_wait3A_306 = arith.constant 2 : i32
        %dma_wait3A_307 = arith.constant 0 : i32
        %dma_wait3A_308 = arith.constant 0 : i32
        %dma_wait3A_309 = tpu.memref_slice %arg9[%dma_wait3A_306, %dma_wait3A_307, %dma_wait3A_308] : memref<4x64x128xf32, #tpu.memory_space<vmem>> -> memref<1x64x128xf32, #tpu.memory_space<vmem>>
        %dma_wait3A_310 = tpu.memref_squeeze %dma_wait3A_309 : memref<1x64x128xf32, #tpu.memory_space<vmem>> -> memref<64x128xf32, #tpu.memory_space<vmem>>
        %dma_wait3A_311 = arith.constant 0 : i32
        %dma_wait3A_312 = tpu.memref_slice %arg7[%dma_wait3A_305, %dma_wait3A_311] : memref<40x64xi32, #tpu.memory_space<vmem>> -> memref<1x64xi32, #tpu.memory_space<vmem>>
        %dma_wait3A_313 = tpu.memref_squeeze %dma_wait3A_312 : memref<1x64xi32, #tpu.memory_space<vmem>> -> memref<64xi32, #tpu.memory_space<vmem>>
        %dma_wait3A_314 = arith.constant 0 : i32
        %dma_wait3A_315 = arith.constant 0 : i32
        %dma_wait3A_316 = tpu.memref_slice %arg4[%dma_wait3A_314, %dma_wait3A_315] : memref<10240x128xf32, #tpu.memory_space<hbm>> -> memref<10240x128xf32, #tpu.memory_space<hbm>>
        tpu.wait_indirect_dma semaphore(%arg13 : memref<!tpu.dma_semaphore, #tpu.memory_space<semaphore_mem>>) src(%dma_wait3A_316 : memref<10240x128xf32, #tpu.memory_space<hbm>>) dst(%dma_wait3A_310 : memref<64x128xf32, #tpu.memory_space<vmem>>)
        %dma_start3A = arith.constant 2 : i32
        %dma_start3A_317 = arith.constant 0 : i32
        %dma_start3A_318 = arith.constant 0 : i32
        %dma_start3A_319 = tpu.memref_slice %arg9[%dma_start3A, %dma_start3A_317, %dma_start3A_318] : memref<4x64x128xf32, #tpu.memory_space<vmem>> -> memref<1x64x128xf32, #tpu.memory_space<vmem>>
        %dma_start3A_320 = tpu.memref_squeeze %dma_start3A_319 : memref<1x64x128xf32, #tpu.memory_space<vmem>> -> memref<64x128xf32, #tpu.memory_space<vmem>>
        %dma_start3A_321 = arith.constant 0 : i32
        %dma_start3A_322 = tpu.memref_slice %arg8[%sub3A_253, %dma_start3A_321] : memref<40x64xi32, #tpu.memory_space<vmem>> -> memref<1x64xi32, #tpu.memory_space<vmem>>
        %dma_start3A_323 = tpu.memref_squeeze %dma_start3A_322 : memref<1x64xi32, #tpu.memory_space<vmem>> -> memref<64xi32, #tpu.memory_space<vmem>>
        %dma_start3A_324 = arith.constant 0 : i32
        %dma_start3A_325 = arith.constant 0 : i32
        %dma_start3A_326 = tpu.memref_slice %arg10[%dma_start3A_324, %dma_start3A_325] : memref<10240x128xf32, #tpu.memory_space<vmem_shared>> -> memref<10240x128xf32, #tpu.memory_space<vmem_shared>>
        tpu.enqueue_indirect_dma source(%dma_start3A_320 : memref<64x128xf32, #tpu.memory_space<vmem>>) target(%dma_start3A_326 : memref<10240x128xf32, #tpu.memory_space<vmem_shared>>) offsets(%dma_start3A_323 : memref<64xi32, #tpu.memory_space<vmem>>) semaphore(%arg17 : memref<!tpu.dma_semaphore, #tpu.memory_space<semaphore_mem>>) {add = true}
      } else {
      }
      %lt3A_262 = arith.constant 40 : i32
      %lt3A_263 = arith.cmpi slt, %add3A_251, %lt3A_262 : i32
      %convert_element_type3A_264 = arith.extui %lt3A_263 : i1 to i32
      %cond3A_265 = arith.constant 0 : i32
      %cond3A_266 = arith.cmpi ne, %convert_element_type3A_264, %cond3A_265 : i32
      scf.if %cond3A_266 {
        %ge3A_305 = arith.constant 4 : i32
        %ge3A_306 = arith.cmpi sge, %add3A_251, %ge3A_305 : i32
        %convert_element_type3A_307 = arith.extui %ge3A_306 : i1 to i32
        %cond3A_308 = arith.constant 0 : i32
        %cond3A_309 = arith.cmpi ne, %convert_element_type3A_307, %cond3A_308 : i32
        scf.if %cond3A_309 {
          %dma_wait3A_320 = arith.constant 1 : i32
          %dma_wait3A_321 = arith.constant 0 : i32
          %dma_wait3A_322 = arith.constant 0 : i32
          %dma_wait3A_323 = arith.constant 0 : i32
          %dma_wait3A_324 = tpu.memref_slice %arg9[%dma_wait3A_320, %dma_wait3A_322, %dma_wait3A_323] : memref<4x64x128xf32, #tpu.memory_space<vmem>> -> memref<1x64x128xf32, #tpu.memory_space<vmem>>
          %dma_wait3A_325 = tpu.memref_squeeze %dma_wait3A_324 : memref<1x64x128xf32, #tpu.memory_space<vmem>> -> memref<64x128xf32, #tpu.memory_space<vmem>>
          %dma_wait3A_326 = arith.constant 0 : i32
          %dma_wait3A_327 = tpu.memref_slice %arg8[%dma_wait3A_321, %dma_wait3A_326] : memref<40x64xi32, #tpu.memory_space<vmem>> -> memref<1x64xi32, #tpu.memory_space<vmem>>
          %dma_wait3A_328 = tpu.memref_squeeze %dma_wait3A_327 : memref<1x64xi32, #tpu.memory_space<vmem>> -> memref<64xi32, #tpu.memory_space<vmem>>
          %dma_wait3A_329 = arith.constant 0 : i32
          %dma_wait3A_330 = arith.constant 0 : i32
          %dma_wait3A_331 = tpu.memref_slice %arg10[%dma_wait3A_329, %dma_wait3A_330] : memref<10240x128xf32, #tpu.memory_space<vmem_shared>> -> memref<10240x128xf32, #tpu.memory_space<vmem_shared>>
          tpu.wait_indirect_dma semaphore(%arg16 : memref<!tpu.dma_semaphore, #tpu.memory_space<semaphore_mem>>) src(%dma_wait3A_325 : memref<64x128xf32, #tpu.memory_space<vmem>>) dst(%dma_wait3A_331 : memref<10240x128xf32, #tpu.memory_space<vmem_shared>>)
        } else {
        }
        %dma_start3A = arith.constant 1 : i32
        %dma_start3A_310 = arith.constant 0 : i32
        %dma_start3A_311 = arith.constant 0 : i32
        %dma_start3A_312 = tpu.memref_slice %arg9[%dma_start3A, %dma_start3A_310, %dma_start3A_311] : memref<4x64x128xf32, #tpu.memory_space<vmem>> -> memref<1x64x128xf32, #tpu.memory_space<vmem>>
        %dma_start3A_313 = tpu.memref_squeeze %dma_start3A_312 : memref<1x64x128xf32, #tpu.memory_space<vmem>> -> memref<64x128xf32, #tpu.memory_space<vmem>>
        %dma_start3A_314 = arith.constant 0 : i32
        %dma_start3A_315 = tpu.memref_slice %arg7[%add3A_251, %dma_start3A_314] : memref<40x64xi32, #tpu.memory_space<vmem>> -> memref<1x64xi32, #tpu.memory_space<vmem>>
        %dma_start3A_316 = tpu.memref_squeeze %dma_start3A_315 : memref<1x64xi32, #tpu.memory_space<vmem>> -> memref<64xi32, #tpu.memory_space<vmem>>
        %dma_start3A_317 = arith.constant 0 : i32
        %dma_start3A_318 = arith.constant 0 : i32
        %dma_start3A_319 = tpu.memref_slice %arg4[%dma_start3A_317, %dma_start3A_318] : memref<10240x128xf32, #tpu.memory_space<hbm>> -> memref<10240x128xf32, #tpu.memory_space<hbm>>
        tpu.enqueue_indirect_dma source(%dma_start3A_319 : memref<10240x128xf32, #tpu.memory_space<hbm>>) target(%dma_start3A_313 : memref<64x128xf32, #tpu.memory_space<vmem>>) offsets(%dma_start3A_316 : memref<64xi32, #tpu.memory_space<vmem>>) semaphore(%arg12 : memref<!tpu.dma_semaphore, #tpu.memory_space<semaphore_mem>>)
      } else {
      }
      %mul3A_267 = arith.constant 4 : i32
      %mul3A_268 = arith.muli %scan3A_234, %mul3A_267 : i32
      %add3A_269 = arith.constant 2 : i32
      %add3A_270 = arith.addi %mul3A_268, %add3A_269 : i32
      %sub3A_271 = arith.constant 3 : i32
      %sub3A_272 = arith.subi %add3A_270, %sub3A_271 : i32
      %ge3A_273 = arith.constant 0 : i32
      %ge3A_274 = arith.cmpi sge, %sub3A_272, %ge3A_273 : i32
      %lt3A_275 = arith.constant 40 : i32
      %lt3A_276 = arith.cmpi slt, %sub3A_272, %lt3A_275 : i32
      %and3A_277 = arith.andi %ge3A_274, %lt3A_276 : i1
      %convert_element_type3A_278 = arith.extui %and3A_277 : i1 to i32
      %cond3A_279 = arith.constant 0 : i32
      %cond3A_280 = arith.cmpi ne, %convert_element_type3A_278, %cond3A_279 : i32
      scf.if %cond3A_280 {
        %dma_wait3A_305 = arith.constant 0 : i32
        %dma_wait3A_306 = arith.constant 3 : i32
        %dma_wait3A_307 = arith.constant 0 : i32
        %dma_wait3A_308 = arith.constant 0 : i32
        %dma_wait3A_309 = tpu.memref_slice %arg9[%dma_wait3A_306, %dma_wait3A_307, %dma_wait3A_308] : memref<4x64x128xf32, #tpu.memory_space<vmem>> -> memref<1x64x128xf32, #tpu.memory_space<vmem>>
        %dma_wait3A_310 = tpu.memref_squeeze %dma_wait3A_309 : memref<1x64x128xf32, #tpu.memory_space<vmem>> -> memref<64x128xf32, #tpu.memory_space<vmem>>
        %dma_wait3A_311 = arith.constant 0 : i32
        %dma_wait3A_312 = tpu.memref_slice %arg7[%dma_wait3A_305, %dma_wait3A_311] : memref<40x64xi32, #tpu.memory_space<vmem>> -> memref<1x64xi32, #tpu.memory_space<vmem>>
        %dma_wait3A_313 = tpu.memref_squeeze %dma_wait3A_312 : memref<1x64xi32, #tpu.memory_space<vmem>> -> memref<64xi32, #tpu.memory_space<vmem>>
        %dma_wait3A_314 = arith.constant 0 : i32
        %dma_wait3A_315 = arith.constant 0 : i32
        %dma_wait3A_316 = tpu.memref_slice %arg4[%dma_wait3A_314, %dma_wait3A_315] : memref<10240x128xf32, #tpu.memory_space<hbm>> -> memref<10240x128xf32, #tpu.memory_space<hbm>>
        tpu.wait_indirect_dma semaphore(%arg14 : memref<!tpu.dma_semaphore, #tpu.memory_space<semaphore_mem>>) src(%dma_wait3A_316 : memref<10240x128xf32, #tpu.memory_space<hbm>>) dst(%dma_wait3A_310 : memref<64x128xf32, #tpu.memory_space<vmem>>)
        %dma_start3A = arith.constant 3 : i32
        %dma_start3A_317 = arith.constant 0 : i32
        %dma_start3A_318 = arith.constant 0 : i32
        %dma_start3A_319 = tpu.memref_slice %arg9[%dma_start3A, %dma_start3A_317, %dma_start3A_318] : memref<4x64x128xf32, #tpu.memory_space<vmem>> -> memref<1x64x128xf32, #tpu.memory_space<vmem>>
        %dma_start3A_320 = tpu.memref_squeeze %dma_start3A_319 : memref<1x64x128xf32, #tpu.memory_space<vmem>> -> memref<64x128xf32, #tpu.memory_space<vmem>>
        %dma_start3A_321 = arith.constant 0 : i32
        %dma_start3A_322 = tpu.memref_slice %arg8[%sub3A_272, %dma_start3A_321] : memref<40x64xi32, #tpu.memory_space<vmem>> -> memref<1x64xi32, #tpu.memory_space<vmem>>
        %dma_start3A_323 = tpu.memref_squeeze %dma_start3A_322 : memref<1x64xi32, #tpu.memory_space<vmem>> -> memref<64xi32, #tpu.memory_space<vmem>>
        %dma_start3A_324 = arith.constant 0 : i32
        %dma_start3A_325 = arith.constant 0 : i32
        %dma_start3A_326 = tpu.memref_slice %arg10[%dma_start3A_324, %dma_start3A_325] : memref<10240x128xf32, #tpu.memory_space<vmem_shared>> -> memref<10240x128xf32, #tpu.memory_space<vmem_shared>>
        tpu.enqueue_indirect_dma source(%dma_start3A_320 : memref<64x128xf32, #tpu.memory_space<vmem>>) target(%dma_start3A_326 : memref<10240x128xf32, #tpu.memory_space<vmem_shared>>) offsets(%dma_start3A_323 : memref<64xi32, #tpu.memory_space<vmem>>) semaphore(%arg18 : memref<!tpu.dma_semaphore, #tpu.memory_space<semaphore_mem>>) {add = true}
      } else {
      }
      %lt3A_281 = arith.constant 40 : i32
      %lt3A_282 = arith.cmpi slt, %add3A_270, %lt3A_281 : i32
      %convert_element_type3A_283 = arith.extui %lt3A_282 : i1 to i32
      %cond3A_284 = arith.constant 0 : i32
      %cond3A_285 = arith.cmpi ne, %convert_element_type3A_283, %cond3A_284 : i32
      scf.if %cond3A_285 {
        %ge3A_305 = arith.constant 4 : i32
        %ge3A_306 = arith.cmpi sge, %add3A_270, %ge3A_305 : i32
        %convert_element_type3A_307 = arith.extui %ge3A_306 : i1 to i32
        %cond3A_308 = arith.constant 0 : i32
        %cond3A_309 = arith.cmpi ne, %convert_element_type3A_307, %cond3A_308 : i32
        scf.if %cond3A_309 {
          %dma_wait3A_320 = arith.constant 2 : i32
          %dma_wait3A_321 = arith.constant 0 : i32
          %dma_wait3A_322 = arith.constant 0 : i32
          %dma_wait3A_323 = arith.constant 0 : i32
          %dma_wait3A_324 = tpu.memref_slice %arg9[%dma_wait3A_320, %dma_wait3A_322, %dma_wait3A_323] : memref<4x64x128xf32, #tpu.memory_space<vmem>> -> memref<1x64x128xf32, #tpu.memory_space<vmem>>
          %dma_wait3A_325 = tpu.memref_squeeze %dma_wait3A_324 : memref<1x64x128xf32, #tpu.memory_space<vmem>> -> memref<64x128xf32, #tpu.memory_space<vmem>>
          %dma_wait3A_326 = arith.constant 0 : i32
          %dma_wait3A_327 = tpu.memref_slice %arg8[%dma_wait3A_321, %dma_wait3A_326] : memref<40x64xi32, #tpu.memory_space<vmem>> -> memref<1x64xi32, #tpu.memory_space<vmem>>
          %dma_wait3A_328 = tpu.memref_squeeze %dma_wait3A_327 : memref<1x64xi32, #tpu.memory_space<vmem>> -> memref<64xi32, #tpu.memory_space<vmem>>
          %dma_wait3A_329 = arith.constant 0 : i32
          %dma_wait3A_330 = arith.constant 0 : i32
          %dma_wait3A_331 = tpu.memref_slice %arg10[%dma_wait3A_329, %dma_wait3A_330] : memref<10240x128xf32, #tpu.memory_space<vmem_shared>> -> memref<10240x128xf32, #tpu.memory_space<vmem_shared>>
          tpu.wait_indirect_dma semaphore(%arg17 : memref<!tpu.dma_semaphore, #tpu.memory_space<semaphore_mem>>) src(%dma_wait3A_325 : memref<64x128xf32, #tpu.memory_space<vmem>>) dst(%dma_wait3A_331 : memref<10240x128xf32, #tpu.memory_space<vmem_shared>>)
        } else {
        }
        %dma_start3A = arith.constant 2 : i32
        %dma_start3A_310 = arith.constant 0 : i32
        %dma_start3A_311 = arith.constant 0 : i32
        %dma_start3A_312 = tpu.memref_slice %arg9[%dma_start3A, %dma_start3A_310, %dma_start3A_311] : memref<4x64x128xf32, #tpu.memory_space<vmem>> -> memref<1x64x128xf32, #tpu.memory_space<vmem>>
        %dma_start3A_313 = tpu.memref_squeeze %dma_start3A_312 : memref<1x64x128xf32, #tpu.memory_space<vmem>> -> memref<64x128xf32, #tpu.memory_space<vmem>>
        %dma_start3A_314 = arith.constant 0 : i32
        %dma_start3A_315 = tpu.memref_slice %arg7[%add3A_270, %dma_start3A_314] : memref<40x64xi32, #tpu.memory_space<vmem>> -> memref<1x64xi32, #tpu.memory_space<vmem>>
        %dma_start3A_316 = tpu.memref_squeeze %dma_start3A_315 : memref<1x64xi32, #tpu.memory_space<vmem>> -> memref<64xi32, #tpu.memory_space<vmem>>
        %dma_start3A_317 = arith.constant 0 : i32
        %dma_start3A_318 = arith.constant 0 : i32
        %dma_start3A_319 = tpu.memref_slice %arg4[%dma_start3A_317, %dma_start3A_318] : memref<10240x128xf32, #tpu.memory_space<hbm>> -> memref<10240x128xf32, #tpu.memory_space<hbm>>
        tpu.enqueue_indirect_dma source(%dma_start3A_319 : memref<10240x128xf32, #tpu.memory_space<hbm>>) target(%dma_start3A_313 : memref<64x128xf32, #tpu.memory_space<vmem>>) offsets(%dma_start3A_316 : memref<64xi32, #tpu.memory_space<vmem>>) semaphore(%arg13 : memref<!tpu.dma_semaphore, #tpu.memory_space<semaphore_mem>>)
      } else {
      }
      %mul3A_286 = arith.constant 4 : i32
      %mul3A_287 = arith.muli %scan3A_234, %mul3A_286 : i32
      %add3A_288 = arith.constant 3 : i32
      %add3A_289 = arith.addi %mul3A_287, %add3A_288 : i32
      %sub3A_290 = arith.constant 3 : i32
      %sub3A_291 = arith.subi %add3A_289, %sub3A_290 : i32
      %ge3A_292 = arith.constant 0 : i32
      %ge3A_293 = arith.cmpi sge, %sub3A_291, %ge3A_292 : i32
      %lt3A_294 = arith.constant 40 : i32
      %lt3A_295 = arith.cmpi slt, %sub3A_291, %lt3A_294 : i32
      %and3A_296 = arith.andi %ge3A_293, %lt3A_295 : i1
      %convert_element_type3A_297 = arith.extui %and3A_296 : i1 to i32
      %cond3A_298 = arith.constant 0 : i32
      %cond3A_299 = arith.cmpi ne, %convert_element_type3A_297, %cond3A_298 : i32
      scf.if %cond3A_299 {
        %dma_wait3A_305 = arith.constant 0 : i32
        %dma_wait3A_306 = arith.constant 0 : i32
        %dma_wait3A_307 = arith.constant 0 : i32
        %dma_wait3A_308 = arith.constant 0 : i32
        %dma_wait3A_309 = tpu.memref_slice %arg9[%dma_wait3A_306, %dma_wait3A_307, %dma_wait3A_308] : memref<4x64x128xf32, #tpu.memory_space<vmem>> -> memref<1x64x128xf32, #tpu.memory_space<vmem>>
        %dma_wait3A_310 = tpu.memref_squeeze %dma_wait3A_309 : memref<1x64x128xf32, #tpu.memory_space<vmem>> -> memref<64x128xf32, #tpu.memory_space<vmem>>
        %dma_wait3A_311 = arith.constant 0 : i32
        %dma_wait3A_312 = tpu.memref_slice %arg7[%dma_wait3A_305, %dma_wait3A_311] : memref<40x64xi32, #tpu.memory_space<vmem>> -> memref<1x64xi32, #tpu.memory_space<vmem>>
        %dma_wait3A_313 = tpu.memref_squeeze %dma_wait3A_312 : memref<1x64xi32, #tpu.memory_space<vmem>> -> memref<64xi32, #tpu.memory_space<vmem>>
        %dma_wait3A_314 = arith.constant 0 : i32
        %dma_wait3A_315 = arith.constant 0 : i32
        %dma_wait3A_316 = tpu.memref_slice %arg4[%dma_wait3A_314, %dma_wait3A_315] : memref<10240x128xf32, #tpu.memory_space<hbm>> -> memref<10240x128xf32, #tpu.memory_space<hbm>>
        tpu.wait_indirect_dma semaphore(%arg11 : memref<!tpu.dma_semaphore, #tpu.memory_space<semaphore_mem>>) src(%dma_wait3A_316 : memref<10240x128xf32, #tpu.memory_space<hbm>>) dst(%dma_wait3A_310 : memref<64x128xf32, #tpu.memory_space<vmem>>)
        %dma_start3A = arith.constant 0 : i32
        %dma_start3A_317 = arith.constant 0 : i32
        %dma_start3A_318 = arith.constant 0 : i32
        %dma_start3A_319 = tpu.memref_slice %arg9[%dma_start3A, %dma_start3A_317, %dma_start3A_318] : memref<4x64x128xf32, #tpu.memory_space<vmem>> -> memref<1x64x128xf32, #tpu.memory_space<vmem>>
        %dma_start3A_320 = tpu.memref_squeeze %dma_start3A_319 : memref<1x64x128xf32, #tpu.memory_space<vmem>> -> memref<64x128xf32, #tpu.memory_space<vmem>>
        %dma_start3A_321 = arith.constant 0 : i32
        %dma_start3A_322 = tpu.memref_slice %arg8[%sub3A_291, %dma_start3A_321] : memref<40x64xi32, #tpu.memory_space<vmem>> -> memref<1x64xi32, #tpu.memory_space<vmem>>
        %dma_start3A_323 = tpu.memref_squeeze %dma_start3A_322 : memref<1x64xi32, #tpu.memory_space<vmem>> -> memref<64xi32, #tpu.memory_space<vmem>>
        %dma_start3A_324 = arith.constant 0 : i32
        %dma_start3A_325 = arith.constant 0 : i32
        %dma_start3A_326 = tpu.memref_slice %arg10[%dma_start3A_324, %dma_start3A_325] : memref<10240x128xf32, #tpu.memory_space<vmem_shared>> -> memref<10240x128xf32, #tpu.memory_space<vmem_shared>>
        tpu.enqueue_indirect_dma source(%dma_start3A_320 : memref<64x128xf32, #tpu.memory_space<vmem>>) target(%dma_start3A_326 : memref<10240x128xf32, #tpu.memory_space<vmem_shared>>) offsets(%dma_start3A_323 : memref<64xi32, #tpu.memory_space<vmem>>) semaphore(%arg15 : memref<!tpu.dma_semaphore, #tpu.memory_space<semaphore_mem>>) {add = true}
      } else {
      }
      %lt3A_300 = arith.constant 40 : i32
      %lt3A_301 = arith.cmpi slt, %add3A_289, %lt3A_300 : i32
      %convert_element_type3A_302 = arith.extui %lt3A_301 : i1 to i32
      %cond3A_303 = arith.constant 0 : i32
      %cond3A_304 = arith.cmpi ne, %convert_element_type3A_302, %cond3A_303 : i32
      scf.if %cond3A_304 {
        %ge3A_305 = arith.constant 4 : i32
        %ge3A_306 = arith.cmpi sge, %add3A_289, %ge3A_305 : i32
        %convert_element_type3A_307 = arith.extui %ge3A_306 : i1 to i32
        %cond3A_308 = arith.constant 0 : i32
        %cond3A_309 = arith.cmpi ne, %convert_element_type3A_307, %cond3A_308 : i32
        scf.if %cond3A_309 {
          %dma_wait3A_320 = arith.constant 3 : i32
          %dma_wait3A_321 = arith.constant 0 : i32
          %dma_wait3A_322 = arith.constant 0 : i32
          %dma_wait3A_323 = arith.constant 0 : i32
          %dma_wait3A_324 = tpu.memref_slice %arg9[%dma_wait3A_320, %dma_wait3A_322, %dma_wait3A_323] : memref<4x64x128xf32, #tpu.memory_space<vmem>> -> memref<1x64x128xf32, #tpu.memory_space<vmem>>
          %dma_wait3A_325 = tpu.memref_squeeze %dma_wait3A_324 : memref<1x64x128xf32, #tpu.memory_space<vmem>> -> memref<64x128xf32, #tpu.memory_space<vmem>>
          %dma_wait3A_326 = arith.constant 0 : i32
          %dma_wait3A_327 = tpu.memref_slice %arg8[%dma_wait3A_321, %dma_wait3A_326] : memref<40x64xi32, #tpu.memory_space<vmem>> -> memref<1x64xi32, #tpu.memory_space<vmem>>
          %dma_wait3A_328 = tpu.memref_squeeze %dma_wait3A_327 : memref<1x64xi32, #tpu.memory_space<vmem>> -> memref<64xi32, #tpu.memory_space<vmem>>
          %dma_wait3A_329 = arith.constant 0 : i32
          %dma_wait3A_330 = arith.constant 0 : i32
          %dma_wait3A_331 = tpu.memref_slice %arg10[%dma_wait3A_329, %dma_wait3A_330] : memref<10240x128xf32, #tpu.memory_space<vmem_shared>> -> memref<10240x128xf32, #tpu.memory_space<vmem_shared>>
          tpu.wait_indirect_dma semaphore(%arg18 : memref<!tpu.dma_semaphore, #tpu.memory_space<semaphore_mem>>) src(%dma_wait3A_325 : memref<64x128xf32, #tpu.memory_space<vmem>>) dst(%dma_wait3A_331 : memref<10240x128xf32, #tpu.memory_space<vmem_shared>>)
        } else {
        }
        %dma_start3A = arith.constant 3 : i32
        %dma_start3A_310 = arith.constant 0 : i32
        %dma_start3A_311 = arith.constant 0 : i32
        %dma_start3A_312 = tpu.memref_slice %arg9[%dma_start3A, %dma_start3A_310, %dma_start3A_311] : memref<4x64x128xf32, #tpu.memory_space<vmem>> -> memref<1x64x128xf32, #tpu.memory_space<vmem>>
        %dma_start3A_313 = tpu.memref_squeeze %dma_start3A_312 : memref<1x64x128xf32, #tpu.memory_space<vmem>> -> memref<64x128xf32, #tpu.memory_space<vmem>>
        %dma_start3A_314 = arith.constant 0 : i32
        %dma_start3A_315 = tpu.memref_slice %arg7[%add3A_289, %dma_start3A_314] : memref<40x64xi32, #tpu.memory_space<vmem>> -> memref<1x64xi32, #tpu.memory_space<vmem>>
        %dma_start3A_316 = tpu.memref_squeeze %dma_start3A_315 : memref<1x64xi32, #tpu.memory_space<vmem>> -> memref<64xi32, #tpu.memory_space<vmem>>
        %dma_start3A_317 = arith.constant 0 : i32
        %dma_start3A_318 = arith.constant 0 : i32
        %dma_start3A_319 = tpu.memref_slice %arg4[%dma_start3A_317, %dma_start3A_318] : memref<10240x128xf32, #tpu.memory_space<hbm>> -> memref<10240x128xf32, #tpu.memory_space<hbm>>
        tpu.enqueue_indirect_dma source(%dma_start3A_319 : memref<10240x128xf32, #tpu.memory_space<hbm>>) target(%dma_start3A_313 : memref<64x128xf32, #tpu.memory_space<vmem>>) offsets(%dma_start3A_316 : memref<64xi32, #tpu.memory_space<vmem>>) semaphore(%arg14 : memref<!tpu.dma_semaphore, #tpu.memory_space<semaphore_mem>>)
      } else {
      }
    }
    %scan3A_11 = arith.constant 11 : i32
    %dma_wait3A = arith.constant 0 : i32
    %dma_wait3A_12 = arith.constant 0 : i32
    %dma_wait3A_13 = arith.constant 0 : i32
    %dma_wait3A_14 = arith.constant 0 : i32
    %dma_wait3A_15 = tpu.memref_slice %arg9[%dma_wait3A, %dma_wait3A_13, %dma_wait3A_14] : memref<4x64x128xf32, #tpu.memory_space<vmem>> -> memref<1x64x128xf32, #tpu.memory_space<vmem>>
    %dma_wait3A_16 = tpu.memref_squeeze %dma_wait3A_15 : memref<1x64x128xf32, #tpu.memory_space<vmem>> -> memref<64x128xf32, #tpu.memory_space<vmem>>
    %dma_wait3A_17 = arith.constant 0 : i32
    %dma_wait3A_18 = tpu.memref_slice %arg8[%dma_wait3A_12, %dma_wait3A_17] : memref<40x64xi32, #tpu.memory_space<vmem>> -> memref<1x64xi32, #tpu.memory_space<vmem>>
    %dma_wait3A_19 = tpu.memref_squeeze %dma_wait3A_18 : memref<1x64xi32, #tpu.memory_space<vmem>> -> memref<64xi32, #tpu.memory_space<vmem>>
    %dma_wait3A_20 = arith.constant 0 : i32
    %dma_wait3A_21 = arith.constant 0 : i32
    %dma_wait3A_22 = tpu.memref_slice %arg10[%dma_wait3A_20, %dma_wait3A_21] : memref<10240x128xf32, #tpu.memory_space<vmem_shared>> -> memref<10240x128xf32, #tpu.memory_space<vmem_shared>>
    tpu.wait_indirect_dma semaphore(%arg15 : memref<!tpu.dma_semaphore, #tpu.memory_space<semaphore_mem>>) src(%dma_wait3A_16 : memref<64x128xf32, #tpu.memory_space<vmem>>) dst(%dma_wait3A_22 : memref<10240x128xf32, #tpu.memory_space<vmem_shared>>)
    %dma_wait3A_23 = arith.constant 1 : i32
    %dma_wait3A_24 = arith.constant 0 : i32
    %dma_wait3A_25 = arith.constant 0 : i32
    %dma_wait3A_26 = arith.constant 0 : i32
    %dma_wait3A_27 = tpu.memref_slice %arg9[%dma_wait3A_23, %dma_wait3A_25, %dma_wait3A_26] : memref<4x64x128xf32, #tpu.memory_space<vmem>> -> memref<1x64x128xf32, #tpu.memory_space<vmem>>
    %dma_wait3A_28 = tpu.memref_squeeze %dma_wait3A_27 : memref<1x64x128xf32, #tpu.memory_space<vmem>> -> memref<64x128xf32, #tpu.memory_space<vmem>>
    %dma_wait3A_29 = arith.constant 0 : i32
    %dma_wait3A_30 = tpu.memref_slice %arg8[%dma_wait3A_24, %dma_wait3A_29] : memref<40x64xi32, #tpu.memory_space<vmem>> -> memref<1x64xi32, #tpu.memory_space<vmem>>
    %dma_wait3A_31 = tpu.memref_squeeze %dma_wait3A_30 : memref<1x64xi32, #tpu.memory_space<vmem>> -> memref<64xi32, #tpu.memory_space<vmem>>
    %dma_wait3A_32 = arith.constant 0 : i32
    %dma_wait3A_33 = arith.constant 0 : i32
    %dma_wait3A_34 = tpu.memref_slice %arg10[%dma_wait3A_32, %dma_wait3A_33] : memref<10240x128xf32, #tpu.memory_space<vmem_shared>> -> memref<10240x128xf32, #tpu.memory_space<vmem_shared>>
    tpu.wait_indirect_dma semaphore(%arg16 : memref<!tpu.dma_semaphore, #tpu.memory_space<semaphore_mem>>) src(%dma_wait3A_28 : memref<64x128xf32, #tpu.memory_space<vmem>>) dst(%dma_wait3A_34 : memref<10240x128xf32, #tpu.memory_space<vmem_shared>>)
    %dma_wait3A_35 = arith.constant 2 : i32
    %dma_wait3A_36 = arith.constant 0 : i32
    %dma_wait3A_37 = arith.constant 0 : i32
    %dma_wait3A_38 = arith.constant 0 : i32
    %dma_wait3A_39 = tpu.memref_slice %arg9[%dma_wait3A_35, %dma_wait3A_37, %dma_wait3A_38] : memref<4x64x128xf32, #tpu.memory_space<vmem>> -> memref<1x64x128xf32, #tpu.memory_space<vmem>>
    %dma_wait3A_40 = tpu.memref_squeeze %dma_wait3A_39 : memref<1x64x128xf32, #tpu.memory_space<vmem>> -> memref<64x128xf32, #tpu.memory_space<vmem>>
    %dma_wait3A_41 = arith.constant 0 : i32
    %dma_wait3A_42 = tpu.memref_slice %arg8[%dma_wait3A_36, %dma_wait3A_41] : memref<40x64xi32, #tpu.memory_space<vmem>> -> memref<1x64xi32, #tpu.memory_space<vmem>>
    %dma_wait3A_43 = tpu.memref_squeeze %dma_wait3A_42 : memref<1x64xi32, #tpu.memory_space<vmem>> -> memref<64xi32, #tpu.memory_space<vmem>>
    %dma_wait3A_44 = arith.constant 0 : i32
    %dma_wait3A_45 = arith.constant 0 : i32
    %dma_wait3A_46 = tpu.memref_slice %arg10[%dma_wait3A_44, %dma_wait3A_45] : memref<10240x128xf32, #tpu.memory_space<vmem_shared>> -> memref<10240x128xf32, #tpu.memory_space<vmem_shared>>
    tpu.wait_indirect_dma semaphore(%arg17 : memref<!tpu.dma_semaphore, #tpu.memory_space<semaphore_mem>>) src(%dma_wait3A_40 : memref<64x128xf32, #tpu.memory_space<vmem>>) dst(%dma_wait3A_46 : memref<10240x128xf32, #tpu.memory_space<vmem_shared>>)
    %dma_wait3A_47 = arith.constant 3 : i32
    %dma_wait3A_48 = arith.constant 0 : i32
    %dma_wait3A_49 = arith.constant 0 : i32
    %dma_wait3A_50 = arith.constant 0 : i32
    %dma_wait3A_51 = tpu.memref_slice %arg9[%dma_wait3A_47, %dma_wait3A_49, %dma_wait3A_50] : memref<4x64x128xf32, #tpu.memory_space<vmem>> -> memref<1x64x128xf32, #tpu.memory_space<vmem>>
    %dma_wait3A_52 = tpu.memref_squeeze %dma_wait3A_51 : memref<1x64x128xf32, #tpu.memory_space<vmem>> -> memref<64x128xf32, #tpu.memory_space<vmem>>
    %dma_wait3A_53 = arith.constant 0 : i32
    %dma_wait3A_54 = tpu.memref_slice %arg8[%dma_wait3A_48, %dma_wait3A_53] : memref<40x64xi32, #tpu.memory_space<vmem>> -> memref<1x64xi32, #tpu.memory_space<vmem>>
    %dma_wait3A_55 = tpu.memref_squeeze %dma_wait3A_54 : memref<1x64xi32, #tpu.memory_space<vmem>> -> memref<64xi32, #tpu.memory_space<vmem>>
    %dma_wait3A_56 = arith.constant 0 : i32
    %dma_wait3A_57 = arith.constant 0 : i32
    %dma_wait3A_58 = tpu.memref_slice %arg10[%dma_wait3A_56, %dma_wait3A_57] : memref<10240x128xf32, #tpu.memory_space<vmem_shared>> -> memref<10240x128xf32, #tpu.memory_space<vmem_shared>>
    tpu.wait_indirect_dma semaphore(%arg18 : memref<!tpu.dma_semaphore, #tpu.memory_space<semaphore_mem>>) src(%dma_wait3A_52 : memref<64x128xf32, #tpu.memory_space<vmem>>) dst(%dma_wait3A_58 : memref<10240x128xf32, #tpu.memory_space<vmem_shared>>)
    %mul3A_59 = arith.constant 160 : i32
    %mul3A_60 = arith.muli %add3A, %mul3A_59 : i32
    %add3A_61 = arith.constant 40 : i32
    %add3A_62 = arith.addi %mul3A_60, %add3A_61 : i32
    "tpu.region"() ({
      %run_scoped3A = tpu.sem_alloc : memref<!tpu.dma_semaphore, #tpu.memory_space<semaphore_mem>>
      %dma_start3A = arith.constant 0 : i32
      %dma_start3A_234 = tpu.memref_slice %arg2[%add3A_62, %dma_start3A] : memref<5120x64xi32, #tpu.memory_space<hbm>> -> memref<40x64xi32, #tpu.memory_space<hbm>>
      %dma_start3A_235 = arith.constant 0 : i32
      %dma_start3A_236 = tpu.memref_slice %arg2[%add3A_62, %dma_start3A_235] : memref<5120x64xi32, #tpu.memory_space<hbm>> -> memref<40x64xi32, #tpu.memory_space<hbm>>
      tpu.enqueue_dma source(%dma_start3A_236 : memref<40x64xi32, #tpu.memory_space<hbm>>) target(%arg7 : memref<40x64xi32, #tpu.memory_space<vmem>>) target_semaphore(%run_scoped3A : memref<!tpu.dma_semaphore, #tpu.memory_space<semaphore_mem>>)
      %dma_wait3A_237 = arith.constant 0 : i32
      %dma_wait3A_238 = tpu.memref_slice %arg2[%add3A_62, %dma_wait3A_237] : memref<5120x64xi32, #tpu.memory_space<hbm>> -> memref<40x64xi32, #tpu.memory_space<hbm>>
      %dma_wait3A_239 = arith.constant 0 : i32
      %dma_wait3A_240 = tpu.memref_slice %arg2[%add3A_62, %dma_wait3A_239] : memref<5120x64xi32, #tpu.memory_space<hbm>> -> memref<40x64xi32, #tpu.memory_space<hbm>>
      tpu.wait_dma2 semaphore(%run_scoped3A : memref<!tpu.dma_semaphore, #tpu.memory_space<semaphore_mem>>) src(%dma_wait3A_240 : memref<40x64xi32, #tpu.memory_space<hbm>>) dst(%arg7 : memref<40x64xi32, #tpu.memory_space<vmem>>)
      tpu.yield
    }) : () -> ()
    "tpu.region"() ({
      %run_scoped3A = tpu.sem_alloc : memref<!tpu.dma_semaphore, #tpu.memory_space<semaphore_mem>>
      %dma_start3A = arith.constant 0 : i32
      %dma_start3A_234 = tpu.memref_slice %arg3[%add3A_62, %dma_start3A] : memref<5120x64xi32, #tpu.memory_space<hbm>> -> memref<40x64xi32, #tpu.memory_space<hbm>>
      %dma_start3A_235 = arith.constant 0 : i32
      %dma_start3A_236 = tpu.memref_slice %arg3[%add3A_62, %dma_start3A_235] : memref<5120x64xi32, #tpu.memory_space<hbm>> -> memref<40x64xi32, #tpu.memory_space<hbm>>
      tpu.enqueue_dma source(%dma_start3A_236 : memref<40x64xi32, #tpu.memory_space<hbm>>) target(%arg8 : memref<40x64xi32, #tpu.memory_space<vmem>>) target_semaphore(%run_scoped3A : memref<!tpu.dma_semaphore, #tpu.memory_space<semaphore_mem>>)
      %dma_wait3A_237 = arith.constant 0 : i32
      %dma_wait3A_238 = tpu.memref_slice %arg3[%add3A_62, %dma_wait3A_237] : memref<5120x64xi32, #tpu.memory_space<hbm>> -> memref<40x64xi32, #tpu.memory_space<hbm>>
      %dma_wait3A_239 = arith.constant 0 : i32
      %dma_wait3A_240 = tpu.memref_slice %arg3[%add3A_62, %dma_wait3A_239] : memref<5120x64xi32, #tpu.memory_space<hbm>> -> memref<40x64xi32, #tpu.memory_space<hbm>>
      tpu.wait_dma2 semaphore(%run_scoped3A : memref<!tpu.dma_semaphore, #tpu.memory_space<semaphore_mem>>) src(%dma_wait3A_240 : memref<40x64xi32, #tpu.memory_space<hbm>>) dst(%arg8 : memref<40x64xi32, #tpu.memory_space<vmem>>)
      tpu.yield
    }) : () -> ()
    %scan3A_63 = arith.constant 0 : i32
    %scan3A_64 = arith.constant 0 : i32
    %scan3A_65 = arith.constant 11 : i32
    %scan3A_66 = arith.addi %scan3A_64, %scan3A_65 : i32
    %scan3A_67 = arith.constant 1 : i32
    scf.for %scan3A_234 = %scan3A_64 to %scan3A_66 step %scan3A_67  : i32 {
      %mul3A_235 = arith.constant 4 : i32
      %mul3A_236 = arith.muli %scan3A_234, %mul3A_235 : i32
      %add3A_237 = arith.constant 0 : i32
      %add3A_238 = arith.addi %mul3A_236, %add3A_237 : i32
      %sub3A = arith.constant 3 : i32
      %sub3A_239 = arith.subi %add3A_238, %sub3A : i32
      %ge3A = arith.constant 0 : i32
      %ge3A_240 = arith.cmpi sge, %sub3A_239, %ge3A : i32
      %lt3A = arith.constant 40 : i32
      %lt3A_241 = arith.cmpi slt, %sub3A_239, %lt3A : i32
      %and3A = arith.andi %ge3A_240, %lt3A_241 : i1
      %convert_element_type3A = arith.extui %and3A : i1 to i32
      %cond3A = arith.constant 0 : i32
      %cond3A_242 = arith.cmpi ne, %convert_element_type3A, %cond3A : i32
      scf.if %cond3A_242 {
        %dma_wait3A_305 = arith.constant 0 : i32
        %dma_wait3A_306 = arith.constant 1 : i32
        %dma_wait3A_307 = arith.constant 0 : i32
        %dma_wait3A_308 = arith.constant 0 : i32
        %dma_wait3A_309 = tpu.memref_slice %arg9[%dma_wait3A_306, %dma_wait3A_307, %dma_wait3A_308] : memref<4x64x128xf32, #tpu.memory_space<vmem>> -> memref<1x64x128xf32, #tpu.memory_space<vmem>>
        %dma_wait3A_310 = tpu.memref_squeeze %dma_wait3A_309 : memref<1x64x128xf32, #tpu.memory_space<vmem>> -> memref<64x128xf32, #tpu.memory_space<vmem>>
        %dma_wait3A_311 = arith.constant 0 : i32
        %dma_wait3A_312 = tpu.memref_slice %arg7[%dma_wait3A_305, %dma_wait3A_311] : memref<40x64xi32, #tpu.memory_space<vmem>> -> memref<1x64xi32, #tpu.memory_space<vmem>>
        %dma_wait3A_313 = tpu.memref_squeeze %dma_wait3A_312 : memref<1x64xi32, #tpu.memory_space<vmem>> -> memref<64xi32, #tpu.memory_space<vmem>>
        %dma_wait3A_314 = arith.constant 0 : i32
        %dma_wait3A_315 = arith.constant 0 : i32
        %dma_wait3A_316 = tpu.memref_slice %arg4[%dma_wait3A_314, %dma_wait3A_315] : memref<10240x128xf32, #tpu.memory_space<hbm>> -> memref<10240x128xf32, #tpu.memory_space<hbm>>
        tpu.wait_indirect_dma semaphore(%arg12 : memref<!tpu.dma_semaphore, #tpu.memory_space<semaphore_mem>>) src(%dma_wait3A_316 : memref<10240x128xf32, #tpu.memory_space<hbm>>) dst(%dma_wait3A_310 : memref<64x128xf32, #tpu.memory_space<vmem>>)
        %dma_start3A = arith.constant 1 : i32
        %dma_start3A_317 = arith.constant 0 : i32
        %dma_start3A_318 = arith.constant 0 : i32
        %dma_start3A_319 = tpu.memref_slice %arg9[%dma_start3A, %dma_start3A_317, %dma_start3A_318] : memref<4x64x128xf32, #tpu.memory_space<vmem>> -> memref<1x64x128xf32, #tpu.memory_space<vmem>>
        %dma_start3A_320 = tpu.memref_squeeze %dma_start3A_319 : memref<1x64x128xf32, #tpu.memory_space<vmem>> -> memref<64x128xf32, #tpu.memory_space<vmem>>
        %dma_start3A_321 = arith.constant 0 : i32
        %dma_start3A_322 = tpu.memref_slice %arg8[%sub3A_239, %dma_start3A_321] : memref<40x64xi32, #tpu.memory_space<vmem>> -> memref<1x64xi32, #tpu.memory_space<vmem>>
        %dma_start3A_323 = tpu.memref_squeeze %dma_start3A_322 : memref<1x64xi32, #tpu.memory_space<vmem>> -> memref<64xi32, #tpu.memory_space<vmem>>
        %dma_start3A_324 = arith.constant 0 : i32
        %dma_start3A_325 = arith.constant 0 : i32
        %dma_start3A_326 = tpu.memref_slice %arg10[%dma_start3A_324, %dma_start3A_325] : memref<10240x128xf32, #tpu.memory_space<vmem_shared>> -> memref<10240x128xf32, #tpu.memory_space<vmem_shared>>
        tpu.enqueue_indirect_dma source(%dma_start3A_320 : memref<64x128xf32, #tpu.memory_space<vmem>>) target(%dma_start3A_326 : memref<10240x128xf32, #tpu.memory_space<vmem_shared>>) offsets(%dma_start3A_323 : memref<64xi32, #tpu.memory_space<vmem>>) semaphore(%arg16 : memref<!tpu.dma_semaphore, #tpu.memory_space<semaphore_mem>>) {add = true}
      } else {
      }
      %lt3A_243 = arith.constant 40 : i32
      %lt3A_244 = arith.cmpi slt, %add3A_238, %lt3A_243 : i32
      %convert_element_type3A_245 = arith.extui %lt3A_244 : i1 to i32
      %cond3A_246 = arith.constant 0 : i32
      %cond3A_247 = arith.cmpi ne, %convert_element_type3A_245, %cond3A_246 : i32
      scf.if %cond3A_247 {
        %ge3A_305 = arith.constant 4 : i32
        %ge3A_306 = arith.cmpi sge, %add3A_238, %ge3A_305 : i32
        %convert_element_type3A_307 = arith.extui %ge3A_306 : i1 to i32
        %cond3A_308 = arith.constant 0 : i32
        %cond3A_309 = arith.cmpi ne, %convert_element_type3A_307, %cond3A_308 : i32
        scf.if %cond3A_309 {
          %dma_wait3A_320 = arith.constant 0 : i32
          %dma_wait3A_321 = arith.constant 0 : i32
          %dma_wait3A_322 = arith.constant 0 : i32
          %dma_wait3A_323 = arith.constant 0 : i32
          %dma_wait3A_324 = tpu.memref_slice %arg9[%dma_wait3A_320, %dma_wait3A_322, %dma_wait3A_323] : memref<4x64x128xf32, #tpu.memory_space<vmem>> -> memref<1x64x128xf32, #tpu.memory_space<vmem>>
          %dma_wait3A_325 = tpu.memref_squeeze %dma_wait3A_324 : memref<1x64x128xf32, #tpu.memory_space<vmem>> -> memref<64x128xf32, #tpu.memory_space<vmem>>
          %dma_wait3A_326 = arith.constant 0 : i32
          %dma_wait3A_327 = tpu.memref_slice %arg8[%dma_wait3A_321, %dma_wait3A_326] : memref<40x64xi32, #tpu.memory_space<vmem>> -> memref<1x64xi32, #tpu.memory_space<vmem>>
          %dma_wait3A_328 = tpu.memref_squeeze %dma_wait3A_327 : memref<1x64xi32, #tpu.memory_space<vmem>> -> memref<64xi32, #tpu.memory_space<vmem>>
          %dma_wait3A_329 = arith.constant 0 : i32
          %dma_wait3A_330 = arith.constant 0 : i32
          %dma_wait3A_331 = tpu.memref_slice %arg10[%dma_wait3A_329, %dma_wait3A_330] : memref<10240x128xf32, #tpu.memory_space<vmem_shared>> -> memref<10240x128xf32, #tpu.memory_space<vmem_shared>>
          tpu.wait_indirect_dma semaphore(%arg15 : memref<!tpu.dma_semaphore, #tpu.memory_space<semaphore_mem>>) src(%dma_wait3A_325 : memref<64x128xf32, #tpu.memory_space<vmem>>) dst(%dma_wait3A_331 : memref<10240x128xf32, #tpu.memory_space<vmem_shared>>)
        } else {
        }
        %dma_start3A = arith.constant 0 : i32
        %dma_start3A_310 = arith.constant 0 : i32
        %dma_start3A_311 = arith.constant 0 : i32
        %dma_start3A_312 = tpu.memref_slice %arg9[%dma_start3A, %dma_start3A_310, %dma_start3A_311] : memref<4x64x128xf32, #tpu.memory_space<vmem>> -> memref<1x64x128xf32, #tpu.memory_space<vmem>>
        %dma_start3A_313 = tpu.memref_squeeze %dma_start3A_312 : memref<1x64x128xf32, #tpu.memory_space<vmem>> -> memref<64x128xf32, #tpu.memory_space<vmem>>
        %dma_start3A_314 = arith.constant 0 : i32
        %dma_start3A_315 = tpu.memref_slice %arg7[%add3A_238, %dma_start3A_314] : memref<40x64xi32, #tpu.memory_space<vmem>> -> memref<1x64xi32, #tpu.memory_space<vmem>>
        %dma_start3A_316 = tpu.memref_squeeze %dma_start3A_315 : memref<1x64xi32, #tpu.memory_space<vmem>> -> memref<64xi32, #tpu.memory_space<vmem>>
        %dma_start3A_317 = arith.constant 0 : i32
        %dma_start3A_318 = arith.constant 0 : i32
        %dma_start3A_319 = tpu.memref_slice %arg4[%dma_start3A_317, %dma_start3A_318] : memref<10240x128xf32, #tpu.memory_space<hbm>> -> memref<10240x128xf32, #tpu.memory_space<hbm>>
        tpu.enqueue_indirect_dma source(%dma_start3A_319 : memref<10240x128xf32, #tpu.memory_space<hbm>>) target(%dma_start3A_313 : memref<64x128xf32, #tpu.memory_space<vmem>>) offsets(%dma_start3A_316 : memref<64xi32, #tpu.memory_space<vmem>>) semaphore(%arg11 : memref<!tpu.dma_semaphore, #tpu.memory_space<semaphore_mem>>)
      } else {
      }
      %mul3A_248 = arith.constant 4 : i32
      %mul3A_249 = arith.muli %scan3A_234, %mul3A_248 : i32
      %add3A_250 = arith.constant 1 : i32
      %add3A_251 = arith.addi %mul3A_249, %add3A_250 : i32
      %sub3A_252 = arith.constant 3 : i32
      %sub3A_253 = arith.subi %add3A_251, %sub3A_252 : i32
      %ge3A_254 = arith.constant 0 : i32
      %ge3A_255 = arith.cmpi sge, %sub3A_253, %ge3A_254 : i32
      %lt3A_256 = arith.constant 40 : i32
      %lt3A_257 = arith.cmpi slt, %sub3A_253, %lt3A_256 : i32
      %and3A_258 = arith.andi %ge3A_255, %lt3A_257 : i1
      %convert_element_type3A_259 = arith.extui %and3A_258 : i1 to i32
      %cond3A_260 = arith.constant 0 : i32
      %cond3A_261 = arith.cmpi ne, %convert_element_type3A_259, %cond3A_260 : i32
      scf.if %cond3A_261 {
        %dma_wait3A_305 = arith.constant 0 : i32
        %dma_wait3A_306 = arith.constant 2 : i32
        %dma_wait3A_307 = arith.constant 0 : i32
        %dma_wait3A_308 = arith.constant 0 : i32
        %dma_wait3A_309 = tpu.memref_slice %arg9[%dma_wait3A_306, %dma_wait3A_307, %dma_wait3A_308] : memref<4x64x128xf32, #tpu.memory_space<vmem>> -> memref<1x64x128xf32, #tpu.memory_space<vmem>>
        %dma_wait3A_310 = tpu.memref_squeeze %dma_wait3A_309 : memref<1x64x128xf32, #tpu.memory_space<vmem>> -> memref<64x128xf32, #tpu.memory_space<vmem>>
        %dma_wait3A_311 = arith.constant 0 : i32
        %dma_wait3A_312 = tpu.memref_slice %arg7[%dma_wait3A_305, %dma_wait3A_311] : memref<40x64xi32, #tpu.memory_space<vmem>> -> memref<1x64xi32, #tpu.memory_space<vmem>>
        %dma_wait3A_313 = tpu.memref_squeeze %dma_wait3A_312 : memref<1x64xi32, #tpu.memory_space<vmem>> -> memref<64xi32, #tpu.memory_space<vmem>>
        %dma_wait3A_314 = arith.constant 0 : i32
        %dma_wait3A_315 = arith.constant 0 : i32
        %dma_wait3A_316 = tpu.memref_slice %arg4[%dma_wait3A_314, %dma_wait3A_315] : memref<10240x128xf32, #tpu.memory_space<hbm>> -> memref<10240x128xf32, #tpu.memory_space<hbm>>
        tpu.wait_indirect_dma semaphore(%arg13 : memref<!tpu.dma_semaphore, #tpu.memory_space<semaphore_mem>>) src(%dma_wait3A_316 : memref<10240x128xf32, #tpu.memory_space<hbm>>) dst(%dma_wait3A_310 : memref<64x128xf32, #tpu.memory_space<vmem>>)
        %dma_start3A = arith.constant 2 : i32
        %dma_start3A_317 = arith.constant 0 : i32
        %dma_start3A_318 = arith.constant 0 : i32
        %dma_start3A_319 = tpu.memref_slice %arg9[%dma_start3A, %dma_start3A_317, %dma_start3A_318] : memref<4x64x128xf32, #tpu.memory_space<vmem>> -> memref<1x64x128xf32, #tpu.memory_space<vmem>>
        %dma_start3A_320 = tpu.memref_squeeze %dma_start3A_319 : memref<1x64x128xf32, #tpu.memory_space<vmem>> -> memref<64x128xf32, #tpu.memory_space<vmem>>
        %dma_start3A_321 = arith.constant 0 : i32
        %dma_start3A_322 = tpu.memref_slice %arg8[%sub3A_253, %dma_start3A_321] : memref<40x64xi32, #tpu.memory_space<vmem>> -> memref<1x64xi32, #tpu.memory_space<vmem>>
        %dma_start3A_323 = tpu.memref_squeeze %dma_start3A_322 : memref<1x64xi32, #tpu.memory_space<vmem>> -> memref<64xi32, #tpu.memory_space<vmem>>
        %dma_start3A_324 = arith.constant 0 : i32
        %dma_start3A_325 = arith.constant 0 : i32
        %dma_start3A_326 = tpu.memref_slice %arg10[%dma_start3A_324, %dma_start3A_325] : memref<10240x128xf32, #tpu.memory_space<vmem_shared>> -> memref<10240x128xf32, #tpu.memory_space<vmem_shared>>
        tpu.enqueue_indirect_dma source(%dma_start3A_320 : memref<64x128xf32, #tpu.memory_space<vmem>>) target(%dma_start3A_326 : memref<10240x128xf32, #tpu.memory_space<vmem_shared>>) offsets(%dma_start3A_323 : memref<64xi32, #tpu.memory_space<vmem>>) semaphore(%arg17 : memref<!tpu.dma_semaphore, #tpu.memory_space<semaphore_mem>>) {add = true}
      } else {
      }
      %lt3A_262 = arith.constant 40 : i32
      %lt3A_263 = arith.cmpi slt, %add3A_251, %lt3A_262 : i32
      %convert_element_type3A_264 = arith.extui %lt3A_263 : i1 to i32
      %cond3A_265 = arith.constant 0 : i32
      %cond3A_266 = arith.cmpi ne, %convert_element_type3A_264, %cond3A_265 : i32
      scf.if %cond3A_266 {
        %ge3A_305 = arith.constant 4 : i32
        %ge3A_306 = arith.cmpi sge, %add3A_251, %ge3A_305 : i32
        %convert_element_type3A_307 = arith.extui %ge3A_306 : i1 to i32
        %cond3A_308 = arith.constant 0 : i32
        %cond3A_309 = arith.cmpi ne, %convert_element_type3A_307, %cond3A_308 : i32
        scf.if %cond3A_309 {
          %dma_wait3A_320 = arith.constant 1 : i32
          %dma_wait3A_321 = arith.constant 0 : i32
          %dma_wait3A_322 = arith.constant 0 : i32
          %dma_wait3A_323 = arith.constant 0 : i32
          %dma_wait3A_324 = tpu.memref_slice %arg9[%dma_wait3A_320, %dma_wait3A_322, %dma_wait3A_323] : memref<4x64x128xf32, #tpu.memory_space<vmem>> -> memref<1x64x128xf32, #tpu.memory_space<vmem>>
          %dma_wait3A_325 = tpu.memref_squeeze %dma_wait3A_324 : memref<1x64x128xf32, #tpu.memory_space<vmem>> -> memref<64x128xf32, #tpu.memory_space<vmem>>
          %dma_wait3A_326 = arith.constant 0 : i32
          %dma_wait3A_327 = tpu.memref_slice %arg8[%dma_wait3A_321, %dma_wait3A_326] : memref<40x64xi32, #tpu.memory_space<vmem>> -> memref<1x64xi32, #tpu.memory_space<vmem>>
          %dma_wait3A_328 = tpu.memref_squeeze %dma_wait3A_327 : memref<1x64xi32, #tpu.memory_space<vmem>> -> memref<64xi32, #tpu.memory_space<vmem>>
          %dma_wait3A_329 = arith.constant 0 : i32
          %dma_wait3A_330 = arith.constant 0 : i32
          %dma_wait3A_331 = tpu.memref_slice %arg10[%dma_wait3A_329, %dma_wait3A_330] : memref<10240x128xf32, #tpu.memory_space<vmem_shared>> -> memref<10240x128xf32, #tpu.memory_space<vmem_shared>>
          tpu.wait_indirect_dma semaphore(%arg16 : memref<!tpu.dma_semaphore, #tpu.memory_space<semaphore_mem>>) src(%dma_wait3A_325 : memref<64x128xf32, #tpu.memory_space<vmem>>) dst(%dma_wait3A_331 : memref<10240x128xf32, #tpu.memory_space<vmem_shared>>)
        } else {
        }
        %dma_start3A = arith.constant 1 : i32
        %dma_start3A_310 = arith.constant 0 : i32
        %dma_start3A_311 = arith.constant 0 : i32
        %dma_start3A_312 = tpu.memref_slice %arg9[%dma_start3A, %dma_start3A_310, %dma_start3A_311] : memref<4x64x128xf32, #tpu.memory_space<vmem>> -> memref<1x64x128xf32, #tpu.memory_space<vmem>>
        %dma_start3A_313 = tpu.memref_squeeze %dma_start3A_312 : memref<1x64x128xf32, #tpu.memory_space<vmem>> -> memref<64x128xf32, #tpu.memory_space<vmem>>
        %dma_start3A_314 = arith.constant 0 : i32
        %dma_start3A_315 = tpu.memref_slice %arg7[%add3A_251, %dma_start3A_314] : memref<40x64xi32, #tpu.memory_space<vmem>> -> memref<1x64xi32, #tpu.memory_space<vmem>>
        %dma_start3A_316 = tpu.memref_squeeze %dma_start3A_315 : memref<1x64xi32, #tpu.memory_space<vmem>> -> memref<64xi32, #tpu.memory_space<vmem>>
        %dma_start3A_317 = arith.constant 0 : i32
        %dma_start3A_318 = arith.constant 0 : i32
        %dma_start3A_319 = tpu.memref_slice %arg4[%dma_start3A_317, %dma_start3A_318] : memref<10240x128xf32, #tpu.memory_space<hbm>> -> memref<10240x128xf32, #tpu.memory_space<hbm>>
        tpu.enqueue_indirect_dma source(%dma_start3A_319 : memref<10240x128xf32, #tpu.memory_space<hbm>>) target(%dma_start3A_313 : memref<64x128xf32, #tpu.memory_space<vmem>>) offsets(%dma_start3A_316 : memref<64xi32, #tpu.memory_space<vmem>>) semaphore(%arg12 : memref<!tpu.dma_semaphore, #tpu.memory_space<semaphore_mem>>)
      } else {
      }
      %mul3A_267 = arith.constant 4 : i32
      %mul3A_268 = arith.muli %scan3A_234, %mul3A_267 : i32
      %add3A_269 = arith.constant 2 : i32
      %add3A_270 = arith.addi %mul3A_268, %add3A_269 : i32
      %sub3A_271 = arith.constant 3 : i32
      %sub3A_272 = arith.subi %add3A_270, %sub3A_271 : i32
      %ge3A_273 = arith.constant 0 : i32
      %ge3A_274 = arith.cmpi sge, %sub3A_272, %ge3A_273 : i32
      %lt3A_275 = arith.constant 40 : i32
      %lt3A_276 = arith.cmpi slt, %sub3A_272, %lt3A_275 : i32
      %and3A_277 = arith.andi %ge3A_274, %lt3A_276 : i1
      %convert_element_type3A_278 = arith.extui %and3A_277 : i1 to i32
      %cond3A_279 = arith.constant 0 : i32
      %cond3A_280 = arith.cmpi ne, %convert_element_type3A_278, %cond3A_279 : i32
      scf.if %cond3A_280 {
        %dma_wait3A_305 = arith.constant 0 : i32
        %dma_wait3A_306 = arith.constant 3 : i32
        %dma_wait3A_307 = arith.constant 0 : i32
        %dma_wait3A_308 = arith.constant 0 : i32
        %dma_wait3A_309 = tpu.memref_slice %arg9[%dma_wait3A_306, %dma_wait3A_307, %dma_wait3A_308] : memref<4x64x128xf32, #tpu.memory_space<vmem>> -> memref<1x64x128xf32, #tpu.memory_space<vmem>>
        %dma_wait3A_310 = tpu.memref_squeeze %dma_wait3A_309 : memref<1x64x128xf32, #tpu.memory_space<vmem>> -> memref<64x128xf32, #tpu.memory_space<vmem>>
        %dma_wait3A_311 = arith.constant 0 : i32
        %dma_wait3A_312 = tpu.memref_slice %arg7[%dma_wait3A_305, %dma_wait3A_311] : memref<40x64xi32, #tpu.memory_space<vmem>> -> memref<1x64xi32, #tpu.memory_space<vmem>>
        %dma_wait3A_313 = tpu.memref_squeeze %dma_wait3A_312 : memref<1x64xi32, #tpu.memory_space<vmem>> -> memref<64xi32, #tpu.memory_space<vmem>>
        %dma_wait3A_314 = arith.constant 0 : i32
        %dma_wait3A_315 = arith.constant 0 : i32
        %dma_wait3A_316 = tpu.memref_slice %arg4[%dma_wait3A_314, %dma_wait3A_315] : memref<10240x128xf32, #tpu.memory_space<hbm>> -> memref<10240x128xf32, #tpu.memory_space<hbm>>
        tpu.wait_indirect_dma semaphore(%arg14 : memref<!tpu.dma_semaphore, #tpu.memory_space<semaphore_mem>>) src(%dma_wait3A_316 : memref<10240x128xf32, #tpu.memory_space<hbm>>) dst(%dma_wait3A_310 : memref<64x128xf32, #tpu.memory_space<vmem>>)
        %dma_start3A = arith.constant 3 : i32
        %dma_start3A_317 = arith.constant 0 : i32
        %dma_start3A_318 = arith.constant 0 : i32
        %dma_start3A_319 = tpu.memref_slice %arg9[%dma_start3A, %dma_start3A_317, %dma_start3A_318] : memref<4x64x128xf32, #tpu.memory_space<vmem>> -> memref<1x64x128xf32, #tpu.memory_space<vmem>>
        %dma_start3A_320 = tpu.memref_squeeze %dma_start3A_319 : memref<1x64x128xf32, #tpu.memory_space<vmem>> -> memref<64x128xf32, #tpu.memory_space<vmem>>
        %dma_start3A_321 = arith.constant 0 : i32
        %dma_start3A_322 = tpu.memref_slice %arg8[%sub3A_272, %dma_start3A_321] : memref<40x64xi32, #tpu.memory_space<vmem>> -> memref<1x64xi32, #tpu.memory_space<vmem>>
        %dma_start3A_323 = tpu.memref_squeeze %dma_start3A_322 : memref<1x64xi32, #tpu.memory_space<vmem>> -> memref<64xi32, #tpu.memory_space<vmem>>
        %dma_start3A_324 = arith.constant 0 : i32
        %dma_start3A_325 = arith.constant 0 : i32
        %dma_start3A_326 = tpu.memref_slice %arg10[%dma_start3A_324, %dma_start3A_325] : memref<10240x128xf32, #tpu.memory_space<vmem_shared>> -> memref<10240x128xf32, #tpu.memory_space<vmem_shared>>
        tpu.enqueue_indirect_dma source(%dma_start3A_320 : memref<64x128xf32, #tpu.memory_space<vmem>>) target(%dma_start3A_326 : memref<10240x128xf32, #tpu.memory_space<vmem_shared>>) offsets(%dma_start3A_323 : memref<64xi32, #tpu.memory_space<vmem>>) semaphore(%arg18 : memref<!tpu.dma_semaphore, #tpu.memory_space<semaphore_mem>>) {add = true}
      } else {
      }
      %lt3A_281 = arith.constant 40 : i32
      %lt3A_282 = arith.cmpi slt, %add3A_270, %lt3A_281 : i32
      %convert_element_type3A_283 = arith.extui %lt3A_282 : i1 to i32
      %cond3A_284 = arith.constant 0 : i32
      %cond3A_285 = arith.cmpi ne, %convert_element_type3A_283, %cond3A_284 : i32
      scf.if %cond3A_285 {
        %ge3A_305 = arith.constant 4 : i32
        %ge3A_306 = arith.cmpi sge, %add3A_270, %ge3A_305 : i32
        %convert_element_type3A_307 = arith.extui %ge3A_306 : i1 to i32
        %cond3A_308 = arith.constant 0 : i32
        %cond3A_309 = arith.cmpi ne, %convert_element_type3A_307, %cond3A_308 : i32
        scf.if %cond3A_309 {
          %dma_wait3A_320 = arith.constant 2 : i32
          %dma_wait3A_321 = arith.constant 0 : i32
          %dma_wait3A_322 = arith.constant 0 : i32
          %dma_wait3A_323 = arith.constant 0 : i32
          %dma_wait3A_324 = tpu.memref_slice %arg9[%dma_wait3A_320, %dma_wait3A_322, %dma_wait3A_323] : memref<4x64x128xf32, #tpu.memory_space<vmem>> -> memref<1x64x128xf32, #tpu.memory_space<vmem>>
          %dma_wait3A_325 = tpu.memref_squeeze %dma_wait3A_324 : memref<1x64x128xf32, #tpu.memory_space<vmem>> -> memref<64x128xf32, #tpu.memory_space<vmem>>
          %dma_wait3A_326 = arith.constant 0 : i32
          %dma_wait3A_327 = tpu.memref_slice %arg8[%dma_wait3A_321, %dma_wait3A_326] : memref<40x64xi32, #tpu.memory_space<vmem>> -> memref<1x64xi32, #tpu.memory_space<vmem>>
          %dma_wait3A_328 = tpu.memref_squeeze %dma_wait3A_327 : memref<1x64xi32, #tpu.memory_space<vmem>> -> memref<64xi32, #tpu.memory_space<vmem>>
          %dma_wait3A_329 = arith.constant 0 : i32
          %dma_wait3A_330 = arith.constant 0 : i32
          %dma_wait3A_331 = tpu.memref_slice %arg10[%dma_wait3A_329, %dma_wait3A_330] : memref<10240x128xf32, #tpu.memory_space<vmem_shared>> -> memref<10240x128xf32, #tpu.memory_space<vmem_shared>>
          tpu.wait_indirect_dma semaphore(%arg17 : memref<!tpu.dma_semaphore, #tpu.memory_space<semaphore_mem>>) src(%dma_wait3A_325 : memref<64x128xf32, #tpu.memory_space<vmem>>) dst(%dma_wait3A_331 : memref<10240x128xf32, #tpu.memory_space<vmem_shared>>)
        } else {
        }
        %dma_start3A = arith.constant 2 : i32
        %dma_start3A_310 = arith.constant 0 : i32
        %dma_start3A_311 = arith.constant 0 : i32
        %dma_start3A_312 = tpu.memref_slice %arg9[%dma_start3A, %dma_start3A_310, %dma_start3A_311] : memref<4x64x128xf32, #tpu.memory_space<vmem>> -> memref<1x64x128xf32, #tpu.memory_space<vmem>>
        %dma_start3A_313 = tpu.memref_squeeze %dma_start3A_312 : memref<1x64x128xf32, #tpu.memory_space<vmem>> -> memref<64x128xf32, #tpu.memory_space<vmem>>
        %dma_start3A_314 = arith.constant 0 : i32
        %dma_start3A_315 = tpu.memref_slice %arg7[%add3A_270, %dma_start3A_314] : memref<40x64xi32, #tpu.memory_space<vmem>> -> memref<1x64xi32, #tpu.memory_space<vmem>>
        %dma_start3A_316 = tpu.memref_squeeze %dma_start3A_315 : memref<1x64xi32, #tpu.memory_space<vmem>> -> memref<64xi32, #tpu.memory_space<vmem>>
        %dma_start3A_317 = arith.constant 0 : i32
        %dma_start3A_318 = arith.constant 0 : i32
        %dma_start3A_319 = tpu.memref_slice %arg4[%dma_start3A_317, %dma_start3A_318] : memref<10240x128xf32, #tpu.memory_space<hbm>> -> memref<10240x128xf32, #tpu.memory_space<hbm>>
        tpu.enqueue_indirect_dma source(%dma_start3A_319 : memref<10240x128xf32, #tpu.memory_space<hbm>>) target(%dma_start3A_313 : memref<64x128xf32, #tpu.memory_space<vmem>>) offsets(%dma_start3A_316 : memref<64xi32, #tpu.memory_space<vmem>>) semaphore(%arg13 : memref<!tpu.dma_semaphore, #tpu.memory_space<semaphore_mem>>)
      } else {
      }
      %mul3A_286 = arith.constant 4 : i32
      %mul3A_287 = arith.muli %scan3A_234, %mul3A_286 : i32
      %add3A_288 = arith.constant 3 : i32
      %add3A_289 = arith.addi %mul3A_287, %add3A_288 : i32
      %sub3A_290 = arith.constant 3 : i32
      %sub3A_291 = arith.subi %add3A_289, %sub3A_290 : i32
      %ge3A_292 = arith.constant 0 : i32
      %ge3A_293 = arith.cmpi sge, %sub3A_291, %ge3A_292 : i32
      %lt3A_294 = arith.constant 40 : i32
      %lt3A_295 = arith.cmpi slt, %sub3A_291, %lt3A_294 : i32
      %and3A_296 = arith.andi %ge3A_293, %lt3A_295 : i1
      %convert_element_type3A_297 = arith.extui %and3A_296 : i1 to i32
      %cond3A_298 = arith.constant 0 : i32
      %cond3A_299 = arith.cmpi ne, %convert_element_type3A_297, %cond3A_298 : i32
      scf.if %cond3A_299 {
        %dma_wait3A_305 = arith.constant 0 : i32
        %dma_wait3A_306 = arith.constant 0 : i32
        %dma_wait3A_307 = arith.constant 0 : i32
        %dma_wait3A_308 = arith.constant 0 : i32
        %dma_wait3A_309 = tpu.memref_slice %arg9[%dma_wait3A_306, %dma_wait3A_307, %dma_wait3A_308] : memref<4x64x128xf32, #tpu.memory_space<vmem>> -> memref<1x64x128xf32, #tpu.memory_space<vmem>>
        %dma_wait3A_310 = tpu.memref_squeeze %dma_wait3A_309 : memref<1x64x128xf32, #tpu.memory_space<vmem>> -> memref<64x128xf32, #tpu.memory_space<vmem>>
        %dma_wait3A_311 = arith.constant 0 : i32
        %dma_wait3A_312 = tpu.memref_slice %arg7[%dma_wait3A_305, %dma_wait3A_311] : memref<40x64xi32, #tpu.memory_space<vmem>> -> memref<1x64xi32, #tpu.memory_space<vmem>>
        %dma_wait3A_313 = tpu.memref_squeeze %dma_wait3A_312 : memref<1x64xi32, #tpu.memory_space<vmem>> -> memref<64xi32, #tpu.memory_space<vmem>>
        %dma_wait3A_314 = arith.constant 0 : i32
        %dma_wait3A_315 = arith.constant 0 : i32
        %dma_wait3A_316 = tpu.memref_slice %arg4[%dma_wait3A_314, %dma_wait3A_315] : memref<10240x128xf32, #tpu.memory_space<hbm>> -> memref<10240x128xf32, #tpu.memory_space<hbm>>
        tpu.wait_indirect_dma semaphore(%arg11 : memref<!tpu.dma_semaphore, #tpu.memory_space<semaphore_mem>>) src(%dma_wait3A_316 : memref<10240x128xf32, #tpu.memory_space<hbm>>) dst(%dma_wait3A_310 : memref<64x128xf32, #tpu.memory_space<vmem>>)
        %dma_start3A = arith.constant 0 : i32
        %dma_start3A_317 = arith.constant 0 : i32
        %dma_start3A_318 = arith.constant 0 : i32
        %dma_start3A_319 = tpu.memref_slice %arg9[%dma_start3A, %dma_start3A_317, %dma_start3A_318] : memref<4x64x128xf32, #tpu.memory_space<vmem>> -> memref<1x64x128xf32, #tpu.memory_space<vmem>>
        %dma_start3A_320 = tpu.memref_squeeze %dma_start3A_319 : memref<1x64x128xf32, #tpu.memory_space<vmem>> -> memref<64x128xf32, #tpu.memory_space<vmem>>
        %dma_start3A_321 = arith.constant 0 : i32
        %dma_start3A_322 = tpu.memref_slice %arg8[%sub3A_291, %dma_start3A_321] : memref<40x64xi32, #tpu.memory_space<vmem>> -> memref<1x64xi32, #tpu.memory_space<vmem>>
        %dma_start3A_323 = tpu.memref_squeeze %dma_start3A_322 : memref<1x64xi32, #tpu.memory_space<vmem>> -> memref<64xi32, #tpu.memory_space<vmem>>
        %dma_start3A_324 = arith.constant 0 : i32
        %dma_start3A_325 = arith.constant 0 : i32
        %dma_start3A_326 = tpu.memref_slice %arg10[%dma_start3A_324, %dma_start3A_325] : memref<10240x128xf32, #tpu.memory_space<vmem_shared>> -> memref<10240x128xf32, #tpu.memory_space<vmem_shared>>
        tpu.enqueue_indirect_dma source(%dma_start3A_320 : memref<64x128xf32, #tpu.memory_space<vmem>>) target(%dma_start3A_326 : memref<10240x128xf32, #tpu.memory_space<vmem_shared>>) offsets(%dma_start3A_323 : memref<64xi32, #tpu.memory_space<vmem>>) semaphore(%arg15 : memref<!tpu.dma_semaphore, #tpu.memory_space<semaphore_mem>>) {add = true}
      } else {
      }
      %lt3A_300 = arith.constant 40 : i32
      %lt3A_301 = arith.cmpi slt, %add3A_289, %lt3A_300 : i32
      %convert_element_type3A_302 = arith.extui %lt3A_301 : i1 to i32
      %cond3A_303 = arith.constant 0 : i32
      %cond3A_304 = arith.cmpi ne, %convert_element_type3A_302, %cond3A_303 : i32
      scf.if %cond3A_304 {
        %ge3A_305 = arith.constant 4 : i32
        %ge3A_306 = arith.cmpi sge, %add3A_289, %ge3A_305 : i32
        %convert_element_type3A_307 = arith.extui %ge3A_306 : i1 to i32
        %cond3A_308 = arith.constant 0 : i32
        %cond3A_309 = arith.cmpi ne, %convert_element_type3A_307, %cond3A_308 : i32
        scf.if %cond3A_309 {
          %dma_wait3A_320 = arith.constant 3 : i32
          %dma_wait3A_321 = arith.constant 0 : i32
          %dma_wait3A_322 = arith.constant 0 : i32
          %dma_wait3A_323 = arith.constant 0 : i32
          %dma_wait3A_324 = tpu.memref_slice %arg9[%dma_wait3A_320, %dma_wait3A_322, %dma_wait3A_323] : memref<4x64x128xf32, #tpu.memory_space<vmem>> -> memref<1x64x128xf32, #tpu.memory_space<vmem>>
          %dma_wait3A_325 = tpu.memref_squeeze %dma_wait3A_324 : memref<1x64x128xf32, #tpu.memory_space<vmem>> -> memref<64x128xf32, #tpu.memory_space<vmem>>
          %dma_wait3A_326 = arith.constant 0 : i32
          %dma_wait3A_327 = tpu.memref_slice %arg8[%dma_wait3A_321, %dma_wait3A_326] : memref<40x64xi32, #tpu.memory_space<vmem>> -> memref<1x64xi32, #tpu.memory_space<vmem>>
          %dma_wait3A_328 = tpu.memref_squeeze %dma_wait3A_327 : memref<1x64xi32, #tpu.memory_space<vmem>> -> memref<64xi32, #tpu.memory_space<vmem>>
          %dma_wait3A_329 = arith.constant 0 : i32
          %dma_wait3A_330 = arith.constant 0 : i32
          %dma_wait3A_331 = tpu.memref_slice %arg10[%dma_wait3A_329, %dma_wait3A_330] : memref<10240x128xf32, #tpu.memory_space<vmem_shared>> -> memref<10240x128xf32, #tpu.memory_space<vmem_shared>>
          tpu.wait_indirect_dma semaphore(%arg18 : memref<!tpu.dma_semaphore, #tpu.memory_space<semaphore_mem>>) src(%dma_wait3A_325 : memref<64x128xf32, #tpu.memory_space<vmem>>) dst(%dma_wait3A_331 : memref<10240x128xf32, #tpu.memory_space<vmem_shared>>)
        } else {
        }
        %dma_start3A = arith.constant 3 : i32
        %dma_start3A_310 = arith.constant 0 : i32
        %dma_start3A_311 = arith.constant 0 : i32
        %dma_start3A_312 = tpu.memref_slice %arg9[%dma_start3A, %dma_start3A_310, %dma_start3A_311] : memref<4x64x128xf32, #tpu.memory_space<vmem>> -> memref<1x64x128xf32, #tpu.memory_space<vmem>>
        %dma_start3A_313 = tpu.memref_squeeze %dma_start3A_312 : memref<1x64x128xf32, #tpu.memory_space<vmem>> -> memref<64x128xf32, #tpu.memory_space<vmem>>
        %dma_start3A_314 = arith.constant 0 : i32
        %dma_start3A_315 = tpu.memref_slice %arg7[%add3A_289, %dma_start3A_314] : memref<40x64xi32, #tpu.memory_space<vmem>> -> memref<1x64xi32, #tpu.memory_space<vmem>>
        %dma_start3A_316 = tpu.memref_squeeze %dma_start3A_315 : memref<1x64xi32, #tpu.memory_space<vmem>> -> memref<64xi32, #tpu.memory_space<vmem>>
        %dma_start3A_317 = arith.constant 0 : i32
        %dma_start3A_318 = arith.constant 0 : i32
        %dma_start3A_319 = tpu.memref_slice %arg4[%dma_start3A_317, %dma_start3A_318] : memref<10240x128xf32, #tpu.memory_space<hbm>> -> memref<10240x128xf32, #tpu.memory_space<hbm>>
        tpu.enqueue_indirect_dma source(%dma_start3A_319 : memref<10240x128xf32, #tpu.memory_space<hbm>>) target(%dma_start3A_313 : memref<64x128xf32, #tpu.memory_space<vmem>>) offsets(%dma_start3A_316 : memref<64xi32, #tpu.memory_space<vmem>>) semaphore(%arg14 : memref<!tpu.dma_semaphore, #tpu.memory_space<semaphore_mem>>)
      } else {
      }
    }
    %scan3A_68 = arith.constant 11 : i32
    %dma_wait3A_69 = arith.constant 0 : i32
    %dma_wait3A_70 = arith.constant 0 : i32
    %dma_wait3A_71 = arith.constant 0 : i32
    %dma_wait3A_72 = arith.constant 0 : i32
    %dma_wait3A_73 = tpu.memref_slice %arg9[%dma_wait3A_69, %dma_wait3A_71, %dma_wait3A_72] : memref<4x64x128xf32, #tpu.memory_space<vmem>> -> memref<1x64x128xf32, #tpu.memory_space<vmem>>
    %dma_wait3A_74 = tpu.memref_squeeze %dma_wait3A_73 : memref<1x64x128xf32, #tpu.memory_space<vmem>> -> memref<64x128xf32, #tpu.memory_space<vmem>>
    %dma_wait3A_75 = arith.constant 0 : i32
    %dma_wait3A_76 = tpu.memref_slice %arg8[%dma_wait3A_70, %dma_wait3A_75] : memref<40x64xi32, #tpu.memory_space<vmem>> -> memref<1x64xi32, #tpu.memory_space<vmem>>
    %dma_wait3A_77 = tpu.memref_squeeze %dma_wait3A_76 : memref<1x64xi32, #tpu.memory_space<vmem>> -> memref<64xi32, #tpu.memory_space<vmem>>
    %dma_wait3A_78 = arith.constant 0 : i32
    %dma_wait3A_79 = arith.constant 0 : i32
    %dma_wait3A_80 = tpu.memref_slice %arg10[%dma_wait3A_78, %dma_wait3A_79] : memref<10240x128xf32, #tpu.memory_space<vmem_shared>> -> memref<10240x128xf32, #tpu.memory_space<vmem_shared>>
    tpu.wait_indirect_dma semaphore(%arg15 : memref<!tpu.dma_semaphore, #tpu.memory_space<semaphore_mem>>) src(%dma_wait3A_74 : memref<64x128xf32, #tpu.memory_space<vmem>>) dst(%dma_wait3A_80 : memref<10240x128xf32, #tpu.memory_space<vmem_shared>>)
    %dma_wait3A_81 = arith.constant 1 : i32
    %dma_wait3A_82 = arith.constant 0 : i32
    %dma_wait3A_83 = arith.constant 0 : i32
    %dma_wait3A_84 = arith.constant 0 : i32
    %dma_wait3A_85 = tpu.memref_slice %arg9[%dma_wait3A_81, %dma_wait3A_83, %dma_wait3A_84] : memref<4x64x128xf32, #tpu.memory_space<vmem>> -> memref<1x64x128xf32, #tpu.memory_space<vmem>>
    %dma_wait3A_86 = tpu.memref_squeeze %dma_wait3A_85 : memref<1x64x128xf32, #tpu.memory_space<vmem>> -> memref<64x128xf32, #tpu.memory_space<vmem>>
    %dma_wait3A_87 = arith.constant 0 : i32
    %dma_wait3A_88 = tpu.memref_slice %arg8[%dma_wait3A_82, %dma_wait3A_87] : memref<40x64xi32, #tpu.memory_space<vmem>> -> memref<1x64xi32, #tpu.memory_space<vmem>>
    %dma_wait3A_89 = tpu.memref_squeeze %dma_wait3A_88 : memref<1x64xi32, #tpu.memory_space<vmem>> -> memref<64xi32, #tpu.memory_space<vmem>>
    %dma_wait3A_90 = arith.constant 0 : i32
    %dma_wait3A_91 = arith.constant 0 : i32
    %dma_wait3A_92 = tpu.memref_slice %arg10[%dma_wait3A_90, %dma_wait3A_91] : memref<10240x128xf32, #tpu.memory_space<vmem_shared>> -> memref<10240x128xf32, #tpu.memory_space<vmem_shared>>
    tpu.wait_indirect_dma semaphore(%arg16 : memref<!tpu.dma_semaphore, #tpu.memory_space<semaphore_mem>>) src(%dma_wait3A_86 : memref<64x128xf32, #tpu.memory_space<vmem>>) dst(%dma_wait3A_92 : memref<10240x128xf32, #tpu.memory_space<vmem_shared>>)
    %dma_wait3A_93 = arith.constant 2 : i32
    %dma_wait3A_94 = arith.constant 0 : i32
    %dma_wait3A_95 = arith.constant 0 : i32
    %dma_wait3A_96 = arith.constant 0 : i32
    %dma_wait3A_97 = tpu.memref_slice %arg9[%dma_wait3A_93, %dma_wait3A_95, %dma_wait3A_96] : memref<4x64x128xf32, #tpu.memory_space<vmem>> -> memref<1x64x128xf32, #tpu.memory_space<vmem>>
    %dma_wait3A_98 = tpu.memref_squeeze %dma_wait3A_97 : memref<1x64x128xf32, #tpu.memory_space<vmem>> -> memref<64x128xf32, #tpu.memory_space<vmem>>
    %dma_wait3A_99 = arith.constant 0 : i32
    %dma_wait3A_100 = tpu.memref_slice %arg8[%dma_wait3A_94, %dma_wait3A_99] : memref<40x64xi32, #tpu.memory_space<vmem>> -> memref<1x64xi32, #tpu.memory_space<vmem>>
    %dma_wait3A_101 = tpu.memref_squeeze %dma_wait3A_100 : memref<1x64xi32, #tpu.memory_space<vmem>> -> memref<64xi32, #tpu.memory_space<vmem>>
    %dma_wait3A_102 = arith.constant 0 : i32
    %dma_wait3A_103 = arith.constant 0 : i32
    %dma_wait3A_104 = tpu.memref_slice %arg10[%dma_wait3A_102, %dma_wait3A_103] : memref<10240x128xf32, #tpu.memory_space<vmem_shared>> -> memref<10240x128xf32, #tpu.memory_space<vmem_shared>>
    tpu.wait_indirect_dma semaphore(%arg17 : memref<!tpu.dma_semaphore, #tpu.memory_space<semaphore_mem>>) src(%dma_wait3A_98 : memref<64x128xf32, #tpu.memory_space<vmem>>) dst(%dma_wait3A_104 : memref<10240x128xf32, #tpu.memory_space<vmem_shared>>)
    %dma_wait3A_105 = arith.constant 3 : i32
    %dma_wait3A_106 = arith.constant 0 : i32
    %dma_wait3A_107 = arith.constant 0 : i32
    %dma_wait3A_108 = arith.constant 0 : i32
    %dma_wait3A_109 = tpu.memref_slice %arg9[%dma_wait3A_105, %dma_wait3A_107, %dma_wait3A_108] : memref<4x64x128xf32, #tpu.memory_space<vmem>> -> memref<1x64x128xf32, #tpu.memory_space<vmem>>
    %dma_wait3A_110 = tpu.memref_squeeze %dma_wait3A_109 : memref<1x64x128xf32, #tpu.memory_space<vmem>> -> memref<64x128xf32, #tpu.memory_space<vmem>>
    %dma_wait3A_111 = arith.constant 0 : i32
    %dma_wait3A_112 = tpu.memref_slice %arg8[%dma_wait3A_106, %dma_wait3A_111] : memref<40x64xi32, #tpu.memory_space<vmem>> -> memref<1x64xi32, #tpu.memory_space<vmem>>
    %dma_wait3A_113 = tpu.memref_squeeze %dma_wait3A_112 : memref<1x64xi32, #tpu.memory_space<vmem>> -> memref<64xi32, #tpu.memory_space<vmem>>
    %dma_wait3A_114 = arith.constant 0 : i32
    %dma_wait3A_115 = arith.constant 0 : i32
    %dma_wait3A_116 = tpu.memref_slice %arg10[%dma_wait3A_114, %dma_wait3A_115] : memref<10240x128xf32, #tpu.memory_space<vmem_shared>> -> memref<10240x128xf32, #tpu.memory_space<vmem_shared>>
    tpu.wait_indirect_dma semaphore(%arg18 : memref<!tpu.dma_semaphore, #tpu.memory_space<semaphore_mem>>) src(%dma_wait3A_110 : memref<64x128xf32, #tpu.memory_space<vmem>>) dst(%dma_wait3A_116 : memref<10240x128xf32, #tpu.memory_space<vmem_shared>>)
    %mul3A_117 = arith.constant 160 : i32
    %mul3A_118 = arith.muli %add3A, %mul3A_117 : i32
    %add3A_119 = arith.constant 80 : i32
    %add3A_120 = arith.addi %mul3A_118, %add3A_119 : i32
    "tpu.region"() ({
      %run_scoped3A = tpu.sem_alloc : memref<!tpu.dma_semaphore, #tpu.memory_space<semaphore_mem>>
      %dma_start3A = arith.constant 0 : i32
      %dma_start3A_234 = tpu.memref_slice %arg2[%add3A_120, %dma_start3A] : memref<5120x64xi32, #tpu.memory_space<hbm>> -> memref<40x64xi32, #tpu.memory_space<hbm>>
      %dma_start3A_235 = arith.constant 0 : i32
      %dma_start3A_236 = tpu.memref_slice %arg2[%add3A_120, %dma_start3A_235] : memref<5120x64xi32, #tpu.memory_space<hbm>> -> memref<40x64xi32, #tpu.memory_space<hbm>>
      tpu.enqueue_dma source(%dma_start3A_236 : memref<40x64xi32, #tpu.memory_space<hbm>>) target(%arg7 : memref<40x64xi32, #tpu.memory_space<vmem>>) target_semaphore(%run_scoped3A : memref<!tpu.dma_semaphore, #tpu.memory_space<semaphore_mem>>)
      %dma_wait3A_237 = arith.constant 0 : i32
      %dma_wait3A_238 = tpu.memref_slice %arg2[%add3A_120, %dma_wait3A_237] : memref<5120x64xi32, #tpu.memory_space<hbm>> -> memref<40x64xi32, #tpu.memory_space<hbm>>
      %dma_wait3A_239 = arith.constant 0 : i32
      %dma_wait3A_240 = tpu.memref_slice %arg2[%add3A_120, %dma_wait3A_239] : memref<5120x64xi32, #tpu.memory_space<hbm>> -> memref<40x64xi32, #tpu.memory_space<hbm>>
      tpu.wait_dma2 semaphore(%run_scoped3A : memref<!tpu.dma_semaphore, #tpu.memory_space<semaphore_mem>>) src(%dma_wait3A_240 : memref<40x64xi32, #tpu.memory_space<hbm>>) dst(%arg7 : memref<40x64xi32, #tpu.memory_space<vmem>>)
      tpu.yield
    }) : () -> ()
    "tpu.region"() ({
      %run_scoped3A = tpu.sem_alloc : memref<!tpu.dma_semaphore, #tpu.memory_space<semaphore_mem>>
      %dma_start3A = arith.constant 0 : i32
      %dma_start3A_234 = tpu.memref_slice %arg3[%add3A_120, %dma_start3A] : memref<5120x64xi32, #tpu.memory_space<hbm>> -> memref<40x64xi32, #tpu.memory_space<hbm>>
      %dma_start3A_235 = arith.constant 0 : i32
      %dma_start3A_236 = tpu.memref_slice %arg3[%add3A_120, %dma_start3A_235] : memref<5120x64xi32, #tpu.memory_space<hbm>> -> memref<40x64xi32, #tpu.memory_space<hbm>>
      tpu.enqueue_dma source(%dma_start3A_236 : memref<40x64xi32, #tpu.memory_space<hbm>>) target(%arg8 : memref<40x64xi32, #tpu.memory_space<vmem>>) target_semaphore(%run_scoped3A : memref<!tpu.dma_semaphore, #tpu.memory_space<semaphore_mem>>)
      %dma_wait3A_237 = arith.constant 0 : i32
      %dma_wait3A_238 = tpu.memref_slice %arg3[%add3A_120, %dma_wait3A_237] : memref<5120x64xi32, #tpu.memory_space<hbm>> -> memref<40x64xi32, #tpu.memory_space<hbm>>
      %dma_wait3A_239 = arith.constant 0 : i32
      %dma_wait3A_240 = tpu.memref_slice %arg3[%add3A_120, %dma_wait3A_239] : memref<5120x64xi32, #tpu.memory_space<hbm>> -> memref<40x64xi32, #tpu.memory_space<hbm>>
      tpu.wait_dma2 semaphore(%run_scoped3A : memref<!tpu.dma_semaphore, #tpu.memory_space<semaphore_mem>>) src(%dma_wait3A_240 : memref<40x64xi32, #tpu.memory_space<hbm>>) dst(%arg8 : memref<40x64xi32, #tpu.memory_space<vmem>>)
      tpu.yield
    }) : () -> ()
    %scan3A_121 = arith.constant 0 : i32
    %scan3A_122 = arith.constant 0 : i32
    %scan3A_123 = arith.constant 11 : i32
    %scan3A_124 = arith.addi %scan3A_122, %scan3A_123 : i32
    %scan3A_125 = arith.constant 1 : i32
    scf.for %scan3A_234 = %scan3A_122 to %scan3A_124 step %scan3A_125  : i32 {
      %mul3A_235 = arith.constant 4 : i32
      %mul3A_236 = arith.muli %scan3A_234, %mul3A_235 : i32
      %add3A_237 = arith.constant 0 : i32
      %add3A_238 = arith.addi %mul3A_236, %add3A_237 : i32
      %sub3A = arith.constant 3 : i32
      %sub3A_239 = arith.subi %add3A_238, %sub3A : i32
      %ge3A = arith.constant 0 : i32
      %ge3A_240 = arith.cmpi sge, %sub3A_239, %ge3A : i32
      %lt3A = arith.constant 40 : i32
      %lt3A_241 = arith.cmpi slt, %sub3A_239, %lt3A : i32
      %and3A = arith.andi %ge3A_240, %lt3A_241 : i1
      %convert_element_type3A = arith.extui %and3A : i1 to i32
      %cond3A = arith.constant 0 : i32
      %cond3A_242 = arith.cmpi ne, %convert_element_type3A, %cond3A : i32
      scf.if %cond3A_242 {
        %dma_wait3A_305 = arith.constant 0 : i32
        %dma_wait3A_306 = arith.constant 1 : i32
        %dma_wait3A_307 = arith.constant 0 : i32
        %dma_wait3A_308 = arith.constant 0 : i32
        %dma_wait3A_309 = tpu.memref_slice %arg9[%dma_wait3A_306, %dma_wait3A_307, %dma_wait3A_308] : memref<4x64x128xf32, #tpu.memory_space<vmem>> -> memref<1x64x128xf32, #tpu.memory_space<vmem>>
        %dma_wait3A_310 = tpu.memref_squeeze %dma_wait3A_309 : memref<1x64x128xf32, #tpu.memory_space<vmem>> -> memref<64x128xf32, #tpu.memory_space<vmem>>
        %dma_wait3A_311 = arith.constant 0 : i32
        %dma_wait3A_312 = tpu.memref_slice %arg7[%dma_wait3A_305, %dma_wait3A_311] : memref<40x64xi32, #tpu.memory_space<vmem>> -> memref<1x64xi32, #tpu.memory_space<vmem>>
        %dma_wait3A_313 = tpu.memref_squeeze %dma_wait3A_312 : memref<1x64xi32, #tpu.memory_space<vmem>> -> memref<64xi32, #tpu.memory_space<vmem>>
        %dma_wait3A_314 = arith.constant 0 : i32
        %dma_wait3A_315 = arith.constant 0 : i32
        %dma_wait3A_316 = tpu.memref_slice %arg4[%dma_wait3A_314, %dma_wait3A_315] : memref<10240x128xf32, #tpu.memory_space<hbm>> -> memref<10240x128xf32, #tpu.memory_space<hbm>>
        tpu.wait_indirect_dma semaphore(%arg12 : memref<!tpu.dma_semaphore, #tpu.memory_space<semaphore_mem>>) src(%dma_wait3A_316 : memref<10240x128xf32, #tpu.memory_space<hbm>>) dst(%dma_wait3A_310 : memref<64x128xf32, #tpu.memory_space<vmem>>)
        %dma_start3A = arith.constant 1 : i32
        %dma_start3A_317 = arith.constant 0 : i32
        %dma_start3A_318 = arith.constant 0 : i32
        %dma_start3A_319 = tpu.memref_slice %arg9[%dma_start3A, %dma_start3A_317, %dma_start3A_318] : memref<4x64x128xf32, #tpu.memory_space<vmem>> -> memref<1x64x128xf32, #tpu.memory_space<vmem>>
        %dma_start3A_320 = tpu.memref_squeeze %dma_start3A_319 : memref<1x64x128xf32, #tpu.memory_space<vmem>> -> memref<64x128xf32, #tpu.memory_space<vmem>>
        %dma_start3A_321 = arith.constant 0 : i32
        %dma_start3A_322 = tpu.memref_slice %arg8[%sub3A_239, %dma_start3A_321] : memref<40x64xi32, #tpu.memory_space<vmem>> -> memref<1x64xi32, #tpu.memory_space<vmem>>
        %dma_start3A_323 = tpu.memref_squeeze %dma_start3A_322 : memref<1x64xi32, #tpu.memory_space<vmem>> -> memref<64xi32, #tpu.memory_space<vmem>>
        %dma_start3A_324 = arith.constant 0 : i32
        %dma_start3A_325 = arith.constant 0 : i32
        %dma_start3A_326 = tpu.memref_slice %arg10[%dma_start3A_324, %dma_start3A_325] : memref<10240x128xf32, #tpu.memory_space<vmem_shared>> -> memref<10240x128xf32, #tpu.memory_space<vmem_shared>>
        tpu.enqueue_indirect_dma source(%dma_start3A_320 : memref<64x128xf32, #tpu.memory_space<vmem>>) target(%dma_start3A_326 : memref<10240x128xf32, #tpu.memory_space<vmem_shared>>) offsets(%dma_start3A_323 : memref<64xi32, #tpu.memory_space<vmem>>) semaphore(%arg16 : memref<!tpu.dma_semaphore, #tpu.memory_space<semaphore_mem>>) {add = true}
      } else {
      }
      %lt3A_243 = arith.constant 40 : i32
      %lt3A_244 = arith.cmpi slt, %add3A_238, %lt3A_243 : i32
      %convert_element_type3A_245 = arith.extui %lt3A_244 : i1 to i32
      %cond3A_246 = arith.constant 0 : i32
      %cond3A_247 = arith.cmpi ne, %convert_element_type3A_245, %cond3A_246 : i32
      scf.if %cond3A_247 {
        %ge3A_305 = arith.constant 4 : i32
        %ge3A_306 = arith.cmpi sge, %add3A_238, %ge3A_305 : i32
        %convert_element_type3A_307 = arith.extui %ge3A_306 : i1 to i32
        %cond3A_308 = arith.constant 0 : i32
        %cond3A_309 = arith.cmpi ne, %convert_element_type3A_307, %cond3A_308 : i32
        scf.if %cond3A_309 {
          %dma_wait3A_320 = arith.constant 0 : i32
          %dma_wait3A_321 = arith.constant 0 : i32
          %dma_wait3A_322 = arith.constant 0 : i32
          %dma_wait3A_323 = arith.constant 0 : i32
          %dma_wait3A_324 = tpu.memref_slice %arg9[%dma_wait3A_320, %dma_wait3A_322, %dma_wait3A_323] : memref<4x64x128xf32, #tpu.memory_space<vmem>> -> memref<1x64x128xf32, #tpu.memory_space<vmem>>
          %dma_wait3A_325 = tpu.memref_squeeze %dma_wait3A_324 : memref<1x64x128xf32, #tpu.memory_space<vmem>> -> memref<64x128xf32, #tpu.memory_space<vmem>>
          %dma_wait3A_326 = arith.constant 0 : i32
          %dma_wait3A_327 = tpu.memref_slice %arg8[%dma_wait3A_321, %dma_wait3A_326] : memref<40x64xi32, #tpu.memory_space<vmem>> -> memref<1x64xi32, #tpu.memory_space<vmem>>
          %dma_wait3A_328 = tpu.memref_squeeze %dma_wait3A_327 : memref<1x64xi32, #tpu.memory_space<vmem>> -> memref<64xi32, #tpu.memory_space<vmem>>
          %dma_wait3A_329 = arith.constant 0 : i32
          %dma_wait3A_330 = arith.constant 0 : i32
          %dma_wait3A_331 = tpu.memref_slice %arg10[%dma_wait3A_329, %dma_wait3A_330] : memref<10240x128xf32, #tpu.memory_space<vmem_shared>> -> memref<10240x128xf32, #tpu.memory_space<vmem_shared>>
          tpu.wait_indirect_dma semaphore(%arg15 : memref<!tpu.dma_semaphore, #tpu.memory_space<semaphore_mem>>) src(%dma_wait3A_325 : memref<64x128xf32, #tpu.memory_space<vmem>>) dst(%dma_wait3A_331 : memref<10240x128xf32, #tpu.memory_space<vmem_shared>>)
        } else {
        }
        %dma_start3A = arith.constant 0 : i32
        %dma_start3A_310 = arith.constant 0 : i32
        %dma_start3A_311 = arith.constant 0 : i32
        %dma_start3A_312 = tpu.memref_slice %arg9[%dma_start3A, %dma_start3A_310, %dma_start3A_311] : memref<4x64x128xf32, #tpu.memory_space<vmem>> -> memref<1x64x128xf32, #tpu.memory_space<vmem>>
        %dma_start3A_313 = tpu.memref_squeeze %dma_start3A_312 : memref<1x64x128xf32, #tpu.memory_space<vmem>> -> memref<64x128xf32, #tpu.memory_space<vmem>>
        %dma_start3A_314 = arith.constant 0 : i32
        %dma_start3A_315 = tpu.memref_slice %arg7[%add3A_238, %dma_start3A_314] : memref<40x64xi32, #tpu.memory_space<vmem>> -> memref<1x64xi32, #tpu.memory_space<vmem>>
        %dma_start3A_316 = tpu.memref_squeeze %dma_start3A_315 : memref<1x64xi32, #tpu.memory_space<vmem>> -> memref<64xi32, #tpu.memory_space<vmem>>
        %dma_start3A_317 = arith.constant 0 : i32
        %dma_start3A_318 = arith.constant 0 : i32
        %dma_start3A_319 = tpu.memref_slice %arg4[%dma_start3A_317, %dma_start3A_318] : memref<10240x128xf32, #tpu.memory_space<hbm>> -> memref<10240x128xf32, #tpu.memory_space<hbm>>
        tpu.enqueue_indirect_dma source(%dma_start3A_319 : memref<10240x128xf32, #tpu.memory_space<hbm>>) target(%dma_start3A_313 : memref<64x128xf32, #tpu.memory_space<vmem>>) offsets(%dma_start3A_316 : memref<64xi32, #tpu.memory_space<vmem>>) semaphore(%arg11 : memref<!tpu.dma_semaphore, #tpu.memory_space<semaphore_mem>>)
      } else {
      }
      %mul3A_248 = arith.constant 4 : i32
      %mul3A_249 = arith.muli %scan3A_234, %mul3A_248 : i32
      %add3A_250 = arith.constant 1 : i32
      %add3A_251 = arith.addi %mul3A_249, %add3A_250 : i32
      %sub3A_252 = arith.constant 3 : i32
      %sub3A_253 = arith.subi %add3A_251, %sub3A_252 : i32
      %ge3A_254 = arith.constant 0 : i32
      %ge3A_255 = arith.cmpi sge, %sub3A_253, %ge3A_254 : i32
      %lt3A_256 = arith.constant 40 : i32
      %lt3A_257 = arith.cmpi slt, %sub3A_253, %lt3A_256 : i32
      %and3A_258 = arith.andi %ge3A_255, %lt3A_257 : i1
      %convert_element_type3A_259 = arith.extui %and3A_258 : i1 to i32
      %cond3A_260 = arith.constant 0 : i32
      %cond3A_261 = arith.cmpi ne, %convert_element_type3A_259, %cond3A_260 : i32
      scf.if %cond3A_261 {
        %dma_wait3A_305 = arith.constant 0 : i32
        %dma_wait3A_306 = arith.constant 2 : i32
        %dma_wait3A_307 = arith.constant 0 : i32
        %dma_wait3A_308 = arith.constant 0 : i32
        %dma_wait3A_309 = tpu.memref_slice %arg9[%dma_wait3A_306, %dma_wait3A_307, %dma_wait3A_308] : memref<4x64x128xf32, #tpu.memory_space<vmem>> -> memref<1x64x128xf32, #tpu.memory_space<vmem>>
        %dma_wait3A_310 = tpu.memref_squeeze %dma_wait3A_309 : memref<1x64x128xf32, #tpu.memory_space<vmem>> -> memref<64x128xf32, #tpu.memory_space<vmem>>
        %dma_wait3A_311 = arith.constant 0 : i32
        %dma_wait3A_312 = tpu.memref_slice %arg7[%dma_wait3A_305, %dma_wait3A_311] : memref<40x64xi32, #tpu.memory_space<vmem>> -> memref<1x64xi32, #tpu.memory_space<vmem>>
        %dma_wait3A_313 = tpu.memref_squeeze %dma_wait3A_312 : memref<1x64xi32, #tpu.memory_space<vmem>> -> memref<64xi32, #tpu.memory_space<vmem>>
        %dma_wait3A_314 = arith.constant 0 : i32
        %dma_wait3A_315 = arith.constant 0 : i32
        %dma_wait3A_316 = tpu.memref_slice %arg4[%dma_wait3A_314, %dma_wait3A_315] : memref<10240x128xf32, #tpu.memory_space<hbm>> -> memref<10240x128xf32, #tpu.memory_space<hbm>>
        tpu.wait_indirect_dma semaphore(%arg13 : memref<!tpu.dma_semaphore, #tpu.memory_space<semaphore_mem>>) src(%dma_wait3A_316 : memref<10240x128xf32, #tpu.memory_space<hbm>>) dst(%dma_wait3A_310 : memref<64x128xf32, #tpu.memory_space<vmem>>)
        %dma_start3A = arith.constant 2 : i32
        %dma_start3A_317 = arith.constant 0 : i32
        %dma_start3A_318 = arith.constant 0 : i32
        %dma_start3A_319 = tpu.memref_slice %arg9[%dma_start3A, %dma_start3A_317, %dma_start3A_318] : memref<4x64x128xf32, #tpu.memory_space<vmem>> -> memref<1x64x128xf32, #tpu.memory_space<vmem>>
        %dma_start3A_320 = tpu.memref_squeeze %dma_start3A_319 : memref<1x64x128xf32, #tpu.memory_space<vmem>> -> memref<64x128xf32, #tpu.memory_space<vmem>>
        %dma_start3A_321 = arith.constant 0 : i32
        %dma_start3A_322 = tpu.memref_slice %arg8[%sub3A_253, %dma_start3A_321] : memref<40x64xi32, #tpu.memory_space<vmem>> -> memref<1x64xi32, #tpu.memory_space<vmem>>
        %dma_start3A_323 = tpu.memref_squeeze %dma_start3A_322 : memref<1x64xi32, #tpu.memory_space<vmem>> -> memref<64xi32, #tpu.memory_space<vmem>>
        %dma_start3A_324 = arith.constant 0 : i32
        %dma_start3A_325 = arith.constant 0 : i32
        %dma_start3A_326 = tpu.memref_slice %arg10[%dma_start3A_324, %dma_start3A_325] : memref<10240x128xf32, #tpu.memory_space<vmem_shared>> -> memref<10240x128xf32, #tpu.memory_space<vmem_shared>>
        tpu.enqueue_indirect_dma source(%dma_start3A_320 : memref<64x128xf32, #tpu.memory_space<vmem>>) target(%dma_start3A_326 : memref<10240x128xf32, #tpu.memory_space<vmem_shared>>) offsets(%dma_start3A_323 : memref<64xi32, #tpu.memory_space<vmem>>) semaphore(%arg17 : memref<!tpu.dma_semaphore, #tpu.memory_space<semaphore_mem>>) {add = true}
      } else {
      }
      %lt3A_262 = arith.constant 40 : i32
      %lt3A_263 = arith.cmpi slt, %add3A_251, %lt3A_262 : i32
      %convert_element_type3A_264 = arith.extui %lt3A_263 : i1 to i32
      %cond3A_265 = arith.constant 0 : i32
      %cond3A_266 = arith.cmpi ne, %convert_element_type3A_264, %cond3A_265 : i32
      scf.if %cond3A_266 {
        %ge3A_305 = arith.constant 4 : i32
        %ge3A_306 = arith.cmpi sge, %add3A_251, %ge3A_305 : i32
        %convert_element_type3A_307 = arith.extui %ge3A_306 : i1 to i32
        %cond3A_308 = arith.constant 0 : i32
        %cond3A_309 = arith.cmpi ne, %convert_element_type3A_307, %cond3A_308 : i32
        scf.if %cond3A_309 {
          %dma_wait3A_320 = arith.constant 1 : i32
          %dma_wait3A_321 = arith.constant 0 : i32
          %dma_wait3A_322 = arith.constant 0 : i32
          %dma_wait3A_323 = arith.constant 0 : i32
          %dma_wait3A_324 = tpu.memref_slice %arg9[%dma_wait3A_320, %dma_wait3A_322, %dma_wait3A_323] : memref<4x64x128xf32, #tpu.memory_space<vmem>> -> memref<1x64x128xf32, #tpu.memory_space<vmem>>
          %dma_wait3A_325 = tpu.memref_squeeze %dma_wait3A_324 : memref<1x64x128xf32, #tpu.memory_space<vmem>> -> memref<64x128xf32, #tpu.memory_space<vmem>>
          %dma_wait3A_326 = arith.constant 0 : i32
          %dma_wait3A_327 = tpu.memref_slice %arg8[%dma_wait3A_321, %dma_wait3A_326] : memref<40x64xi32, #tpu.memory_space<vmem>> -> memref<1x64xi32, #tpu.memory_space<vmem>>
          %dma_wait3A_328 = tpu.memref_squeeze %dma_wait3A_327 : memref<1x64xi32, #tpu.memory_space<vmem>> -> memref<64xi32, #tpu.memory_space<vmem>>
          %dma_wait3A_329 = arith.constant 0 : i32
          %dma_wait3A_330 = arith.constant 0 : i32
          %dma_wait3A_331 = tpu.memref_slice %arg10[%dma_wait3A_329, %dma_wait3A_330] : memref<10240x128xf32, #tpu.memory_space<vmem_shared>> -> memref<10240x128xf32, #tpu.memory_space<vmem_shared>>
          tpu.wait_indirect_dma semaphore(%arg16 : memref<!tpu.dma_semaphore, #tpu.memory_space<semaphore_mem>>) src(%dma_wait3A_325 : memref<64x128xf32, #tpu.memory_space<vmem>>) dst(%dma_wait3A_331 : memref<10240x128xf32, #tpu.memory_space<vmem_shared>>)
        } else {
        }
        %dma_start3A = arith.constant 1 : i32
        %dma_start3A_310 = arith.constant 0 : i32
        %dma_start3A_311 = arith.constant 0 : i32
        %dma_start3A_312 = tpu.memref_slice %arg9[%dma_start3A, %dma_start3A_310, %dma_start3A_311] : memref<4x64x128xf32, #tpu.memory_space<vmem>> -> memref<1x64x128xf32, #tpu.memory_space<vmem>>
        %dma_start3A_313 = tpu.memref_squeeze %dma_start3A_312 : memref<1x64x128xf32, #tpu.memory_space<vmem>> -> memref<64x128xf32, #tpu.memory_space<vmem>>
        %dma_start3A_314 = arith.constant 0 : i32
        %dma_start3A_315 = tpu.memref_slice %arg7[%add3A_251, %dma_start3A_314] : memref<40x64xi32, #tpu.memory_space<vmem>> -> memref<1x64xi32, #tpu.memory_space<vmem>>
        %dma_start3A_316 = tpu.memref_squeeze %dma_start3A_315 : memref<1x64xi32, #tpu.memory_space<vmem>> -> memref<64xi32, #tpu.memory_space<vmem>>
        %dma_start3A_317 = arith.constant 0 : i32
        %dma_start3A_318 = arith.constant 0 : i32
        %dma_start3A_319 = tpu.memref_slice %arg4[%dma_start3A_317, %dma_start3A_318] : memref<10240x128xf32, #tpu.memory_space<hbm>> -> memref<10240x128xf32, #tpu.memory_space<hbm>>
        tpu.enqueue_indirect_dma source(%dma_start3A_319 : memref<10240x128xf32, #tpu.memory_space<hbm>>) target(%dma_start3A_313 : memref<64x128xf32, #tpu.memory_space<vmem>>) offsets(%dma_start3A_316 : memref<64xi32, #tpu.memory_space<vmem>>) semaphore(%arg12 : memref<!tpu.dma_semaphore, #tpu.memory_space<semaphore_mem>>)
      } else {
      }
      %mul3A_267 = arith.constant 4 : i32
      %mul3A_268 = arith.muli %scan3A_234, %mul3A_267 : i32
      %add3A_269 = arith.constant 2 : i32
      %add3A_270 = arith.addi %mul3A_268, %add3A_269 : i32
      %sub3A_271 = arith.constant 3 : i32
      %sub3A_272 = arith.subi %add3A_270, %sub3A_271 : i32
      %ge3A_273 = arith.constant 0 : i32
      %ge3A_274 = arith.cmpi sge, %sub3A_272, %ge3A_273 : i32
      %lt3A_275 = arith.constant 40 : i32
      %lt3A_276 = arith.cmpi slt, %sub3A_272, %lt3A_275 : i32
      %and3A_277 = arith.andi %ge3A_274, %lt3A_276 : i1
      %convert_element_type3A_278 = arith.extui %and3A_277 : i1 to i32
      %cond3A_279 = arith.constant 0 : i32
      %cond3A_280 = arith.cmpi ne, %convert_element_type3A_278, %cond3A_279 : i32
      scf.if %cond3A_280 {
        %dma_wait3A_305 = arith.constant 0 : i32
        %dma_wait3A_306 = arith.constant 3 : i32
        %dma_wait3A_307 = arith.constant 0 : i32
        %dma_wait3A_308 = arith.constant 0 : i32
        %dma_wait3A_309 = tpu.memref_slice %arg9[%dma_wait3A_306, %dma_wait3A_307, %dma_wait3A_308] : memref<4x64x128xf32, #tpu.memory_space<vmem>> -> memref<1x64x128xf32, #tpu.memory_space<vmem>>
        %dma_wait3A_310 = tpu.memref_squeeze %dma_wait3A_309 : memref<1x64x128xf32, #tpu.memory_space<vmem>> -> memref<64x128xf32, #tpu.memory_space<vmem>>
        %dma_wait3A_311 = arith.constant 0 : i32
        %dma_wait3A_312 = tpu.memref_slice %arg7[%dma_wait3A_305, %dma_wait3A_311] : memref<40x64xi32, #tpu.memory_space<vmem>> -> memref<1x64xi32, #tpu.memory_space<vmem>>
        %dma_wait3A_313 = tpu.memref_squeeze %dma_wait3A_312 : memref<1x64xi32, #tpu.memory_space<vmem>> -> memref<64xi32, #tpu.memory_space<vmem>>
        %dma_wait3A_314 = arith.constant 0 : i32
        %dma_wait3A_315 = arith.constant 0 : i32
        %dma_wait3A_316 = tpu.memref_slice %arg4[%dma_wait3A_314, %dma_wait3A_315] : memref<10240x128xf32, #tpu.memory_space<hbm>> -> memref<10240x128xf32, #tpu.memory_space<hbm>>
        tpu.wait_indirect_dma semaphore(%arg14 : memref<!tpu.dma_semaphore, #tpu.memory_space<semaphore_mem>>) src(%dma_wait3A_316 : memref<10240x128xf32, #tpu.memory_space<hbm>>) dst(%dma_wait3A_310 : memref<64x128xf32, #tpu.memory_space<vmem>>)
        %dma_start3A = arith.constant 3 : i32
        %dma_start3A_317 = arith.constant 0 : i32
        %dma_start3A_318 = arith.constant 0 : i32
        %dma_start3A_319 = tpu.memref_slice %arg9[%dma_start3A, %dma_start3A_317, %dma_start3A_318] : memref<4x64x128xf32, #tpu.memory_space<vmem>> -> memref<1x64x128xf32, #tpu.memory_space<vmem>>
        %dma_start3A_320 = tpu.memref_squeeze %dma_start3A_319 : memref<1x64x128xf32, #tpu.memory_space<vmem>> -> memref<64x128xf32, #tpu.memory_space<vmem>>
        %dma_start3A_321 = arith.constant 0 : i32
        %dma_start3A_322 = tpu.memref_slice %arg8[%sub3A_272, %dma_start3A_321] : memref<40x64xi32, #tpu.memory_space<vmem>> -> memref<1x64xi32, #tpu.memory_space<vmem>>
        %dma_start3A_323 = tpu.memref_squeeze %dma_start3A_322 : memref<1x64xi32, #tpu.memory_space<vmem>> -> memref<64xi32, #tpu.memory_space<vmem>>
        %dma_start3A_324 = arith.constant 0 : i32
        %dma_start3A_325 = arith.constant 0 : i32
        %dma_start3A_326 = tpu.memref_slice %arg10[%dma_start3A_324, %dma_start3A_325] : memref<10240x128xf32, #tpu.memory_space<vmem_shared>> -> memref<10240x128xf32, #tpu.memory_space<vmem_shared>>
        tpu.enqueue_indirect_dma source(%dma_start3A_320 : memref<64x128xf32, #tpu.memory_space<vmem>>) target(%dma_start3A_326 : memref<10240x128xf32, #tpu.memory_space<vmem_shared>>) offsets(%dma_start3A_323 : memref<64xi32, #tpu.memory_space<vmem>>) semaphore(%arg18 : memref<!tpu.dma_semaphore, #tpu.memory_space<semaphore_mem>>) {add = true}
      } else {
      }
      %lt3A_281 = arith.constant 40 : i32
      %lt3A_282 = arith.cmpi slt, %add3A_270, %lt3A_281 : i32
      %convert_element_type3A_283 = arith.extui %lt3A_282 : i1 to i32
      %cond3A_284 = arith.constant 0 : i32
      %cond3A_285 = arith.cmpi ne, %convert_element_type3A_283, %cond3A_284 : i32
      scf.if %cond3A_285 {
        %ge3A_305 = arith.constant 4 : i32
        %ge3A_306 = arith.cmpi sge, %add3A_270, %ge3A_305 : i32
        %convert_element_type3A_307 = arith.extui %ge3A_306 : i1 to i32
        %cond3A_308 = arith.constant 0 : i32
        %cond3A_309 = arith.cmpi ne, %convert_element_type3A_307, %cond3A_308 : i32
        scf.if %cond3A_309 {
          %dma_wait3A_320 = arith.constant 2 : i32
          %dma_wait3A_321 = arith.constant 0 : i32
          %dma_wait3A_322 = arith.constant 0 : i32
          %dma_wait3A_323 = arith.constant 0 : i32
          %dma_wait3A_324 = tpu.memref_slice %arg9[%dma_wait3A_320, %dma_wait3A_322, %dma_wait3A_323] : memref<4x64x128xf32, #tpu.memory_space<vmem>> -> memref<1x64x128xf32, #tpu.memory_space<vmem>>
          %dma_wait3A_325 = tpu.memref_squeeze %dma_wait3A_324 : memref<1x64x128xf32, #tpu.memory_space<vmem>> -> memref<64x128xf32, #tpu.memory_space<vmem>>
          %dma_wait3A_326 = arith.constant 0 : i32
          %dma_wait3A_327 = tpu.memref_slice %arg8[%dma_wait3A_321, %dma_wait3A_326] : memref<40x64xi32, #tpu.memory_space<vmem>> -> memref<1x64xi32, #tpu.memory_space<vmem>>
          %dma_wait3A_328 = tpu.memref_squeeze %dma_wait3A_327 : memref<1x64xi32, #tpu.memory_space<vmem>> -> memref<64xi32, #tpu.memory_space<vmem>>
          %dma_wait3A_329 = arith.constant 0 : i32
          %dma_wait3A_330 = arith.constant 0 : i32
          %dma_wait3A_331 = tpu.memref_slice %arg10[%dma_wait3A_329, %dma_wait3A_330] : memref<10240x128xf32, #tpu.memory_space<vmem_shared>> -> memref<10240x128xf32, #tpu.memory_space<vmem_shared>>
          tpu.wait_indirect_dma semaphore(%arg17 : memref<!tpu.dma_semaphore, #tpu.memory_space<semaphore_mem>>) src(%dma_wait3A_325 : memref<64x128xf32, #tpu.memory_space<vmem>>) dst(%dma_wait3A_331 : memref<10240x128xf32, #tpu.memory_space<vmem_shared>>)
        } else {
        }
        %dma_start3A = arith.constant 2 : i32
        %dma_start3A_310 = arith.constant 0 : i32
        %dma_start3A_311 = arith.constant 0 : i32
        %dma_start3A_312 = tpu.memref_slice %arg9[%dma_start3A, %dma_start3A_310, %dma_start3A_311] : memref<4x64x128xf32, #tpu.memory_space<vmem>> -> memref<1x64x128xf32, #tpu.memory_space<vmem>>
        %dma_start3A_313 = tpu.memref_squeeze %dma_start3A_312 : memref<1x64x128xf32, #tpu.memory_space<vmem>> -> memref<64x128xf32, #tpu.memory_space<vmem>>
        %dma_start3A_314 = arith.constant 0 : i32
        %dma_start3A_315 = tpu.memref_slice %arg7[%add3A_270, %dma_start3A_314] : memref<40x64xi32, #tpu.memory_space<vmem>> -> memref<1x64xi32, #tpu.memory_space<vmem>>
        %dma_start3A_316 = tpu.memref_squeeze %dma_start3A_315 : memref<1x64xi32, #tpu.memory_space<vmem>> -> memref<64xi32, #tpu.memory_space<vmem>>
        %dma_start3A_317 = arith.constant 0 : i32
        %dma_start3A_318 = arith.constant 0 : i32
        %dma_start3A_319 = tpu.memref_slice %arg4[%dma_start3A_317, %dma_start3A_318] : memref<10240x128xf32, #tpu.memory_space<hbm>> -> memref<10240x128xf32, #tpu.memory_space<hbm>>
        tpu.enqueue_indirect_dma source(%dma_start3A_319 : memref<10240x128xf32, #tpu.memory_space<hbm>>) target(%dma_start3A_313 : memref<64x128xf32, #tpu.memory_space<vmem>>) offsets(%dma_start3A_316 : memref<64xi32, #tpu.memory_space<vmem>>) semaphore(%arg13 : memref<!tpu.dma_semaphore, #tpu.memory_space<semaphore_mem>>)
      } else {
      }
      %mul3A_286 = arith.constant 4 : i32
      %mul3A_287 = arith.muli %scan3A_234, %mul3A_286 : i32
      %add3A_288 = arith.constant 3 : i32
      %add3A_289 = arith.addi %mul3A_287, %add3A_288 : i32
      %sub3A_290 = arith.constant 3 : i32
      %sub3A_291 = arith.subi %add3A_289, %sub3A_290 : i32
      %ge3A_292 = arith.constant 0 : i32
      %ge3A_293 = arith.cmpi sge, %sub3A_291, %ge3A_292 : i32
      %lt3A_294 = arith.constant 40 : i32
      %lt3A_295 = arith.cmpi slt, %sub3A_291, %lt3A_294 : i32
      %and3A_296 = arith.andi %ge3A_293, %lt3A_295 : i1
      %convert_element_type3A_297 = arith.extui %and3A_296 : i1 to i32
      %cond3A_298 = arith.constant 0 : i32
      %cond3A_299 = arith.cmpi ne, %convert_element_type3A_297, %cond3A_298 : i32
      scf.if %cond3A_299 {
        %dma_wait3A_305 = arith.constant 0 : i32
        %dma_wait3A_306 = arith.constant 0 : i32
        %dma_wait3A_307 = arith.constant 0 : i32
        %dma_wait3A_308 = arith.constant 0 : i32
        %dma_wait3A_309 = tpu.memref_slice %arg9[%dma_wait3A_306, %dma_wait3A_307, %dma_wait3A_308] : memref<4x64x128xf32, #tpu.memory_space<vmem>> -> memref<1x64x128xf32, #tpu.memory_space<vmem>>
        %dma_wait3A_310 = tpu.memref_squeeze %dma_wait3A_309 : memref<1x64x128xf32, #tpu.memory_space<vmem>> -> memref<64x128xf32, #tpu.memory_space<vmem>>
        %dma_wait3A_311 = arith.constant 0 : i32
        %dma_wait3A_312 = tpu.memref_slice %arg7[%dma_wait3A_305, %dma_wait3A_311] : memref<40x64xi32, #tpu.memory_space<vmem>> -> memref<1x64xi32, #tpu.memory_space<vmem>>
        %dma_wait3A_313 = tpu.memref_squeeze %dma_wait3A_312 : memref<1x64xi32, #tpu.memory_space<vmem>> -> memref<64xi32, #tpu.memory_space<vmem>>
        %dma_wait3A_314 = arith.constant 0 : i32
        %dma_wait3A_315 = arith.constant 0 : i32
        %dma_wait3A_316 = tpu.memref_slice %arg4[%dma_wait3A_314, %dma_wait3A_315] : memref<10240x128xf32, #tpu.memory_space<hbm>> -> memref<10240x128xf32, #tpu.memory_space<hbm>>
        tpu.wait_indirect_dma semaphore(%arg11 : memref<!tpu.dma_semaphore, #tpu.memory_space<semaphore_mem>>) src(%dma_wait3A_316 : memref<10240x128xf32, #tpu.memory_space<hbm>>) dst(%dma_wait3A_310 : memref<64x128xf32, #tpu.memory_space<vmem>>)
        %dma_start3A = arith.constant 0 : i32
        %dma_start3A_317 = arith.constant 0 : i32
        %dma_start3A_318 = arith.constant 0 : i32
        %dma_start3A_319 = tpu.memref_slice %arg9[%dma_start3A, %dma_start3A_317, %dma_start3A_318] : memref<4x64x128xf32, #tpu.memory_space<vmem>> -> memref<1x64x128xf32, #tpu.memory_space<vmem>>
        %dma_start3A_320 = tpu.memref_squeeze %dma_start3A_319 : memref<1x64x128xf32, #tpu.memory_space<vmem>> -> memref<64x128xf32, #tpu.memory_space<vmem>>
        %dma_start3A_321 = arith.constant 0 : i32
        %dma_start3A_322 = tpu.memref_slice %arg8[%sub3A_291, %dma_start3A_321] : memref<40x64xi32, #tpu.memory_space<vmem>> -> memref<1x64xi32, #tpu.memory_space<vmem>>
        %dma_start3A_323 = tpu.memref_squeeze %dma_start3A_322 : memref<1x64xi32, #tpu.memory_space<vmem>> -> memref<64xi32, #tpu.memory_space<vmem>>
        %dma_start3A_324 = arith.constant 0 : i32
        %dma_start3A_325 = arith.constant 0 : i32
        %dma_start3A_326 = tpu.memref_slice %arg10[%dma_start3A_324, %dma_start3A_325] : memref<10240x128xf32, #tpu.memory_space<vmem_shared>> -> memref<10240x128xf32, #tpu.memory_space<vmem_shared>>
        tpu.enqueue_indirect_dma source(%dma_start3A_320 : memref<64x128xf32, #tpu.memory_space<vmem>>) target(%dma_start3A_326 : memref<10240x128xf32, #tpu.memory_space<vmem_shared>>) offsets(%dma_start3A_323 : memref<64xi32, #tpu.memory_space<vmem>>) semaphore(%arg15 : memref<!tpu.dma_semaphore, #tpu.memory_space<semaphore_mem>>) {add = true}
      } else {
      }
      %lt3A_300 = arith.constant 40 : i32
      %lt3A_301 = arith.cmpi slt, %add3A_289, %lt3A_300 : i32
      %convert_element_type3A_302 = arith.extui %lt3A_301 : i1 to i32
      %cond3A_303 = arith.constant 0 : i32
      %cond3A_304 = arith.cmpi ne, %convert_element_type3A_302, %cond3A_303 : i32
      scf.if %cond3A_304 {
        %ge3A_305 = arith.constant 4 : i32
        %ge3A_306 = arith.cmpi sge, %add3A_289, %ge3A_305 : i32
        %convert_element_type3A_307 = arith.extui %ge3A_306 : i1 to i32
        %cond3A_308 = arith.constant 0 : i32
        %cond3A_309 = arith.cmpi ne, %convert_element_type3A_307, %cond3A_308 : i32
        scf.if %cond3A_309 {
          %dma_wait3A_320 = arith.constant 3 : i32
          %dma_wait3A_321 = arith.constant 0 : i32
          %dma_wait3A_322 = arith.constant 0 : i32
          %dma_wait3A_323 = arith.constant 0 : i32
          %dma_wait3A_324 = tpu.memref_slice %arg9[%dma_wait3A_320, %dma_wait3A_322, %dma_wait3A_323] : memref<4x64x128xf32, #tpu.memory_space<vmem>> -> memref<1x64x128xf32, #tpu.memory_space<vmem>>
          %dma_wait3A_325 = tpu.memref_squeeze %dma_wait3A_324 : memref<1x64x128xf32, #tpu.memory_space<vmem>> -> memref<64x128xf32, #tpu.memory_space<vmem>>
          %dma_wait3A_326 = arith.constant 0 : i32
          %dma_wait3A_327 = tpu.memref_slice %arg8[%dma_wait3A_321, %dma_wait3A_326] : memref<40x64xi32, #tpu.memory_space<vmem>> -> memref<1x64xi32, #tpu.memory_space<vmem>>
          %dma_wait3A_328 = tpu.memref_squeeze %dma_wait3A_327 : memref<1x64xi32, #tpu.memory_space<vmem>> -> memref<64xi32, #tpu.memory_space<vmem>>
          %dma_wait3A_329 = arith.constant 0 : i32
          %dma_wait3A_330 = arith.constant 0 : i32
          %dma_wait3A_331 = tpu.memref_slice %arg10[%dma_wait3A_329, %dma_wait3A_330] : memref<10240x128xf32, #tpu.memory_space<vmem_shared>> -> memref<10240x128xf32, #tpu.memory_space<vmem_shared>>
          tpu.wait_indirect_dma semaphore(%arg18 : memref<!tpu.dma_semaphore, #tpu.memory_space<semaphore_mem>>) src(%dma_wait3A_325 : memref<64x128xf32, #tpu.memory_space<vmem>>) dst(%dma_wait3A_331 : memref<10240x128xf32, #tpu.memory_space<vmem_shared>>)
        } else {
        }
        %dma_start3A = arith.constant 3 : i32
        %dma_start3A_310 = arith.constant 0 : i32
        %dma_start3A_311 = arith.constant 0 : i32
        %dma_start3A_312 = tpu.memref_slice %arg9[%dma_start3A, %dma_start3A_310, %dma_start3A_311] : memref<4x64x128xf32, #tpu.memory_space<vmem>> -> memref<1x64x128xf32, #tpu.memory_space<vmem>>
        %dma_start3A_313 = tpu.memref_squeeze %dma_start3A_312 : memref<1x64x128xf32, #tpu.memory_space<vmem>> -> memref<64x128xf32, #tpu.memory_space<vmem>>
        %dma_start3A_314 = arith.constant 0 : i32
        %dma_start3A_315 = tpu.memref_slice %arg7[%add3A_289, %dma_start3A_314] : memref<40x64xi32, #tpu.memory_space<vmem>> -> memref<1x64xi32, #tpu.memory_space<vmem>>
        %dma_start3A_316 = tpu.memref_squeeze %dma_start3A_315 : memref<1x64xi32, #tpu.memory_space<vmem>> -> memref<64xi32, #tpu.memory_space<vmem>>
        %dma_start3A_317 = arith.constant 0 : i32
        %dma_start3A_318 = arith.constant 0 : i32
        %dma_start3A_319 = tpu.memref_slice %arg4[%dma_start3A_317, %dma_start3A_318] : memref<10240x128xf32, #tpu.memory_space<hbm>> -> memref<10240x128xf32, #tpu.memory_space<hbm>>
        tpu.enqueue_indirect_dma source(%dma_start3A_319 : memref<10240x128xf32, #tpu.memory_space<hbm>>) target(%dma_start3A_313 : memref<64x128xf32, #tpu.memory_space<vmem>>) offsets(%dma_start3A_316 : memref<64xi32, #tpu.memory_space<vmem>>) semaphore(%arg14 : memref<!tpu.dma_semaphore, #tpu.memory_space<semaphore_mem>>)
      } else {
      }
    }
    %scan3A_126 = arith.constant 11 : i32
    %dma_wait3A_127 = arith.constant 0 : i32
    %dma_wait3A_128 = arith.constant 0 : i32
    %dma_wait3A_129 = arith.constant 0 : i32
    %dma_wait3A_130 = arith.constant 0 : i32
    %dma_wait3A_131 = tpu.memref_slice %arg9[%dma_wait3A_127, %dma_wait3A_129, %dma_wait3A_130] : memref<4x64x128xf32, #tpu.memory_space<vmem>> -> memref<1x64x128xf32, #tpu.memory_space<vmem>>
    %dma_wait3A_132 = tpu.memref_squeeze %dma_wait3A_131 : memref<1x64x128xf32, #tpu.memory_space<vmem>> -> memref<64x128xf32, #tpu.memory_space<vmem>>
    %dma_wait3A_133 = arith.constant 0 : i32
    %dma_wait3A_134 = tpu.memref_slice %arg8[%dma_wait3A_128, %dma_wait3A_133] : memref<40x64xi32, #tpu.memory_space<vmem>> -> memref<1x64xi32, #tpu.memory_space<vmem>>
    %dma_wait3A_135 = tpu.memref_squeeze %dma_wait3A_134 : memref<1x64xi32, #tpu.memory_space<vmem>> -> memref<64xi32, #tpu.memory_space<vmem>>
    %dma_wait3A_136 = arith.constant 0 : i32
    %dma_wait3A_137 = arith.constant 0 : i32
    %dma_wait3A_138 = tpu.memref_slice %arg10[%dma_wait3A_136, %dma_wait3A_137] : memref<10240x128xf32, #tpu.memory_space<vmem_shared>> -> memref<10240x128xf32, #tpu.memory_space<vmem_shared>>
    tpu.wait_indirect_dma semaphore(%arg15 : memref<!tpu.dma_semaphore, #tpu.memory_space<semaphore_mem>>) src(%dma_wait3A_132 : memref<64x128xf32, #tpu.memory_space<vmem>>) dst(%dma_wait3A_138 : memref<10240x128xf32, #tpu.memory_space<vmem_shared>>)
    %dma_wait3A_139 = arith.constant 1 : i32
    %dma_wait3A_140 = arith.constant 0 : i32
    %dma_wait3A_141 = arith.constant 0 : i32
    %dma_wait3A_142 = arith.constant 0 : i32
    %dma_wait3A_143 = tpu.memref_slice %arg9[%dma_wait3A_139, %dma_wait3A_141, %dma_wait3A_142] : memref<4x64x128xf32, #tpu.memory_space<vmem>> -> memref<1x64x128xf32, #tpu.memory_space<vmem>>
    %dma_wait3A_144 = tpu.memref_squeeze %dma_wait3A_143 : memref<1x64x128xf32, #tpu.memory_space<vmem>> -> memref<64x128xf32, #tpu.memory_space<vmem>>
    %dma_wait3A_145 = arith.constant 0 : i32
    %dma_wait3A_146 = tpu.memref_slice %arg8[%dma_wait3A_140, %dma_wait3A_145] : memref<40x64xi32, #tpu.memory_space<vmem>> -> memref<1x64xi32, #tpu.memory_space<vmem>>
    %dma_wait3A_147 = tpu.memref_squeeze %dma_wait3A_146 : memref<1x64xi32, #tpu.memory_space<vmem>> -> memref<64xi32, #tpu.memory_space<vmem>>
    %dma_wait3A_148 = arith.constant 0 : i32
    %dma_wait3A_149 = arith.constant 0 : i32
    %dma_wait3A_150 = tpu.memref_slice %arg10[%dma_wait3A_148, %dma_wait3A_149] : memref<10240x128xf32, #tpu.memory_space<vmem_shared>> -> memref<10240x128xf32, #tpu.memory_space<vmem_shared>>
    tpu.wait_indirect_dma semaphore(%arg16 : memref<!tpu.dma_semaphore, #tpu.memory_space<semaphore_mem>>) src(%dma_wait3A_144 : memref<64x128xf32, #tpu.memory_space<vmem>>) dst(%dma_wait3A_150 : memref<10240x128xf32, #tpu.memory_space<vmem_shared>>)
    %dma_wait3A_151 = arith.constant 2 : i32
    %dma_wait3A_152 = arith.constant 0 : i32
    %dma_wait3A_153 = arith.constant 0 : i32
    %dma_wait3A_154 = arith.constant 0 : i32
    %dma_wait3A_155 = tpu.memref_slice %arg9[%dma_wait3A_151, %dma_wait3A_153, %dma_wait3A_154] : memref<4x64x128xf32, #tpu.memory_space<vmem>> -> memref<1x64x128xf32, #tpu.memory_space<vmem>>
    %dma_wait3A_156 = tpu.memref_squeeze %dma_wait3A_155 : memref<1x64x128xf32, #tpu.memory_space<vmem>> -> memref<64x128xf32, #tpu.memory_space<vmem>>
    %dma_wait3A_157 = arith.constant 0 : i32
    %dma_wait3A_158 = tpu.memref_slice %arg8[%dma_wait3A_152, %dma_wait3A_157] : memref<40x64xi32, #tpu.memory_space<vmem>> -> memref<1x64xi32, #tpu.memory_space<vmem>>
    %dma_wait3A_159 = tpu.memref_squeeze %dma_wait3A_158 : memref<1x64xi32, #tpu.memory_space<vmem>> -> memref<64xi32, #tpu.memory_space<vmem>>
    %dma_wait3A_160 = arith.constant 0 : i32
    %dma_wait3A_161 = arith.constant 0 : i32
    %dma_wait3A_162 = tpu.memref_slice %arg10[%dma_wait3A_160, %dma_wait3A_161] : memref<10240x128xf32, #tpu.memory_space<vmem_shared>> -> memref<10240x128xf32, #tpu.memory_space<vmem_shared>>
    tpu.wait_indirect_dma semaphore(%arg17 : memref<!tpu.dma_semaphore, #tpu.memory_space<semaphore_mem>>) src(%dma_wait3A_156 : memref<64x128xf32, #tpu.memory_space<vmem>>) dst(%dma_wait3A_162 : memref<10240x128xf32, #tpu.memory_space<vmem_shared>>)
    %dma_wait3A_163 = arith.constant 3 : i32
    %dma_wait3A_164 = arith.constant 0 : i32
    %dma_wait3A_165 = arith.constant 0 : i32
    %dma_wait3A_166 = arith.constant 0 : i32
    %dma_wait3A_167 = tpu.memref_slice %arg9[%dma_wait3A_163, %dma_wait3A_165, %dma_wait3A_166] : memref<4x64x128xf32, #tpu.memory_space<vmem>> -> memref<1x64x128xf32, #tpu.memory_space<vmem>>
    %dma_wait3A_168 = tpu.memref_squeeze %dma_wait3A_167 : memref<1x64x128xf32, #tpu.memory_space<vmem>> -> memref<64x128xf32, #tpu.memory_space<vmem>>
    %dma_wait3A_169 = arith.constant 0 : i32
    %dma_wait3A_170 = tpu.memref_slice %arg8[%dma_wait3A_164, %dma_wait3A_169] : memref<40x64xi32, #tpu.memory_space<vmem>> -> memref<1x64xi32, #tpu.memory_space<vmem>>
    %dma_wait3A_171 = tpu.memref_squeeze %dma_wait3A_170 : memref<1x64xi32, #tpu.memory_space<vmem>> -> memref<64xi32, #tpu.memory_space<vmem>>
    %dma_wait3A_172 = arith.constant 0 : i32
    %dma_wait3A_173 = arith.constant 0 : i32
    %dma_wait3A_174 = tpu.memref_slice %arg10[%dma_wait3A_172, %dma_wait3A_173] : memref<10240x128xf32, #tpu.memory_space<vmem_shared>> -> memref<10240x128xf32, #tpu.memory_space<vmem_shared>>
    tpu.wait_indirect_dma semaphore(%arg18 : memref<!tpu.dma_semaphore, #tpu.memory_space<semaphore_mem>>) src(%dma_wait3A_168 : memref<64x128xf32, #tpu.memory_space<vmem>>) dst(%dma_wait3A_174 : memref<10240x128xf32, #tpu.memory_space<vmem_shared>>)
    %mul3A_175 = arith.constant 160 : i32
    %mul3A_176 = arith.muli %add3A, %mul3A_175 : i32
    %add3A_177 = arith.constant 120 : i32
    %add3A_178 = arith.addi %mul3A_176, %add3A_177 : i32
    "tpu.region"() ({
      %run_scoped3A = tpu.sem_alloc : memref<!tpu.dma_semaphore, #tpu.memory_space<semaphore_mem>>
      %dma_start3A = arith.constant 0 : i32
      %dma_start3A_234 = tpu.memref_slice %arg2[%add3A_178, %dma_start3A] : memref<5120x64xi32, #tpu.memory_space<hbm>> -> memref<40x64xi32, #tpu.memory_space<hbm>>
      %dma_start3A_235 = arith.constant 0 : i32
      %dma_start3A_236 = tpu.memref_slice %arg2[%add3A_178, %dma_start3A_235] : memref<5120x64xi32, #tpu.memory_space<hbm>> -> memref<40x64xi32, #tpu.memory_space<hbm>>
      tpu.enqueue_dma source(%dma_start3A_236 : memref<40x64xi32, #tpu.memory_space<hbm>>) target(%arg7 : memref<40x64xi32, #tpu.memory_space<vmem>>) target_semaphore(%run_scoped3A : memref<!tpu.dma_semaphore, #tpu.memory_space<semaphore_mem>>)
      %dma_wait3A_237 = arith.constant 0 : i32
      %dma_wait3A_238 = tpu.memref_slice %arg2[%add3A_178, %dma_wait3A_237] : memref<5120x64xi32, #tpu.memory_space<hbm>> -> memref<40x64xi32, #tpu.memory_space<hbm>>
      %dma_wait3A_239 = arith.constant 0 : i32
      %dma_wait3A_240 = tpu.memref_slice %arg2[%add3A_178, %dma_wait3A_239] : memref<5120x64xi32, #tpu.memory_space<hbm>> -> memref<40x64xi32, #tpu.memory_space<hbm>>
      tpu.wait_dma2 semaphore(%run_scoped3A : memref<!tpu.dma_semaphore, #tpu.memory_space<semaphore_mem>>) src(%dma_wait3A_240 : memref<40x64xi32, #tpu.memory_space<hbm>>) dst(%arg7 : memref<40x64xi32, #tpu.memory_space<vmem>>)
      tpu.yield
    }) : () -> ()
    "tpu.region"() ({
      %run_scoped3A = tpu.sem_alloc : memref<!tpu.dma_semaphore, #tpu.memory_space<semaphore_mem>>
      %dma_start3A = arith.constant 0 : i32
      %dma_start3A_234 = tpu.memref_slice %arg3[%add3A_178, %dma_start3A] : memref<5120x64xi32, #tpu.memory_space<hbm>> -> memref<40x64xi32, #tpu.memory_space<hbm>>
      %dma_start3A_235 = arith.constant 0 : i32
      %dma_start3A_236 = tpu.memref_slice %arg3[%add3A_178, %dma_start3A_235] : memref<5120x64xi32, #tpu.memory_space<hbm>> -> memref<40x64xi32, #tpu.memory_space<hbm>>
      tpu.enqueue_dma source(%dma_start3A_236 : memref<40x64xi32, #tpu.memory_space<hbm>>) target(%arg8 : memref<40x64xi32, #tpu.memory_space<vmem>>) target_semaphore(%run_scoped3A : memref<!tpu.dma_semaphore, #tpu.memory_space<semaphore_mem>>)
      %dma_wait3A_237 = arith.constant 0 : i32
      %dma_wait3A_238 = tpu.memref_slice %arg3[%add3A_178, %dma_wait3A_237] : memref<5120x64xi32, #tpu.memory_space<hbm>> -> memref<40x64xi32, #tpu.memory_space<hbm>>
      %dma_wait3A_239 = arith.constant 0 : i32
      %dma_wait3A_240 = tpu.memref_slice %arg3[%add3A_178, %dma_wait3A_239] : memref<5120x64xi32, #tpu.memory_space<hbm>> -> memref<40x64xi32, #tpu.memory_space<hbm>>
      tpu.wait_dma2 semaphore(%run_scoped3A : memref<!tpu.dma_semaphore, #tpu.memory_space<semaphore_mem>>) src(%dma_wait3A_240 : memref<40x64xi32, #tpu.memory_space<hbm>>) dst(%arg8 : memref<40x64xi32, #tpu.memory_space<vmem>>)
      tpu.yield
    }) : () -> ()
    %scan3A_179 = arith.constant 0 : i32
    %scan3A_180 = arith.constant 0 : i32
    %scan3A_181 = arith.constant 11 : i32
    %scan3A_182 = arith.addi %scan3A_180, %scan3A_181 : i32
    %scan3A_183 = arith.constant 1 : i32
    scf.for %scan3A_234 = %scan3A_180 to %scan3A_182 step %scan3A_183  : i32 {
      %mul3A_235 = arith.constant 4 : i32
      %mul3A_236 = arith.muli %scan3A_234, %mul3A_235 : i32
      %add3A_237 = arith.constant 0 : i32
      %add3A_238 = arith.addi %mul3A_236, %add3A_237 : i32
      %sub3A = arith.constant 3 : i32
      %sub3A_239 = arith.subi %add3A_238, %sub3A : i32
      %ge3A = arith.constant 0 : i32
      %ge3A_240 = arith.cmpi sge, %sub3A_239, %ge3A : i32
      %lt3A = arith.constant 40 : i32
      %lt3A_241 = arith.cmpi slt, %sub3A_239, %lt3A : i32
      %and3A = arith.andi %ge3A_240, %lt3A_241 : i1
      %convert_element_type3A = arith.extui %and3A : i1 to i32
      %cond3A = arith.constant 0 : i32
      %cond3A_242 = arith.cmpi ne, %convert_element_type3A, %cond3A : i32
      scf.if %cond3A_242 {
        %dma_wait3A_305 = arith.constant 0 : i32
        %dma_wait3A_306 = arith.constant 1 : i32
        %dma_wait3A_307 = arith.constant 0 : i32
        %dma_wait3A_308 = arith.constant 0 : i32
        %dma_wait3A_309 = tpu.memref_slice %arg9[%dma_wait3A_306, %dma_wait3A_307, %dma_wait3A_308] : memref<4x64x128xf32, #tpu.memory_space<vmem>> -> memref<1x64x128xf32, #tpu.memory_space<vmem>>
        %dma_wait3A_310 = tpu.memref_squeeze %dma_wait3A_309 : memref<1x64x128xf32, #tpu.memory_space<vmem>> -> memref<64x128xf32, #tpu.memory_space<vmem>>
        %dma_wait3A_311 = arith.constant 0 : i32
        %dma_wait3A_312 = tpu.memref_slice %arg7[%dma_wait3A_305, %dma_wait3A_311] : memref<40x64xi32, #tpu.memory_space<vmem>> -> memref<1x64xi32, #tpu.memory_space<vmem>>
        %dma_wait3A_313 = tpu.memref_squeeze %dma_wait3A_312 : memref<1x64xi32, #tpu.memory_space<vmem>> -> memref<64xi32, #tpu.memory_space<vmem>>
        %dma_wait3A_314 = arith.constant 0 : i32
        %dma_wait3A_315 = arith.constant 0 : i32
        %dma_wait3A_316 = tpu.memref_slice %arg4[%dma_wait3A_314, %dma_wait3A_315] : memref<10240x128xf32, #tpu.memory_space<hbm>> -> memref<10240x128xf32, #tpu.memory_space<hbm>>
        tpu.wait_indirect_dma semaphore(%arg12 : memref<!tpu.dma_semaphore, #tpu.memory_space<semaphore_mem>>) src(%dma_wait3A_316 : memref<10240x128xf32, #tpu.memory_space<hbm>>) dst(%dma_wait3A_310 : memref<64x128xf32, #tpu.memory_space<vmem>>)
        %dma_start3A = arith.constant 1 : i32
        %dma_start3A_317 = arith.constant 0 : i32
        %dma_start3A_318 = arith.constant 0 : i32
        %dma_start3A_319 = tpu.memref_slice %arg9[%dma_start3A, %dma_start3A_317, %dma_start3A_318] : memref<4x64x128xf32, #tpu.memory_space<vmem>> -> memref<1x64x128xf32, #tpu.memory_space<vmem>>
        %dma_start3A_320 = tpu.memref_squeeze %dma_start3A_319 : memref<1x64x128xf32, #tpu.memory_space<vmem>> -> memref<64x128xf32, #tpu.memory_space<vmem>>
        %dma_start3A_321 = arith.constant 0 : i32
        %dma_start3A_322 = tpu.memref_slice %arg8[%sub3A_239, %dma_start3A_321] : memref<40x64xi32, #tpu.memory_space<vmem>> -> memref<1x64xi32, #tpu.memory_space<vmem>>
        %dma_start3A_323 = tpu.memref_squeeze %dma_start3A_322 : memref<1x64xi32, #tpu.memory_space<vmem>> -> memref<64xi32, #tpu.memory_space<vmem>>
        %dma_start3A_324 = arith.constant 0 : i32
        %dma_start3A_325 = arith.constant 0 : i32
        %dma_start3A_326 = tpu.memref_slice %arg10[%dma_start3A_324, %dma_start3A_325] : memref<10240x128xf32, #tpu.memory_space<vmem_shared>> -> memref<10240x128xf32, #tpu.memory_space<vmem_shared>>
        tpu.enqueue_indirect_dma source(%dma_start3A_320 : memref<64x128xf32, #tpu.memory_space<vmem>>) target(%dma_start3A_326 : memref<10240x128xf32, #tpu.memory_space<vmem_shared>>) offsets(%dma_start3A_323 : memref<64xi32, #tpu.memory_space<vmem>>) semaphore(%arg16 : memref<!tpu.dma_semaphore, #tpu.memory_space<semaphore_mem>>) {add = true}
      } else {
      }
      %lt3A_243 = arith.constant 40 : i32
      %lt3A_244 = arith.cmpi slt, %add3A_238, %lt3A_243 : i32
      %convert_element_type3A_245 = arith.extui %lt3A_244 : i1 to i32
      %cond3A_246 = arith.constant 0 : i32
      %cond3A_247 = arith.cmpi ne, %convert_element_type3A_245, %cond3A_246 : i32
      scf.if %cond3A_247 {
        %ge3A_305 = arith.constant 4 : i32
        %ge3A_306 = arith.cmpi sge, %add3A_238, %ge3A_305 : i32
        %convert_element_type3A_307 = arith.extui %ge3A_306 : i1 to i32
        %cond3A_308 = arith.constant 0 : i32
        %cond3A_309 = arith.cmpi ne, %convert_element_type3A_307, %cond3A_308 : i32
        scf.if %cond3A_309 {
          %dma_wait3A_320 = arith.constant 0 : i32
          %dma_wait3A_321 = arith.constant 0 : i32
          %dma_wait3A_322 = arith.constant 0 : i32
          %dma_wait3A_323 = arith.constant 0 : i32
          %dma_wait3A_324 = tpu.memref_slice %arg9[%dma_wait3A_320, %dma_wait3A_322, %dma_wait3A_323] : memref<4x64x128xf32, #tpu.memory_space<vmem>> -> memref<1x64x128xf32, #tpu.memory_space<vmem>>
          %dma_wait3A_325 = tpu.memref_squeeze %dma_wait3A_324 : memref<1x64x128xf32, #tpu.memory_space<vmem>> -> memref<64x128xf32, #tpu.memory_space<vmem>>
          %dma_wait3A_326 = arith.constant 0 : i32
          %dma_wait3A_327 = tpu.memref_slice %arg8[%dma_wait3A_321, %dma_wait3A_326] : memref<40x64xi32, #tpu.memory_space<vmem>> -> memref<1x64xi32, #tpu.memory_space<vmem>>
          %dma_wait3A_328 = tpu.memref_squeeze %dma_wait3A_327 : memref<1x64xi32, #tpu.memory_space<vmem>> -> memref<64xi32, #tpu.memory_space<vmem>>
          %dma_wait3A_329 = arith.constant 0 : i32
          %dma_wait3A_330 = arith.constant 0 : i32
          %dma_wait3A_331 = tpu.memref_slice %arg10[%dma_wait3A_329, %dma_wait3A_330] : memref<10240x128xf32, #tpu.memory_space<vmem_shared>> -> memref<10240x128xf32, #tpu.memory_space<vmem_shared>>
          tpu.wait_indirect_dma semaphore(%arg15 : memref<!tpu.dma_semaphore, #tpu.memory_space<semaphore_mem>>) src(%dma_wait3A_325 : memref<64x128xf32, #tpu.memory_space<vmem>>) dst(%dma_wait3A_331 : memref<10240x128xf32, #tpu.memory_space<vmem_shared>>)
        } else {
        }
        %dma_start3A = arith.constant 0 : i32
        %dma_start3A_310 = arith.constant 0 : i32
        %dma_start3A_311 = arith.constant 0 : i32
        %dma_start3A_312 = tpu.memref_slice %arg9[%dma_start3A, %dma_start3A_310, %dma_start3A_311] : memref<4x64x128xf32, #tpu.memory_space<vmem>> -> memref<1x64x128xf32, #tpu.memory_space<vmem>>
        %dma_start3A_313 = tpu.memref_squeeze %dma_start3A_312 : memref<1x64x128xf32, #tpu.memory_space<vmem>> -> memref<64x128xf32, #tpu.memory_space<vmem>>
        %dma_start3A_314 = arith.constant 0 : i32
        %dma_start3A_315 = tpu.memref_slice %arg7[%add3A_238, %dma_start3A_314] : memref<40x64xi32, #tpu.memory_space<vmem>> -> memref<1x64xi32, #tpu.memory_space<vmem>>
        %dma_start3A_316 = tpu.memref_squeeze %dma_start3A_315 : memref<1x64xi32, #tpu.memory_space<vmem>> -> memref<64xi32, #tpu.memory_space<vmem>>
        %dma_start3A_317 = arith.constant 0 : i32
        %dma_start3A_318 = arith.constant 0 : i32
        %dma_start3A_319 = tpu.memref_slice %arg4[%dma_start3A_317, %dma_start3A_318] : memref<10240x128xf32, #tpu.memory_space<hbm>> -> memref<10240x128xf32, #tpu.memory_space<hbm>>
        tpu.enqueue_indirect_dma source(%dma_start3A_319 : memref<10240x128xf32, #tpu.memory_space<hbm>>) target(%dma_start3A_313 : memref<64x128xf32, #tpu.memory_space<vmem>>) offsets(%dma_start3A_316 : memref<64xi32, #tpu.memory_space<vmem>>) semaphore(%arg11 : memref<!tpu.dma_semaphore, #tpu.memory_space<semaphore_mem>>)
      } else {
      }
      %mul3A_248 = arith.constant 4 : i32
      %mul3A_249 = arith.muli %scan3A_234, %mul3A_248 : i32
      %add3A_250 = arith.constant 1 : i32
      %add3A_251 = arith.addi %mul3A_249, %add3A_250 : i32
      %sub3A_252 = arith.constant 3 : i32
      %sub3A_253 = arith.subi %add3A_251, %sub3A_252 : i32
      %ge3A_254 = arith.constant 0 : i32
      %ge3A_255 = arith.cmpi sge, %sub3A_253, %ge3A_254 : i32
      %lt3A_256 = arith.constant 40 : i32
      %lt3A_257 = arith.cmpi slt, %sub3A_253, %lt3A_256 : i32
      %and3A_258 = arith.andi %ge3A_255, %lt3A_257 : i1
      %convert_element_type3A_259 = arith.extui %and3A_258 : i1 to i32
      %cond3A_260 = arith.constant 0 : i32
      %cond3A_261 = arith.cmpi ne, %convert_element_type3A_259, %cond3A_260 : i32
      scf.if %cond3A_261 {
        %dma_wait3A_305 = arith.constant 0 : i32
        %dma_wait3A_306 = arith.constant 2 : i32
        %dma_wait3A_307 = arith.constant 0 : i32
        %dma_wait3A_308 = arith.constant 0 : i32
        %dma_wait3A_309 = tpu.memref_slice %arg9[%dma_wait3A_306, %dma_wait3A_307, %dma_wait3A_308] : memref<4x64x128xf32, #tpu.memory_space<vmem>> -> memref<1x64x128xf32, #tpu.memory_space<vmem>>
        %dma_wait3A_310 = tpu.memref_squeeze %dma_wait3A_309 : memref<1x64x128xf32, #tpu.memory_space<vmem>> -> memref<64x128xf32, #tpu.memory_space<vmem>>
        %dma_wait3A_311 = arith.constant 0 : i32
        %dma_wait3A_312 = tpu.memref_slice %arg7[%dma_wait3A_305, %dma_wait3A_311] : memref<40x64xi32, #tpu.memory_space<vmem>> -> memref<1x64xi32, #tpu.memory_space<vmem>>
        %dma_wait3A_313 = tpu.memref_squeeze %dma_wait3A_312 : memref<1x64xi32, #tpu.memory_space<vmem>> -> memref<64xi32, #tpu.memory_space<vmem>>
        %dma_wait3A_314 = arith.constant 0 : i32
        %dma_wait3A_315 = arith.constant 0 : i32
        %dma_wait3A_316 = tpu.memref_slice %arg4[%dma_wait3A_314, %dma_wait3A_315] : memref<10240x128xf32, #tpu.memory_space<hbm>> -> memref<10240x128xf32, #tpu.memory_space<hbm>>
        tpu.wait_indirect_dma semaphore(%arg13 : memref<!tpu.dma_semaphore, #tpu.memory_space<semaphore_mem>>) src(%dma_wait3A_316 : memref<10240x128xf32, #tpu.memory_space<hbm>>) dst(%dma_wait3A_310 : memref<64x128xf32, #tpu.memory_space<vmem>>)
        %dma_start3A = arith.constant 2 : i32
        %dma_start3A_317 = arith.constant 0 : i32
        %dma_start3A_318 = arith.constant 0 : i32
        %dma_start3A_319 = tpu.memref_slice %arg9[%dma_start3A, %dma_start3A_317, %dma_start3A_318] : memref<4x64x128xf32, #tpu.memory_space<vmem>> -> memref<1x64x128xf32, #tpu.memory_space<vmem>>
        %dma_start3A_320 = tpu.memref_squeeze %dma_start3A_319 : memref<1x64x128xf32, #tpu.memory_space<vmem>> -> memref<64x128xf32, #tpu.memory_space<vmem>>
        %dma_start3A_321 = arith.constant 0 : i32
        %dma_start3A_322 = tpu.memref_slice %arg8[%sub3A_253, %dma_start3A_321] : memref<40x64xi32, #tpu.memory_space<vmem>> -> memref<1x64xi32, #tpu.memory_space<vmem>>
        %dma_start3A_323 = tpu.memref_squeeze %dma_start3A_322 : memref<1x64xi32, #tpu.memory_space<vmem>> -> memref<64xi32, #tpu.memory_space<vmem>>
        %dma_start3A_324 = arith.constant 0 : i32
        %dma_start3A_325 = arith.constant 0 : i32
        %dma_start3A_326 = tpu.memref_slice %arg10[%dma_start3A_324, %dma_start3A_325] : memref<10240x128xf32, #tpu.memory_space<vmem_shared>> -> memref<10240x128xf32, #tpu.memory_space<vmem_shared>>
        tpu.enqueue_indirect_dma source(%dma_start3A_320 : memref<64x128xf32, #tpu.memory_space<vmem>>) target(%dma_start3A_326 : memref<10240x128xf32, #tpu.memory_space<vmem_shared>>) offsets(%dma_start3A_323 : memref<64xi32, #tpu.memory_space<vmem>>) semaphore(%arg17 : memref<!tpu.dma_semaphore, #tpu.memory_space<semaphore_mem>>) {add = true}
      } else {
      }
      %lt3A_262 = arith.constant 40 : i32
      %lt3A_263 = arith.cmpi slt, %add3A_251, %lt3A_262 : i32
      %convert_element_type3A_264 = arith.extui %lt3A_263 : i1 to i32
      %cond3A_265 = arith.constant 0 : i32
      %cond3A_266 = arith.cmpi ne, %convert_element_type3A_264, %cond3A_265 : i32
      scf.if %cond3A_266 {
        %ge3A_305 = arith.constant 4 : i32
        %ge3A_306 = arith.cmpi sge, %add3A_251, %ge3A_305 : i32
        %convert_element_type3A_307 = arith.extui %ge3A_306 : i1 to i32
        %cond3A_308 = arith.constant 0 : i32
        %cond3A_309 = arith.cmpi ne, %convert_element_type3A_307, %cond3A_308 : i32
        scf.if %cond3A_309 {
          %dma_wait3A_320 = arith.constant 1 : i32
          %dma_wait3A_321 = arith.constant 0 : i32
          %dma_wait3A_322 = arith.constant 0 : i32
          %dma_wait3A_323 = arith.constant 0 : i32
          %dma_wait3A_324 = tpu.memref_slice %arg9[%dma_wait3A_320, %dma_wait3A_322, %dma_wait3A_323] : memref<4x64x128xf32, #tpu.memory_space<vmem>> -> memref<1x64x128xf32, #tpu.memory_space<vmem>>
          %dma_wait3A_325 = tpu.memref_squeeze %dma_wait3A_324 : memref<1x64x128xf32, #tpu.memory_space<vmem>> -> memref<64x128xf32, #tpu.memory_space<vmem>>
          %dma_wait3A_326 = arith.constant 0 : i32
          %dma_wait3A_327 = tpu.memref_slice %arg8[%dma_wait3A_321, %dma_wait3A_326] : memref<40x64xi32, #tpu.memory_space<vmem>> -> memref<1x64xi32, #tpu.memory_space<vmem>>
          %dma_wait3A_328 = tpu.memref_squeeze %dma_wait3A_327 : memref<1x64xi32, #tpu.memory_space<vmem>> -> memref<64xi32, #tpu.memory_space<vmem>>
          %dma_wait3A_329 = arith.constant 0 : i32
          %dma_wait3A_330 = arith.constant 0 : i32
          %dma_wait3A_331 = tpu.memref_slice %arg10[%dma_wait3A_329, %dma_wait3A_330] : memref<10240x128xf32, #tpu.memory_space<vmem_shared>> -> memref<10240x128xf32, #tpu.memory_space<vmem_shared>>
          tpu.wait_indirect_dma semaphore(%arg16 : memref<!tpu.dma_semaphore, #tpu.memory_space<semaphore_mem>>) src(%dma_wait3A_325 : memref<64x128xf32, #tpu.memory_space<vmem>>) dst(%dma_wait3A_331 : memref<10240x128xf32, #tpu.memory_space<vmem_shared>>)
        } else {
        }
        %dma_start3A = arith.constant 1 : i32
        %dma_start3A_310 = arith.constant 0 : i32
        %dma_start3A_311 = arith.constant 0 : i32
        %dma_start3A_312 = tpu.memref_slice %arg9[%dma_start3A, %dma_start3A_310, %dma_start3A_311] : memref<4x64x128xf32, #tpu.memory_space<vmem>> -> memref<1x64x128xf32, #tpu.memory_space<vmem>>
        %dma_start3A_313 = tpu.memref_squeeze %dma_start3A_312 : memref<1x64x128xf32, #tpu.memory_space<vmem>> -> memref<64x128xf32, #tpu.memory_space<vmem>>
        %dma_start3A_314 = arith.constant 0 : i32
        %dma_start3A_315 = tpu.memref_slice %arg7[%add3A_251, %dma_start3A_314] : memref<40x64xi32, #tpu.memory_space<vmem>> -> memref<1x64xi32, #tpu.memory_space<vmem>>
        %dma_start3A_316 = tpu.memref_squeeze %dma_start3A_315 : memref<1x64xi32, #tpu.memory_space<vmem>> -> memref<64xi32, #tpu.memory_space<vmem>>
        %dma_start3A_317 = arith.constant 0 : i32
        %dma_start3A_318 = arith.constant 0 : i32
        %dma_start3A_319 = tpu.memref_slice %arg4[%dma_start3A_317, %dma_start3A_318] : memref<10240x128xf32, #tpu.memory_space<hbm>> -> memref<10240x128xf32, #tpu.memory_space<hbm>>
        tpu.enqueue_indirect_dma source(%dma_start3A_319 : memref<10240x128xf32, #tpu.memory_space<hbm>>) target(%dma_start3A_313 : memref<64x128xf32, #tpu.memory_space<vmem>>) offsets(%dma_start3A_316 : memref<64xi32, #tpu.memory_space<vmem>>) semaphore(%arg12 : memref<!tpu.dma_semaphore, #tpu.memory_space<semaphore_mem>>)
      } else {
      }
      %mul3A_267 = arith.constant 4 : i32
      %mul3A_268 = arith.muli %scan3A_234, %mul3A_267 : i32
      %add3A_269 = arith.constant 2 : i32
      %add3A_270 = arith.addi %mul3A_268, %add3A_269 : i32
      %sub3A_271 = arith.constant 3 : i32
      %sub3A_272 = arith.subi %add3A_270, %sub3A_271 : i32
      %ge3A_273 = arith.constant 0 : i32
      %ge3A_274 = arith.cmpi sge, %sub3A_272, %ge3A_273 : i32
      %lt3A_275 = arith.constant 40 : i32
      %lt3A_276 = arith.cmpi slt, %sub3A_272, %lt3A_275 : i32
      %and3A_277 = arith.andi %ge3A_274, %lt3A_276 : i1
      %convert_element_type3A_278 = arith.extui %and3A_277 : i1 to i32
      %cond3A_279 = arith.constant 0 : i32
      %cond3A_280 = arith.cmpi ne, %convert_element_type3A_278, %cond3A_279 : i32
      scf.if %cond3A_280 {
        %dma_wait3A_305 = arith.constant 0 : i32
        %dma_wait3A_306 = arith.constant 3 : i32
        %dma_wait3A_307 = arith.constant 0 : i32
        %dma_wait3A_308 = arith.constant 0 : i32
        %dma_wait3A_309 = tpu.memref_slice %arg9[%dma_wait3A_306, %dma_wait3A_307, %dma_wait3A_308] : memref<4x64x128xf32, #tpu.memory_space<vmem>> -> memref<1x64x128xf32, #tpu.memory_space<vmem>>
        %dma_wait3A_310 = tpu.memref_squeeze %dma_wait3A_309 : memref<1x64x128xf32, #tpu.memory_space<vmem>> -> memref<64x128xf32, #tpu.memory_space<vmem>>
        %dma_wait3A_311 = arith.constant 0 : i32
        %dma_wait3A_312 = tpu.memref_slice %arg7[%dma_wait3A_305, %dma_wait3A_311] : memref<40x64xi32, #tpu.memory_space<vmem>> -> memref<1x64xi32, #tpu.memory_space<vmem>>
        %dma_wait3A_313 = tpu.memref_squeeze %dma_wait3A_312 : memref<1x64xi32, #tpu.memory_space<vmem>> -> memref<64xi32, #tpu.memory_space<vmem>>
        %dma_wait3A_314 = arith.constant 0 : i32
        %dma_wait3A_315 = arith.constant 0 : i32
        %dma_wait3A_316 = tpu.memref_slice %arg4[%dma_wait3A_314, %dma_wait3A_315] : memref<10240x128xf32, #tpu.memory_space<hbm>> -> memref<10240x128xf32, #tpu.memory_space<hbm>>
        tpu.wait_indirect_dma semaphore(%arg14 : memref<!tpu.dma_semaphore, #tpu.memory_space<semaphore_mem>>) src(%dma_wait3A_316 : memref<10240x128xf32, #tpu.memory_space<hbm>>) dst(%dma_wait3A_310 : memref<64x128xf32, #tpu.memory_space<vmem>>)
        %dma_start3A = arith.constant 3 : i32
        %dma_start3A_317 = arith.constant 0 : i32
        %dma_start3A_318 = arith.constant 0 : i32
        %dma_start3A_319 = tpu.memref_slice %arg9[%dma_start3A, %dma_start3A_317, %dma_start3A_318] : memref<4x64x128xf32, #tpu.memory_space<vmem>> -> memref<1x64x128xf32, #tpu.memory_space<vmem>>
        %dma_start3A_320 = tpu.memref_squeeze %dma_start3A_319 : memref<1x64x128xf32, #tpu.memory_space<vmem>> -> memref<64x128xf32, #tpu.memory_space<vmem>>
        %dma_start3A_321 = arith.constant 0 : i32
        %dma_start3A_322 = tpu.memref_slice %arg8[%sub3A_272, %dma_start3A_321] : memref<40x64xi32, #tpu.memory_space<vmem>> -> memref<1x64xi32, #tpu.memory_space<vmem>>
        %dma_start3A_323 = tpu.memref_squeeze %dma_start3A_322 : memref<1x64xi32, #tpu.memory_space<vmem>> -> memref<64xi32, #tpu.memory_space<vmem>>
        %dma_start3A_324 = arith.constant 0 : i32
        %dma_start3A_325 = arith.constant 0 : i32
        %dma_start3A_326 = tpu.memref_slice %arg10[%dma_start3A_324, %dma_start3A_325] : memref<10240x128xf32, #tpu.memory_space<vmem_shared>> -> memref<10240x128xf32, #tpu.memory_space<vmem_shared>>
        tpu.enqueue_indirect_dma source(%dma_start3A_320 : memref<64x128xf32, #tpu.memory_space<vmem>>) target(%dma_start3A_326 : memref<10240x128xf32, #tpu.memory_space<vmem_shared>>) offsets(%dma_start3A_323 : memref<64xi32, #tpu.memory_space<vmem>>) semaphore(%arg18 : memref<!tpu.dma_semaphore, #tpu.memory_space<semaphore_mem>>) {add = true}
      } else {
      }
      %lt3A_281 = arith.constant 40 : i32
      %lt3A_282 = arith.cmpi slt, %add3A_270, %lt3A_281 : i32
      %convert_element_type3A_283 = arith.extui %lt3A_282 : i1 to i32
      %cond3A_284 = arith.constant 0 : i32
      %cond3A_285 = arith.cmpi ne, %convert_element_type3A_283, %cond3A_284 : i32
      scf.if %cond3A_285 {
        %ge3A_305 = arith.constant 4 : i32
        %ge3A_306 = arith.cmpi sge, %add3A_270, %ge3A_305 : i32
        %convert_element_type3A_307 = arith.extui %ge3A_306 : i1 to i32
        %cond3A_308 = arith.constant 0 : i32
        %cond3A_309 = arith.cmpi ne, %convert_element_type3A_307, %cond3A_308 : i32
        scf.if %cond3A_309 {
          %dma_wait3A_320 = arith.constant 2 : i32
          %dma_wait3A_321 = arith.constant 0 : i32
          %dma_wait3A_322 = arith.constant 0 : i32
          %dma_wait3A_323 = arith.constant 0 : i32
          %dma_wait3A_324 = tpu.memref_slice %arg9[%dma_wait3A_320, %dma_wait3A_322, %dma_wait3A_323] : memref<4x64x128xf32, #tpu.memory_space<vmem>> -> memref<1x64x128xf32, #tpu.memory_space<vmem>>
          %dma_wait3A_325 = tpu.memref_squeeze %dma_wait3A_324 : memref<1x64x128xf32, #tpu.memory_space<vmem>> -> memref<64x128xf32, #tpu.memory_space<vmem>>
          %dma_wait3A_326 = arith.constant 0 : i32
          %dma_wait3A_327 = tpu.memref_slice %arg8[%dma_wait3A_321, %dma_wait3A_326] : memref<40x64xi32, #tpu.memory_space<vmem>> -> memref<1x64xi32, #tpu.memory_space<vmem>>
          %dma_wait3A_328 = tpu.memref_squeeze %dma_wait3A_327 : memref<1x64xi32, #tpu.memory_space<vmem>> -> memref<64xi32, #tpu.memory_space<vmem>>
          %dma_wait3A_329 = arith.constant 0 : i32
          %dma_wait3A_330 = arith.constant 0 : i32
          %dma_wait3A_331 = tpu.memref_slice %arg10[%dma_wait3A_329, %dma_wait3A_330] : memref<10240x128xf32, #tpu.memory_space<vmem_shared>> -> memref<10240x128xf32, #tpu.memory_space<vmem_shared>>
          tpu.wait_indirect_dma semaphore(%arg17 : memref<!tpu.dma_semaphore, #tpu.memory_space<semaphore_mem>>) src(%dma_wait3A_325 : memref<64x128xf32, #tpu.memory_space<vmem>>) dst(%dma_wait3A_331 : memref<10240x128xf32, #tpu.memory_space<vmem_shared>>)
        } else {
        }
        %dma_start3A = arith.constant 2 : i32
        %dma_start3A_310 = arith.constant 0 : i32
        %dma_start3A_311 = arith.constant 0 : i32
        %dma_start3A_312 = tpu.memref_slice %arg9[%dma_start3A, %dma_start3A_310, %dma_start3A_311] : memref<4x64x128xf32, #tpu.memory_space<vmem>> -> memref<1x64x128xf32, #tpu.memory_space<vmem>>
        %dma_start3A_313 = tpu.memref_squeeze %dma_start3A_312 : memref<1x64x128xf32, #tpu.memory_space<vmem>> -> memref<64x128xf32, #tpu.memory_space<vmem>>
        %dma_start3A_314 = arith.constant 0 : i32
        %dma_start3A_315 = tpu.memref_slice %arg7[%add3A_270, %dma_start3A_314] : memref<40x64xi32, #tpu.memory_space<vmem>> -> memref<1x64xi32, #tpu.memory_space<vmem>>
        %dma_start3A_316 = tpu.memref_squeeze %dma_start3A_315 : memref<1x64xi32, #tpu.memory_space<vmem>> -> memref<64xi32, #tpu.memory_space<vmem>>
        %dma_start3A_317 = arith.constant 0 : i32
        %dma_start3A_318 = arith.constant 0 : i32
        %dma_start3A_319 = tpu.memref_slice %arg4[%dma_start3A_317, %dma_start3A_318] : memref<10240x128xf32, #tpu.memory_space<hbm>> -> memref<10240x128xf32, #tpu.memory_space<hbm>>
        tpu.enqueue_indirect_dma source(%dma_start3A_319 : memref<10240x128xf32, #tpu.memory_space<hbm>>) target(%dma_start3A_313 : memref<64x128xf32, #tpu.memory_space<vmem>>) offsets(%dma_start3A_316 : memref<64xi32, #tpu.memory_space<vmem>>) semaphore(%arg13 : memref<!tpu.dma_semaphore, #tpu.memory_space<semaphore_mem>>)
      } else {
      }
      %mul3A_286 = arith.constant 4 : i32
      %mul3A_287 = arith.muli %scan3A_234, %mul3A_286 : i32
      %add3A_288 = arith.constant 3 : i32
      %add3A_289 = arith.addi %mul3A_287, %add3A_288 : i32
      %sub3A_290 = arith.constant 3 : i32
      %sub3A_291 = arith.subi %add3A_289, %sub3A_290 : i32
      %ge3A_292 = arith.constant 0 : i32
      %ge3A_293 = arith.cmpi sge, %sub3A_291, %ge3A_292 : i32
      %lt3A_294 = arith.constant 40 : i32
      %lt3A_295 = arith.cmpi slt, %sub3A_291, %lt3A_294 : i32
      %and3A_296 = arith.andi %ge3A_293, %lt3A_295 : i1
      %convert_element_type3A_297 = arith.extui %and3A_296 : i1 to i32
      %cond3A_298 = arith.constant 0 : i32
      %cond3A_299 = arith.cmpi ne, %convert_element_type3A_297, %cond3A_298 : i32
      scf.if %cond3A_299 {
        %dma_wait3A_305 = arith.constant 0 : i32
        %dma_wait3A_306 = arith.constant 0 : i32
        %dma_wait3A_307 = arith.constant 0 : i32
        %dma_wait3A_308 = arith.constant 0 : i32
        %dma_wait3A_309 = tpu.memref_slice %arg9[%dma_wait3A_306, %dma_wait3A_307, %dma_wait3A_308] : memref<4x64x128xf32, #tpu.memory_space<vmem>> -> memref<1x64x128xf32, #tpu.memory_space<vmem>>
        %dma_wait3A_310 = tpu.memref_squeeze %dma_wait3A_309 : memref<1x64x128xf32, #tpu.memory_space<vmem>> -> memref<64x128xf32, #tpu.memory_space<vmem>>
        %dma_wait3A_311 = arith.constant 0 : i32
        %dma_wait3A_312 = tpu.memref_slice %arg7[%dma_wait3A_305, %dma_wait3A_311] : memref<40x64xi32, #tpu.memory_space<vmem>> -> memref<1x64xi32, #tpu.memory_space<vmem>>
        %dma_wait3A_313 = tpu.memref_squeeze %dma_wait3A_312 : memref<1x64xi32, #tpu.memory_space<vmem>> -> memref<64xi32, #tpu.memory_space<vmem>>
        %dma_wait3A_314 = arith.constant 0 : i32
        %dma_wait3A_315 = arith.constant 0 : i32
        %dma_wait3A_316 = tpu.memref_slice %arg4[%dma_wait3A_314, %dma_wait3A_315] : memref<10240x128xf32, #tpu.memory_space<hbm>> -> memref<10240x128xf32, #tpu.memory_space<hbm>>
        tpu.wait_indirect_dma semaphore(%arg11 : memref<!tpu.dma_semaphore, #tpu.memory_space<semaphore_mem>>) src(%dma_wait3A_316 : memref<10240x128xf32, #tpu.memory_space<hbm>>) dst(%dma_wait3A_310 : memref<64x128xf32, #tpu.memory_space<vmem>>)
        %dma_start3A = arith.constant 0 : i32
        %dma_start3A_317 = arith.constant 0 : i32
        %dma_start3A_318 = arith.constant 0 : i32
        %dma_start3A_319 = tpu.memref_slice %arg9[%dma_start3A, %dma_start3A_317, %dma_start3A_318] : memref<4x64x128xf32, #tpu.memory_space<vmem>> -> memref<1x64x128xf32, #tpu.memory_space<vmem>>
        %dma_start3A_320 = tpu.memref_squeeze %dma_start3A_319 : memref<1x64x128xf32, #tpu.memory_space<vmem>> -> memref<64x128xf32, #tpu.memory_space<vmem>>
        %dma_start3A_321 = arith.constant 0 : i32
        %dma_start3A_322 = tpu.memref_slice %arg8[%sub3A_291, %dma_start3A_321] : memref<40x64xi32, #tpu.memory_space<vmem>> -> memref<1x64xi32, #tpu.memory_space<vmem>>
        %dma_start3A_323 = tpu.memref_squeeze %dma_start3A_322 : memref<1x64xi32, #tpu.memory_space<vmem>> -> memref<64xi32, #tpu.memory_space<vmem>>
        %dma_start3A_324 = arith.constant 0 : i32
        %dma_start3A_325 = arith.constant 0 : i32
        %dma_start3A_326 = tpu.memref_slice %arg10[%dma_start3A_324, %dma_start3A_325] : memref<10240x128xf32, #tpu.memory_space<vmem_shared>> -> memref<10240x128xf32, #tpu.memory_space<vmem_shared>>
        tpu.enqueue_indirect_dma source(%dma_start3A_320 : memref<64x128xf32, #tpu.memory_space<vmem>>) target(%dma_start3A_326 : memref<10240x128xf32, #tpu.memory_space<vmem_shared>>) offsets(%dma_start3A_323 : memref<64xi32, #tpu.memory_space<vmem>>) semaphore(%arg15 : memref<!tpu.dma_semaphore, #tpu.memory_space<semaphore_mem>>) {add = true}
      } else {
      }
      %lt3A_300 = arith.constant 40 : i32
      %lt3A_301 = arith.cmpi slt, %add3A_289, %lt3A_300 : i32
      %convert_element_type3A_302 = arith.extui %lt3A_301 : i1 to i32
      %cond3A_303 = arith.constant 0 : i32
      %cond3A_304 = arith.cmpi ne, %convert_element_type3A_302, %cond3A_303 : i32
      scf.if %cond3A_304 {
        %ge3A_305 = arith.constant 4 : i32
        %ge3A_306 = arith.cmpi sge, %add3A_289, %ge3A_305 : i32
        %convert_element_type3A_307 = arith.extui %ge3A_306 : i1 to i32
        %cond3A_308 = arith.constant 0 : i32
        %cond3A_309 = arith.cmpi ne, %convert_element_type3A_307, %cond3A_308 : i32
        scf.if %cond3A_309 {
          %dma_wait3A_320 = arith.constant 3 : i32
          %dma_wait3A_321 = arith.constant 0 : i32
          %dma_wait3A_322 = arith.constant 0 : i32
          %dma_wait3A_323 = arith.constant 0 : i32
          %dma_wait3A_324 = tpu.memref_slice %arg9[%dma_wait3A_320, %dma_wait3A_322, %dma_wait3A_323] : memref<4x64x128xf32, #tpu.memory_space<vmem>> -> memref<1x64x128xf32, #tpu.memory_space<vmem>>
          %dma_wait3A_325 = tpu.memref_squeeze %dma_wait3A_324 : memref<1x64x128xf32, #tpu.memory_space<vmem>> -> memref<64x128xf32, #tpu.memory_space<vmem>>
          %dma_wait3A_326 = arith.constant 0 : i32
          %dma_wait3A_327 = tpu.memref_slice %arg8[%dma_wait3A_321, %dma_wait3A_326] : memref<40x64xi32, #tpu.memory_space<vmem>> -> memref<1x64xi32, #tpu.memory_space<vmem>>
          %dma_wait3A_328 = tpu.memref_squeeze %dma_wait3A_327 : memref<1x64xi32, #tpu.memory_space<vmem>> -> memref<64xi32, #tpu.memory_space<vmem>>
          %dma_wait3A_329 = arith.constant 0 : i32
          %dma_wait3A_330 = arith.constant 0 : i32
          %dma_wait3A_331 = tpu.memref_slice %arg10[%dma_wait3A_329, %dma_wait3A_330] : memref<10240x128xf32, #tpu.memory_space<vmem_shared>> -> memref<10240x128xf32, #tpu.memory_space<vmem_shared>>
          tpu.wait_indirect_dma semaphore(%arg18 : memref<!tpu.dma_semaphore, #tpu.memory_space<semaphore_mem>>) src(%dma_wait3A_325 : memref<64x128xf32, #tpu.memory_space<vmem>>) dst(%dma_wait3A_331 : memref<10240x128xf32, #tpu.memory_space<vmem_shared>>)
        } else {
        }
        %dma_start3A = arith.constant 3 : i32
        %dma_start3A_310 = arith.constant 0 : i32
        %dma_start3A_311 = arith.constant 0 : i32
        %dma_start3A_312 = tpu.memref_slice %arg9[%dma_start3A, %dma_start3A_310, %dma_start3A_311] : memref<4x64x128xf32, #tpu.memory_space<vmem>> -> memref<1x64x128xf32, #tpu.memory_space<vmem>>
        %dma_start3A_313 = tpu.memref_squeeze %dma_start3A_312 : memref<1x64x128xf32, #tpu.memory_space<vmem>> -> memref<64x128xf32, #tpu.memory_space<vmem>>
        %dma_start3A_314 = arith.constant 0 : i32
        %dma_start3A_315 = tpu.memref_slice %arg7[%add3A_289, %dma_start3A_314] : memref<40x64xi32, #tpu.memory_space<vmem>> -> memref<1x64xi32, #tpu.memory_space<vmem>>
        %dma_start3A_316 = tpu.memref_squeeze %dma_start3A_315 : memref<1x64xi32, #tpu.memory_space<vmem>> -> memref<64xi32, #tpu.memory_space<vmem>>
        %dma_start3A_317 = arith.constant 0 : i32
        %dma_start3A_318 = arith.constant 0 : i32
        %dma_start3A_319 = tpu.memref_slice %arg4[%dma_start3A_317, %dma_start3A_318] : memref<10240x128xf32, #tpu.memory_space<hbm>> -> memref<10240x128xf32, #tpu.memory_space<hbm>>
        tpu.enqueue_indirect_dma source(%dma_start3A_319 : memref<10240x128xf32, #tpu.memory_space<hbm>>) target(%dma_start3A_313 : memref<64x128xf32, #tpu.memory_space<vmem>>) offsets(%dma_start3A_316 : memref<64xi32, #tpu.memory_space<vmem>>) semaphore(%arg14 : memref<!tpu.dma_semaphore, #tpu.memory_space<semaphore_mem>>)
      } else {
      }
    }
    %scan3A_184 = arith.constant 11 : i32
    %dma_wait3A_185 = arith.constant 0 : i32
    %dma_wait3A_186 = arith.constant 0 : i32
    %dma_wait3A_187 = arith.constant 0 : i32
    %dma_wait3A_188 = arith.constant 0 : i32
    %dma_wait3A_189 = tpu.memref_slice %arg9[%dma_wait3A_185, %dma_wait3A_187, %dma_wait3A_188] : memref<4x64x128xf32, #tpu.memory_space<vmem>> -> memref<1x64x128xf32, #tpu.memory_space<vmem>>
    %dma_wait3A_190 = tpu.memref_squeeze %dma_wait3A_189 : memref<1x64x128xf32, #tpu.memory_space<vmem>> -> memref<64x128xf32, #tpu.memory_space<vmem>>
    %dma_wait3A_191 = arith.constant 0 : i32
    %dma_wait3A_192 = tpu.memref_slice %arg8[%dma_wait3A_186, %dma_wait3A_191] : memref<40x64xi32, #tpu.memory_space<vmem>> -> memref<1x64xi32, #tpu.memory_space<vmem>>
    %dma_wait3A_193 = tpu.memref_squeeze %dma_wait3A_192 : memref<1x64xi32, #tpu.memory_space<vmem>> -> memref<64xi32, #tpu.memory_space<vmem>>
    %dma_wait3A_194 = arith.constant 0 : i32
    %dma_wait3A_195 = arith.constant 0 : i32
    %dma_wait3A_196 = tpu.memref_slice %arg10[%dma_wait3A_194, %dma_wait3A_195] : memref<10240x128xf32, #tpu.memory_space<vmem_shared>> -> memref<10240x128xf32, #tpu.memory_space<vmem_shared>>
    tpu.wait_indirect_dma semaphore(%arg15 : memref<!tpu.dma_semaphore, #tpu.memory_space<semaphore_mem>>) src(%dma_wait3A_190 : memref<64x128xf32, #tpu.memory_space<vmem>>) dst(%dma_wait3A_196 : memref<10240x128xf32, #tpu.memory_space<vmem_shared>>)
    %dma_wait3A_197 = arith.constant 1 : i32
    %dma_wait3A_198 = arith.constant 0 : i32
    %dma_wait3A_199 = arith.constant 0 : i32
    %dma_wait3A_200 = arith.constant 0 : i32
    %dma_wait3A_201 = tpu.memref_slice %arg9[%dma_wait3A_197, %dma_wait3A_199, %dma_wait3A_200] : memref<4x64x128xf32, #tpu.memory_space<vmem>> -> memref<1x64x128xf32, #tpu.memory_space<vmem>>
    %dma_wait3A_202 = tpu.memref_squeeze %dma_wait3A_201 : memref<1x64x128xf32, #tpu.memory_space<vmem>> -> memref<64x128xf32, #tpu.memory_space<vmem>>
    %dma_wait3A_203 = arith.constant 0 : i32
    %dma_wait3A_204 = tpu.memref_slice %arg8[%dma_wait3A_198, %dma_wait3A_203] : memref<40x64xi32, #tpu.memory_space<vmem>> -> memref<1x64xi32, #tpu.memory_space<vmem>>
    %dma_wait3A_205 = tpu.memref_squeeze %dma_wait3A_204 : memref<1x64xi32, #tpu.memory_space<vmem>> -> memref<64xi32, #tpu.memory_space<vmem>>
    %dma_wait3A_206 = arith.constant 0 : i32
    %dma_wait3A_207 = arith.constant 0 : i32
    %dma_wait3A_208 = tpu.memref_slice %arg10[%dma_wait3A_206, %dma_wait3A_207] : memref<10240x128xf32, #tpu.memory_space<vmem_shared>> -> memref<10240x128xf32, #tpu.memory_space<vmem_shared>>
    tpu.wait_indirect_dma semaphore(%arg16 : memref<!tpu.dma_semaphore, #tpu.memory_space<semaphore_mem>>) src(%dma_wait3A_202 : memref<64x128xf32, #tpu.memory_space<vmem>>) dst(%dma_wait3A_208 : memref<10240x128xf32, #tpu.memory_space<vmem_shared>>)
    %dma_wait3A_209 = arith.constant 2 : i32
    %dma_wait3A_210 = arith.constant 0 : i32
    %dma_wait3A_211 = arith.constant 0 : i32
    %dma_wait3A_212 = arith.constant 0 : i32
    %dma_wait3A_213 = tpu.memref_slice %arg9[%dma_wait3A_209, %dma_wait3A_211, %dma_wait3A_212] : memref<4x64x128xf32, #tpu.memory_space<vmem>> -> memref<1x64x128xf32, #tpu.memory_space<vmem>>
    %dma_wait3A_214 = tpu.memref_squeeze %dma_wait3A_213 : memref<1x64x128xf32, #tpu.memory_space<vmem>> -> memref<64x128xf32, #tpu.memory_space<vmem>>
    %dma_wait3A_215 = arith.constant 0 : i32
    %dma_wait3A_216 = tpu.memref_slice %arg8[%dma_wait3A_210, %dma_wait3A_215] : memref<40x64xi32, #tpu.memory_space<vmem>> -> memref<1x64xi32, #tpu.memory_space<vmem>>
    %dma_wait3A_217 = tpu.memref_squeeze %dma_wait3A_216 : memref<1x64xi32, #tpu.memory_space<vmem>> -> memref<64xi32, #tpu.memory_space<vmem>>
    %dma_wait3A_218 = arith.constant 0 : i32
    %dma_wait3A_219 = arith.constant 0 : i32
    %dma_wait3A_220 = tpu.memref_slice %arg10[%dma_wait3A_218, %dma_wait3A_219] : memref<10240x128xf32, #tpu.memory_space<vmem_shared>> -> memref<10240x128xf32, #tpu.memory_space<vmem_shared>>
    tpu.wait_indirect_dma semaphore(%arg17 : memref<!tpu.dma_semaphore, #tpu.memory_space<semaphore_mem>>) src(%dma_wait3A_214 : memref<64x128xf32, #tpu.memory_space<vmem>>) dst(%dma_wait3A_220 : memref<10240x128xf32, #tpu.memory_space<vmem_shared>>)
    %dma_wait3A_221 = arith.constant 3 : i32
    %dma_wait3A_222 = arith.constant 0 : i32
    %dma_wait3A_223 = arith.constant 0 : i32
    %dma_wait3A_224 = arith.constant 0 : i32
    %dma_wait3A_225 = tpu.memref_slice %arg9[%dma_wait3A_221, %dma_wait3A_223, %dma_wait3A_224] : memref<4x64x128xf32, #tpu.memory_space<vmem>> -> memref<1x64x128xf32, #tpu.memory_space<vmem>>
    %dma_wait3A_226 = tpu.memref_squeeze %dma_wait3A_225 : memref<1x64x128xf32, #tpu.memory_space<vmem>> -> memref<64x128xf32, #tpu.memory_space<vmem>>
    %dma_wait3A_227 = arith.constant 0 : i32
    %dma_wait3A_228 = tpu.memref_slice %arg8[%dma_wait3A_222, %dma_wait3A_227] : memref<40x64xi32, #tpu.memory_space<vmem>> -> memref<1x64xi32, #tpu.memory_space<vmem>>
    %dma_wait3A_229 = tpu.memref_squeeze %dma_wait3A_228 : memref<1x64xi32, #tpu.memory_space<vmem>> -> memref<64xi32, #tpu.memory_space<vmem>>
    %dma_wait3A_230 = arith.constant 0 : i32
    %dma_wait3A_231 = arith.constant 0 : i32
    %dma_wait3A_232 = tpu.memref_slice %arg10[%dma_wait3A_230, %dma_wait3A_231] : memref<10240x128xf32, #tpu.memory_space<vmem_shared>> -> memref<10240x128xf32, #tpu.memory_space<vmem_shared>>
    tpu.wait_indirect_dma semaphore(%arg18 : memref<!tpu.dma_semaphore, #tpu.memory_space<semaphore_mem>>) src(%dma_wait3A_226 : memref<64x128xf32, #tpu.memory_space<vmem>>) dst(%dma_wait3A_232 : memref<10240x128xf32, #tpu.memory_space<vmem_shared>>)
    %barrier3A_233 = arith.constant 0 : index
    tpu.barrier barrier_id(%barrier3A_233)
    "tpu.region"() ({
      %run_scoped3A = tpu.sem_alloc : memref<!tpu.dma_semaphore, #tpu.memory_space<semaphore_mem>>
      %dma_start3A = arith.constant 0 : i32
      %dma_start3A_234 = tpu.memref_slice %arg6[%arg0, %mul3A_2, %dma_start3A] : memref<2x10240x128xf32, #tpu.memory_space<hbm>> -> memref<1x640x128xf32, #tpu.memory_space<hbm>>
      %dma_start3A_235 = tpu.memref_squeeze %dma_start3A_234 : memref<1x640x128xf32, #tpu.memory_space<hbm>> -> memref<640x128xf32, #tpu.memory_space<hbm>>
      %dma_start3A_236 = arith.constant 0 : i32
      %dma_start3A_237 = tpu.memref_slice %arg10[%mul3A_2, %dma_start3A_236] : memref<10240x128xf32, #tpu.memory_space<vmem_shared>> -> memref<640x128xf32, #tpu.memory_space<vmem_shared>>
      tpu.enqueue_dma source(%dma_start3A_237 : memref<640x128xf32, #tpu.memory_space<vmem_shared>>) target(%dma_start3A_235 : memref<640x128xf32, #tpu.memory_space<hbm>>) target_semaphore(%run_scoped3A : memref<!tpu.dma_semaphore, #tpu.memory_space<semaphore_mem>>)
      %dma_wait3A_238 = arith.constant 0 : i32
      %dma_wait3A_239 = tpu.memref_slice %arg6[%arg0, %mul3A_2, %dma_wait3A_238] : memref<2x10240x128xf32, #tpu.memory_space<hbm>> -> memref<1x640x128xf32, #tpu.memory_space<hbm>>
      %dma_wait3A_240 = tpu.memref_squeeze %dma_wait3A_239 : memref<1x640x128xf32, #tpu.memory_space<hbm>> -> memref<640x128xf32, #tpu.memory_space<hbm>>
      %dma_wait3A_241 = arith.constant 0 : i32
      %dma_wait3A_242 = tpu.memref_slice %arg10[%mul3A_2, %dma_wait3A_241] : memref<10240x128xf32, #tpu.memory_space<vmem_shared>> -> memref<640x128xf32, #tpu.memory_space<vmem_shared>>
      tpu.wait_dma2 semaphore(%run_scoped3A : memref<!tpu.dma_semaphore, #tpu.memory_space<semaphore_mem>>) src(%dma_wait3A_242 : memref<640x128xf32, #tpu.memory_space<vmem_shared>>) dst(%dma_wait3A_240 : memref<640x128xf32, #tpu.memory_space<hbm>>)
      tpu.yield
    }) : () -> ()
    return
  }
}

#map = affine_map<(d0, d1) -> (0)>
#map1 = affine_map<(d0, d1) -> (0, 0, 0, 0)>
module attributes {stable_mosaic.version = 14 : i64} {
  func.func @_deg_kernel(%arg0: i32, %arg1: i32, %arg2: memref<327680xi32, #tpu.memory_space<hbm>>, %arg3: memref<2x16x80x128xf32, #tpu.memory_space<hbm>>, %arg4: memref<10240xi32, #tpu.memory_space<vmem>>, %arg5: memref<80x128xf32, #tpu.memory_space<vmem>>) attributes {dimension_semantics = [#tpu.dimension_semantics<core_parallel>, #tpu.dimension_semantics<subcore_parallel>], iteration_bounds = array<i64: 2, 16>, scalar_prefetch = 0 : i64, scratch_operands = 2 : i64, tpu.core_type = #tpu.core_type<sc_vector_subcore>, window_params = [{transform_indices = #map}, {transform_indices = #map1}]} {
    %mul3A = arith.constant 2 : i32
    %mul3A_0 = arith.muli %arg1, %mul3A : i32
    %add3A = arith.addi %mul3A_0, %arg0 : i32
    %broadcast_in_dim3A = arith.constant 0.000000e+00 : f32
    %broadcast_in_dim3A_1 = vector.broadcast %broadcast_in_dim3A : f32 to vector<16xf32>
    %scan3A = arith.constant 0 : i32
    %scan3A_2 = arith.constant 0 : i32
    %scan3A_3 = arith.constant 640 : i32
    %scan3A_4 = arith.addi %scan3A_2, %scan3A_3 : i32
    %scan3A_5 = arith.constant 1 : i32
    scf.for %scan3A_15 = %scan3A_2 to %scan3A_4 step %scan3A_5  : i32 {
      %shift_right_logical3A = arith.constant 3 : i32
      %shift_right_logical3A_16 = arith.shrui %scan3A_15, %shift_right_logical3A : i32
      %and3A = arith.constant 7 : i32
      %and3A_17 = arith.andi %scan3A_15, %and3A : i32
      %mul3A_18 = arith.constant 16 : i32
      %mul3A_19 = arith.muli %and3A_17, %mul3A_18 : i32
      %swap3A = arith.index_cast %shift_right_logical3A_16 : i32 to index
      %swap3A_20 = arith.index_cast %mul3A_19 : i32 to index
      %swap3A_21 = tpu.vector_load %arg5[%swap3A, %swap3A_20] {strides = array<i32>} : memref<80x128xf32, #tpu.memory_space<vmem>>, vector<16xf32>,
      tpu.vector_store %arg5[%swap3A, %swap3A_20], %broadcast_in_dim3A_1 {strides = array<i32>} : memref<80x128xf32, #tpu.memory_space<vmem>>, vector<16xf32>,
    }
    %scan3A_6 = arith.constant 640 : i32
    %mul3A_7 = arith.constant 10240 : i32
    %mul3A_8 = arith.muli %add3A, %mul3A_7 : i32
    "tpu.region"() ({
      %run_scoped3A = tpu.sem_alloc : memref<!tpu.dma_semaphore, #tpu.memory_space<semaphore_mem>>
      %dma_start3A = tpu.memref_slice %arg2[%mul3A_8] : memref<327680xi32, #tpu.memory_space<hbm>> -> memref<10240xi32, #tpu.memory_space<hbm>>
      %dma_start3A_15 = tpu.memref_slice %arg2[%mul3A_8] : memref<327680xi32, #tpu.memory_space<hbm>> -> memref<10240xi32, #tpu.memory_space<hbm>>
      tpu.enqueue_dma source(%dma_start3A_15 : memref<10240xi32, #tpu.memory_space<hbm>>) target(%arg4 : memref<10240xi32, #tpu.memory_space<vmem>>) target_semaphore(%run_scoped3A : memref<!tpu.dma_semaphore, #tpu.memory_space<semaphore_mem>>)
      %dma_wait3A = tpu.memref_slice %arg2[%mul3A_8] : memref<327680xi32, #tpu.memory_space<hbm>> -> memref<10240xi32, #tpu.memory_space<hbm>>
      %dma_wait3A_16 = tpu.memref_slice %arg2[%mul3A_8] : memref<327680xi32, #tpu.memory_space<hbm>> -> memref<10240xi32, #tpu.memory_space<hbm>>
      tpu.wait_dma2 semaphore(%run_scoped3A : memref<!tpu.dma_semaphore, #tpu.memory_space<semaphore_mem>>) src(%dma_wait3A_16 : memref<10240xi32, #tpu.memory_space<hbm>>) dst(%arg4 : memref<10240xi32, #tpu.memory_space<vmem>>)
      tpu.yield
    }) : () -> ()
    %scan3A_9 = arith.constant 0 : i32
    %scan3A_10 = arith.constant 0 : i32
    %scan3A_11 = arith.constant 640 : i32
    %scan3A_12 = arith.addi %scan3A_10, %scan3A_11 : i32
    %scan3A_13 = arith.constant 1 : i32
    scf.for %scan3A_15 = %scan3A_10 to %scan3A_12 step %scan3A_13  : i32 {
      %mul3A_16 = arith.constant 16 : i32
      %mul3A_17 = arith.muli %scan3A_15, %mul3A_16 : i32
      %get3A = arith.index_cast %mul3A_17 : i32 to index
      %get3A_18 = tpu.vector_load %arg4[%get3A] {strides = array<i32>} : memref<10240xi32, #tpu.memory_space<vmem>>, vector<16xi32>,
      %broadcast_in_dim3A_19 = arith.constant true
      %broadcast_in_dim3A_20 = vector.broadcast %broadcast_in_dim3A_19 : i1 to vector<16xi1>
      %unique3A, %unique3A_21 = tpu.scan_count mask(%broadcast_in_dim3A_20 : vector<16xi1>) value(%get3A_18 : vector<16xi32>) : vector<16xi1>, vector<16xi32>
      %shift_right_logical3A = arith.constant 7 : i32
      %shift_right_logical3A_22 = vector.broadcast %shift_right_logical3A : i32 to vector<16xi32>
      %shift_right_logical3A_23 = arith.shrui %get3A_18, %shift_right_logical3A_22 : vector<16xi32>
      %and3A = arith.constant 127 : i32
      %and3A_24 = vector.broadcast %and3A : i32 to vector<16xi32>
      %and3A_25 = arith.andi %get3A_18, %and3A_24 : vector<16xi32>
      %convert_element_type3A = arith.sitofp %unique3A_21 : vector<16xi32> to vector<16xf32>
      tpu.vector_store_idx %arg5[%shift_right_logical3A_23, %and3A_25], %convert_element_type3A masked %unique3A {add = true} : memref<80x128xf32, #tpu.memory_space<vmem>>[vector<16xi32>, vector<16xi32>], vector<16xf32>, vector<16xi1>
    }
    %scan3A_14 = arith.constant 640 : i32
    "tpu.region"() ({
      %run_scoped3A = tpu.sem_alloc : memref<!tpu.dma_semaphore, #tpu.memory_space<semaphore_mem>>
      %dma_start3A = arith.constant 0 : i32
      %dma_start3A_15 = arith.constant 0 : i32
      %dma_start3A_16 = tpu.memref_slice %arg3[%arg0, %arg1, %dma_start3A, %dma_start3A_15] : memref<2x16x80x128xf32, #tpu.memory_space<hbm>> -> memref<1x1x80x128xf32, #tpu.memory_space<hbm>>
      %dma_start3A_17 = tpu.memref_squeeze %dma_start3A_16 : memref<1x1x80x128xf32, #tpu.memory_space<hbm>> -> memref<80x128xf32, #tpu.memory_space<hbm>>
      %dma_start3A_18 = arith.constant 0 : i32
      %dma_start3A_19 = arith.constant 0 : i32
      %dma_start3A_20 = tpu.memref_slice %arg3[%arg0, %arg1, %dma_start3A_18, %dma_start3A_19] : memref<2x16x80x128xf32, #tpu.memory_space<hbm>> -> memref<1x1x80x128xf32, #tpu.memory_space<hbm>>
      %dma_start3A_21 = tpu.memref_squeeze %dma_start3A_20 : memref<1x1x80x128xf32, #tpu.memory_space<hbm>> -> memref<80x128xf32, #tpu.memory_space<hbm>>
      tpu.enqueue_dma source(%arg5 : memref<80x128xf32, #tpu.memory_space<vmem>>) target(%dma_start3A_21 : memref<80x128xf32, #tpu.memory_space<hbm>>) target_semaphore(%run_scoped3A : memref<!tpu.dma_semaphore, #tpu.memory_space<semaphore_mem>>)
      %dma_wait3A = arith.constant 0 : i32
      %dma_wait3A_22 = arith.constant 0 : i32
      %dma_wait3A_23 = tpu.memref_slice %arg3[%arg0, %arg1, %dma_wait3A, %dma_wait3A_22] : memref<2x16x80x128xf32, #tpu.memory_space<hbm>> -> memref<1x1x80x128xf32, #tpu.memory_space<hbm>>
      %dma_wait3A_24 = tpu.memref_squeeze %dma_wait3A_23 : memref<1x1x80x128xf32, #tpu.memory_space<hbm>> -> memref<80x128xf32, #tpu.memory_space<hbm>>
      %dma_wait3A_25 = arith.constant 0 : i32
      %dma_wait3A_26 = arith.constant 0 : i32
      %dma_wait3A_27 = tpu.memref_slice %arg3[%arg0, %arg1, %dma_wait3A_25, %dma_wait3A_26] : memref<2x16x80x128xf32, #tpu.memory_space<hbm>> -> memref<1x1x80x128xf32, #tpu.memory_space<hbm>>
      %dma_wait3A_28 = tpu.memref_squeeze %dma_wait3A_27 : memref<1x1x80x128xf32, #tpu.memory_space<hbm>> -> memref<80x128xf32, #tpu.memory_space<hbm>>
      tpu.wait_dma2 semaphore(%run_scoped3A : memref<!tpu.dma_semaphore, #tpu.memory_space<semaphore_mem>>) src(%arg5 : memref<80x128xf32, #tpu.memory_space<vmem>>) dst(%dma_wait3A_28 : memref<80x128xf32, #tpu.memory_space<hbm>>)
      tpu.yield
    }) : () -> ()
    return
  }
}

module attributes {stable_mosaic.version = 14 : i64} {
  func.func @_dinv_body(%arg0: memref<2x16x80x128xf32, #tpu.memory_space<vmem>>, %arg1: memref<80x128xf32, #tpu.memory_space<vmem>>) attributes {dimension_semantics = [], scalar_prefetch = 0 : i64, scratch_operands = 0 : i64, tpu.core_type = #tpu.core_type<tc>} {
    %broadcast_in_dim3A = arith.constant 0.000000e+00 : f32
    %broadcast_in_dim3A_0 = vector.broadcast %broadcast_in_dim3A : f32 to vector<80x128xf32>
    %get3A = arith.constant 0 : index
    %get3A_1 = arith.constant 0 : index
    %get3A_2 = arith.constant 0 : index
    %get3A_3 = arith.constant 0 : index
    %get3A_4 = vector.load %arg0[%get3A, %get3A_1, %get3A_2, %get3A_3] : memref<2x16x80x128xf32, #tpu.memory_space<vmem>>, vector<1x1x80x128xf32>
    %get3A_5 = vector.shape_cast %get3A_4 : vector<1x1x80x128xf32> to vector<80x128xf32>
    %add3A = arith.addf %broadcast_in_dim3A_0, %get3A_5 : vector<80x128xf32>
    %get3A_6 = arith.constant 0 : index
    %get3A_7 = arith.constant 1 : index
    %get3A_8 = arith.constant 0 : index
    %get3A_9 = arith.constant 0 : index
    %get3A_10 = vector.load %arg0[%get3A_6, %get3A_7, %get3A_8, %get3A_9] : memref<2x16x80x128xf32, #tpu.memory_space<vmem>>, vector<1x1x80x128xf32>
    %get3A_11 = vector.shape_cast %get3A_10 : vector<1x1x80x128xf32> to vector<80x128xf32>
    %add3A_12 = arith.addf %add3A, %get3A_11 : vector<80x128xf32>
    %get3A_13 = arith.constant 0 : index
    %get3A_14 = arith.constant 2 : index
    %get3A_15 = arith.constant 0 : index
    %get3A_16 = arith.constant 0 : index
    %get3A_17 = vector.load %arg0[%get3A_13, %get3A_14, %get3A_15, %get3A_16] : memref<2x16x80x128xf32, #tpu.memory_space<vmem>>, vector<1x1x80x128xf32>
    %get3A_18 = vector.shape_cast %get3A_17 : vector<1x1x80x128xf32> to vector<80x128xf32>
    %add3A_19 = arith.addf %add3A_12, %get3A_18 : vector<80x128xf32>
    %get3A_20 = arith.constant 0 : index
    %get3A_21 = arith.constant 3 : index
    %get3A_22 = arith.constant 0 : index
    %get3A_23 = arith.constant 0 : index
    %get3A_24 = vector.load %arg0[%get3A_20, %get3A_21, %get3A_22, %get3A_23] : memref<2x16x80x128xf32, #tpu.memory_space<vmem>>, vector<1x1x80x128xf32>
    %get3A_25 = vector.shape_cast %get3A_24 : vector<1x1x80x128xf32> to vector<80x128xf32>
    %add3A_26 = arith.addf %add3A_19, %get3A_25 : vector<80x128xf32>
    %get3A_27 = arith.constant 0 : index
    %get3A_28 = arith.constant 4 : index
    %get3A_29 = arith.constant 0 : index
    %get3A_30 = arith.constant 0 : index
    %get3A_31 = vector.load %arg0[%get3A_27, %get3A_28, %get3A_29, %get3A_30] : memref<2x16x80x128xf32, #tpu.memory_space<vmem>>, vector<1x1x80x128xf32>
    %get3A_32 = vector.shape_cast %get3A_31 : vector<1x1x80x128xf32> to vector<80x128xf32>
    %add3A_33 = arith.addf %add3A_26, %get3A_32 : vector<80x128xf32>
    %get3A_34 = arith.constant 0 : index
    %get3A_35 = arith.constant 5 : index
    %get3A_36 = arith.constant 0 : index
    %get3A_37 = arith.constant 0 : index
    %get3A_38 = vector.load %arg0[%get3A_34, %get3A_35, %get3A_36, %get3A_37] : memref<2x16x80x128xf32, #tpu.memory_space<vmem>>, vector<1x1x80x128xf32>
    %get3A_39 = vector.shape_cast %get3A_38 : vector<1x1x80x128xf32> to vector<80x128xf32>
    %add3A_40 = arith.addf %add3A_33, %get3A_39 : vector<80x128xf32>
    %get3A_41 = arith.constant 0 : index
    %get3A_42 = arith.constant 6 : index
    %get3A_43 = arith.constant 0 : index
    %get3A_44 = arith.constant 0 : index
    %get3A_45 = vector.load %arg0[%get3A_41, %get3A_42, %get3A_43, %get3A_44] : memref<2x16x80x128xf32, #tpu.memory_space<vmem>>, vector<1x1x80x128xf32>
    %get3A_46 = vector.shape_cast %get3A_45 : vector<1x1x80x128xf32> to vector<80x128xf32>
    %add3A_47 = arith.addf %add3A_40, %get3A_46 : vector<80x128xf32>
    %get3A_48 = arith.constant 0 : index
    %get3A_49 = arith.constant 7 : index
    %get3A_50 = arith.constant 0 : index
    %get3A_51 = arith.constant 0 : index
    %get3A_52 = vector.load %arg0[%get3A_48, %get3A_49, %get3A_50, %get3A_51] : memref<2x16x80x128xf32, #tpu.memory_space<vmem>>, vector<1x1x80x128xf32>
    %get3A_53 = vector.shape_cast %get3A_52 : vector<1x1x80x128xf32> to vector<80x128xf32>
    %add3A_54 = arith.addf %add3A_47, %get3A_53 : vector<80x128xf32>
    %get3A_55 = arith.constant 0 : index
    %get3A_56 = arith.constant 8 : index
    %get3A_57 = arith.constant 0 : index
    %get3A_58 = arith.constant 0 : index
    %get3A_59 = vector.load %arg0[%get3A_55, %get3A_56, %get3A_57, %get3A_58] : memref<2x16x80x128xf32, #tpu.memory_space<vmem>>, vector<1x1x80x128xf32>
    %get3A_60 = vector.shape_cast %get3A_59 : vector<1x1x80x128xf32> to vector<80x128xf32>
    %add3A_61 = arith.addf %add3A_54, %get3A_60 : vector<80x128xf32>
    %get3A_62 = arith.constant 0 : index
    %get3A_63 = arith.constant 9 : index
    %get3A_64 = arith.constant 0 : index
    %get3A_65 = arith.constant 0 : index
    %get3A_66 = vector.load %arg0[%get3A_62, %get3A_63, %get3A_64, %get3A_65] : memref<2x16x80x128xf32, #tpu.memory_space<vmem>>, vector<1x1x80x128xf32>
    %get3A_67 = vector.shape_cast %get3A_66 : vector<1x1x80x128xf32> to vector<80x128xf32>
    %add3A_68 = arith.addf %add3A_61, %get3A_67 : vector<80x128xf32>
    %get3A_69 = arith.constant 0 : index
    %get3A_70 = arith.constant 10 : index
    %get3A_71 = arith.constant 0 : index
    %get3A_72 = arith.constant 0 : index
    %get3A_73 = vector.load %arg0[%get3A_69, %get3A_70, %get3A_71, %get3A_72] : memref<2x16x80x128xf32, #tpu.memory_space<vmem>>, vector<1x1x80x128xf32>
    %get3A_74 = vector.shape_cast %get3A_73 : vector<1x1x80x128xf32> to vector<80x128xf32>
    %add3A_75 = arith.addf %add3A_68, %get3A_74 : vector<80x128xf32>
    %get3A_76 = arith.constant 0 : index
    %get3A_77 = arith.constant 11 : index
    %get3A_78 = arith.constant 0 : index
    %get3A_79 = arith.constant 0 : index
    %get3A_80 = vector.load %arg0[%get3A_76, %get3A_77, %get3A_78, %get3A_79] : memref<2x16x80x128xf32, #tpu.memory_space<vmem>>, vector<1x1x80x128xf32>
    %get3A_81 = vector.shape_cast %get3A_80 : vector<1x1x80x128xf32> to vector<80x128xf32>
    %add3A_82 = arith.addf %add3A_75, %get3A_81 : vector<80x128xf32>
    %get3A_83 = arith.constant 0 : index
    %get3A_84 = arith.constant 12 : index
    %get3A_85 = arith.constant 0 : index
    %get3A_86 = arith.constant 0 : index
    %get3A_87 = vector.load %arg0[%get3A_83, %get3A_84, %get3A_85, %get3A_86] : memref<2x16x80x128xf32, #tpu.memory_space<vmem>>, vector<1x1x80x128xf32>
    %get3A_88 = vector.shape_cast %get3A_87 : vector<1x1x80x128xf32> to vector<80x128xf32>
    %add3A_89 = arith.addf %add3A_82, %get3A_88 : vector<80x128xf32>
    %get3A_90 = arith.constant 0 : index
    %get3A_91 = arith.constant 13 : index
    %get3A_92 = arith.constant 0 : index
    %get3A_93 = arith.constant 0 : index
    %get3A_94 = vector.load %arg0[%get3A_90, %get3A_91, %get3A_92, %get3A_93] : memref<2x16x80x128xf32, #tpu.memory_space<vmem>>, vector<1x1x80x128xf32>
    %get3A_95 = vector.shape_cast %get3A_94 : vector<1x1x80x128xf32> to vector<80x128xf32>
    %add3A_96 = arith.addf %add3A_89, %get3A_95 : vector<80x128xf32>
    %get3A_97 = arith.constant 0 : index
    %get3A_98 = arith.constant 14 : index
    %get3A_99 = arith.constant 0 : index
    %get3A_100 = arith.constant 0 : index
    %get3A_101 = vector.load %arg0[%get3A_97, %get3A_98, %get3A_99, %get3A_100] : memref<2x16x80x128xf32, #tpu.memory_space<vmem>>, vector<1x1x80x128xf32>
    %get3A_102 = vector.shape_cast %get3A_101 : vector<1x1x80x128xf32> to vector<80x128xf32>
    %add3A_103 = arith.addf %add3A_96, %get3A_102 : vector<80x128xf32>
    %get3A_104 = arith.constant 0 : index
    %get3A_105 = arith.constant 15 : index
    %get3A_106 = arith.constant 0 : index
    %get3A_107 = arith.constant 0 : index
    %get3A_108 = vector.load %arg0[%get3A_104, %get3A_105, %get3A_106, %get3A_107] : memref<2x16x80x128xf32, #tpu.memory_space<vmem>>, vector<1x1x80x128xf32>
    %get3A_109 = vector.shape_cast %get3A_108 : vector<1x1x80x128xf32> to vector<80x128xf32>
    %add3A_110 = arith.addf %add3A_103, %get3A_109 : vector<80x128xf32>
    %get3A_111 = arith.constant 1 : index
    %get3A_112 = arith.constant 0 : index
    %get3A_113 = arith.constant 0 : index
    %get3A_114 = arith.constant 0 : index
    %get3A_115 = vector.load %arg0[%get3A_111, %get3A_112, %get3A_113, %get3A_114] : memref<2x16x80x128xf32, #tpu.memory_space<vmem>>, vector<1x1x80x128xf32>
    %get3A_116 = vector.shape_cast %get3A_115 : vector<1x1x80x128xf32> to vector<80x128xf32>
    %add3A_117 = arith.addf %add3A_110, %get3A_116 : vector<80x128xf32>
    %get3A_118 = arith.constant 1 : index
    %get3A_119 = arith.constant 1 : index
    %get3A_120 = arith.constant 0 : index
    %get3A_121 = arith.constant 0 : index
    %get3A_122 = vector.load %arg0[%get3A_118, %get3A_119, %get3A_120, %get3A_121] : memref<2x16x80x128xf32, #tpu.memory_space<vmem>>, vector<1x1x80x128xf32>
    %get3A_123 = vector.shape_cast %get3A_122 : vector<1x1x80x128xf32> to vector<80x128xf32>
    %add3A_124 = arith.addf %add3A_117, %get3A_123 : vector<80x128xf32>
    %get3A_125 = arith.constant 1 : index
    %get3A_126 = arith.constant 2 : index
    %get3A_127 = arith.constant 0 : index
    %get3A_128 = arith.constant 0 : index
    %get3A_129 = vector.load %arg0[%get3A_125, %get3A_126, %get3A_127, %get3A_128] : memref<2x16x80x128xf32, #tpu.memory_space<vmem>>, vector<1x1x80x128xf32>
    %get3A_130 = vector.shape_cast %get3A_129 : vector<1x1x80x128xf32> to vector<80x128xf32>
    %add3A_131 = arith.addf %add3A_124, %get3A_130 : vector<80x128xf32>
    %get3A_132 = arith.constant 1 : index
    %get3A_133 = arith.constant 3 : index
    %get3A_134 = arith.constant 0 : index
    %get3A_135 = arith.constant 0 : index
    %get3A_136 = vector.load %arg0[%get3A_132, %get3A_133, %get3A_134, %get3A_135] : memref<2x16x80x128xf32, #tpu.memory_space<vmem>>, vector<1x1x80x128xf32>
    %get3A_137 = vector.shape_cast %get3A_136 : vector<1x1x80x128xf32> to vector<80x128xf32>
    %add3A_138 = arith.addf %add3A_131, %get3A_137 : vector<80x128xf32>
    %get3A_139 = arith.constant 1 : index
    %get3A_140 = arith.constant 4 : index
    %get3A_141 = arith.constant 0 : index
    %get3A_142 = arith.constant 0 : index
    %get3A_143 = vector.load %arg0[%get3A_139, %get3A_140, %get3A_141, %get3A_142] : memref<2x16x80x128xf32, #tpu.memory_space<vmem>>, vector<1x1x80x128xf32>
    %get3A_144 = vector.shape_cast %get3A_143 : vector<1x1x80x128xf32> to vector<80x128xf32>
    %add3A_145 = arith.addf %add3A_138, %get3A_144 : vector<80x128xf32>
    %get3A_146 = arith.constant 1 : index
    %get3A_147 = arith.constant 5 : index
    %get3A_148 = arith.constant 0 : index
    %get3A_149 = arith.constant 0 : index
    %get3A_150 = vector.load %arg0[%get3A_146, %get3A_147, %get3A_148, %get3A_149] : memref<2x16x80x128xf32, #tpu.memory_space<vmem>>, vector<1x1x80x128xf32>
    %get3A_151 = vector.shape_cast %get3A_150 : vector<1x1x80x128xf32> to vector<80x128xf32>
    %add3A_152 = arith.addf %add3A_145, %get3A_151 : vector<80x128xf32>
    %get3A_153 = arith.constant 1 : index
    %get3A_154 = arith.constant 6 : index
    %get3A_155 = arith.constant 0 : index
    %get3A_156 = arith.constant 0 : index
    %get3A_157 = vector.load %arg0[%get3A_153, %get3A_154, %get3A_155, %get3A_156] : memref<2x16x80x128xf32, #tpu.memory_space<vmem>>, vector<1x1x80x128xf32>
    %get3A_158 = vector.shape_cast %get3A_157 : vector<1x1x80x128xf32> to vector<80x128xf32>
    %add3A_159 = arith.addf %add3A_152, %get3A_158 : vector<80x128xf32>
    %get3A_160 = arith.constant 1 : index
    %get3A_161 = arith.constant 7 : index
    %get3A_162 = arith.constant 0 : index
    %get3A_163 = arith.constant 0 : index
    %get3A_164 = vector.load %arg0[%get3A_160, %get3A_161, %get3A_162, %get3A_163] : memref<2x16x80x128xf32, #tpu.memory_space<vmem>>, vector<1x1x80x128xf32>
    %get3A_165 = vector.shape_cast %get3A_164 : vector<1x1x80x128xf32> to vector<80x128xf32>
    %add3A_166 = arith.addf %add3A_159, %get3A_165 : vector<80x128xf32>
    %get3A_167 = arith.constant 1 : index
    %get3A_168 = arith.constant 8 : index
    %get3A_169 = arith.constant 0 : index
    %get3A_170 = arith.constant 0 : index
    %get3A_171 = vector.load %arg0[%get3A_167, %get3A_168, %get3A_169, %get3A_170] : memref<2x16x80x128xf32, #tpu.memory_space<vmem>>, vector<1x1x80x128xf32>
    %get3A_172 = vector.shape_cast %get3A_171 : vector<1x1x80x128xf32> to vector<80x128xf32>
    %add3A_173 = arith.addf %add3A_166, %get3A_172 : vector<80x128xf32>
    %get3A_174 = arith.constant 1 : index
    %get3A_175 = arith.constant 9 : index
    %get3A_176 = arith.constant 0 : index
    %get3A_177 = arith.constant 0 : index
    %get3A_178 = vector.load %arg0[%get3A_174, %get3A_175, %get3A_176, %get3A_177] : memref<2x16x80x128xf32, #tpu.memory_space<vmem>>, vector<1x1x80x128xf32>
    %get3A_179 = vector.shape_cast %get3A_178 : vector<1x1x80x128xf32> to vector<80x128xf32>
    %add3A_180 = arith.addf %add3A_173, %get3A_179 : vector<80x128xf32>
    %get3A_181 = arith.constant 1 : index
    %get3A_182 = arith.constant 10 : index
    %get3A_183 = arith.constant 0 : index
    %get3A_184 = arith.constant 0 : index
    %get3A_185 = vector.load %arg0[%get3A_181, %get3A_182, %get3A_183, %get3A_184] : memref<2x16x80x128xf32, #tpu.memory_space<vmem>>, vector<1x1x80x128xf32>
    %get3A_186 = vector.shape_cast %get3A_185 : vector<1x1x80x128xf32> to vector<80x128xf32>
    %add3A_187 = arith.addf %add3A_180, %get3A_186 : vector<80x128xf32>
    %get3A_188 = arith.constant 1 : index
    %get3A_189 = arith.constant 11 : index
    %get3A_190 = arith.constant 0 : index
    %get3A_191 = arith.constant 0 : index
    %get3A_192 = vector.load %arg0[%get3A_188, %get3A_189, %get3A_190, %get3A_191] : memref<2x16x80x128xf32, #tpu.memory_space<vmem>>, vector<1x1x80x128xf32>
    %get3A_193 = vector.shape_cast %get3A_192 : vector<1x1x80x128xf32> to vector<80x128xf32>
    %add3A_194 = arith.addf %add3A_187, %get3A_193 : vector<80x128xf32>
    %get3A_195 = arith.constant 1 : index
    %get3A_196 = arith.constant 12 : index
    %get3A_197 = arith.constant 0 : index
    %get3A_198 = arith.constant 0 : index
    %get3A_199 = vector.load %arg0[%get3A_195, %get3A_196, %get3A_197, %get3A_198] : memref<2x16x80x128xf32, #tpu.memory_space<vmem>>, vector<1x1x80x128xf32>
    %get3A_200 = vector.shape_cast %get3A_199 : vector<1x1x80x128xf32> to vector<80x128xf32>
    %add3A_201 = arith.addf %add3A_194, %get3A_200 : vector<80x128xf32>
    %get3A_202 = arith.constant 1 : index
    %get3A_203 = arith.constant 13 : index
    %get3A_204 = arith.constant 0 : index
    %get3A_205 = arith.constant 0 : index
    %get3A_206 = vector.load %arg0[%get3A_202, %get3A_203, %get3A_204, %get3A_205] : memref<2x16x80x128xf32, #tpu.memory_space<vmem>>, vector<1x1x80x128xf32>
    %get3A_207 = vector.shape_cast %get3A_206 : vector<1x1x80x128xf32> to vector<80x128xf32>
    %add3A_208 = arith.addf %add3A_201, %get3A_207 : vector<80x128xf32>
    %get3A_209 = arith.constant 1 : index
    %get3A_210 = arith.constant 14 : index
    %get3A_211 = arith.constant 0 : index
    %get3A_212 = arith.constant 0 : index
    %get3A_213 = vector.load %arg0[%get3A_209, %get3A_210, %get3A_211, %get3A_212] : memref<2x16x80x128xf32, #tpu.memory_space<vmem>>, vector<1x1x80x128xf32>
    %get3A_214 = vector.shape_cast %get3A_213 : vector<1x1x80x128xf32> to vector<80x128xf32>
    %add3A_215 = arith.addf %add3A_208, %get3A_214 : vector<80x128xf32>
    %get3A_216 = arith.constant 1 : index
    %get3A_217 = arith.constant 15 : index
    %get3A_218 = arith.constant 0 : index
    %get3A_219 = arith.constant 0 : index
    %get3A_220 = vector.load %arg0[%get3A_216, %get3A_217, %get3A_218, %get3A_219] : memref<2x16x80x128xf32, #tpu.memory_space<vmem>>, vector<1x1x80x128xf32>
    %get3A_221 = vector.shape_cast %get3A_220 : vector<1x1x80x128xf32> to vector<80x128xf32>
    %add3A_222 = arith.addf %add3A_215, %get3A_221 : vector<80x128xf32>
    %gt3A = arith.constant 0.000000e+00 : f32
    %gt3A_223 = vector.broadcast %gt3A : f32 to vector<80x128xf32>
    %gt3A_224 = arith.cmpf ogt, %add3A_222, %gt3A_223 : vector<80x128xf32>
    %max3A = arith.constant 9.99999996E-13 : f32
    %max3A_225 = vector.broadcast %max3A : f32 to vector<80x128xf32>
    %max3A_226 = arith.maximumf %add3A_222, %max3A_225 : vector<80x128xf32>
    %rsqrt3A = math.rsqrt %max3A_226 : vector<80x128xf32>
    %jit3A = arith.constant 0.000000e+00 : f32
    %broadcast_in_dim3A_227 = vector.broadcast %jit3A : f32 to vector<80x128xf32>
    %select_n3A = arith.select %gt3A_224, %rsqrt3A, %broadcast_in_dim3A_227 : vector<80x128xi1>, vector<80x128xf32>
    %swap3A = arith.constant 0 : index
    %swap3A_228 = arith.constant 0 : index
    %swap3A_229 = vector.load %arg1[%swap3A, %swap3A_228] : memref<80x128xf32, #tpu.memory_space<vmem>>, vector<80x128xf32>
    tpu.vector_store %arg1[%swap3A, %swap3A_228], %select_n3A {strides = array<i32>} : memref<80x128xf32, #tpu.memory_space<vmem>>, vector<80x128xf32>,
    return
  }
}

module attributes {stable_mosaic.version = 14 : i64} {
  func.func @_scale1_body(%arg0: memref<10240x1xf32, #tpu.memory_space<vmem>>, %arg1: memref<10240x128xf32, #tpu.memory_space<vmem>>, %arg2: memref<10240x128xf32, #tpu.memory_space<vmem>>) attributes {dimension_semantics = [], scalar_prefetch = 0 : i64, scratch_operands = 0 : i64, tpu.core_type = #tpu.core_type<tc>} {
    %get3A = arith.constant 0 : index
    %get3A_0 = arith.constant 0 : index
    %get3A_1 = vector.load %arg1[%get3A, %get3A_0] : memref<10240x128xf32, #tpu.memory_space<vmem>>, vector<10240x128xf32>
    %get3A_2 = arith.constant 0 : index
    %get3A_3 = arith.constant 0 : index
    %get3A_4 = vector.load %arg0[%get3A_2, %get3A_3] : memref<10240x1xf32, #tpu.memory_space<vmem>>, vector<10240x1xf32>
    %mul3A = vector.broadcast %get3A_4 : vector<10240x1xf32> to vector<10240x128xf32>
    %mul3A_5 = arith.mulf %get3A_1, %mul3A : vector<10240x128xf32>
    %swap3A = arith.constant 0 : index
    %swap3A_6 = arith.constant 0 : index
    %swap3A_7 = vector.load %arg2[%swap3A, %swap3A_6] : memref<10240x128xf32, #tpu.memory_space<vmem>>, vector<10240x128xf32>
    tpu.vector_store %arg2[%swap3A, %swap3A_6], %mul3A_5 {strides = array<i32>} : memref<10240x128xf32, #tpu.memory_space<vmem>>, vector<10240x128xf32>,
    return
  }
}

module attributes {stable_mosaic.version = 14 : i64} {
  func.func @_softmax_body(%arg0: memref<10240x1xf32, #tpu.memory_space<vmem>>, %arg1: memref<2x10240x128xf32, #tpu.memory_space<vmem>>, %arg2: memref<10000x128xf32, #tpu.memory_space<vmem>>) attributes {dimension_semantics = [], scalar_prefetch = 0 : i64, scratch_operands = 0 : i64, tpu.core_type = #tpu.core_type<tc>} {
    %get3A = arith.constant 0 : index
    %get3A_0 = arith.constant 0 : index
    %get3A_1 = arith.constant 0 : index
    %get3A_2 = vector.load %arg1[%get3A, %get3A_0, %get3A_1] : memref<2x10240x128xf32, #tpu.memory_space<vmem>>, vector<1x10000x128xf32>
    %get3A_3 = vector.shape_cast %get3A_2 : vector<1x10000x128xf32> to vector<10000x128xf32>
    %get3A_4 = arith.constant 1 : index
    %get3A_5 = arith.constant 0 : index
    %get3A_6 = arith.constant 0 : index
    %get3A_7 = vector.load %arg1[%get3A_4, %get3A_5, %get3A_6] : memref<2x10240x128xf32, #tpu.memory_space<vmem>>, vector<1x10000x128xf32>
    %get3A_8 = vector.shape_cast %get3A_7 : vector<1x10000x128xf32> to vector<10000x128xf32>
    %add3A = arith.addf %get3A_3, %get3A_8 : vector<10000x128xf32>
    %get3A_9 = arith.constant 0 : index
    %get3A_10 = arith.constant 0 : index
    %get3A_11 = vector.load %arg0[%get3A_9, %get3A_10] : memref<10240x1xf32, #tpu.memory_space<vmem>>, vector<10000x1xf32>
    %mul3A = vector.broadcast %get3A_11 : vector<10000x1xf32> to vector<10000x128xf32>
    %mul3A_12 = arith.mulf %add3A, %mul3A : vector<10000x128xf32>
    %reduce_max3A = arith.constant dense<0xFF800000> : vector<10000xf32>
    %reduce_max3A_13 = vector.multi_reduction <maximumf>, %mul3A_12, %reduce_max3A [1] : vector<10000x128xf32> to vector<10000xf32>
    %broadcast_in_dim3A = vector.shape_cast %reduce_max3A_13 : vector<10000xf32> to vector<10000x1xf32>
    %sub3A = vector.broadcast %broadcast_in_dim3A : vector<10000x1xf32> to vector<10000x128xf32>
    %sub3A_14 = arith.subf %mul3A_12, %sub3A : vector<10000x128xf32>
    %exp3A = math.exp %sub3A_14 : vector<10000x128xf32>
    %reduce_sum3A = arith.constant dense<0.000000e+00> : vector<10000xf32>
    %reduce_sum3A_15 = vector.multi_reduction <add>, %exp3A, %reduce_sum3A [1] : vector<10000x128xf32> to vector<10000xf32>
    %broadcast_in_dim3A_16 = vector.shape_cast %reduce_sum3A_15 : vector<10000xf32> to vector<10000x1xf32>
    %div3A = vector.broadcast %broadcast_in_dim3A_16 : vector<10000x1xf32> to vector<10000x128xf32>
    %div3A_17 = arith.divf %exp3A, %div3A : vector<10000x128xf32>
    %swap3A = arith.constant 0 : index
    %swap3A_18 = arith.constant 0 : index
    %swap3A_19 = vector.load %arg2[%swap3A, %swap3A_18] : memref<10000x128xf32, #tpu.memory_space<vmem>>, vector<10000x128xf32>
    tpu.vector_store %arg2[%swap3A, %swap3A_18], %div3A_17 {strides = array<i32>} : memref<10000x128xf32, #tpu.memory_space<vmem>>, vector<10000x128xf32>,
    return
  }
}

module attributes {stable_mosaic.version = 14 : i64} {
  func.func @_scale2_body(%arg0: memref<10240x1xf32, #tpu.memory_space<vmem>>, %arg1: memref<2x10240x128xf32, #tpu.memory_space<vmem>>, %arg2: memref<10240x128xf32, #tpu.memory_space<vmem>>) attributes {dimension_semantics = [], scalar_prefetch = 0 : i64, scratch_operands = 0 : i64, tpu.core_type = #tpu.core_type<tc>} {
    %get3A = arith.constant 0 : index
    %get3A_0 = arith.constant 0 : index
    %get3A_1 = vector.load %arg0[%get3A, %get3A_0] : memref<10240x1xf32, #tpu.memory_space<vmem>>, vector<10240x1xf32>
    %get3A_2 = arith.constant 0 : index
    %get3A_3 = arith.constant 0 : index
    %get3A_4 = arith.constant 0 : index
    %get3A_5 = vector.load %arg1[%get3A_2, %get3A_3, %get3A_4] : memref<2x10240x128xf32, #tpu.memory_space<vmem>>, vector<1x10240x128xf32>
    %get3A_6 = vector.shape_cast %get3A_5 : vector<1x10240x128xf32> to vector<10240x128xf32>
    %get3A_7 = arith.constant 1 : index
    %get3A_8 = arith.constant 0 : index
    %get3A_9 = arith.constant 0 : index
    %get3A_10 = vector.load %arg1[%get3A_7, %get3A_8, %get3A_9] : memref<2x10240x128xf32, #tpu.memory_space<vmem>>, vector<1x10240x128xf32>
    %get3A_11 = vector.shape_cast %get3A_10 : vector<1x10240x128xf32> to vector<10240x128xf32>
    %add3A = arith.addf %get3A_6, %get3A_11 : vector<10240x128xf32>
    %mul3A = arith.mulf %get3A_1, %get3A_1 : vector<10240x1xf32>
    %mul3A_12 = vector.broadcast %mul3A : vector<10240x1xf32> to vector<10240x128xf32>
    %mul3A_13 = arith.mulf %add3A, %mul3A_12 : vector<10240x128xf32>
    %swap3A = arith.constant 0 : index
    %swap3A_14 = arith.constant 0 : index
    %swap3A_15 = vector.load %arg2[%swap3A, %swap3A_14] : memref<10240x128xf32, #tpu.memory_space<vmem>>, vector<10240x128xf32>
    tpu.vector_store %arg2[%swap3A, %swap3A_14], %mul3A_13 {strides = array<i32>} : memref<10240x128xf32, #tpu.memory_space<vmem>>, vector<10240x128xf32>,
    return
  }
}

</mosaic_0001>

<sc_bundles>
// kernel: kernel.12.cloned.1.call-start
scs
__scs_entry_jumppad:
0x0: {  	(pc) =	sbr.rel $0x88, $3  }
0x1: {  	(tag) =	ssettag $0x0;
	lr =	simm.s32 $0x1  }
0x2: {  	[smem:$0x3F9F] =	sst lr;
	_ =	strace $0xD0000000  }
0x3: {  	_ = 	snop  }
0x4: {  	_ = 	snop  }
0x5: {  	_ = 	snop  }
0x6: {  	_ = 	snop  }
0x7: {  	_ = 	snop  }
__scs_overlays_trampoline_lowered:
0x8: {  	[smem:$0x3FAE] =	sst s0  }
0x9: {  	[smem:$0x3FAF] =	sst s1  }
0xa: {  	[smem:$0x3FB0] =	sst s2  }
0xb: {  	[smem:$0x3FB1] =	sst s3  }
0xc: {  	[smem:$0x3FB2] =	sst s4  }
0xd: {  	[smem:$0x3FB3] =	sst s5  }
0xe: {  	[smem:$0x3FB4] =	sst s6  }
0xf: {  	[smem:$0x3FB5] =	sst s7  }
0x10: {  	[smem:$0x3FB6] =	sst s8  }
0x11: {  	[smem:$0x3FB7] =	sst s9;
	s0 =	simm.s32 @!p0 $0x0  }
0x12: {  	s1 =	sld [smem:$0x3F9D];
	s0 =	simm.s32 @p0 $0x1  }
0x13: {  	[smem:$0x3FB8] =	sst s0;
	s0 =	simm.s32 @!p1 $0x0  }
0x14: {  	s2 =	sld [smem:$0x3F9C];
	s0 =	simm.s32 @p1 $0x1  }
0x15: {  	[smem:$0x3FB9] =	sst s0;
	s0 =	simm.s32 @!p2 $0x0  }
0x16: {  	s3 =	sld [smem:$0x3FDB];
	s0 =	simm.s32 @p2 $0x1  }
0x17: {  	s4 =	simm.s32 $0x1BF5;
	[smem:$0x3FBB] =	sst s0  }
0x18: {  	s0 =	sld [smem:$0x3F9E];
	_ =	swait.ge [sflag:s4], $0x0  }
0x19: {  	s7 =	sld [smem:$0x3F9F]  }
0x1a: {  	s8 =	sadd.s32 $0xFFFFE003, lr  }
0x1b: {  	s9 =	sadd.s32 $0xFFFFFEF7, lr;
	s5 =	simm.s32 $0xFFFFFFFF;
	p2 =	slt.u32 s8, $0xFFFFF086  }
0x1c: {  	p1 =	slt.u32 s9, $0xF7A;
	s5 =	simm.s32 @!p2 $0x0  }
0x1d: {  	s5 =	simm.s32 @p1 $0x1;
	p0 =	seq.s32 s7, s2  }
0x1e: {  	s7 =	smul.u32 @!p0 $0xF7A, s2;
	p2 =	seq.s32 @!p0 s5, $0x0  }
0x1f: {  	s9 =	smul.u32 $0xF7A, s1;
	s8 =	simm.s32 @!p0 $0x1BF5;
	p2 =	por !p2, p0  }
0x20: {  	[sflag:s8] =	ssyncset.s32 @!p0 $0xFFFFF086;
	s6 =	sadd.s32 @!p0 s3, s7;
	s7 =	simm.s32 @!p0 $0x108  }
0x21: {  	s3 =	sadd.s32 s3, s9;
	s6 =	sadd.s32 @!p0 $0x88, s6;
	s7 =	simm.s32 @p2 $0x1082  }
0x22: {  	[simem:s7], [sflag:s8] =	dma.local @!p0 [hbm:s6], $0xF7A  }
0x23: {  	s9 =	sor.u32 $0xD0000000, s2;
	s6 =	simm.s32 $0x108;
	_ =	swait.ge @!p0 [sflag:s8], $0x0  }
0x24: {  	s3 =	sadd.s32 $0x88, s3;
	s6 =	simm.s32 @!p1 $0x1082;
	[sflag:s4] =	ssyncset.s32 $0xFFFFF086  }
0x25: {  	[simem:s6], [sflag:s4] =	dma.local [hbm:s3], $0xF7A  }
0x26: {  	[smem:$0x3F9F] =	sst s1;
	(tag) =	ssettag s2;
	_ =	strace s9  }
0x27: {  	s1 =	sld [smem:$0x3FAF]  }
0x28: {  	s2 =	sld [smem:$0x3FB0]  }
0x29: {  	s4 =	sld [smem:$0x3FB2]  }
0x2a: {  	p0 =	seq.s32 s5, $0x0;
	s5 =	sld [smem:$0x3FB3]  }
0x2b: {  	s6 =	sld [smem:$0x3FB4]  }
0x2c: {  	s7 =	sld [smem:$0x3FB5]  }
0x2d: {  	s3 =	simm.s32 $0x108;
	s8 =	sld [smem:$0x3FB6]  }
0x2e: {  	s3 =	simm.s32 @!p0 $0x1082;
	s9 =	sld [smem:$0x3FB7]  }
0x2f: {  	lr =	sadd.s32 s0, s3;
	s0 =	sld [smem:$0x3FAE]  }
0x30: {  	s3 =	sld [smem:$0x3FB1]  }
0x31: {  	[smem:$0x3FBA] =	sst s10  }
0x32: {  	s10 =	sld [smem:$0x3FB8];
	_ =	sdelay $0x3  }
0x33: {  	p0 =	seq.s32 s10, $0x1;
	s10 =	sld [smem:$0x3FBA];
	_ =	sdelay $0x3  }
0x34: {  	[smem:$0x3FBA] =	sst s10  }
0x35: {  	s10 =	sld [smem:$0x3FB9];
	_ =	sdelay $0x3  }
0x36: {  	p1 =	seq.s32 s10, $0x1;
	s10 =	sld [smem:$0x3FBA];
	_ =	sdelay $0x3  }
0x37: {  	[smem:$0x3FBA] =	sst s10  }
0x38: {  	s10 =	sld [smem:$0x3FBB]  }
0x39: {  	_ = 	snop;
	(pc) =	sbr.ind lr, $3  }
0x3a: {  	_ = 	snop  }
0x3b: {  	_ = 	snop  }
0x3c: {  	p2 =	seq.s32 s10, $0x1;
	s10 =	sld [smem:$0x3FBA]  }
0x3d: {  	_ =	shalt  }
0x3e: {  	_ =	shalt  }
0x3f: {  	_ =	shalt  }
0x40: {  	_ =	shalt  }
0x41: {  	_ =	shalt  }
0x42: {  	_ =	shalt  }
0x43: {  	_ =	shalt  }
0x44: {  	_ =	shalt  }
0x45: {  	_ =	shalt  }
0x46: {  	_ =	shalt  }
0x47: {  	_ =	shalt  }
0x48: {  	_ =	shalt  }
0x49: {  	_ =	shalt  }
0x4a: {  	_ =	shalt  }
0x4b: {  	_ =	shalt  }
0x4c: {  	_ =	shalt  }
0x4d: {  	_ =	shalt  }
0x4e: {  	_ =	shalt  }
0x4f: {  	_ =	shalt  }
0x50: {  	_ =	shalt  }
0x51: {  	_ =	shalt  }
0x52: {  	_ =	shalt  }
0x53: {  	_ =	shalt  }
0x54: {  	_ =	shalt  }
0x55: {  	_ =	shalt  }
0x56: {  	_ =	shalt  }
0x57: {  	_ =	shalt  }
0x58: {  	_ =	shalt  }
0x59: {  	_ =	shalt  }
0x5a: {  	_ =	shalt  }
0x5b: {  	_ =	shalt  }
0x5c: {  	_ =	shalt  }
0x5d: {  	_ =	shalt  }
0x5e: {  	_ =	shalt  }
0x5f: {  	_ =	shalt  }
0x60: {  	_ =	shalt  }
0x61: {  	_ =	shalt  }
0x62: {  	_ =	shalt  }
0x63: {  	_ =	shalt  }
0x64: {  	_ =	shalt  }
0x65: {  	_ =	shalt  }
0x66: {  	_ =	shalt  }
0x67: {  	_ =	shalt  }
0x68: {  	_ =	shalt  }
0x69: {  	_ =	shalt  }
0x6a: {  	_ =	shalt  }
0x6b: {  	_ =	shalt  }
0x6c: {  	_ =	shalt  }
0x6d: {  	_ =	shalt  }
0x6e: {  	_ =	shalt  }
0x6f: {  	_ =	shalt  }
0x70: {  	_ =	shalt  }
0x71: {  	_ =	shalt  }
0x72: {  	_ =	shalt  }
0x73: {  	_ =	shalt  }
0x74: {  	_ =	shalt  }
0x75: {  	_ =	shalt  }
0x76: {  	_ =	shalt  }
0x77: {  	_ =	shalt  }
0x78: {  	_ =	shalt  }
0x79: {  	_ =	shalt  }
0x7a: {  	_ =	shalt  }
0x7b: {  	_ =	shalt  }
0x7c: {  	_ =	shalt  }
0x7d: {  	_ =	shalt  }
0x7e: {  	_ =	shalt  }
0x7f: {  	_ =	shalt  }
0x80: {  	_ =	shalt  }
0x81: {  	_ =	shalt  }
0x82: {  	_ =	shalt  }
0x83: {  	_ =	shalt  }
0x84: {  	_ =	shalt  }
0x85: {  	_ =	shalt  }
0x86: {  	_ =	shalt  }
0x87: {  	_ =	shalt  }
.Lfunc_end0:
.L_simem_size_0:
called_computation.1_lowered:
.L_overlay_start_0:
0x88: {  	s2 =	sld [smem:$0x3FD9]  }
0x89: {  	s3 =	sld [smem:$0x3FFE];
	_ =	sdelay $0x1  }
0x8a: {  	s1 =	srdreg.scid  }
0x8b: {  	s0 =	sand.u32 $0x1, s1  }
0x8c: {  	s17 =	sshll.u32 s0, $0xA;
	s2 =	sadd.s32 s3, s2  }
0x8d: {  	s2 =	sadd.s32 s2, s17  }
0x8e: {  	[smem:$0x3FC6] =	sst s2  }
0x8f: {  	_ = 	snop  }
0x90: {  	s2 =	sld [smem:$0x3FD0];
	(tm) =	ssettm $0x1  }
0x91: {  	s18 =	sld [smem:$0x3FFB];
	_ =	sdelay $0x3  }
0x92: {  	_ =	strace s18  }
0x93: {  	s3 =	sld [smem:$0x3FFC];
	_ =	sdelay $0x3  }
0x94: {  	_ =	strace s3  }
0x95: {  	s3 =	sld [smem:$0x3FFD];
	_ =	sdelay $0x3  }
0x96: {  	_ =	strace s3  }
0x97: {  	_ =	strace $0x8FFFFFFF  }
0x98: {  	s19 =	sld [smem:$0x3FDB];
	_ =	sdelay $0x1  }
0x99: {  	s4 =	simm.s32 $_scs_section_size  }
0x9a: {  	s5 =	simm.s32 $_size__tile_overlayer_lowered;
	s6 =	simm.s32 $_tile_overlayer_lowered  }
0x9b: {  	s22 =	simm.s32 $0x1BFF;
	s21 =	sshll.u32 s6, $0x1;
	s3 =	sadd.s32 s4, s19  }
0x9c: {  	s7 =	simm.s32 $0x0;
	s20 =	sshll.u32 s5, $0x1;
	s5 =	sadd.s32 s21, s3  }
0x9d: {  	[timem:s7], [sflag:s22] =	dma.local [hbm:s5], s20  }
0x9e: {  	_ =	swait.ge [sflag:s22], s20  }
0x9f: {  	s4 =	ssub.s32 $0x0, s20;
	[sflag:s22] =	ssyncset.done $0x0  }
0xa0: {  	[sflag:s22] =	ssyncadd.s32 s4;
	_ =	sdelay $0x1  }
0xa1: {  	s23 =	simm.s32 $0x1B8B  }
0xa2: {  	_ =	swait.ge [sflag:s23], $0x1  }
0xa3: {  	[sflag:s23] =	ssyncset.done $0x0  }
0xa4: {  	s25 =	simm.s32 $0x1B8E;
	s24 =	sld [smem:$0x3FFE];
	[sflag:s23] =	ssyncadd.s32 $0xFFFFFFFF  }
0xa5: {  	s26 =	simm.s32 $execute0_lowered;
	[smem:$0x3FD2] =	sst s25  }
0xa6: {  	s5 =	sshll.u32 s26, $0x1;
	_ =	strace $0x80000049;
	[dreg:$0x1] =	wrdreg $0xFFFFFFFF  }
0xa7: {  	s28 =	simm.s32 $_size_execute0_lowered;
	s3 =	sadd.s32 s3, s5;
	[dreg:$0x0] =	wrdreg $0x0  }
0xa8: {  	s5 =	sshll.u32 s28, $0x1;
	[dreg:$0x2] =	wrdreg s3  }
0xa9: {  	[dreg:$0x3] =	wrdreg s5  }
0xaa: {  	[dreg:$0x4] =	wrdreg $0xC0  }
0xab: {  	_ =	task [dreg:s7], $0x5FFFF  }
0xac: {  	[dreg:$0x1] =	wrdreg $0xFFFFFFFF  }
0xad: {  	[dreg:$0x0] =	wrdreg $0x60  }
0xae: {  	[dreg:$0x2] =	wrdreg s2  }
0xaf: {  	[dreg:$0x3] =	wrdreg s24  }
0xb0: {  	[dreg:$0x4] =	wrdreg $0xA8000  }
0xb1: {  	[dreg:$0x5] =	wrdreg $0x9  }
0xb2: {  	_ =	task.clear_ibuf [dreg:s7], $0x6FFFF;
	_ =	strace $0x90000049  }
0xb3: {  	s29 =	simm.s32 $0x9;
	_ =	strace $0x8000004B  }
0xb4: {  	_ =	swait.ge [sflag:s29], $0x1  }
0xb5: {  	[sflag:s29] =	ssyncadd.s32 $0xFFFFFFFF  }
0xb6: {  	_ =	strace $0x9000004B  }
0xb7: {  	_ =	sfence  }
0xb8: {  	s30 =	sld [smem:$0x0];
	_ =	sdelay $0x2  }
0xb9: {  	s31 =	sshll.u32 s1, $0xD;
	s1 =	sshrl.u32 s1, $0x2  }
0xba: {  	s3 =	sand.u32 $0x4000, s31;
	s1 =	sadd.s32 s1, s30  }
0xbb: {  	s0 =	sor.u32 s3, s0;
	s1 =	sshll.u32 s1, $0x11  }
0xbc: {  	s0 =	sor.u32 s1, s0  }
0xbd: {  	s0 =	sadd.s32 $0x8F2B, s0  }
0xbe: {  	[sflag:s0] =	ssyncadd.remote.s32 $0x1  }
0xbf: {  	_ =	sfence.sel $0xFFFF  }
0xc0: {  	[dreg:$0x0] =	wrdreg $0xFFFFFFFF;
	(pc) =	sbr.abs _section_cstart, $3  }
0xc1: {  	[dreg:$0x1] =	wrdreg $0xFFFFFFFF  }
0xc2: {  	_ =	task.clear_ibuf [dreg:s7], $0x2FFFF;
	_ =	strace $0x9FFFFFFF  }
0xc3: {  	(tm) =	ssettm $0x7FFFFFFF  }
tec
execute0_lowered:
.L_overlay_start_1:
0x0: {  	(tag) =	ssettag $0x1  }
0x1: {  	s0 =	rddreg [dreg:$0x0]  }
0x2: {  	s2 =	rddreg [dreg:$0x1]  }
0x3: {  	s1 =	rddreg [dreg:$0x2]  }
0x4: {  	s3 =	srdreg.scid;
	s11 =	stileid.u32;
	s28 =	simm.s32 $0x180  }
0x5: {  	s29 =	simm.s32 $0x8800;
	s30 =	simm.s32 $0x2;
	s31 =	simm.s32 $0x3  }
0x6: {  	s5 =	sand.u32 $0x1, s3;
	s3 =	simm.s32 $0x0;
	s7 =	smul.u32 $0x14000, s11  }
0x7: {  	s8 =	sadd.s32 $0x15A00, s2;
	s4 =	sadd.s32 $0x29A00, s2;
	s15 =	sadd.s32 $0x1A00, s2  }
0x8: {  	s16 =	sshll.u32 s11, $0x1;
	s17 =	smul.u32 $0x50000, s11;
	s20 =	sshll.u32 s11, $0x6  }
0x9: {  	s6 =	smul.u32 $0x140000, s5;
	[smem:$0x7FF] =	sst s3;
	s9 =	ssub.s32 $0x2, s5  }
0xa: {  	s5 =	sor.u32 s5, s16;
	_ =	strace $0x8000004A;
	[dreg:$0x4] =	wrdreg s15  }
0xb: {  	s18 =	sshrl.u32 s9, $0x1;
	s10 =	smul.u32 $0x5000, s5;
	s19 =	sshrl.u32 s17, $0x2  }
0xc: {  	s5 =	smul.u32 $0xA00, s5;
	s6 =	sadd.s32 s7, s6;
	s9 =	ssub.s32 s9, s18  }
0xd: {  	s7 =	sadd.s32 s19, s1;
	s18 =	simm.s32 $0x9;
	s19 =	simm.s32 $0x1400  }
0xe: {  	s6 =	sshrl.u32 s6, $0x3;
	s10 =	sshrl.u32 s10, $0x3;
	s21 =	sadd.s32 s0, s5  }
0xf: {  	s5 =	sadd.s32 s8, s5;
	s16 =	smax.u32 s9, $0x1;
	s17 =	sshrl.u32 s7, $0x3  }
0x10: {  	s7 =	simm.s32 $0x5;
	s9 =	simm.s32 $0x7;
	s2 =	sadd.s32 s6, s2  }
0x11: {  	s6 =	sor.u32 $0x1C09, s20;
	[dreg:$0x5] =	wrdreg s21;
	s22 =	sadd.s32 $0x280, s10  }
0x12: {  	[dreg:$0x6] =	wrdreg s5;
	s24 =	sadd.s32 $0x500, s10;
	s10 =	sadd.s32 $0x780, s10  }
0x13: {  	s20 =	simm.s32 $0x40;
	s21 =	simm.s32 $0x2800;
	s23 =	sadd.s32 s0, s22  }
0x14: {  	s11 =	sadd.s32 s8, s22;
	s25 =	sadd.s32 s0, s24;
	[dreg:$0x7] =	wrdreg s23  }
0x15: {  	s5 =	sadd.s32 s8, s24;
	s0 =	sadd.s32 s0, s10;
	[dreg:$0x8] =	wrdreg s11  }
0x16: {  	s26 =	sadd.s32 s8, s10;
	s15 =	sadd.s32 $0x51A00, s2;
	[dreg:$0x9] =	wrdreg s25  }
.Ltmp0:
0x17: {  	s22 =	simm.s32 $0x80;
	[dreg:$0xa] =	wrdreg s5;
	(pc) =	sbr.rel .LBB2_1-.Ltmp0, $4  }
0x18: {  	s24 =	simm.s32 $0x100;
	s2 =	simm.s32 $0x4;
	[dreg:$0xb] =	wrdreg s0  }
0x19: {  	s8 =	simm.s32 $0x6;
	s10 =	simm.s32 $0x8;
	[dreg:$0xc] =	wrdreg s26  }
0x1a: {  	s23 =	simm.s32 $0x4800;
	s25 =	simm.s32 $0x6800;
	s26 =	simm.s32 $0x1  }
0x1b: {  	s0 =	simm.s32 $0x2700;
	s5 =	simm.s32 $0x2780;
	s11 =	simm.s32 $0x0  }
.LBB2_15:
0x1c: {  	_ =	swait.ge [sflag:s31], $0x2000  }
0x1d: {  	[sflag:s31] =	ssyncset.done $0x0  }
0x1e: {  	[sflag:s31] =	ssyncadd.s32 $0xFFFFE000  }
0x1f: {  	[spmem:s1] =	stream.indirect.scatter.add.f32 [tilespmem:s25], [sflag:$0x7], $0x80, s0, s20, $0xb8;
	[tilespmem:$0x1E800] =	vst v63  }
0x20: {  	_ =	swait.ge [sflag:s2], $0x2000  }
0x21: {  	[sflag:s2] =	ssyncset.done $0x0  }
0x22: {  	[sflag:s2] =	ssyncadd.s32 $0xFFFFE000  }
0x23: {  	[spmem:s1] =	stream.indirect.scatter.add.f32 [tilespmem:s29], [sflag:$0x8], $0x80, s5, s20, $0xb8;
	[tilespmem:$0x1E800] =	vst v63  }
.LBB2_17:
0x24: {  	_ =	swait.ge [sflag:s7], $0x2000  }
0x25: {  	[sflag:s7] =	ssyncset.done $0x0  }
0x26: {  	[sflag:s7] =	ssyncadd.s32 $0xFFFFE000  }
0x27: {  	_ =	swait.ge [sflag:s8], $0x2000  }
0x28: {  	[sflag:s8] =	ssyncset.done $0x0  }
0x29: {  	[sflag:s8] =	ssyncadd.s32 $0xFFFFE000  }
0x2a: {  	_ =	swait.ge [sflag:s9], $0x2000  }
0x2b: {  	[sflag:s9] =	ssyncset.done $0x0  }
0x2c: {  	[sflag:s9] =	ssyncadd.s32 $0xFFFFE000  }
0x2d: {  	_ =	swait.ge [sflag:s10], $0x2000  }
0x2e: {  	s11 =	sadd.s32 $0x1, s11;
	[sflag:s10] =	ssyncset.done $0x0  }
0x2f: {  	p0 =	sne.s32 s11, s16;
	[sflag:s10] =	ssyncadd.s32 $0xFFFFE000  }
.Ltmp1:
0x30: {  	[bflag:$0x0] =	sbarrier.arrive $0xFFFF;
	(pc) =	sbr.rel @!p0 .LBB2_18-.Ltmp1, $4  }
0x31: {  	[hbm:s15], [sflag:s6] =	dma.local [spmem:s17], $0x2800  }
0x32: {  	_ =	swait.ge [sflag:s18], $0x2800  }
0x33: {  	[sflag:s18] =	ssyncset.done $0x0  }
0x34: {  	[sflag:s18] =	ssyncadd.s32 $0xFFFFD800  }
.LBB2_1:
0x35: {  	s12 =	rddreg [dreg:$0x4]  }
0x36: {  	[spmem:s17], [sflag:s6] =	dma.local [hbm:s12], $0x2800  }
0x37: {  	_ =	swait.ge [sflag:s18], $0x2800  }
0x38: {  	[sflag:s18] =	ssyncset.done $0x0  }
0x39: {  	[sflag:s18] =	ssyncadd.s32 $0xFFFFD800  }
0x3a: {  	[bflag:$0x0] =	sbarrier.arrive $0xFFFF  }
0x3b: {  	s13 =	rddreg [dreg:$0x5]  }
0x3c: {  	[tilespmem:s3], [sflag:$0x9] =	stream.linear.gather [hbm4b:s13+s3], $0x1400, $0x38;
	[tilespmem:$0x1E800] =	vst v63  }
0x3d: {  	_ =	swait.ge [sflag:s18], $0x1400  }
0x3e: {  	[sflag:s18] =	ssyncset.done $0x0  }
0x3f: {  	s14 =	rddreg [dreg:$0x6];
	[sflag:s18] =	ssyncadd.s32 $0xFFFFEC00  }
0x40: {  	[tilespmem:s19], [sflag:$0x9] =	stream.linear.gather [hbm4b:s14+s3], $0x1400, $0x38;
	[tilespmem:$0x1E800] =	vst v63  }
0x41: {  	_ =	swait.ge [sflag:s18], $0x1400  }
0x42: {  	[sflag:s18] =	ssyncset.done $0x0  }
0x43: {  	[sflag:s18] =	ssyncadd.s32 $0xFFFFEC00  }
0x44: {  	[tilespmem:s21], [sflag:$0x1] =	stream.indirect.gather [hbm4b:s4+s20], $0x80, s3, s20, $0xb8;
	[tilespmem:$0x1E800] =	vst v63  }
0x45: {  	_ = 	snop  }
0x46: {  	[tilespmem:s23], [sflag:$0x2] =	stream.indirect.gather [hbm4b:s4+s20], $0x80, s22, s20, $0xb8;
	[tilespmem:$0x1E800] =	vst v63  }
0x47: {  	_ = 	snop  }
0x48: {  	[tilespmem:s25], [sflag:$0x3] =	stream.indirect.gather [hbm4b:s4+s20], $0x80, s24, s20, $0xb8;
	[tilespmem:$0x1E800] =	vst v63  }
0x49: {  	_ =	swait.ge [sflag:s26], $0x2000  }
0x4a: {  	[sflag:s26] =	ssyncset.done $0x0  }
0x4b: {  	[sflag:s26] =	ssyncadd.s32 $0xFFFFE000  }
0x4c: {  	[spmem:s1] =	stream.indirect.scatter.add.f32 [tilespmem:s21], [sflag:$0x5], $0x80, s19, s20, $0xb8;
	[tilespmem:$0x1E800] =	vst v63  }
0x4d: {  	s12 =	simm.s32 $0x0  }
0x4e: {  	[tilespmem:s29], [sflag:$0x4] =	stream.indirect.gather [hbm4b:s4+s20], $0x80, s28, s20, $0xb8;
	[tilespmem:$0x1E800] =	vst v63  }
.LBB2_2:
0x4f: {  	p0 =	sne.s32 s12, $0x4800  }
.Ltmp2:
0x50: {  	_ = 	snop;
	(pc) =	sbr.rel @!p0 .LBB2_3-.Ltmp2, $4  }
0x51: {  	_ =	swait.ge [sflag:s30], $0x2000  }
0x52: {  	s13 =	sshra.s32 s12, $0x2;
	[sflag:s30] =	ssyncset.done $0x0  }
0x53: {  	s14 =	sadd.s32 $0x1480, s13;
	[sflag:s30] =	ssyncadd.s32 $0xFFFFE000  }
0x54: {  	[spmem:s1] =	stream.indirect.scatter.add.f32 [tilespmem:s23], [sflag:$0x6], $0x80, s14, s20, $0xb8;
	[tilespmem:$0x1E800] =	vst v63  }
0x55: {  	_ =	swait.ge [sflag:s7], $0x2000  }
0x56: {  	[sflag:s7] =	ssyncset.done $0x0  }
0x57: {  	s14 =	sadd.s32 $0x200, s13;
	[sflag:s7] =	ssyncadd.s32 $0xFFFFE000  }
0x58: {  	[tilespmem:s21], [sflag:$0x1] =	stream.indirect.gather [hbm4b:s4+s20], $0x80, s14, s20, $0xb8;
	[tilespmem:$0x1E800] =	vst v63  }
0x59: {  	_ =	swait.ge [sflag:s31], $0x2000  }
0x5a: {  	[sflag:s31] =	ssyncset.done $0x0  }
0x5b: {  	s14 =	sadd.s32 $0x1500, s13;
	[sflag:s31] =	ssyncadd.s32 $0xFFFFE000  }
0x5c: {  	[spmem:s1] =	stream.indirect.scatter.add.f32 [tilespmem:s25], [sflag:$0x7], $0x80, s14, s20, $0xb8;
	[tilespmem:$0x1E800] =	vst v63  }
0x5d: {  	_ =	swait.ge [sflag:s8], $0x2000  }
0x5e: {  	[sflag:s8] =	ssyncset.done $0x0  }
0x5f: {  	s14 =	sadd.s32 $0x280, s13;
	[sflag:s8] =	ssyncadd.s32 $0xFFFFE000  }
0x60: {  	[tilespmem:s23], [sflag:$0x2] =	stream.indirect.gather [hbm4b:s4+s20], $0x80, s14, s20, $0xb8;
	[tilespmem:$0x1E800] =	vst v63  }
0x61: {  	_ =	swait.ge [sflag:s2], $0x2000  }
0x62: {  	[sflag:s2] =	ssyncset.done $0x0  }
0x63: {  	s14 =	sadd.s32 $0x1580, s13;
	[sflag:s2] =	ssyncadd.s32 $0xFFFFE000  }
0x64: {  	[spmem:s1] =	stream.indirect.scatter.add.f32 [tilespmem:s29], [sflag:$0x8], $0x80, s14, s20, $0xb8;
	[tilespmem:$0x1E800] =	vst v63  }
0x65: {  	_ =	swait.ge [sflag:s9], $0x2000  }
0x66: {  	[sflag:s9] =	ssyncset.done $0x0  }
0x67: {  	s14 =	sadd.s32 $0x300, s13;
	[sflag:s9] =	ssyncadd.s32 $0xFFFFE000  }
0x68: {  	[tilespmem:s25], [sflag:$0x3] =	stream.indirect.gather [hbm4b:s4+s20], $0x80, s14, s20, $0xb8;
	[tilespmem:$0x1E800] =	vst v63  }
0x69: {  	_ =	swait.ge [sflag:s26], $0x2000  }
0x6a: {  	s12 =	sadd.s32 $0x800, s12;
	[sflag:s26] =	ssyncset.done $0x0  }
0x6b: {  	p0 =	sne.s32 s12, $0x5000;
	s14 =	sadd.s32 $0x1600, s13;
	[sflag:s26] =	ssyncadd.s32 $0xFFFFE000  }
0x6c: {  	[spmem:s1] =	stream.indirect.scatter.add.f32 [tilespmem:s21], [sflag:$0x5], $0x80, s14, s20, $0xb8;
	[tilespmem:$0x1E800] =	vst v63  }
.Ltmp3:
0x6d: {  	_ = 	snop;
	(pc) =	sbr.rel @p0 .LBB2_2-.Ltmp3, $4  }
.Ltmp4:
0x6e: {  	_ =	swait.ge [sflag:s10], $0x2000;
	(pc) =	sbr.rel @!p0 .LBB2_5-.Ltmp4, $4  }
0x6f: {  	[sflag:s10] =	ssyncset.done $0x0  }
0x70: {  	s14 =	sadd.s32 $0x380, s13;
	[sflag:s10] =	ssyncadd.s32 $0xFFFFE000  }
0x71: {  	[tilespmem:s29], [sflag:$0x4] =	stream.indirect.gather [hbm4b:s4+s20], $0x80, s14, s20, $0xb8;
	[tilespmem:$0x1E800] =	vst v63  }
0x72: {  	_ = 	snop  }
.LBB2_3:
0x73: {  	_ =	swait.ge [sflag:s31], $0x2000  }
0x74: {  	[sflag:s31] =	ssyncset.done $0x0  }
0x75: {  	[sflag:s31] =	ssyncadd.s32 $0xFFFFE000  }
0x76: {  	[spmem:s1] =	stream.indirect.scatter.add.f32 [tilespmem:s25], [sflag:$0x7], $0x80, s0, s20, $0xb8;
	[tilespmem:$0x1E800] =	vst v63  }
0x77: {  	_ =	swait.ge [sflag:s2], $0x2000  }
0x78: {  	[sflag:s2] =	ssyncset.done $0x0  }
0x79: {  	[sflag:s2] =	ssyncadd.s32 $0xFFFFE000  }
0x7a: {  	[spmem:s1] =	stream.indirect.scatter.add.f32 [tilespmem:s29], [sflag:$0x8], $0x80, s5, s20, $0xb8;
	[tilespmem:$0x1E800] =	vst v63  }
.LBB2_5:
0x7b: {  	_ =	swait.ge [sflag:s7], $0x2000  }
0x7c: {  	[sflag:s7] =	ssyncset.done $0x0  }
0x7d: {  	[sflag:s7] =	ssyncadd.s32 $0xFFFFE000  }
0x7e: {  	_ =	swait.ge [sflag:s8], $0x2000  }
0x7f: {  	[sflag:s8] =	ssyncset.done $0x0  }
0x80: {  	[sflag:s8] =	ssyncadd.s32 $0xFFFFE000  }
0x81: {  	_ =	swait.ge [sflag:s9], $0x2000  }
0x82: {  	[sflag:s9] =	ssyncset.done $0x0  }
0x83: {  	[sflag:s9] =	ssyncadd.s32 $0xFFFFE000  }
0x84: {  	_ =	swait.ge [sflag:s10], $0x2000  }
0x85: {  	[sflag:s10] =	ssyncset.done $0x0  }
0x86: {  	s12 =	simm.s32 $0x0;
	s13 =	rddreg [dreg:$0x7];
	[sflag:s10] =	ssyncadd.s32 $0xFFFFE000  }
0x87: {  	[tilespmem:s12], [sflag:$0x9] =	stream.linear.gather [hbm4b:s13+s12], $0x1400, $0x38;
	[tilespmem:$0x1E800] =	vst v63  }
0x88: {  	_ =	swait.ge [sflag:s18], $0x1400  }
0x89: {  	[sflag:s18] =	ssyncset.done $0x0  }
0x8a: {  	s14 =	rddreg [dreg:$0x8];
	[sflag:s18] =	ssyncadd.s32 $0xFFFFEC00  }
0x8b: {  	[tilespmem:s19], [sflag:$0x9] =	stream.linear.gather [hbm4b:s14+s12], $0x1400, $0x38;
	[tilespmem:$0x1E800] =	vst v63  }
0x8c: {  	_ =	swait.ge [sflag:s18], $0x1400  }
0x8d: {  	[sflag:s18] =	ssyncset.done $0x0  }
0x8e: {  	[sflag:s18] =	ssyncadd.s32 $0xFFFFEC00  }
0x8f: {  	[tilespmem:s21], [sflag:$0x1] =	stream.indirect.gather [hbm4b:s4+s20], $0x80, s12, s20, $0xb8;
	[tilespmem:$0x1E800] =	vst v63  }
0x90: {  	_ = 	snop  }
0x91: {  	[tilespmem:s23], [sflag:$0x2] =	stream.indirect.gather [hbm4b:s4+s20], $0x80, s22, s20, $0xb8;
	[tilespmem:$0x1E800] =	vst v63  }
0x92: {  	_ = 	snop  }
0x93: {  	[tilespmem:s25], [sflag:$0x3] =	stream.indirect.gather [hbm4b:s4+s20], $0x80, s24, s20, $0xb8;
	[tilespmem:$0x1E800] =	vst v63  }
0x94: {  	_ =	swait.ge [sflag:s26], $0x2000  }
0x95: {  	[sflag:s26] =	ssyncset.done $0x0  }
0x96: {  	[sflag:s26] =	ssyncadd.s32 $0xFFFFE000  }
0x97: {  	[spmem:s1] =	stream.indirect.scatter.add.f32 [tilespmem:s21], [sflag:$0x5], $0x80, s19, s20, $0xb8;
	[tilespmem:$0x1E800] =	vst v63  }
0x98: {  	_ = 	snop  }
0x99: {  	[tilespmem:s29], [sflag:$0x4] =	stream.indirect.gather [hbm4b:s4+s20], $0x80, s28, s20, $0xb8;
	[tilespmem:$0x1E800] =	vst v63  }
.LBB2_6:
0x9a: {  	p0 =	sne.s32 s12, $0x4800  }
.Ltmp5:
0x9b: {  	_ = 	snop;
	(pc) =	sbr.rel @!p0 .LBB2_7-.Ltmp5, $4  }
0x9c: {  	_ =	swait.ge [sflag:s30], $0x2000  }
0x9d: {  	s13 =	sshra.s32 s12, $0x2;
	[sflag:s30] =	ssyncset.done $0x0  }
0x9e: {  	s14 =	sadd.s32 $0x1480, s13;
	[sflag:s30] =	ssyncadd.s32 $0xFFFFE000  }
0x9f: {  	[spmem:s1] =	stream.indirect.scatter.add.f32 [tilespmem:s23], [sflag:$0x6], $0x80, s14, s20, $0xb8;
	[tilespmem:$0x1E800] =	vst v63  }
0xa0: {  	_ =	swait.ge [sflag:s7], $0x2000  }
0xa1: {  	[sflag:s7] =	ssyncset.done $0x0  }
0xa2: {  	s14 =	sadd.s32 $0x200, s13;
	[sflag:s7] =	ssyncadd.s32 $0xFFFFE000  }
0xa3: {  	[tilespmem:s21], [sflag:$0x1] =	stream.indirect.gather [hbm4b:s4+s20], $0x80, s14, s20, $0xb8;
	[tilespmem:$0x1E800] =	vst v63  }
0xa4: {  	_ =	swait.ge [sflag:s31], $0x2000  }
0xa5: {  	[sflag:s31] =	ssyncset.done $0x0  }
0xa6: {  	s14 =	sadd.s32 $0x1500, s13;
	[sflag:s31] =	ssyncadd.s32 $0xFFFFE000  }
0xa7: {  	[spmem:s1] =	stream.indirect.scatter.add.f32 [tilespmem:s25], [sflag:$0x7], $0x80, s14, s20, $0xb8;
	[tilespmem:$0x1E800] =	vst v63  }
0xa8: {  	_ =	swait.ge [sflag:s8], $0x2000  }
0xa9: {  	[sflag:s8] =	ssyncset.done $0x0  }
0xaa: {  	s14 =	sadd.s32 $0x280, s13;
	[sflag:s8] =	ssyncadd.s32 $0xFFFFE000  }
0xab: {  	[tilespmem:s23], [sflag:$0x2] =	stream.indirect.gather [hbm4b:s4+s20], $0x80, s14, s20, $0xb8;
	[tilespmem:$0x1E800] =	vst v63  }
0xac: {  	_ =	swait.ge [sflag:s2], $0x2000  }
0xad: {  	[sflag:s2] =	ssyncset.done $0x0  }
0xae: {  	s14 =	sadd.s32 $0x1580, s13;
	[sflag:s2] =	ssyncadd.s32 $0xFFFFE000  }
0xaf: {  	[spmem:s1] =	stream.indirect.scatter.add.f32 [tilespmem:s29], [sflag:$0x8], $0x80, s14, s20, $0xb8;
	[tilespmem:$0x1E800] =	vst v63  }
0xb0: {  	_ =	swait.ge [sflag:s9], $0x2000  }
0xb1: {  	[sflag:s9] =	ssyncset.done $0x0  }
0xb2: {  	s14 =	sadd.s32 $0x300, s13;
	[sflag:s9] =	ssyncadd.s32 $0xFFFFE000  }
0xb3: {  	[tilespmem:s25], [sflag:$0x3] =	stream.indirect.gather [hbm4b:s4+s20], $0x80, s14, s20, $0xb8;
	[tilespmem:$0x1E800] =	vst v63  }
0xb4: {  	_ =	swait.ge [sflag:s26], $0x2000  }
0xb5: {  	s12 =	sadd.s32 $0x800, s12;
	[sflag:s26] =	ssyncset.done $0x0  }
0xb6: {  	p0 =	sne.s32 s12, $0x5000;
	s14 =	sadd.s32 $0x1600, s13;
	[sflag:s26] =	ssyncadd.s32 $0xFFFFE000  }
0xb7: {  	[spmem:s1] =	stream.indirect.scatter.add.f32 [tilespmem:s21], [sflag:$0x5], $0x80, s14, s20, $0xb8;
	[tilespmem:$0x1E800] =	vst v63  }
.Ltmp6:
0xb8: {  	_ = 	snop;
	(pc) =	sbr.rel @p0 .LBB2_6-.Ltmp6, $4  }
.Ltmp7:
0xb9: {  	_ =	swait.ge [sflag:s10], $0x2000;
	(pc) =	sbr.rel @!p0 .LBB2_9-.Ltmp7, $4  }
0xba: {  	[sflag:s10] =	ssyncset.done $0x0  }
0xbb: {  	s14 =	sadd.s32 $0x380, s13;
	[sflag:s10] =	ssyncadd.s32 $0xFFFFE000  }
0xbc: {  	[tilespmem:s29], [sflag:$0x4] =	stream.indirect.gather [hbm4b:s4+s20], $0x80, s14, s20, $0xb8;
	[tilespmem:$0x1E800] =	vst v63  }
0xbd: {  	_ = 	snop  }
.LBB2_7:
0xbe: {  	_ =	swait.ge [sflag:s31], $0x2000  }
0xbf: {  	[sflag:s31] =	ssyncset.done $0x0  }
0xc0: {  	[sflag:s31] =	ssyncadd.s32 $0xFFFFE000  }
0xc1: {  	[spmem:s1] =	stream.indirect.scatter.add.f32 [tilespmem:s25], [sflag:$0x7], $0x80, s0, s20, $0xb8;
	[tilespmem:$0x1E800] =	vst v63  }
0xc2: {  	_ =	swait.ge [sflag:s2], $0x2000  }
0xc3: {  	[sflag:s2] =	ssyncset.done $0x0  }
0xc4: {  	[sflag:s2] =	ssyncadd.s32 $0xFFFFE000  }
0xc5: {  	[spmem:s1] =	stream.indirect.scatter.add.f32 [tilespmem:s29], [sflag:$0x8], $0x80, s5, s20, $0xb8;
	[tilespmem:$0x1E800] =	vst v63  }
.LBB2_9:
0xc6: {  	_ =	swait.ge [sflag:s7], $0x2000  }
0xc7: {  	[sflag:s7] =	ssyncset.done $0x0  }
0xc8: {  	[sflag:s7] =	ssyncadd.s32 $0xFFFFE000  }
0xc9: {  	_ =	swait.ge [sflag:s8], $0x2000  }
0xca: {  	[sflag:s8] =	ssyncset.done $0x0  }
0xcb: {  	[sflag:s8] =	ssyncadd.s32 $0xFFFFE000  }
0xcc: {  	_ =	swait.ge [sflag:s9], $0x2000  }
0xcd: {  	[sflag:s9] =	ssyncset.done $0x0  }
0xce: {  	[sflag:s9] =	ssyncadd.s32 $0xFFFFE000  }
0xcf: {  	_ =	swait.ge [sflag:s10], $0x2000  }
0xd0: {  	[sflag:s10] =	ssyncset.done $0x0  }
0xd1: {  	s12 =	simm.s32 $0x0;
	s13 =	rddreg [dreg:$0x9];
	[sflag:s10] =	ssyncadd.s32 $0xFFFFE000  }
0xd2: {  	[tilespmem:s12], [sflag:$0x9] =	stream.linear.gather [hbm4b:s13+s12], $0x1400, $0x38;
	[tilespmem:$0x1E800] =	vst v63  }
0xd3: {  	_ =	swait.ge [sflag:s18], $0x1400  }
0xd4: {  	[sflag:s18] =	ssyncset.done $0x0  }
0xd5: {  	s14 =	rddreg [dreg:$0xa];
	[sflag:s18] =	ssyncadd.s32 $0xFFFFEC00  }
0xd6: {  	[tilespmem:s19], [sflag:$0x9] =	stream.linear.gather [hbm4b:s14+s12], $0x1400, $0x38;
	[tilespmem:$0x1E800] =	vst v63  }
0xd7: {  	_ =	swait.ge [sflag:s18], $0x1400  }
0xd8: {  	[sflag:s18] =	ssyncset.done $0x0  }
0xd9: {  	[sflag:s18] =	ssyncadd.s32 $0xFFFFEC00  }
0xda: {  	[tilespmem:s21], [sflag:$0x1] =	stream.indirect.gather [hbm4b:s4+s20], $0x80, s12, s20, $0xb8;
	[tilespmem:$0x1E800] =	vst v63  }
0xdb: {  	_ = 	snop  }
0xdc: {  	[tilespmem:s23], [sflag:$0x2] =	stream.indirect.gather [hbm4b:s4+s20], $0x80, s22, s20, $0xb8;
	[tilespmem:$0x1E800] =	vst v63  }
0xdd: {  	_ = 	snop  }
0xde: {  	[tilespmem:s25], [sflag:$0x3] =	stream.indirect.gather [hbm4b:s4+s20], $0x80, s24, s20, $0xb8;
	[tilespmem:$0x1E800] =	vst v63  }
0xdf: {  	_ =	swait.ge [sflag:s26], $0x2000  }
0xe0: {  	[sflag:s26] =	ssyncset.done $0x0  }
0xe1: {  	[sflag:s26] =	ssyncadd.s32 $0xFFFFE000  }
0xe2: {  	[spmem:s1] =	stream.indirect.scatter.add.f32 [tilespmem:s21], [sflag:$0x5], $0x80, s19, s20, $0xb8;
	[tilespmem:$0x1E800] =	vst v63  }
0xe3: {  	_ = 	snop  }
0xe4: {  	[tilespmem:s29], [sflag:$0x4] =	stream.indirect.gather [hbm4b:s4+s20], $0x80, s28, s20, $0xb8;
	[tilespmem:$0x1E800] =	vst v63  }
.LBB2_10:
0xe5: {  	p0 =	sne.s32 s12, $0x4800  }
.Ltmp8:
0xe6: {  	_ = 	snop;
	(pc) =	sbr.rel @!p0 .LBB2_11-.Ltmp8, $4  }
0xe7: {  	_ =	swait.ge [sflag:s30], $0x2000  }
0xe8: {  	s13 =	sshra.s32 s12, $0x2;
	[sflag:s30] =	ssyncset.done $0x0  }
0xe9: {  	s14 =	sadd.s32 $0x1480, s13;
	[sflag:s30] =	ssyncadd.s32 $0xFFFFE000  }
0xea: {  	[spmem:s1] =	stream.indirect.scatter.add.f32 [tilespmem:s23], [sflag:$0x6], $0x80, s14, s20, $0xb8;
	[tilespmem:$0x1E800] =	vst v63  }
0xeb: {  	_ =	swait.ge [sflag:s7], $0x2000  }
0xec: {  	[sflag:s7] =	ssyncset.done $0x0  }
0xed: {  	s14 =	sadd.s32 $0x200, s13;
	[sflag:s7] =	ssyncadd.s32 $0xFFFFE000  }
0xee: {  	[tilespmem:s21], [sflag:$0x1] =	stream.indirect.gather [hbm4b:s4+s20], $0x80, s14, s20, $0xb8;
	[tilespmem:$0x1E800] =	vst v63  }
0xef: {  	_ =	swait.ge [sflag:s31], $0x2000  }
0xf0: {  	[sflag:s31] =	ssyncset.done $0x0  }
0xf1: {  	s14 =	sadd.s32 $0x1500, s13;
	[sflag:s31] =	ssyncadd.s32 $0xFFFFE000  }
0xf2: {  	[spmem:s1] =	stream.indirect.scatter.add.f32 [tilespmem:s25], [sflag:$0x7], $0x80, s14, s20, $0xb8;
	[tilespmem:$0x1E800] =	vst v63  }
0xf3: {  	_ =	swait.ge [sflag:s8], $0x2000  }
0xf4: {  	[sflag:s8] =	ssyncset.done $0x0  }
0xf5: {  	s14 =	sadd.s32 $0x280, s13;
	[sflag:s8] =	ssyncadd.s32 $0xFFFFE000  }
0xf6: {  	[tilespmem:s23], [sflag:$0x2] =	stream.indirect.gather [hbm4b:s4+s20], $0x80, s14, s20, $0xb8;
	[tilespmem:$0x1E800] =	vst v63  }
0xf7: {  	_ =	swait.ge [sflag:s2], $0x2000  }
0xf8: {  	[sflag:s2] =	ssyncset.done $0x0  }
0xf9: {  	s14 =	sadd.s32 $0x1580, s13;
	[sflag:s2] =	ssyncadd.s32 $0xFFFFE000  }
0xfa: {  	[spmem:s1] =	stream.indirect.scatter.add.f32 [tilespmem:s29], [sflag:$0x8], $0x80, s14, s20, $0xb8;
	[tilespmem:$0x1E800] =	vst v63  }
0xfb: {  	_ =	swait.ge [sflag:s9], $0x2000  }
0xfc: {  	[sflag:s9] =	ssyncset.done $0x0  }
0xfd: {  	s14 =	sadd.s32 $0x300, s13;
	[sflag:s9] =	ssyncadd.s32 $0xFFFFE000  }
0xfe: {  	[tilespmem:s25], [sflag:$0x3] =	stream.indirect.gather [hbm4b:s4+s20], $0x80, s14, s20, $0xb8;
	[tilespmem:$0x1E800] =	vst v63  }
0xff: {  	_ =	swait.ge [sflag:s26], $0x2000  }
0x100: {  	s12 =	sadd.s32 $0x800, s12;
	[sflag:s26] =	ssyncset.done $0x0  }
0x101: {  	p0 =	sne.s32 s12, $0x5000;
	s14 =	sadd.s32 $0x1600, s13;
	[sflag:s26] =	ssyncadd.s32 $0xFFFFE000  }
0x102: {  	[spmem:s1] =	stream.indirect.scatter.add.f32 [tilespmem:s21], [sflag:$0x5], $0x80, s14, s20, $0xb8;
	[tilespmem:$0x1E800] =	vst v63  }
.Ltmp9:
0x103: {  	_ = 	snop;
	(pc) =	sbr.rel @p0 .LBB2_10-.Ltmp9, $4  }
.Ltmp10:
0x104: {  	_ =	swait.ge [sflag:s10], $0x2000;
	(pc) =	sbr.rel @!p0 .LBB2_13-.Ltmp10, $4  }
0x105: {  	[sflag:s10] =	ssyncset.done $0x0  }
0x106: {  	s14 =	sadd.s32 $0x380, s13;
	[sflag:s10] =	ssyncadd.s32 $0xFFFFE000  }
0x107: {  	[tilespmem:s29], [sflag:$0x4] =	stream.indirect.gather [hbm4b:s4+s20], $0x80, s14, s20, $0xb8;
	[tilespmem:$0x1E800] =	vst v63  }
0x108: {  	_ = 	snop  }
.LBB2_11:
0x109: {  	_ =	swait.ge [sflag:s31], $0x2000  }
0x10a: {  	[sflag:s31] =	ssyncset.done $0x0  }
0x10b: {  	[sflag:s31] =	ssyncadd.s32 $0xFFFFE000  }
0x10c: {  	[spmem:s1] =	stream.indirect.scatter.add.f32 [tilespmem:s25], [sflag:$0x7], $0x80, s0, s20, $0xb8;
	[tilespmem:$0x1E800] =	vst v63  }
0x10d: {  	_ =	swait.ge [sflag:s2], $0x2000  }
0x10e: {  	[sflag:s2] =	ssyncset.done $0x0  }
0x10f: {  	[sflag:s2] =	ssyncadd.s32 $0xFFFFE000  }
0x110: {  	[spmem:s1] =	stream.indirect.scatter.add.f32 [tilespmem:s29], [sflag:$0x8], $0x80, s5, s20, $0xb8;
	[tilespmem:$0x1E800] =	vst v63  }
.LBB2_13:
0x111: {  	_ =	swait.ge [sflag:s7], $0x2000  }
0x112: {  	[sflag:s7] =	ssyncset.done $0x0  }
0x113: {  	[sflag:s7] =	ssyncadd.s32 $0xFFFFE000  }
0x114: {  	_ =	swait.ge [sflag:s8], $0x2000  }
0x115: {  	[sflag:s8] =	ssyncset.done $0x0  }
0x116: {  	[sflag:s8] =	ssyncadd.s32 $0xFFFFE000  }
0x117: {  	_ =	swait.ge [sflag:s9], $0x2000  }
0x118: {  	[sflag:s9] =	ssyncset.done $0x0  }
0x119: {  	[sflag:s9] =	ssyncadd.s32 $0xFFFFE000  }
0x11a: {  	_ =	swait.ge [sflag:s10], $0x2000  }
0x11b: {  	[sflag:s10] =	ssyncset.done $0x0  }
0x11c: {  	s12 =	simm.s32 $0x0;
	s13 =	rddreg [dreg:$0xb];
	[sflag:s10] =	ssyncadd.s32 $0xFFFFE000  }
0x11d: {  	[tilespmem:s12], [sflag:$0x9] =	stream.linear.gather [hbm4b:s13+s12], $0x1400, $0x38;
	[tilespmem:$0x1E800] =	vst v63  }
0x11e: {  	_ =	swait.ge [sflag:s18], $0x1400  }
0x11f: {  	[sflag:s18] =	ssyncset.done $0x0  }
0x120: {  	s14 =	rddreg [dreg:$0xc];
	[sflag:s18] =	ssyncadd.s32 $0xFFFFEC00  }
0x121: {  	[tilespmem:s19], [sflag:$0x9] =	stream.linear.gather [hbm4b:s14+s12], $0x1400, $0x38;
	[tilespmem:$0x1E800] =	vst v63  }
0x122: {  	_ =	swait.ge [sflag:s18], $0x1400  }
0x123: {  	[sflag:s18] =	ssyncset.done $0x0  }
0x124: {  	[sflag:s18] =	ssyncadd.s32 $0xFFFFEC00  }
0x125: {  	[tilespmem:s21], [sflag:$0x1] =	stream.indirect.gather [hbm4b:s4+s20], $0x80, s12, s20, $0xb8;
	[tilespmem:$0x1E800] =	vst v63  }
0x126: {  	_ = 	snop  }
0x127: {  	[tilespmem:s23], [sflag:$0x2] =	stream.indirect.gather [hbm4b:s4+s20], $0x80, s22, s20, $0xb8;
	[tilespmem:$0x1E800] =	vst v63  }
0x128: {  	_ = 	snop  }
0x129: {  	[tilespmem:s25], [sflag:$0x3] =	stream.indirect.gather [hbm4b:s4+s20], $0x80, s24, s20, $0xb8;
	[tilespmem:$0x1E800] =	vst v63  }
0x12a: {  	_ =	swait.ge [sflag:s26], $0x2000  }
0x12b: {  	[sflag:s26] =	ssyncset.done $0x0  }
0x12c: {  	[sflag:s26] =	ssyncadd.s32 $0xFFFFE000  }
0x12d: {  	[spmem:s1] =	stream.indirect.scatter.add.f32 [tilespmem:s21], [sflag:$0x5], $0x80, s19, s20, $0xb8;
	[tilespmem:$0x1E800] =	vst v63  }
0x12e: {  	_ = 	snop  }
0x12f: {  	[tilespmem:s29], [sflag:$0x4] =	stream.indirect.gather [hbm4b:s4+s20], $0x80, s28, s20, $0xb8;
	[tilespmem:$0x1E800] =	vst v63  }
.LBB2_14:
0x130: {  	p0 =	sne.s32 s12, $0x4800  }
.Ltmp11:
0x131: {  	_ = 	snop;
	(pc) =	sbr.rel @!p0 .LBB2_15-.Ltmp11, $4  }
0x132: {  	_ =	swait.ge [sflag:s30], $0x2000  }
0x133: {  	s13 =	sshra.s32 s12, $0x2;
	[sflag:s30] =	ssyncset.done $0x0  }
0x134: {  	s14 =	sadd.s32 $0x1480, s13;
	[sflag:s30] =	ssyncadd.s32 $0xFFFFE000  }
0x135: {  	[spmem:s1] =	stream.indirect.scatter.add.f32 [tilespmem:s23], [sflag:$0x6], $0x80, s14, s20, $0xb8;
	[tilespmem:$0x1E800] =	vst v63  }
0x136: {  	_ =	swait.ge [sflag:s7], $0x2000  }
0x137: {  	[sflag:s7] =	ssyncset.done $0x0  }
0x138: {  	s14 =	sadd.s32 $0x200, s13;
	[sflag:s7] =	ssyncadd.s32 $0xFFFFE000  }
0x139: {  	[tilespmem:s21], [sflag:$0x1] =	stream.indirect.gather [hbm4b:s4+s20], $0x80, s14, s20, $0xb8;
	[tilespmem:$0x1E800] =	vst v63  }
0x13a: {  	_ =	swait.ge [sflag:s31], $0x2000  }
0x13b: {  	[sflag:s31] =	ssyncset.done $0x0  }
0x13c: {  	s14 =	sadd.s32 $0x1500, s13;
	[sflag:s31] =	ssyncadd.s32 $0xFFFFE000  }
0x13d: {  	[spmem:s1] =	stream.indirect.scatter.add.f32 [tilespmem:s25], [sflag:$0x7], $0x80, s14, s20, $0xb8;
	[tilespmem:$0x1E800] =	vst v63  }
0x13e: {  	_ =	swait.ge [sflag:s8], $0x2000  }
0x13f: {  	[sflag:s8] =	ssyncset.done $0x0  }
0x140: {  	s14 =	sadd.s32 $0x280, s13;
	[sflag:s8] =	ssyncadd.s32 $0xFFFFE000  }
0x141: {  	[tilespmem:s23], [sflag:$0x2] =	stream.indirect.gather [hbm4b:s4+s20], $0x80, s14, s20, $0xb8;
	[tilespmem:$0x1E800] =	vst v63  }
0x142: {  	_ =	swait.ge [sflag:s2], $0x2000  }
0x143: {  	[sflag:s2] =	ssyncset.done $0x0  }
0x144: {  	s14 =	sadd.s32 $0x1580, s13;
	[sflag:s2] =	ssyncadd.s32 $0xFFFFE000  }
0x145: {  	[spmem:s1] =	stream.indirect.scatter.add.f32 [tilespmem:s29], [sflag:$0x8], $0x80, s14, s20, $0xb8;
	[tilespmem:$0x1E800] =	vst v63  }
0x146: {  	_ =	swait.ge [sflag:s9], $0x2000  }
0x147: {  	[sflag:s9] =	ssyncset.done $0x0  }
0x148: {  	s14 =	sadd.s32 $0x300, s13;
	[sflag:s9] =	ssyncadd.s32 $0xFFFFE000  }
0x149: {  	[tilespmem:s25], [sflag:$0x3] =	stream.indirect.gather [hbm4b:s4+s20], $0x80, s14, s20, $0xb8;
	[tilespmem:$0x1E800] =	vst v63  }
0x14a: {  	_ =	swait.ge [sflag:s26], $0x2000  }
0x14b: {  	s12 =	sadd.s32 $0x800, s12;
	[sflag:s26] =	ssyncset.done $0x0  }
0x14c: {  	p0 =	sne.s32 s12, $0x5000;
	s14 =	sadd.s32 $0x1600, s13;
	[sflag:s26] =	ssyncadd.s32 $0xFFFFE000  }
0x14d: {  	[spmem:s1] =	stream.indirect.scatter.add.f32 [tilespmem:s21], [sflag:$0x5], $0x80, s14, s20, $0xb8;
	[tilespmem:$0x1E800] =	vst v63  }
.Ltmp12:
0x14e: {  	_ = 	snop;
	(pc) =	sbr.rel @p0 .LBB2_14-.Ltmp12, $4  }
.Ltmp13:
0x14f: {  	_ =	swait.ge [sflag:s10], $0x2000;
	(pc) =	sbr.rel @!p0 .LBB2_17-.Ltmp13, $4  }
0x150: {  	[sflag:s10] =	ssyncset.done $0x0  }
0x151: {  	s14 =	sadd.s32 $0x380, s13;
	[sflag:s10] =	ssyncadd.s32 $0xFFFFE000  }
0x152: {  	[tilespmem:s29], [sflag:$0x4] =	stream.indirect.gather [hbm4b:s4+s20], $0x80, s14, s20, $0xb8;
	[tilespmem:$0x1E800] =	vst v63  }
0x153: {  	_ = 	snop  }
.LBB2_18:
0x154: {  	_ =	sfence.sel $0x180000  }
0x155: {  	[bflag:$0x0] =	sbarrier.arrive $0xFFFF  }
0x156: {  	_ =	strace $0x9000004A  }
0x157: {  	s0 =	stileid.u32;
	[bflag:$0x2] =	sbarrier.arrive $0xFFFF  }
0x158: {  	p0 =	sne.s32 s0, $0x0;
	s0 =	rddreg [dreg:$0x3]  }
0x159: {  	s0 =	sadd.s32 @!p0 $0x100000, s0  }
0x15a: {  	[sflag:s0] =	ssyncadd.tile.s32 @!p0 $0x1;
	_ =	shalt  }
.Lfunc_end2:
_tile_overlayer_lowered:
.L_overlay_start_2:
0x15b: {  	(tag) =	ssettag $0x2  }
0x15c: {  	s0 =	rddreg [dreg:$0x0];
	s2 =	stileid.u32  }
0x15d: {  	s1 =	rddreg [dreg:$0x1];
	p0 =	sne.s32 s2, $0x0  }
0x15e: {  	s3 =	rddreg [dreg:$0x2];
	[bflag:$0x3] =	sbarrier.arrive $0xFFFF;
	s2 =	simm.s32 @!p0 $0x1C09  }
0x15f: {  	[timem:s3], [sflag:s2] =	dma.local @!p0 [hbm:s0], s1  }
0x160: {  	s0 =	simm.s32 @!p0 $0x9  }
0x161: {  	_ =	swait.ge @!p0 [sflag:s0], s1  }
0x162: {  	s1 =	ssub.s32 @!p0 $0x0, s1;
	[sflag:s0] =	ssyncset.done @!p0 $0x0  }
0x163: {  	[sflag:s0] =	ssyncadd.s32 @!p0 s1  }
0x164: {  	[bflag:$0x3] =	sbarrier.arrive $0xFFFF  }
0x165: {  	_ =	shalt  }

// kernel: kernel.15.cloned.1.call-start
scs
__scs_entry_jumppad:
0x0: {  	(pc) =	sbr.rel $0x88, $3  }
0x1: {  	(tag) =	ssettag $0x0;
	lr =	simm.s32 $0x1  }
0x2: {  	[smem:$0x3F9F] =	sst lr;
	_ =	strace $0xD0000000  }
0x3: {  	_ = 	snop  }
0x4: {  	_ = 	snop  }
0x5: {  	_ = 	snop  }
0x6: {  	_ = 	snop  }
0x7: {  	_ = 	snop  }
__scs_overlays_trampoline_lowered:
0x8: {  	[smem:$0x3FAE] =	sst s0  }
0x9: {  	[smem:$0x3FAF] =	sst s1  }
0xa: {  	[smem:$0x3FB0] =	sst s2  }
0xb: {  	[smem:$0x3FB1] =	sst s3  }
0xc: {  	[smem:$0x3FB2] =	sst s4  }
0xd: {  	[smem:$0x3FB3] =	sst s5  }
0xe: {  	[smem:$0x3FB4] =	sst s6  }
0xf: {  	[smem:$0x3FB5] =	sst s7  }
0x10: {  	[smem:$0x3FB6] =	sst s8  }
0x11: {  	[smem:$0x3FB7] =	sst s9;
	s0 =	simm.s32 @!p0 $0x0  }
0x12: {  	s1 =	sld [smem:$0x3F9D];
	s0 =	simm.s32 @p0 $0x1  }
0x13: {  	[smem:$0x3FB8] =	sst s0;
	s0 =	simm.s32 @!p1 $0x0  }
0x14: {  	s2 =	sld [smem:$0x3F9C];
	s0 =	simm.s32 @p1 $0x1  }
0x15: {  	[smem:$0x3FB9] =	sst s0;
	s0 =	simm.s32 @!p2 $0x0  }
0x16: {  	s3 =	sld [smem:$0x3FDB];
	s0 =	simm.s32 @p2 $0x1  }
0x17: {  	s4 =	simm.s32 $0x1BF5;
	[smem:$0x3FBB] =	sst s0  }
0x18: {  	s0 =	sld [smem:$0x3F9E];
	_ =	swait.ge [sflag:s4], $0x0  }
0x19: {  	s7 =	sld [smem:$0x3F9F]  }
0x1a: {  	s8 =	sadd.s32 $0xFFFFE003, lr  }
0x1b: {  	s9 =	sadd.s32 $0xFFFFFEF7, lr;
	s5 =	simm.s32 $0xFFFFFFFF;
	p2 =	slt.u32 s8, $0xFFFFF086  }
0x1c: {  	p1 =	slt.u32 s9, $0xF7A;
	s5 =	simm.s32 @!p2 $0x0  }
0x1d: {  	s5 =	simm.s32 @p1 $0x1;
	p0 =	seq.s32 s7, s2  }
0x1e: {  	s7 =	smul.u32 @!p0 $0xF7A, s2;
	p2 =	seq.s32 @!p0 s5, $0x0  }
0x1f: {  	s9 =	smul.u32 $0xF7A, s1;
	s8 =	simm.s32 @!p0 $0x1BF5;
	p2 =	por !p2, p0  }
0x20: {  	[sflag:s8] =	ssyncset.s32 @!p0 $0xFFFFF086;
	s6 =	sadd.s32 @!p0 s3, s7;
	s7 =	simm.s32 @!p0 $0x108  }
0x21: {  	s3 =	sadd.s32 s3, s9;
	s6 =	sadd.s32 @!p0 $0x88, s6;
	s7 =	simm.s32 @p2 $0x1082  }
0x22: {  	[simem:s7], [sflag:s8] =	dma.local @!p0 [hbm:s6], $0xF7A  }
0x23: {  	s9 =	sor.u32 $0xD0000000, s2;
	s6 =	simm.s32 $0x108;
	_ =	swait.ge @!p0 [sflag:s8], $0x0  }
0x24: {  	s3 =	sadd.s32 $0x88, s3;
	s6 =	simm.s32 @!p1 $0x1082;
	[sflag:s4] =	ssyncset.s32 $0xFFFFF086  }
0x25: {  	[simem:s6], [sflag:s4] =	dma.local [hbm:s3], $0xF7A  }
0x26: {  	[smem:$0x3F9F] =	sst s1;
	(tag) =	ssettag s2;
	_ =	strace s9  }
0x27: {  	s1 =	sld [smem:$0x3FAF]  }
0x28: {  	s2 =	sld [smem:$0x3FB0]  }
0x29: {  	s4 =	sld [smem:$0x3FB2]  }
0x2a: {  	p0 =	seq.s32 s5, $0x0;
	s5 =	sld [smem:$0x3FB3]  }
0x2b: {  	s6 =	sld [smem:$0x3FB4]  }
0x2c: {  	s7 =	sld [smem:$0x3FB5]  }
0x2d: {  	s3 =	simm.s32 $0x108;
	s8 =	sld [smem:$0x3FB6]  }
0x2e: {  	s3 =	simm.s32 @!p0 $0x1082;
	s9 =	sld [smem:$0x3FB7]  }
0x2f: {  	lr =	sadd.s32 s0, s3;
	s0 =	sld [smem:$0x3FAE]  }
0x30: {  	s3 =	sld [smem:$0x3FB1]  }
0x31: {  	[smem:$0x3FBA] =	sst s10  }
0x32: {  	s10 =	sld [smem:$0x3FB8];
	_ =	sdelay $0x3  }
0x33: {  	p0 =	seq.s32 s10, $0x1;
	s10 =	sld [smem:$0x3FBA];
	_ =	sdelay $0x3  }
0x34: {  	[smem:$0x3FBA] =	sst s10  }
0x35: {  	s10 =	sld [smem:$0x3FB9];
	_ =	sdelay $0x3  }
0x36: {  	p1 =	seq.s32 s10, $0x1;
	s10 =	sld [smem:$0x3FBA];
	_ =	sdelay $0x3  }
0x37: {  	[smem:$0x3FBA] =	sst s10  }
0x38: {  	s10 =	sld [smem:$0x3FBB]  }
0x39: {  	_ = 	snop;
	(pc) =	sbr.ind lr, $3  }
0x3a: {  	_ = 	snop  }
0x3b: {  	_ = 	snop  }
0x3c: {  	p2 =	seq.s32 s10, $0x1;
	s10 =	sld [smem:$0x3FBA]  }
0x3d: {  	_ =	shalt  }
0x3e: {  	_ =	shalt  }
0x3f: {  	_ =	shalt  }
0x40: {  	_ =	shalt  }
0x41: {  	_ =	shalt  }
0x42: {  	_ =	shalt  }
0x43: {  	_ =	shalt  }
0x44: {  	_ =	shalt  }
0x45: {  	_ =	shalt  }
0x46: {  	_ =	shalt  }
0x47: {  	_ =	shalt  }
0x48: {  	_ =	shalt  }
0x49: {  	_ =	shalt  }
0x4a: {  	_ =	shalt  }
0x4b: {  	_ =	shalt  }
0x4c: {  	_ =	shalt  }
0x4d: {  	_ =	shalt  }
0x4e: {  	_ =	shalt  }
0x4f: {  	_ =	shalt  }
0x50: {  	_ =	shalt  }
0x51: {  	_ =	shalt  }
0x52: {  	_ =	shalt  }
0x53: {  	_ =	shalt  }
0x54: {  	_ =	shalt  }
0x55: {  	_ =	shalt  }
0x56: {  	_ =	shalt  }
0x57: {  	_ =	shalt  }
0x58: {  	_ =	shalt  }
0x59: {  	_ =	shalt  }
0x5a: {  	_ =	shalt  }
0x5b: {  	_ =	shalt  }
0x5c: {  	_ =	shalt  }
0x5d: {  	_ =	shalt  }
0x5e: {  	_ =	shalt  }
0x5f: {  	_ =	shalt  }
0x60: {  	_ =	shalt  }
0x61: {  	_ =	shalt  }
0x62: {  	_ =	shalt  }
0x63: {  	_ =	shalt  }
0x64: {  	_ =	shalt  }
0x65: {  	_ =	shalt  }
0x66: {  	_ =	shalt  }
0x67: {  	_ =	shalt  }
0x68: {  	_ =	shalt  }
0x69: {  	_ =	shalt  }
0x6a: {  	_ =	shalt  }
0x6b: {  	_ =	shalt  }
0x6c: {  	_ =	shalt  }
0x6d: {  	_ =	shalt  }
0x6e: {  	_ =	shalt  }
0x6f: {  	_ =	shalt  }
0x70: {  	_ =	shalt  }
0x71: {  	_ =	shalt  }
0x72: {  	_ =	shalt  }
0x73: {  	_ =	shalt  }
0x74: {  	_ =	shalt  }
0x75: {  	_ =	shalt  }
0x76: {  	_ =	shalt  }
0x77: {  	_ =	shalt  }
0x78: {  	_ =	shalt  }
0x79: {  	_ =	shalt  }
0x7a: {  	_ =	shalt  }
0x7b: {  	_ =	shalt  }
0x7c: {  	_ =	shalt  }
0x7d: {  	_ =	shalt  }
0x7e: {  	_ =	shalt  }
0x7f: {  	_ =	shalt  }
0x80: {  	_ =	shalt  }
0x81: {  	_ =	shalt  }
0x82: {  	_ =	shalt  }
0x83: {  	_ =	shalt  }
0x84: {  	_ =	shalt  }
0x85: {  	_ =	shalt  }
0x86: {  	_ =	shalt  }
0x87: {  	_ =	shalt  }
.Lfunc_end0:
.L_simem_size_0:
called_computation.2_lowered:
.L_overlay_start_0:
0x88: {  	s2 =	sld [smem:$0x3FD9]  }
0x89: {  	s3 =	sld [smem:$0x3FFE];
	_ =	sdelay $0x1  }
0x8a: {  	s1 =	srdreg.scid  }
0x8b: {  	s0 =	sand.u32 $0x1, s1  }
0x8c: {  	s17 =	sshll.u32 s0, $0xA;
	s2 =	sadd.s32 s3, s2  }
0x8d: {  	s2 =	sadd.s32 s2, s17  }
0x8e: {  	[smem:$0x3FC6] =	sst s2  }
0x8f: {  	_ = 	snop  }
0x90: {  	s2 =	sld [smem:$0x3FD0];
	(tm) =	ssettm $0x1  }
0x91: {  	s18 =	sld [smem:$0x3FFB];
	_ =	sdelay $0x3  }
0x92: {  	_ =	strace s18  }
0x93: {  	s3 =	sld [smem:$0x3FFC];
	_ =	sdelay $0x3  }
0x94: {  	_ =	strace s3  }
0x95: {  	s3 =	sld [smem:$0x3FFD];
	_ =	sdelay $0x3  }
0x96: {  	_ =	strace s3  }
0x97: {  	_ =	strace $0x8FFFFFFF  }
0x98: {  	s19 =	sld [smem:$0x3FDB];
	_ =	sdelay $0x1  }
0x99: {  	s4 =	simm.s32 $_scs_section_size  }
0x9a: {  	s5 =	simm.s32 $_size__tile_overlayer_lowered;
	s6 =	simm.s32 $_tile_overlayer_lowered  }
0x9b: {  	s22 =	simm.s32 $0x1BFF;
	s21 =	sshll.u32 s6, $0x1;
	s3 =	sadd.s32 s4, s19  }
0x9c: {  	s7 =	simm.s32 $0x0;
	s20 =	sshll.u32 s5, $0x1;
	s5 =	sadd.s32 s21, s3  }
0x9d: {  	[timem:s7], [sflag:s22] =	dma.local [hbm:s5], s20  }
0x9e: {  	_ =	swait.ge [sflag:s22], s20  }
0x9f: {  	s4 =	ssub.s32 $0x0, s20;
	[sflag:s22] =	ssyncset.done $0x0  }
0xa0: {  	[sflag:s22] =	ssyncadd.s32 s4;
	_ =	sdelay $0x1  }
0xa1: {  	s23 =	simm.s32 $0x1B8B  }
0xa2: {  	_ =	swait.ge [sflag:s23], $0x1  }
0xa3: {  	[sflag:s23] =	ssyncset.done $0x0  }
0xa4: {  	s25 =	simm.s32 $0x1B8E;
	s24 =	sld [smem:$0x3FFE];
	[sflag:s23] =	ssyncadd.s32 $0xFFFFFFFF  }
0xa5: {  	s26 =	simm.s32 $execute0_lowered;
	[smem:$0x3FD2] =	sst s25  }
0xa6: {  	s5 =	sshll.u32 s26, $0x1;
	_ =	strace $0x8000004C;
	[dreg:$0x1] =	wrdreg $0xFFFFFFFF  }
0xa7: {  	s28 =	simm.s32 $_size_execute0_lowered;
	s3 =	sadd.s32 s3, s5;
	[dreg:$0x0] =	wrdreg $0x0  }
0xa8: {  	s5 =	sshll.u32 s28, $0x1;
	[dreg:$0x2] =	wrdreg s3  }
0xa9: {  	[dreg:$0x3] =	wrdreg s5  }
0xaa: {  	[dreg:$0x4] =	wrdreg $0xC0  }
0xab: {  	_ =	task [dreg:s7], $0x5FFFF  }
0xac: {  	[dreg:$0x1] =	wrdreg $0xFFFFFFFF  }
0xad: {  	[dreg:$0x0] =	wrdreg $0x60  }
0xae: {  	[dreg:$0x2] =	wrdreg s2  }
0xaf: {  	[dreg:$0x3] =	wrdreg s24  }
0xb0: {  	[dreg:$0x4] =	wrdreg $0xA8000  }
0xb1: {  	[dreg:$0x5] =	wrdreg $0x9  }
0xb2: {  	_ =	task.clear_ibuf [dreg:s7], $0x6FFFF;
	_ =	strace $0x9000004C  }
0xb3: {  	s29 =	simm.s32 $0x9;
	_ =	strace $0x8000004E  }
0xb4: {  	_ =	swait.ge [sflag:s29], $0x1  }
0xb5: {  	[sflag:s29] =	ssyncadd.s32 $0xFFFFFFFF  }
0xb6: {  	_ =	strace $0x9000004E  }
0xb7: {  	_ =	sfence  }
0xb8: {  	s30 =	sld [smem:$0x0];
	_ =	sdelay $0x2  }
0xb9: {  	s31 =	sshll.u32 s1, $0xD;
	s1 =	sshrl.u32 s1, $0x2  }
0xba: {  	s3 =	sand.u32 $0x4000, s31;
	s1 =	sadd.s32 s1, s30  }
0xbb: {  	s0 =	sor.u32 s3, s0;
	s1 =	sshll.u32 s1, $0x11  }
0xbc: {  	s0 =	sor.u32 s1, s0  }
0xbd: {  	s0 =	sadd.s32 $0x8F2B, s0  }
0xbe: {  	[sflag:s0] =	ssyncadd.remote.s32 $0x1  }
0xbf: {  	_ =	sfence.sel $0xFFFF  }
0xc0: {  	[dreg:$0x0] =	wrdreg $0xFFFFFFFF;
	(pc) =	sbr.abs _section_cstart, $3  }
0xc1: {  	[dreg:$0x1] =	wrdreg $0xFFFFFFFF  }
0xc2: {  	_ =	task.clear_ibuf [dreg:s7], $0x2FFFF;
	_ =	strace $0x9FFFFFFF  }
0xc3: {  	(tm) =	ssettm $0x7FFFFFFF  }
tec
execute0_lowered:
.L_overlay_start_1:
0x0: {  	(tag) =	ssettag $0x1  }
0x1: {  	s0 =	rddreg [dreg:$0x0]  }
0x2: {  	s2 =	rddreg [dreg:$0x1]  }
0x3: {  	s1 =	rddreg [dreg:$0x2]  }
0x4: {  	s3 =	srdreg.scid;
	s11 =	stileid.u32;
	s28 =	simm.s32 $0x180  }
0x5: {  	s29 =	simm.s32 $0x8800;
	s30 =	simm.s32 $0x2;
	s31 =	simm.s32 $0x3  }
0x6: {  	s5 =	sand.u32 $0x1, s3;
	s3 =	simm.s32 $0x0;
	s7 =	smul.u32 $0x14000, s11  }
0x7: {  	s8 =	sadd.s32 $0x15A00, s2;
	s4 =	sadd.s32 $0x29A00, s2;
	s15 =	sadd.s32 $0x1A00, s2  }
0x8: {  	s16 =	sshll.u32 s11, $0x1;
	s17 =	smul.u32 $0x50000, s11;
	s20 =	sshll.u32 s11, $0x6  }
0x9: {  	s6 =	smul.u32 $0x140000, s5;
	[smem:$0x7FF] =	sst s3;
	s9 =	ssub.s32 $0x2, s5  }
0xa: {  	s5 =	sor.u32 s5, s16;
	_ =	strace $0x8000004D;
	[dreg:$0x4] =	wrdreg s15  }
0xb: {  	s18 =	sshrl.u32 s9, $0x1;
	s10 =	smul.u32 $0x5000, s5;
	s19 =	sshrl.u32 s17, $0x2  }
0xc: {  	s5 =	smul.u32 $0xA00, s5;
	s6 =	sadd.s32 s7, s6;
	s9 =	ssub.s32 s9, s18  }
0xd: {  	s7 =	sadd.s32 s19, s1;
	s18 =	simm.s32 $0x9;
	s19 =	simm.s32 $0x1400  }
0xe: {  	s6 =	sshrl.u32 s6, $0x3;
	s10 =	sshrl.u32 s10, $0x3;
	s21 =	sadd.s32 s0, s5  }
0xf: {  	s5 =	sadd.s32 s8, s5;
	s16 =	smax.u32 s9, $0x1;
	s17 =	sshrl.u32 s7, $0x3  }
0x10: {  	s7 =	simm.s32 $0x5;
	s9 =	simm.s32 $0x7;
	s2 =	sadd.s32 s6, s2  }
0x11: {  	s6 =	sor.u32 $0x1C09, s20;
	[dreg:$0x5] =	wrdreg s21;
	s22 =	sadd.s32 $0x280, s10  }
0x12: {  	[dreg:$0x6] =	wrdreg s5;
	s24 =	sadd.s32 $0x500, s10;
	s10 =	sadd.s32 $0x780, s10  }
0x13: {  	s20 =	simm.s32 $0x40;
	s21 =	simm.s32 $0x2800;
	s23 =	sadd.s32 s0, s22  }
0x14: {  	s11 =	sadd.s32 s8, s22;
	s25 =	sadd.s32 s0, s24;
	[dreg:$0x7] =	wrdreg s23  }
0x15: {  	s5 =	sadd.s32 s8, s24;
	s0 =	sadd.s32 s0, s10;
	[dreg:$0x8] =	wrdreg s11  }
0x16: {  	s26 =	sadd.s32 s8, s10;
	s15 =	sadd.s32 $0x51A00, s2;
	[dreg:$0x9] =	wrdreg s25  }
.Ltmp0:
0x17: {  	s22 =	simm.s32 $0x80;
	[dreg:$0xa] =	wrdreg s5;
	(pc) =	sbr.rel .LBB2_1-.Ltmp0, $4  }
0x18: {  	s24 =	simm.s32 $0x100;
	s2 =	simm.s32 $0x4;
	[dreg:$0xb] =	wrdreg s0  }
0x19: {  	s8 =	simm.s32 $0x6;
	s10 =	simm.s32 $0x8;
	[dreg:$0xc] =	wrdreg s26  }
0x1a: {  	s23 =	simm.s32 $0x4800;
	s25 =	simm.s32 $0x6800;
	s26 =	simm.s32 $0x1  }
0x1b: {  	s0 =	simm.s32 $0x2700;
	s5 =	simm.s32 $0x2780;
	s11 =	simm.s32 $0x0  }
.LBB2_15:
0x1c: {  	_ =	swait.ge [sflag:s31], $0x2000  }
0x1d: {  	[sflag:s31] =	ssyncset.done $0x0  }
0x1e: {  	[sflag:s31] =	ssyncadd.s32 $0xFFFFE000  }
0x1f: {  	[spmem:s1] =	stream.indirect.scatter.add.f32 [tilespmem:s25], [sflag:$0x7], $0x80, s0, s20, $0xb8;
	[tilespmem:$0x1E800] =	vst v63  }
0x20: {  	_ =	swait.ge [sflag:s2], $0x2000  }
0x21: {  	[sflag:s2] =	ssyncset.done $0x0  }
0x22: {  	[sflag:s2] =	ssyncadd.s32 $0xFFFFE000  }
0x23: {  	[spmem:s1] =	stream.indirect.scatter.add.f32 [tilespmem:s29], [sflag:$0x8], $0x80, s5, s20, $0xb8;
	[tilespmem:$0x1E800] =	vst v63  }
.LBB2_17:
0x24: {  	_ =	swait.ge [sflag:s7], $0x2000  }
0x25: {  	[sflag:s7] =	ssyncset.done $0x0  }
0x26: {  	[sflag:s7] =	ssyncadd.s32 $0xFFFFE000  }
0x27: {  	_ =	swait.ge [sflag:s8], $0x2000  }
0x28: {  	[sflag:s8] =	ssyncset.done $0x0  }
0x29: {  	[sflag:s8] =	ssyncadd.s32 $0xFFFFE000  }
0x2a: {  	_ =	swait.ge [sflag:s9], $0x2000  }
0x2b: {  	[sflag:s9] =	ssyncset.done $0x0  }
0x2c: {  	[sflag:s9] =	ssyncadd.s32 $0xFFFFE000  }
0x2d: {  	_ =	swait.ge [sflag:s10], $0x2000  }
0x2e: {  	s11 =	sadd.s32 $0x1, s11;
	[sflag:s10] =	ssyncset.done $0x0  }
0x2f: {  	p0 =	sne.s32 s11, s16;
	[sflag:s10] =	ssyncadd.s32 $0xFFFFE000  }
.Ltmp1:
0x30: {  	[bflag:$0x0] =	sbarrier.arrive $0xFFFF;
	(pc) =	sbr.rel @!p0 .LBB2_18-.Ltmp1, $4  }
0x31: {  	[hbm:s15], [sflag:s6] =	dma.local [spmem:s17], $0x2800  }
0x32: {  	_ =	swait.ge [sflag:s18], $0x2800  }
0x33: {  	[sflag:s18] =	ssyncset.done $0x0  }
0x34: {  	[sflag:s18] =	ssyncadd.s32 $0xFFFFD800  }
.LBB2_1:
0x35: {  	s12 =	rddreg [dreg:$0x4]  }
0x36: {  	[spmem:s17], [sflag:s6] =	dma.local [hbm:s12], $0x2800  }
0x37: {  	_ =	swait.ge [sflag:s18], $0x2800  }
0x38: {  	[sflag:s18] =	ssyncset.done $0x0  }
0x39: {  	[sflag:s18] =	ssyncadd.s32 $0xFFFFD800  }
0x3a: {  	[bflag:$0x0] =	sbarrier.arrive $0xFFFF  }
0x3b: {  	s13 =	rddreg [dreg:$0x5]  }
0x3c: {  	[tilespmem:s3], [sflag:$0x9] =	stream.linear.gather [hbm4b:s13+s3], $0x1400, $0x38;
	[tilespmem:$0x1E800] =	vst v63  }
0x3d: {  	_ =	swait.ge [sflag:s18], $0x1400  }
0x3e: {  	[sflag:s18] =	ssyncset.done $0x0  }
0x3f: {  	s14 =	rddreg [dreg:$0x6];
	[sflag:s18] =	ssyncadd.s32 $0xFFFFEC00  }
0x40: {  	[tilespmem:s19], [sflag:$0x9] =	stream.linear.gather [hbm4b:s14+s3], $0x1400, $0x38;
	[tilespmem:$0x1E800] =	vst v63  }
0x41: {  	_ =	swait.ge [sflag:s18], $0x1400  }
0x42: {  	[sflag:s18] =	ssyncset.done $0x0  }
0x43: {  	[sflag:s18] =	ssyncadd.s32 $0xFFFFEC00  }
0x44: {  	[tilespmem:s21], [sflag:$0x1] =	stream.indirect.gather [hbm4b:s4+s20], $0x80, s3, s20, $0xb8;
	[tilespmem:$0x1E800] =	vst v63  }
0x45: {  	_ = 	snop  }
0x46: {  	[tilespmem:s23], [sflag:$0x2] =	stream.indirect.gather [hbm4b:s4+s20], $0x80, s22, s20, $0xb8;
	[tilespmem:$0x1E800] =	vst v63  }
0x47: {  	_ = 	snop  }
0x48: {  	[tilespmem:s25], [sflag:$0x3] =	stream.indirect.gather [hbm4b:s4+s20], $0x80, s24, s20, $0xb8;
	[tilespmem:$0x1E800] =	vst v63  }
0x49: {  	_ =	swait.ge [sflag:s26], $0x2000  }
0x4a: {  	[sflag:s26] =	ssyncset.done $0x0  }
0x4b: {  	[sflag:s26] =	ssyncadd.s32 $0xFFFFE000  }
0x4c: {  	[spmem:s1] =	stream.indirect.scatter.add.f32 [tilespmem:s21], [sflag:$0x5], $0x80, s19, s20, $0xb8;
	[tilespmem:$0x1E800] =	vst v63  }
0x4d: {  	s12 =	simm.s32 $0x0  }
0x4e: {  	[tilespmem:s29], [sflag:$0x4] =	stream.indirect.gather [hbm4b:s4+s20], $0x80, s28, s20, $0xb8;
	[tilespmem:$0x1E800] =	vst v63  }
.LBB2_2:
0x4f: {  	p0 =	sne.s32 s12, $0x4800  }
.Ltmp2:
0x50: {  	_ = 	snop;
	(pc) =	sbr.rel @!p0 .LBB2_3-.Ltmp2, $4  }
0x51: {  	_ =	swait.ge [sflag:s30], $0x2000  }
0x52: {  	s13 =	sshra.s32 s12, $0x2;
	[sflag:s30] =	ssyncset.done $0x0  }
0x53: {  	s14 =	sadd.s32 $0x1480, s13;
	[sflag:s30] =	ssyncadd.s32 $0xFFFFE000  }
0x54: {  	[spmem:s1] =	stream.indirect.scatter.add.f32 [tilespmem:s23], [sflag:$0x6], $0x80, s14, s20, $0xb8;
	[tilespmem:$0x1E800] =	vst v63  }
0x55: {  	_ =	swait.ge [sflag:s7], $0x2000  }
0x56: {  	[sflag:s7] =	ssyncset.done $0x0  }
0x57: {  	s14 =	sadd.s32 $0x200, s13;
	[sflag:s7] =	ssyncadd.s32 $0xFFFFE000  }
0x58: {  	[tilespmem:s21], [sflag:$0x1] =	stream.indirect.gather [hbm4b:s4+s20], $0x80, s14, s20, $0xb8;
	[tilespmem:$0x1E800] =	vst v63  }
0x59: {  	_ =	swait.ge [sflag:s31], $0x2000  }
0x5a: {  	[sflag:s31] =	ssyncset.done $0x0  }
0x5b: {  	s14 =	sadd.s32 $0x1500, s13;
	[sflag:s31] =	ssyncadd.s32 $0xFFFFE000  }
0x5c: {  	[spmem:s1] =	stream.indirect.scatter.add.f32 [tilespmem:s25], [sflag:$0x7], $0x80, s14, s20, $0xb8;
	[tilespmem:$0x1E800] =	vst v63  }
0x5d: {  	_ =	swait.ge [sflag:s8], $0x2000  }
0x5e: {  	[sflag:s8] =	ssyncset.done $0x0  }
0x5f: {  	s14 =	sadd.s32 $0x280, s13;
	[sflag:s8] =	ssyncadd.s32 $0xFFFFE000  }
0x60: {  	[tilespmem:s23], [sflag:$0x2] =	stream.indirect.gather [hbm4b:s4+s20], $0x80, s14, s20, $0xb8;
	[tilespmem:$0x1E800] =	vst v63  }
0x61: {  	_ =	swait.ge [sflag:s2], $0x2000  }
0x62: {  	[sflag:s2] =	ssyncset.done $0x0  }
0x63: {  	s14 =	sadd.s32 $0x1580, s13;
	[sflag:s2] =	ssyncadd.s32 $0xFFFFE000  }
0x64: {  	[spmem:s1] =	stream.indirect.scatter.add.f32 [tilespmem:s29], [sflag:$0x8], $0x80, s14, s20, $0xb8;
	[tilespmem:$0x1E800] =	vst v63  }
0x65: {  	_ =	swait.ge [sflag:s9], $0x2000  }
0x66: {  	[sflag:s9] =	ssyncset.done $0x0  }
0x67: {  	s14 =	sadd.s32 $0x300, s13;
	[sflag:s9] =	ssyncadd.s32 $0xFFFFE000  }
0x68: {  	[tilespmem:s25], [sflag:$0x3] =	stream.indirect.gather [hbm4b:s4+s20], $0x80, s14, s20, $0xb8;
	[tilespmem:$0x1E800] =	vst v63  }
0x69: {  	_ =	swait.ge [sflag:s26], $0x2000  }
0x6a: {  	s12 =	sadd.s32 $0x800, s12;
	[sflag:s26] =	ssyncset.done $0x0  }
0x6b: {  	p0 =	sne.s32 s12, $0x5000;
	s14 =	sadd.s32 $0x1600, s13;
	[sflag:s26] =	ssyncadd.s32 $0xFFFFE000  }
0x6c: {  	[spmem:s1] =	stream.indirect.scatter.add.f32 [tilespmem:s21], [sflag:$0x5], $0x80, s14, s20, $0xb8;
	[tilespmem:$0x1E800] =	vst v63  }
.Ltmp3:
0x6d: {  	_ = 	snop;
	(pc) =	sbr.rel @p0 .LBB2_2-.Ltmp3, $4  }
.Ltmp4:
0x6e: {  	_ =	swait.ge [sflag:s10], $0x2000;
	(pc) =	sbr.rel @!p0 .LBB2_5-.Ltmp4, $4  }
0x6f: {  	[sflag:s10] =	ssyncset.done $0x0  }
0x70: {  	s14 =	sadd.s32 $0x380, s13;
	[sflag:s10] =	ssyncadd.s32 $0xFFFFE000  }
0x71: {  	[tilespmem:s29], [sflag:$0x4] =	stream.indirect.gather [hbm4b:s4+s20], $0x80, s14, s20, $0xb8;
	[tilespmem:$0x1E800] =	vst v63  }
0x72: {  	_ = 	snop  }
.LBB2_3:
0x73: {  	_ =	swait.ge [sflag:s31], $0x2000  }
0x74: {  	[sflag:s31] =	ssyncset.done $0x0  }
0x75: {  	[sflag:s31] =	ssyncadd.s32 $0xFFFFE000  }
0x76: {  	[spmem:s1] =	stream.indirect.scatter.add.f32 [tilespmem:s25], [sflag:$0x7], $0x80, s0, s20, $0xb8;
	[tilespmem:$0x1E800] =	vst v63  }
0x77: {  	_ =	swait.ge [sflag:s2], $0x2000  }
0x78: {  	[sflag:s2] =	ssyncset.done $0x0  }
0x79: {  	[sflag:s2] =	ssyncadd.s32 $0xFFFFE000  }
0x7a: {  	[spmem:s1] =	stream.indirect.scatter.add.f32 [tilespmem:s29], [sflag:$0x8], $0x80, s5, s20, $0xb8;
	[tilespmem:$0x1E800] =	vst v63  }
.LBB2_5:
0x7b: {  	_ =	swait.ge [sflag:s7], $0x2000  }
0x7c: {  	[sflag:s7] =	ssyncset.done $0x0  }
0x7d: {  	[sflag:s7] =	ssyncadd.s32 $0xFFFFE000  }
0x7e: {  	_ =	swait.ge [sflag:s8], $0x2000  }
0x7f: {  	[sflag:s8] =	ssyncset.done $0x0  }
0x80: {  	[sflag:s8] =	ssyncadd.s32 $0xFFFFE000  }
0x81: {  	_ =	swait.ge [sflag:s9], $0x2000  }
0x82: {  	[sflag:s9] =	ssyncset.done $0x0  }
0x83: {  	[sflag:s9] =	ssyncadd.s32 $0xFFFFE000  }
0x84: {  	_ =	swait.ge [sflag:s10], $0x2000  }
0x85: {  	[sflag:s10] =	ssyncset.done $0x0  }
0x86: {  	s12 =	simm.s32 $0x0;
	s13 =	rddreg [dreg:$0x7];
	[sflag:s10] =	ssyncadd.s32 $0xFFFFE000  }
0x87: {  	[tilespmem:s12], [sflag:$0x9] =	stream.linear.gather [hbm4b:s13+s12], $0x1400, $0x38;
	[tilespmem:$0x1E800] =	vst v63  }
0x88: {  	_ =	swait.ge [sflag:s18], $0x1400  }
0x89: {  	[sflag:s18] =	ssyncset.done $0x0  }
0x8a: {  	s14 =	rddreg [dreg:$0x8];
	[sflag:s18] =	ssyncadd.s32 $0xFFFFEC00  }
0x8b: {  	[tilespmem:s19], [sflag:$0x9] =	stream.linear.gather [hbm4b:s14+s12], $0x1400, $0x38;
	[tilespmem:$0x1E800] =	vst v63  }
0x8c: {  	_ =	swait.ge [sflag:s18], $0x1400  }
0x8d: {  	[sflag:s18] =	ssyncset.done $0x0  }
0x8e: {  	[sflag:s18] =	ssyncadd.s32 $0xFFFFEC00  }
0x8f: {  	[tilespmem:s21], [sflag:$0x1] =	stream.indirect.gather [hbm4b:s4+s20], $0x80, s12, s20, $0xb8;
	[tilespmem:$0x1E800] =	vst v63  }
0x90: {  	_ = 	snop  }
0x91: {  	[tilespmem:s23], [sflag:$0x2] =	stream.indirect.gather [hbm4b:s4+s20], $0x80, s22, s20, $0xb8;
	[tilespmem:$0x1E800] =	vst v63  }
0x92: {  	_ = 	snop  }
0x93: {  	[tilespmem:s25], [sflag:$0x3] =	stream.indirect.gather [hbm4b:s4+s20], $0x80, s24, s20, $0xb8;
	[tilespmem:$0x1E800] =	vst v63  }
0x94: {  	_ =	swait.ge [sflag:s26], $0x2000  }
0x95: {  	[sflag:s26] =	ssyncset.done $0x0  }
0x96: {  	[sflag:s26] =	ssyncadd.s32 $0xFFFFE000  }
0x97: {  	[spmem:s1] =	stream.indirect.scatter.add.f32 [tilespmem:s21], [sflag:$0x5], $0x80, s19, s20, $0xb8;
	[tilespmem:$0x1E800] =	vst v63  }
0x98: {  	_ = 	snop  }
0x99: {  	[tilespmem:s29], [sflag:$0x4] =	stream.indirect.gather [hbm4b:s4+s20], $0x80, s28, s20, $0xb8;
	[tilespmem:$0x1E800] =	vst v63  }
.LBB2_6:
0x9a: {  	p0 =	sne.s32 s12, $0x4800  }
.Ltmp5:
0x9b: {  	_ = 	snop;
	(pc) =	sbr.rel @!p0 .LBB2_7-.Ltmp5, $4  }
0x9c: {  	_ =	swait.ge [sflag:s30], $0x2000  }
0x9d: {  	s13 =	sshra.s32 s12, $0x2;
	[sflag:s30] =	ssyncset.done $0x0  }
0x9e: {  	s14 =	sadd.s32 $0x1480, s13;
	[sflag:s30] =	ssyncadd.s32 $0xFFFFE000  }
0x9f: {  	[spmem:s1] =	stream.indirect.scatter.add.f32 [tilespmem:s23], [sflag:$0x6], $0x80, s14, s20, $0xb8;
	[tilespmem:$0x1E800] =	vst v63  }
0xa0: {  	_ =	swait.ge [sflag:s7], $0x2000  }
0xa1: {  	[sflag:s7] =	ssyncset.done $0x0  }
0xa2: {  	s14 =	sadd.s32 $0x200, s13;
	[sflag:s7] =	ssyncadd.s32 $0xFFFFE000  }
0xa3: {  	[tilespmem:s21], [sflag:$0x1] =	stream.indirect.gather [hbm4b:s4+s20], $0x80, s14, s20, $0xb8;
	[tilespmem:$0x1E800] =	vst v63  }
0xa4: {  	_ =	swait.ge [sflag:s31], $0x2000  }
0xa5: {  	[sflag:s31] =	ssyncset.done $0x0  }
0xa6: {  	s14 =	sadd.s32 $0x1500, s13;
	[sflag:s31] =	ssyncadd.s32 $0xFFFFE000  }
0xa7: {  	[spmem:s1] =	stream.indirect.scatter.add.f32 [tilespmem:s25], [sflag:$0x7], $0x80, s14, s20, $0xb8;
	[tilespmem:$0x1E800] =	vst v63  }
0xa8: {  	_ =	swait.ge [sflag:s8], $0x2000  }
0xa9: {  	[sflag:s8] =	ssyncset.done $0x0  }
0xaa: {  	s14 =	sadd.s32 $0x280, s13;
	[sflag:s8] =	ssyncadd.s32 $0xFFFFE000  }
0xab: {  	[tilespmem:s23], [sflag:$0x2] =	stream.indirect.gather [hbm4b:s4+s20], $0x80, s14, s20, $0xb8;
	[tilespmem:$0x1E800] =	vst v63  }
0xac: {  	_ =	swait.ge [sflag:s2], $0x2000  }
0xad: {  	[sflag:s2] =	ssyncset.done $0x0  }
0xae: {  	s14 =	sadd.s32 $0x1580, s13;
	[sflag:s2] =	ssyncadd.s32 $0xFFFFE000  }
0xaf: {  	[spmem:s1] =	stream.indirect.scatter.add.f32 [tilespmem:s29], [sflag:$0x8], $0x80, s14, s20, $0xb8;
	[tilespmem:$0x1E800] =	vst v63  }
0xb0: {  	_ =	swait.ge [sflag:s9], $0x2000  }
0xb1: {  	[sflag:s9] =	ssyncset.done $0x0  }
0xb2: {  	s14 =	sadd.s32 $0x300, s13;
	[sflag:s9] =	ssyncadd.s32 $0xFFFFE000  }
0xb3: {  	[tilespmem:s25], [sflag:$0x3] =	stream.indirect.gather [hbm4b:s4+s20], $0x80, s14, s20, $0xb8;
	[tilespmem:$0x1E800] =	vst v63  }
0xb4: {  	_ =	swait.ge [sflag:s26], $0x2000  }
0xb5: {  	s12 =	sadd.s32 $0x800, s12;
	[sflag:s26] =	ssyncset.done $0x0  }
0xb6: {  	p0 =	sne.s32 s12, $0x5000;
	s14 =	sadd.s32 $0x1600, s13;
	[sflag:s26] =	ssyncadd.s32 $0xFFFFE000  }
0xb7: {  	[spmem:s1] =	stream.indirect.scatter.add.f32 [tilespmem:s21], [sflag:$0x5], $0x80, s14, s20, $0xb8;
	[tilespmem:$0x1E800] =	vst v63  }
.Ltmp6:
0xb8: {  	_ = 	snop;
	(pc) =	sbr.rel @p0 .LBB2_6-.Ltmp6, $4  }
.Ltmp7:
0xb9: {  	_ =	swait.ge [sflag:s10], $0x2000;
	(pc) =	sbr.rel @!p0 .LBB2_9-.Ltmp7, $4  }
0xba: {  	[sflag:s10] =	ssyncset.done $0x0  }
0xbb: {  	s14 =	sadd.s32 $0x380, s13;
	[sflag:s10] =	ssyncadd.s32 $0xFFFFE000  }
0xbc: {  	[tilespmem:s29], [sflag:$0x4] =	stream.indirect.gather [hbm4b:s4+s20], $0x80, s14, s20, $0xb8;
	[tilespmem:$0x1E800] =	vst v63  }
0xbd: {  	_ = 	snop  }
.LBB2_7:
0xbe: {  	_ =	swait.ge [sflag:s31], $0x2000  }
0xbf: {  	[sflag:s31] =	ssyncset.done $0x0  }
0xc0: {  	[sflag:s31] =	ssyncadd.s32 $0xFFFFE000  }
0xc1: {  	[spmem:s1] =	stream.indirect.scatter.add.f32 [tilespmem:s25], [sflag:$0x7], $0x80, s0, s20, $0xb8;
	[tilespmem:$0x1E800] =	vst v63  }
0xc2: {  	_ =	swait.ge [sflag:s2], $0x2000  }
0xc3: {  	[sflag:s2] =	ssyncset.done $0x0  }
0xc4: {  	[sflag:s2] =	ssyncadd.s32 $0xFFFFE000  }
0xc5: {  	[spmem:s1] =	stream.indirect.scatter.add.f32 [tilespmem:s29], [sflag:$0x8], $0x80, s5, s20, $0xb8;
	[tilespmem:$0x1E800] =	vst v63  }
.LBB2_9:
0xc6: {  	_ =	swait.ge [sflag:s7], $0x2000  }
0xc7: {  	[sflag:s7] =	ssyncset.done $0x0  }
0xc8: {  	[sflag:s7] =	ssyncadd.s32 $0xFFFFE000  }
0xc9: {  	_ =	swait.ge [sflag:s8], $0x2000  }
0xca: {  	[sflag:s8] =	ssyncset.done $0x0  }
0xcb: {  	[sflag:s8] =	ssyncadd.s32 $0xFFFFE000  }
0xcc: {  	_ =	swait.ge [sflag:s9], $0x2000  }
0xcd: {  	[sflag:s9] =	ssyncset.done $0x0  }
0xce: {  	[sflag:s9] =	ssyncadd.s32 $0xFFFFE000  }
0xcf: {  	_ =	swait.ge [sflag:s10], $0x2000  }
0xd0: {  	[sflag:s10] =	ssyncset.done $0x0  }
0xd1: {  	s12 =	simm.s32 $0x0;
	s13 =	rddreg [dreg:$0x9];
	[sflag:s10] =	ssyncadd.s32 $0xFFFFE000  }
0xd2: {  	[tilespmem:s12], [sflag:$0x9] =	stream.linear.gather [hbm4b:s13+s12], $0x1400, $0x38;
	[tilespmem:$0x1E800] =	vst v63  }
0xd3: {  	_ =	swait.ge [sflag:s18], $0x1400  }
0xd4: {  	[sflag:s18] =	ssyncset.done $0x0  }
0xd5: {  	s14 =	rddreg [dreg:$0xa];
	[sflag:s18] =	ssyncadd.s32 $0xFFFFEC00  }
0xd6: {  	[tilespmem:s19], [sflag:$0x9] =	stream.linear.gather [hbm4b:s14+s12], $0x1400, $0x38;
	[tilespmem:$0x1E800] =	vst v63  }
0xd7: {  	_ =	swait.ge [sflag:s18], $0x1400  }
0xd8: {  	[sflag:s18] =	ssyncset.done $0x0  }
0xd9: {  	[sflag:s18] =	ssyncadd.s32 $0xFFFFEC00  }
0xda: {  	[tilespmem:s21], [sflag:$0x1] =	stream.indirect.gather [hbm4b:s4+s20], $0x80, s12, s20, $0xb8;
	[tilespmem:$0x1E800] =	vst v63  }
0xdb: {  	_ = 	snop  }
0xdc: {  	[tilespmem:s23], [sflag:$0x2] =	stream.indirect.gather [hbm4b:s4+s20], $0x80, s22, s20, $0xb8;
	[tilespmem:$0x1E800] =	vst v63  }
0xdd: {  	_ = 	snop  }
0xde: {  	[tilespmem:s25], [sflag:$0x3] =	stream.indirect.gather [hbm4b:s4+s20], $0x80, s24, s20, $0xb8;
	[tilespmem:$0x1E800] =	vst v63  }
0xdf: {  	_ =	swait.ge [sflag:s26], $0x2000  }
0xe0: {  	[sflag:s26] =	ssyncset.done $0x0  }
0xe1: {  	[sflag:s26] =	ssyncadd.s32 $0xFFFFE000  }
0xe2: {  	[spmem:s1] =	stream.indirect.scatter.add.f32 [tilespmem:s21], [sflag:$0x5], $0x80, s19, s20, $0xb8;
	[tilespmem:$0x1E800] =	vst v63  }
0xe3: {  	_ = 	snop  }
0xe4: {  	[tilespmem:s29], [sflag:$0x4] =	stream.indirect.gather [hbm4b:s4+s20], $0x80, s28, s20, $0xb8;
	[tilespmem:$0x1E800] =	vst v63  }
.LBB2_10:
0xe5: {  	p0 =	sne.s32 s12, $0x4800  }
.Ltmp8:
0xe6: {  	_ = 	snop;
	(pc) =	sbr.rel @!p0 .LBB2_11-.Ltmp8, $4  }
0xe7: {  	_ =	swait.ge [sflag:s30], $0x2000  }
0xe8: {  	s13 =	sshra.s32 s12, $0x2;
	[sflag:s30] =	ssyncset.done $0x0  }
0xe9: {  	s14 =	sadd.s32 $0x1480, s13;
	[sflag:s30] =	ssyncadd.s32 $0xFFFFE000  }
0xea: {  	[spmem:s1] =	stream.indirect.scatter.add.f32 [tilespmem:s23], [sflag:$0x6], $0x80, s14, s20, $0xb8;
	[tilespmem:$0x1E800] =	vst v63  }
0xeb: {  	_ =	swait.ge [sflag:s7], $0x2000  }
0xec: {  	[sflag:s7] =	ssyncset.done $0x0  }
0xed: {  	s14 =	sadd.s32 $0x200, s13;
	[sflag:s7] =	ssyncadd.s32 $0xFFFFE000  }
0xee: {  	[tilespmem:s21], [sflag:$0x1] =	stream.indirect.gather [hbm4b:s4+s20], $0x80, s14, s20, $0xb8;
	[tilespmem:$0x1E800] =	vst v63  }
0xef: {  	_ =	swait.ge [sflag:s31], $0x2000  }
0xf0: {  	[sflag:s31] =	ssyncset.done $0x0  }
0xf1: {  	s14 =	sadd.s32 $0x1500, s13;
	[sflag:s31] =	ssyncadd.s32 $0xFFFFE000  }
0xf2: {  	[spmem:s1] =	stream.indirect.scatter.add.f32 [tilespmem:s25], [sflag:$0x7], $0x80, s14, s20, $0xb8;
	[tilespmem:$0x1E800] =	vst v63  }
0xf3: {  	_ =	swait.ge [sflag:s8], $0x2000  }
0xf4: {  	[sflag:s8] =	ssyncset.done $0x0  }
0xf5: {  	s14 =	sadd.s32 $0x280, s13;
	[sflag:s8] =	ssyncadd.s32 $0xFFFFE000  }
0xf6: {  	[tilespmem:s23], [sflag:$0x2] =	stream.indirect.gather [hbm4b:s4+s20], $0x80, s14, s20, $0xb8;
	[tilespmem:$0x1E800] =	vst v63  }
0xf7: {  	_ =	swait.ge [sflag:s2], $0x2000  }
0xf8: {  	[sflag:s2] =	ssyncset.done $0x0  }
0xf9: {  	s14 =	sadd.s32 $0x1580, s13;
	[sflag:s2] =	ssyncadd.s32 $0xFFFFE000  }
0xfa: {  	[spmem:s1] =	stream.indirect.scatter.add.f32 [tilespmem:s29], [sflag:$0x8], $0x80, s14, s20, $0xb8;
	[tilespmem:$0x1E800] =	vst v63  }
0xfb: {  	_ =	swait.ge [sflag:s9], $0x2000  }
0xfc: {  	[sflag:s9] =	ssyncset.done $0x0  }
0xfd: {  	s14 =	sadd.s32 $0x300, s13;
	[sflag:s9] =	ssyncadd.s32 $0xFFFFE000  }
0xfe: {  	[tilespmem:s25], [sflag:$0x3] =	stream.indirect.gather [hbm4b:s4+s20], $0x80, s14, s20, $0xb8;
	[tilespmem:$0x1E800] =	vst v63  }
0xff: {  	_ =	swait.ge [sflag:s26], $0x2000  }
0x100: {  	s12 =	sadd.s32 $0x800, s12;
	[sflag:s26] =	ssyncset.done $0x0  }
0x101: {  	p0 =	sne.s32 s12, $0x5000;
	s14 =	sadd.s32 $0x1600, s13;
	[sflag:s26] =	ssyncadd.s32 $0xFFFFE000  }
0x102: {  	[spmem:s1] =	stream.indirect.scatter.add.f32 [tilespmem:s21], [sflag:$0x5], $0x80, s14, s20, $0xb8;
	[tilespmem:$0x1E800] =	vst v63  }
.Ltmp9:
0x103: {  	_ = 	snop;
	(pc) =	sbr.rel @p0 .LBB2_10-.Ltmp9, $4  }
.Ltmp10:
0x104: {  	_ =	swait.ge [sflag:s10], $0x2000;
	(pc) =	sbr.rel @!p0 .LBB2_13-.Ltmp10, $4  }
0x105: {  	[sflag:s10] =	ssyncset.done $0x0  }
0x106: {  	s14 =	sadd.s32 $0x380, s13;
	[sflag:s10] =	ssyncadd.s32 $0xFFFFE000  }
0x107: {  	[tilespmem:s29], [sflag:$0x4] =	stream.indirect.gather [hbm4b:s4+s20], $0x80, s14, s20, $0xb8;
	[tilespmem:$0x1E800] =	vst v63  }
0x108: {  	_ = 	snop  }
.LBB2_11:
0x109: {  	_ =	swait.ge [sflag:s31], $0x2000  }
0x10a: {  	[sflag:s31] =	ssyncset.done $0x0  }
0x10b: {  	[sflag:s31] =	ssyncadd.s32 $0xFFFFE000  }
0x10c: {  	[spmem:s1] =	stream.indirect.scatter.add.f32 [tilespmem:s25], [sflag:$0x7], $0x80, s0, s20, $0xb8;
	[tilespmem:$0x1E800] =	vst v63  }
0x10d: {  	_ =	swait.ge [sflag:s2], $0x2000  }
0x10e: {  	[sflag:s2] =	ssyncset.done $0x0  }
0x10f: {  	[sflag:s2] =	ssyncadd.s32 $0xFFFFE000  }
0x110: {  	[spmem:s1] =	stream.indirect.scatter.add.f32 [tilespmem:s29], [sflag:$0x8], $0x80, s5, s20, $0xb8;
	[tilespmem:$0x1E800] =	vst v63  }
.LBB2_13:
0x111: {  	_ =	swait.ge [sflag:s7], $0x2000  }
0x112: {  	[sflag:s7] =	ssyncset.done $0x0  }
0x113: {  	[sflag:s7] =	ssyncadd.s32 $0xFFFFE000  }
0x114: {  	_ =	swait.ge [sflag:s8], $0x2000  }
0x115: {  	[sflag:s8] =	ssyncset.done $0x0  }
0x116: {  	[sflag:s8] =	ssyncadd.s32 $0xFFFFE000  }
0x117: {  	_ =	swait.ge [sflag:s9], $0x2000  }
0x118: {  	[sflag:s9] =	ssyncset.done $0x0  }
0x119: {  	[sflag:s9] =	ssyncadd.s32 $0xFFFFE000  }
0x11a: {  	_ =	swait.ge [sflag:s10], $0x2000  }
0x11b: {  	[sflag:s10] =	ssyncset.done $0x0  }
0x11c: {  	s12 =	simm.s32 $0x0;
	s13 =	rddreg [dreg:$0xb];
	[sflag:s10] =	ssyncadd.s32 $0xFFFFE000  }
0x11d: {  	[tilespmem:s12], [sflag:$0x9] =	stream.linear.gather [hbm4b:s13+s12], $0x1400, $0x38;
	[tilespmem:$0x1E800] =	vst v63  }
0x11e: {  	_ =	swait.ge [sflag:s18], $0x1400  }
0x11f: {  	[sflag:s18] =	ssyncset.done $0x0  }
0x120: {  	s14 =	rddreg [dreg:$0xc];
	[sflag:s18] =	ssyncadd.s32 $0xFFFFEC00  }
0x121: {  	[tilespmem:s19], [sflag:$0x9] =	stream.linear.gather [hbm4b:s14+s12], $0x1400, $0x38;
	[tilespmem:$0x1E800] =	vst v63  }
0x122: {  	_ =	swait.ge [sflag:s18], $0x1400  }
0x123: {  	[sflag:s18] =	ssyncset.done $0x0  }
0x124: {  	[sflag:s18] =	ssyncadd.s32 $0xFFFFEC00  }
0x125: {  	[tilespmem:s21], [sflag:$0x1] =	stream.indirect.gather [hbm4b:s4+s20], $0x80, s12, s20, $0xb8;
	[tilespmem:$0x1E800] =	vst v63  }
0x126: {  	_ = 	snop  }
0x127: {  	[tilespmem:s23], [sflag:$0x2] =	stream.indirect.gather [hbm4b:s4+s20], $0x80, s22, s20, $0xb8;
	[tilespmem:$0x1E800] =	vst v63  }
0x128: {  	_ = 	snop  }
0x129: {  	[tilespmem:s25], [sflag:$0x3] =	stream.indirect.gather [hbm4b:s4+s20], $0x80, s24, s20, $0xb8;
	[tilespmem:$0x1E800] =	vst v63  }
0x12a: {  	_ =	swait.ge [sflag:s26], $0x2000  }
0x12b: {  	[sflag:s26] =	ssyncset.done $0x0  }
0x12c: {  	[sflag:s26] =	ssyncadd.s32 $0xFFFFE000  }
0x12d: {  	[spmem:s1] =	stream.indirect.scatter.add.f32 [tilespmem:s21], [sflag:$0x5], $0x80, s19, s20, $0xb8;
	[tilespmem:$0x1E800] =	vst v63  }
0x12e: {  	_ = 	snop  }
0x12f: {  	[tilespmem:s29], [sflag:$0x4] =	stream.indirect.gather [hbm4b:s4+s20], $0x80, s28, s20, $0xb8;
	[tilespmem:$0x1E800] =	vst v63  }
.LBB2_14:
0x130: {  	p0 =	sne.s32 s12, $0x4800  }
.Ltmp11:
0x131: {  	_ = 	snop;
	(pc) =	sbr.rel @!p0 .LBB2_15-.Ltmp11, $4  }
0x132: {  	_ =	swait.ge [sflag:s30], $0x2000  }
0x133: {  	s13 =	sshra.s32 s12, $0x2;
	[sflag:s30] =	ssyncset.done $0x0  }
0x134: {  	s14 =	sadd.s32 $0x1480, s13;
	[sflag:s30] =	ssyncadd.s32 $0xFFFFE000  }
0x135: {  	[spmem:s1] =	stream.indirect.scatter.add.f32 [tilespmem:s23], [sflag:$0x6], $0x80, s14, s20, $0xb8;
	[tilespmem:$0x1E800] =	vst v63  }
0x136: {  	_ =	swait.ge [sflag:s7], $0x2000  }
0x137: {  	[sflag:s7] =	ssyncset.done $0x0  }
0x138: {  	s14 =	sadd.s32 $0x200, s13;
	[sflag:s7] =	ssyncadd.s32 $0xFFFFE000  }
0x139: {  	[tilespmem:s21], [sflag:$0x1] =	stream.indirect.gather [hbm4b:s4+s20], $0x80, s14, s20, $0xb8;
	[tilespmem:$0x1E800] =	vst v63  }
0x13a: {  	_ =	swait.ge [sflag:s31], $0x2000  }
0x13b: {  	[sflag:s31] =	ssyncset.done $0x0  }
0x13c: {  	s14 =	sadd.s32 $0x1500, s13;
	[sflag:s31] =	ssyncadd.s32 $0xFFFFE000  }
0x13d: {  	[spmem:s1] =	stream.indirect.scatter.add.f32 [tilespmem:s25], [sflag:$0x7], $0x80, s14, s20, $0xb8;
	[tilespmem:$0x1E800] =	vst v63  }
0x13e: {  	_ =	swait.ge [sflag:s8], $0x2000  }
0x13f: {  	[sflag:s8] =	ssyncset.done $0x0  }
0x140: {  	s14 =	sadd.s32 $0x280, s13;
	[sflag:s8] =	ssyncadd.s32 $0xFFFFE000  }
0x141: {  	[tilespmem:s23], [sflag:$0x2] =	stream.indirect.gather [hbm4b:s4+s20], $0x80, s14, s20, $0xb8;
	[tilespmem:$0x1E800] =	vst v63  }
0x142: {  	_ =	swait.ge [sflag:s2], $0x2000  }
0x143: {  	[sflag:s2] =	ssyncset.done $0x0  }
0x144: {  	s14 =	sadd.s32 $0x1580, s13;
	[sflag:s2] =	ssyncadd.s32 $0xFFFFE000  }
0x145: {  	[spmem:s1] =	stream.indirect.scatter.add.f32 [tilespmem:s29], [sflag:$0x8], $0x80, s14, s20, $0xb8;
	[tilespmem:$0x1E800] =	vst v63  }
0x146: {  	_ =	swait.ge [sflag:s9], $0x2000  }
0x147: {  	[sflag:s9] =	ssyncset.done $0x0  }
0x148: {  	s14 =	sadd.s32 $0x300, s13;
	[sflag:s9] =	ssyncadd.s32 $0xFFFFE000  }
0x149: {  	[tilespmem:s25], [sflag:$0x3] =	stream.indirect.gather [hbm4b:s4+s20], $0x80, s14, s20, $0xb8;
	[tilespmem:$0x1E800] =	vst v63  }
0x14a: {  	_ =	swait.ge [sflag:s26], $0x2000  }
0x14b: {  	s12 =	sadd.s32 $0x800, s12;
	[sflag:s26] =	ssyncset.done $0x0  }
0x14c: {  	p0 =	sne.s32 s12, $0x5000;
	s14 =	sadd.s32 $0x1600, s13;
	[sflag:s26] =	ssyncadd.s32 $0xFFFFE000  }
0x14d: {  	[spmem:s1] =	stream.indirect.scatter.add.f32 [tilespmem:s21], [sflag:$0x5], $0x80, s14, s20, $0xb8;
	[tilespmem:$0x1E800] =	vst v63  }
.Ltmp12:
0x14e: {  	_ = 	snop;
	(pc) =	sbr.rel @p0 .LBB2_14-.Ltmp12, $4  }
.Ltmp13:
0x14f: {  	_ =	swait.ge [sflag:s10], $0x2000;
	(pc) =	sbr.rel @!p0 .LBB2_17-.Ltmp13, $4  }
0x150: {  	[sflag:s10] =	ssyncset.done $0x0  }
0x151: {  	s14 =	sadd.s32 $0x380, s13;
	[sflag:s10] =	ssyncadd.s32 $0xFFFFE000  }
0x152: {  	[tilespmem:s29], [sflag:$0x4] =	stream.indirect.gather [hbm4b:s4+s20], $0x80, s14, s20, $0xb8;
	[tilespmem:$0x1E800] =	vst v63  }
0x153: {  	_ = 	snop  }
.LBB2_18:
0x154: {  	_ =	sfence.sel $0x180000  }
0x155: {  	[bflag:$0x0] =	sbarrier.arrive $0xFFFF  }
0x156: {  	_ =	strace $0x9000004D  }
0x157: {  	s0 =	stileid.u32;
	[bflag:$0x2] =	sbarrier.arrive $0xFFFF  }
0x158: {  	p0 =	sne.s32 s0, $0x0;
	s0 =	rddreg [dreg:$0x3]  }
0x159: {  	s0 =	sadd.s32 @!p0 $0x100000, s0  }
0x15a: {  	[sflag:s0] =	ssyncadd.tile.s32 @!p0 $0x1;
	_ =	shalt  }
.Lfunc_end2:
_tile_overlayer_lowered:
.L_overlay_start_2:
0x15b: {  	(tag) =	ssettag $0x2  }
0x15c: {  	s0 =	rddreg [dreg:$0x0];
	s2 =	stileid.u32  }
0x15d: {  	s1 =	rddreg [dreg:$0x1];
	p0 =	sne.s32 s2, $0x0  }
0x15e: {  	s3 =	rddreg [dreg:$0x2];
	[bflag:$0x3] =	sbarrier.arrive $0xFFFF;
	s2 =	simm.s32 @!p0 $0x1C09  }
0x15f: {  	[timem:s3], [sflag:s2] =	dma.local @!p0 [hbm:s0], s1  }
0x160: {  	s0 =	simm.s32 @!p0 $0x9  }
0x161: {  	_ =	swait.ge @!p0 [sflag:s0], s1  }
0x162: {  	s1 =	ssub.s32 @!p0 $0x0, s1;
	[sflag:s0] =	ssyncset.done @!p0 $0x0  }
0x163: {  	[sflag:s0] =	ssyncadd.s32 @!p0 s1  }
0x164: {  	[bflag:$0x3] =	sbarrier.arrive $0xFFFF  }
0x165: {  	_ =	shalt  }

// kernel: kernel.9.cloned.1.call-start
scs
__scs_entry_jumppad:
0x0: {  	(pc) =	sbr.rel $0x88, $3  }
0x1: {  	(tag) =	ssettag $0x0;
	lr =	simm.s32 $0x1  }
0x2: {  	[smem:$0x3F9F] =	sst lr;
	_ =	strace $0xD0000000  }
0x3: {  	_ = 	snop  }
0x4: {  	_ = 	snop  }
0x5: {  	_ = 	snop  }
0x6: {  	_ = 	snop  }
0x7: {  	_ = 	snop  }
__scs_overlays_trampoline_lowered:
0x8: {  	[smem:$0x3FAE] =	sst s0  }
0x9: {  	[smem:$0x3FAF] =	sst s1  }
0xa: {  	[smem:$0x3FB0] =	sst s2  }
0xb: {  	[smem:$0x3FB1] =	sst s3  }
0xc: {  	[smem:$0x3FB2] =	sst s4  }
0xd: {  	[smem:$0x3FB3] =	sst s5  }
0xe: {  	[smem:$0x3FB4] =	sst s6  }
0xf: {  	[smem:$0x3FB5] =	sst s7  }
0x10: {  	[smem:$0x3FB6] =	sst s8  }
0x11: {  	[smem:$0x3FB7] =	sst s9;
	s0 =	simm.s32 @!p0 $0x0  }
0x12: {  	s1 =	sld [smem:$0x3F9D];
	s0 =	simm.s32 @p0 $0x1  }
0x13: {  	[smem:$0x3FB8] =	sst s0;
	s0 =	simm.s32 @!p1 $0x0  }
0x14: {  	s2 =	sld [smem:$0x3F9C];
	s0 =	simm.s32 @p1 $0x1  }
0x15: {  	[smem:$0x3FB9] =	sst s0;
	s0 =	simm.s32 @!p2 $0x0  }
0x16: {  	s3 =	sld [smem:$0x3FDB];
	s0 =	simm.s32 @p2 $0x1  }
0x17: {  	s4 =	simm.s32 $0x1BF5;
	[smem:$0x3FBB] =	sst s0  }
0x18: {  	s0 =	sld [smem:$0x3F9E];
	_ =	swait.ge [sflag:s4], $0x0  }
0x19: {  	s7 =	sld [smem:$0x3F9F]  }
0x1a: {  	s8 =	sadd.s32 $0xFFFFE003, lr  }
0x1b: {  	s9 =	sadd.s32 $0xFFFFFEF7, lr;
	s5 =	simm.s32 $0xFFFFFFFF;
	p2 =	slt.u32 s8, $0xFFFFF086  }
0x1c: {  	p1 =	slt.u32 s9, $0xF7A;
	s5 =	simm.s32 @!p2 $0x0  }
0x1d: {  	s5 =	simm.s32 @p1 $0x1;
	p0 =	seq.s32 s7, s2  }
0x1e: {  	s7 =	smul.u32 @!p0 $0xF7A, s2;
	p2 =	seq.s32 @!p0 s5, $0x0  }
0x1f: {  	s9 =	smul.u32 $0xF7A, s1;
	s8 =	simm.s32 @!p0 $0x1BF5;
	p2 =	por !p2, p0  }
0x20: {  	[sflag:s8] =	ssyncset.s32 @!p0 $0xFFFFF086;
	s6 =	sadd.s32 @!p0 s3, s7;
	s7 =	simm.s32 @!p0 $0x108  }
0x21: {  	s3 =	sadd.s32 s3, s9;
	s6 =	sadd.s32 @!p0 $0x88, s6;
	s7 =	simm.s32 @p2 $0x1082  }
0x22: {  	[simem:s7], [sflag:s8] =	dma.local @!p0 [hbm:s6], $0xF7A  }
0x23: {  	s9 =	sor.u32 $0xD0000000, s2;
	s6 =	simm.s32 $0x108;
	_ =	swait.ge @!p0 [sflag:s8], $0x0  }
0x24: {  	s3 =	sadd.s32 $0x88, s3;
	s6 =	simm.s32 @!p1 $0x1082;
	[sflag:s4] =	ssyncset.s32 $0xFFFFF086  }
0x25: {  	[simem:s6], [sflag:s4] =	dma.local [hbm:s3], $0xF7A  }
0x26: {  	[smem:$0x3F9F] =	sst s1;
	(tag) =	ssettag s2;
	_ =	strace s9  }
0x27: {  	s1 =	sld [smem:$0x3FAF]  }
0x28: {  	s2 =	sld [smem:$0x3FB0]  }
0x29: {  	s4 =	sld [smem:$0x3FB2]  }
0x2a: {  	p0 =	seq.s32 s5, $0x0;
	s5 =	sld [smem:$0x3FB3]  }
0x2b: {  	s6 =	sld [smem:$0x3FB4]  }
0x2c: {  	s7 =	sld [smem:$0x3FB5]  }
0x2d: {  	s3 =	simm.s32 $0x108;
	s8 =	sld [smem:$0x3FB6]  }
0x2e: {  	s3 =	simm.s32 @!p0 $0x1082;
	s9 =	sld [smem:$0x3FB7]  }
0x2f: {  	lr =	sadd.s32 s0, s3;
	s0 =	sld [smem:$0x3FAE]  }
0x30: {  	s3 =	sld [smem:$0x3FB1]  }
0x31: {  	[smem:$0x3FBA] =	sst s10  }
0x32: {  	s10 =	sld [smem:$0x3FB8];
	_ =	sdelay $0x3  }
0x33: {  	p0 =	seq.s32 s10, $0x1;
	s10 =	sld [smem:$0x3FBA];
	_ =	sdelay $0x3  }
0x34: {  	[smem:$0x3FBA] =	sst s10  }
0x35: {  	s10 =	sld [smem:$0x3FB9];
	_ =	sdelay $0x3  }
0x36: {  	p1 =	seq.s32 s10, $0x1;
	s10 =	sld [smem:$0x3FBA];
	_ =	sdelay $0x3  }
0x37: {  	[smem:$0x3FBA] =	sst s10  }
0x38: {  	s10 =	sld [smem:$0x3FBB]  }
0x39: {  	_ = 	snop;
	(pc) =	sbr.ind lr, $3  }
0x3a: {  	_ = 	snop  }
0x3b: {  	_ = 	snop  }
0x3c: {  	p2 =	seq.s32 s10, $0x1;
	s10 =	sld [smem:$0x3FBA]  }
0x3d: {  	_ =	shalt  }
0x3e: {  	_ =	shalt  }
0x3f: {  	_ =	shalt  }
0x40: {  	_ =	shalt  }
0x41: {  	_ =	shalt  }
0x42: {  	_ =	shalt  }
0x43: {  	_ =	shalt  }
0x44: {  	_ =	shalt  }
0x45: {  	_ =	shalt  }
0x46: {  	_ =	shalt  }
0x47: {  	_ =	shalt  }
0x48: {  	_ =	shalt  }
0x49: {  	_ =	shalt  }
0x4a: {  	_ =	shalt  }
0x4b: {  	_ =	shalt  }
0x4c: {  	_ =	shalt  }
0x4d: {  	_ =	shalt  }
0x4e: {  	_ =	shalt  }
0x4f: {  	_ =	shalt  }
0x50: {  	_ =	shalt  }
0x51: {  	_ =	shalt  }
0x52: {  	_ =	shalt  }
0x53: {  	_ =	shalt  }
0x54: {  	_ =	shalt  }
0x55: {  	_ =	shalt  }
0x56: {  	_ =	shalt  }
0x57: {  	_ =	shalt  }
0x58: {  	_ =	shalt  }
0x59: {  	_ =	shalt  }
0x5a: {  	_ =	shalt  }
0x5b: {  	_ =	shalt  }
0x5c: {  	_ =	shalt  }
0x5d: {  	_ =	shalt  }
0x5e: {  	_ =	shalt  }
0x5f: {  	_ =	shalt  }
0x60: {  	_ =	shalt  }
0x61: {  	_ =	shalt  }
0x62: {  	_ =	shalt  }
0x63: {  	_ =	shalt  }
0x64: {  	_ =	shalt  }
0x65: {  	_ =	shalt  }
0x66: {  	_ =	shalt  }
0x67: {  	_ =	shalt  }
0x68: {  	_ =	shalt  }
0x69: {  	_ =	shalt  }
0x6a: {  	_ =	shalt  }
0x6b: {  	_ =	shalt  }
0x6c: {  	_ =	shalt  }
0x6d: {  	_ =	shalt  }
0x6e: {  	_ =	shalt  }
0x6f: {  	_ =	shalt  }
0x70: {  	_ =	shalt  }
0x71: {  	_ =	shalt  }
0x72: {  	_ =	shalt  }
0x73: {  	_ =	shalt  }
0x74: {  	_ =	shalt  }
0x75: {  	_ =	shalt  }
0x76: {  	_ =	shalt  }
0x77: {  	_ =	shalt  }
0x78: {  	_ =	shalt  }
0x79: {  	_ =	shalt  }
0x7a: {  	_ =	shalt  }
0x7b: {  	_ =	shalt  }
0x7c: {  	_ =	shalt  }
0x7d: {  	_ =	shalt  }
0x7e: {  	_ =	shalt  }
0x7f: {  	_ =	shalt  }
0x80: {  	_ =	shalt  }
0x81: {  	_ =	shalt  }
0x82: {  	_ =	shalt  }
0x83: {  	_ =	shalt  }
0x84: {  	_ =	shalt  }
0x85: {  	_ =	shalt  }
0x86: {  	_ =	shalt  }
0x87: {  	_ =	shalt  }
.Lfunc_end0:
.L_simem_size_0:
called_computation_lowered:
.L_overlay_start_0:
0x88: {  	s2 =	sld [smem:$0x3FD9]  }
0x89: {  	s3 =	sld [smem:$0x3FFE];
	_ =	sdelay $0x1  }
0x8a: {  	s1 =	srdreg.scid  }
0x8b: {  	s0 =	sand.u32 $0x1, s1  }
0x8c: {  	s16 =	sshll.u32 s0, $0xA;
	s2 =	sadd.s32 s3, s2  }
0x8d: {  	s2 =	sadd.s32 s2, s16  }
0x8e: {  	[smem:$0x3FC6] =	sst s2  }
0x8f: {  	_ = 	snop  }
0x90: {  	(tm) =	ssettm $0x1  }
0x91: {  	s17 =	sld [smem:$0x3FFB];
	_ =	sdelay $0x3  }
0x92: {  	_ =	strace s17  }
0x93: {  	s2 =	sld [smem:$0x3FFC];
	_ =	sdelay $0x3  }
0x94: {  	_ =	strace s2  }
0x95: {  	s2 =	sld [smem:$0x3FFD];
	_ =	sdelay $0x3  }
0x96: {  	_ =	strace s2  }
0x97: {  	_ =	strace $0x8FFFFFFF  }
0x98: {  	s18 =	sld [smem:$0x3FDB];
	_ =	sdelay $0x1  }
0x99: {  	s19 =	simm.s32 $_scs_section_size  }
0x9a: {  	s4 =	simm.s32 $_size__tile_overlayer_lowered;
	s5 =	simm.s32 $_tile_overlayer_lowered  }
0x9b: {  	s22 =	simm.s32 $0x1BFF;
	s21 =	sshll.u32 s5, $0x1;
	s2 =	sadd.s32 s19, s18  }
0x9c: {  	s6 =	simm.s32 $0x0;
	s20 =	sshll.u32 s4, $0x1;
	s4 =	sadd.s32 s21, s2  }
0x9d: {  	[timem:s6], [sflag:s22] =	dma.local [hbm:s4], s20  }
0x9e: {  	_ =	swait.ge [sflag:s22], s20  }
0x9f: {  	s3 =	ssub.s32 $0x0, s20;
	[sflag:s22] =	ssyncset.done $0x0  }
0xa0: {  	[sflag:s22] =	ssyncadd.s32 s3;
	_ =	sdelay $0x1  }
0xa1: {  	s23 =	simm.s32 $0x1B8B  }
0xa2: {  	_ =	swait.ge [sflag:s23], $0x1  }
0xa3: {  	[sflag:s23] =	ssyncset.done $0x0  }
0xa4: {  	s25 =	simm.s32 $0x1B8E;
	s24 =	sld [smem:$0x3FFE];
	[sflag:s23] =	ssyncadd.s32 $0xFFFFFFFF  }
0xa5: {  	s26 =	simm.s32 $execute0_lowered;
	[smem:$0x3FD2] =	sst s25  }
0xa6: {  	s4 =	sshll.u32 s26, $0x1;
	_ =	strace $0x80000046;
	[dreg:$0x1] =	wrdreg $0xFFFFFFFF  }
0xa7: {  	s28 =	simm.s32 $_size_execute0_lowered;
	s2 =	sadd.s32 s2, s4;
	[dreg:$0x0] =	wrdreg $0x0  }
0xa8: {  	s4 =	sshll.u32 s28, $0x1;
	[dreg:$0x2] =	wrdreg s2  }
0xa9: {  	[dreg:$0x3] =	wrdreg s4  }
0xaa: {  	[dreg:$0x4] =	wrdreg $0xC0  }
0xab: {  	_ =	task [dreg:s6], $0x5FFFF  }
0xac: {  	[dreg:$0x1] =	wrdreg $0xFFFFFFFF  }
0xad: {  	[dreg:$0x0] =	wrdreg $0x60  }
0xae: {  	[dreg:$0x2] =	wrdreg s24  }
0xaf: {  	[dreg:$0x3] =	wrdreg $0x9  }
0xb0: {  	_ =	task.clear_ibuf [dreg:s6], $0x4FFFF;
	_ =	strace $0x90000046  }
0xb1: {  	s29 =	simm.s32 $0x9;
	_ =	strace $0x80000048  }
0xb2: {  	_ =	swait.ge [sflag:s29], $0x1  }
0xb3: {  	[sflag:s29] =	ssyncadd.s32 $0xFFFFFFFF  }
0xb4: {  	_ =	strace $0x90000048  }
0xb5: {  	_ =	sfence  }
0xb6: {  	s30 =	sld [smem:$0x0];
	_ =	sdelay $0x2  }
0xb7: {  	s31 =	sshll.u32 s1, $0xD;
	s1 =	sshrl.u32 s1, $0x2  }
0xb8: {  	s3 =	sand.u32 $0x4000, s31;
	s1 =	sadd.s32 s1, s30  }
0xb9: {  	s0 =	sor.u32 s3, s0;
	s1 =	sshll.u32 s1, $0x11  }
0xba: {  	s0 =	sor.u32 s1, s0  }
0xbb: {  	s0 =	sadd.s32 $0x8F2B, s0  }
0xbc: {  	[sflag:s0] =	ssyncadd.remote.s32 $0x1  }
0xbd: {  	_ =	sfence.sel $0xFFFF  }
0xbe: {  	[dreg:$0x0] =	wrdreg $0xFFFFFFFF;
	(pc) =	sbr.abs _section_cstart, $3  }
0xbf: {  	[dreg:$0x1] =	wrdreg $0xFFFFFFFF  }
0xc0: {  	_ =	task.clear_ibuf [dreg:s6], $0x2FFFF;
	_ =	strace $0x9FFFFFFF  }
0xc1: {  	(tm) =	ssettm $0x7FFFFFFF  }
tec
execute0_lowered:
.L_overlay_start_1:
0x0: {  	(tag) =	ssettag $0x1  }
0x1: {  	s1 =	srdreg.scid  }
0x2: {  	s3 =	rddreg [dreg:$0x0];
	s4 =	sand.u32 $0x1, s1  }
0x3: {  	s1 =	stileid.u32;
	s5 =	smul.u32 $0x28000, s4  }
0x4: {  	s0 =	rddreg [dreg:$0x1];
	s6 =	sshll.u32 s1, $0x1;
	s7 =	smul.u32 $0x2800, s1  }
0x5: {  	s2 =	simm.s32 $0x0;
	s8 =	simm.s32 $0x0;
	s6 =	sor.u32 s4, s6  }
0x6: {  	[smem:$0x7FF] =	sst s2;
	s6 =	smul.u32 $0x500, s6;
	s5 =	sadd.s32 s7, s5  }
0x7: {  	_ =	strace $0x80000047;
	s4 =	ssub.s32 $0x2, s4;
	s5 =	sshrl.u32 s5, $0x3  }
0x8: {  	s31 =	sshrl.u32 s4, $0x1;
	s6 =	sadd.s32 s6, s3;
	s5 =	sadd.s32 s5, s3  }
0x9: {  	s7 =	ssub.s32 s4, s31;
	s3 =	sadd.s32 $0x1A00, s6;
	s4 =	sadd.s32 $0xBA00, s5  }
0xa: {  	v0 =	vimm.f32 $0.0e+00;
	s5 =	smax.u32 s7, $0x1;
	s6 =	simm.s32 $0x1;
	s7 =	simm.s32 $0x2800  }
.LBB2_1:
0xb: {  	s9 =	simm.s32 $0x10;
	s10 =	sand.u32 $0x3FF0, s2  }
.LBB2_2:
0xc: {  	p0 =	sne.s32 s9, $0x27F0;
	[tilespmem:s10+$0x2800] =	vst v0;
	s10 =	smov.u32 s9;
	s9 =	sadd.s32 $0x10, s9  }
.Ltmp0:
0xd: {  	(pc) =	sbr.rel @p0 .LBB2_2-.Ltmp0, $2  }
0xe: {  	_ =	sdelay $0x2  }
0xf: {  	s10 =	sand.u32 $0x3FF0, s10  }
0x10: {  	[tilespmem:s10+$0x2800] =	vst v0;
	s9 =	simm.s32 $0x0  }
0x11: {  	[tilespmem:s9], [sflag:$0x1] =	stream.linear.gather [hbm4b:s3+s9], $0x2800, $0x38;
	[tilespmem:$0x5000] =	vst v63  }
0x12: {  	_ =	swait.ge [sflag:s6], $0x2800  }
0x13: {  	[sflag:s6] =	ssyncset.done $0x0  }
0x14: {  	s10 =	simm.s32 $0x0;
	s9 =	simm.s32 $0x40;
	[sflag:s6] =	ssyncadd.s32 $0xFFFFD800  }
.LBB2_4:
0x15: {  	p0 =	sne.s32 s9, $0x9FC0;
	v1 =	vld [tilespmem:s10+$0x0];
	_ =	sdelay $0x4  }
0x16: {  	(xrf1) =	vunique.msk.u32 $0xffff, v1;
	_ =	sdelay $0xd  }
0x17: {  	_, v2, vm0 =	vpop (xrf1);
	_ =	sdelay $0x1  }
.Ltmp1:
0x18: {  	(pc) =	sbr.rel @p0 .LBB2_4-.Ltmp1, $3  }
0x19: {  	_ = 	snop  }
0x1a: {  	v2 =	vcvt.s32.f32 v2;
	_ =	sdelay $0x1  }
0x1b: {  	s10 =	sshra.s32 s9, $0x2;
	s9 =	sadd.s32 $0x40, s9;
	[tilespmem:v1+s7+$0x0] =	vst.idx.add.f32.msk vm0, v2  }
0x1c: {  	v1 =	vld [tilespmem:s10+$0x0];
	_ =	sdelay $0x4  }
0x1d: {  	(xrf1) =	vunique.msk.u32 $0xffff, v1;
	_ =	sdelay $0xd  }
0x1e: {  	_, v2, vm0 =	vpop (xrf1);
	_ =	sdelay $0x3  }
0x1f: {  	s8 =	sadd.s32 $0x1, s8;
	v2 =	vcvt.s32.f32 v2  }
0x20: {  	p0 =	sne.s32 s8, s5  }
.Ltmp2:
0x21: {  	[tilespmem:v1+s7+$0x0] =	vst.idx.add.f32.msk vm0, v2;
	(pc) =	sbr.rel @p0 .LBB2_1-.Ltmp2, $4  }
0x22: {  	[hbm4b:s4+s2] =	stream.linear.scatter [tilespmem:s7], [sflag:$0x1], $0x2800, $0x38;
	[tilespmem:$0x5000] =	vst v63  }
0x23: {  	_ =	swait.ge [sflag:s6], $0x2800  }
0x24: {  	[sflag:s6] =	ssyncset.done $0x0  }
0x25: {  	[sflag:s6] =	ssyncadd.s32 $0xFFFFD800  }
0x26: {  	_ =	sfence.sel $0x180000  }
0x27: {  	[bflag:$0x0] =	sbarrier.arrive $0xFFFF  }
0x28: {  	p0 =	sne.s32 s1, $0x0;
	_ =	strace $0x90000047  }
0x29: {  	s0 =	sadd.s32 @!p0 $0x100000, s0;
	[bflag:$0x2] =	sbarrier.arrive $0xFFFF  }
0x2a: {  	[sflag:s0] =	ssyncadd.tile.s32 @!p0 $0x1;
	_ =	shalt  }
.Lfunc_end2:
_tile_overlayer_lowered:
.L_overlay_start_2:
0x2b: {  	(tag) =	ssettag $0x2  }
0x2c: {  	s0 =	rddreg [dreg:$0x0];
	s2 =	stileid.u32  }
0x2d: {  	s1 =	rddreg [dreg:$0x1];
	p0 =	sne.s32 s2, $0x0  }
0x2e: {  	s3 =	rddreg [dreg:$0x2];
	[bflag:$0x3] =	sbarrier.arrive $0xFFFF;
	s2 =	simm.s32 @!p0 $0x1C01  }
0x2f: {  	[timem:s3], [sflag:s2] =	dma.local @!p0 [hbm:s0], s1  }
0x30: {  	s0 =	simm.s32 @!p0 $0x1  }
0x31: {  	_ =	swait.ge @!p0 [sflag:s0], s1  }
0x32: {  	s1 =	ssub.s32 @!p0 $0x0, s1;
	[sflag:s0] =	ssyncset.done @!p0 $0x0  }
0x33: {  	[sflag:s0] =	ssyncadd.s32 @!p0 s1  }
0x34: {  	[bflag:$0x3] =	sbarrier.arrive $0xFFFF  }
0x35: {  	_ =	shalt  }

</sc_bundles>
